<compile_context>
chip_gen: v7x
topology: tpu7x:2x2x1
jax: 0.10.2.dev20260603
libtpu: 0.0.44.dev20260713+nightly
codegen_flags: <defaults>
</compile_context>

<pallas_src>
import functools

import jax
import jax.numpy as jnp
from jax import lax
from jax.experimental import pallas as pl
from jax.experimental.pallas import tpu as pltpu
from jax.experimental.pallas import tpu_sc as plsc

N_NODES = 10000
NP = 10240
C = 16
NSC = 2
NTILE = 16
NW = NSC * NTILE
CHUNK = 128
BURST = 10
ROWS_PER_TILE = NP // NTILE


def _sc_mesh():
    return plsc.VectorSubcoreMesh(core_axis_name="c", subcore_axis_name="s",
                                  num_cores=NSC)


def _fisr(x):
    i = lax.bitcast_convert_type(x, jnp.int32)
    i = jnp.int32(0x5F3759DF) - lax.shift_right_logical(i, 1)
    y = lax.bitcast_convert_type(i, jnp.float32)
    for _ in range(3):
        y = y * (1.5 - 0.5 * x * y * y)
    return y


def _zero_fill(buf, n):
    def fill(i, carry):
        buf[i, :] = jnp.zeros((C,), jnp.float32)
        return carry
    lax.fori_loop(0, n, fill, 0)


def _init_acc_zero(acc, zbuf, row0):
    _zero_fill(zbuf, CHUNK)
    for r in range(ROWS_PER_TILE // CHUNK):
        pltpu.sync_copy(zbuf, acc.at[pl.ds(row0 + r * CHUNK, CHUNK)])


def _edge_stream(nblocks, sidx_v, didx_v, rows_v, g_sh, acc, sems):
    nbuf = len(rows_v)

    def gather(blk, u):
        return pltpu.async_copy(g_sh.at[sidx_v.at[blk]], rows_v[u], sems[u])

    def scatter(blk, u):
        return pltpu.async_copy(rows_v[u], acc.at[didx_v.at[blk]],
                                sems[nbuf + u], add=True)

    g_descs = {}
    s_descs = {}
    for blk in range(min(nbuf - 1, nblocks)):
        g_descs[blk] = gather(blk, blk % nbuf)
    for blk in range(nblocks):
        g_descs[blk].wait()
        s_descs[blk] = scatter(blk, blk % nbuf)
        nxt = blk + nbuf - 1
        if nxt < nblocks:
            if nxt - nbuf >= 0:
                s_descs[nxt - nbuf].wait()
            g_descs[nxt] = gather(nxt, nxt % nbuf)
    for j in range(max(0, nblocks - nbuf), nblocks):
        s_descs[j].wait()


def _sc_degree(nblocks):
    @functools.partial(
        pl.kernel,
        out_type=jax.ShapeDtypeStruct((NSC, NP), jnp.float32),
        mesh=_sc_mesh(),
        compiler_params=pltpu.CompilerParams(use_tc_tiling_on_sc=False),
        scratch_types=[
            pltpu.VMEM((nblocks, BURST * CHUNK), jnp.int32),
            pltpu.VMEM((BURST * CHUNK,), jnp.float32),
            pltpu.VMEM((ROWS_PER_TILE,), jnp.float32),
            pltpu.VMEM_SHARED((NP,), jnp.float32),
            pltpu.SemaphoreType.DMA,
        ],
    )
    def deg_kernel(dst_hbm, ones_hbm, out_hbm, didx_v, ones_v, zbuf, acc,
                   sem):
        cid = lax.axis_index("c")
        sid = lax.axis_index("s")
        wid = cid * NTILE + sid
        row0 = sid * ROWS_PER_TILE

        def zfill(i, carry):
            zbuf[pl.ds(i * 16, 16)] = jnp.zeros((16,), jnp.float32)
            return carry
        stage = [
            pltpu.async_copy(dst_hbm.at[wid], didx_v, sem),
            pltpu.async_copy(ones_hbm, ones_v, sem),
        ]
        lax.fori_loop(0, ROWS_PER_TILE // 16, zfill, 0)
        pltpu.sync_copy(zbuf, acc.at[pl.ds(row0, ROWS_PER_TILE)])
        for d in stage:
            d.wait()
        plsc.subcore_barrier()

        descs = [
            pltpu.async_copy(ones_v, acc.at[didx_v.at[blk]], sem, add=True)
            for blk in range(nblocks)
        ]
        for d in descs:
            d.wait()
        plsc.subcore_barrier()
        pltpu.sync_copy(acc.at[pl.ds(row0, ROWS_PER_TILE)],
                        out_hbm.at[cid, pl.ds(row0, ROWS_PER_TILE)])

    return deg_kernel


def _sc_round1(nblocks):
    @functools.partial(
        pl.kernel,
        out_type=(jax.ShapeDtypeStruct((NSC, NP, C), jnp.float32),
                  jax.ShapeDtypeStruct((NP, C), jnp.float32)),
        mesh=_sc_mesh(),
        compiler_params=pltpu.CompilerParams(use_tc_tiling_on_sc=False),
        scratch_types=[
            pltpu.VMEM((nblocks, BURST * CHUNK), jnp.int32),
            pltpu.VMEM((nblocks, BURST * CHUNK), jnp.int32),
            [pltpu.VMEM((BURST * CHUNK, C), jnp.float32) for _ in range(2)],
            pltpu.VMEM((2 * ROWS_PER_TILE,), jnp.float32),
            pltpu.VMEM_SHARED((NP, C), jnp.float32),
            pltpu.VMEM_SHARED((NP, C), jnp.float32),
            [pltpu.SemaphoreType.DMA for _ in range(4)],
        ],
    )
    def r1_kernel(y_hbm, dp_hbm, src_hbm, dst_hbm, q_hbm, g_hbm,
                  sidx_v, didx_v, rows_v, dp_v, acc, g_sh, sems):
        cid = lax.axis_index("c")
        sid = lax.axis_index("s")
        wid = cid * NTILE + sid
        row0 = sid * ROWS_PER_TILE
        half = ROWS_PER_TILE
        stage = [
            pltpu.async_copy(src_hbm.at[wid], sidx_v, sems[0]),
            pltpu.async_copy(dst_hbm.at[wid], didx_v, sems[0]),
            pltpu.async_copy(y_hbm.at[pl.ds(row0, half)],
                             rows_v[0].at[pl.ds(0, half)], sems[0]),
            pltpu.async_copy(dp_hbm.at[0, pl.ds(row0, half)],
                             dp_v.at[pl.ds(0, half)], sems[0]),
            pltpu.async_copy(dp_hbm.at[1, pl.ds(row0, half)],
                             dp_v.at[pl.ds(half, half)], sems[0]),
        ]
        _init_acc_zero(acc, rows_v[1].at[pl.ds(0, CHUNK)], row0)
        for d in stage:
            d.wait()

        def scale16(i16, carry):
            base = i16 * 16
            degv = (dp_v[pl.ds(base, 16)] + dp_v[pl.ds(half + base, 16)]
                    + 1.0)
            disv = _fisr(degv)
            for j in range(16):
                r = base + j
                rows_v[0][half + r, :] = rows_v[0][r, :] * disv[j]
            return carry
        lax.fori_loop(0, half // 16, scale16, 0)
        pltpu.sync_copy(rows_v[0].at[pl.ds(half, half)],
                        g_sh.at[pl.ds(row0, half)])
        pltpu.sync_copy(rows_v[0].at[pl.ds(half, half)],
                        g_hbm.at[pl.ds(row0, half)])
        plsc.subcore_barrier()

        _edge_stream(nblocks, sidx_v, didx_v, rows_v, g_sh, acc, sems)
        plsc.subcore_barrier()
        pltpu.sync_copy(acc.at[pl.ds(row0, ROWS_PER_TILE)],
                        q_hbm.at[cid, pl.ds(row0, ROWS_PER_TILE)])

    return r1_kernel


def _sc_round2(nblocks):
    @functools.partial(
        pl.kernel,
        out_type=(jax.ShapeDtypeStruct((NSC, NP, C), jnp.float32),
                  jax.ShapeDtypeStruct((NP, C), jnp.float32)),
        mesh=_sc_mesh(),
        compiler_params=pltpu.CompilerParams(use_tc_tiling_on_sc=False),
        scratch_types=[
            pltpu.VMEM((nblocks, BURST * CHUNK), jnp.int32),
            pltpu.VMEM((nblocks, BURST * CHUNK), jnp.int32),
            [pltpu.VMEM((BURST * CHUNK, C), jnp.float32) for _ in range(3)],
            pltpu.VMEM((ROWS_PER_TILE, C), jnp.float32),
            pltpu.VMEM((2 * ROWS_PER_TILE,), jnp.float32),
            pltpu.VMEM_SHARED((NP, C), jnp.float32),
            pltpu.VMEM_SHARED((NP, C), jnp.float32),
            [pltpu.SemaphoreType.DMA for _ in range(6)],
        ],
    )
    def r2_kernel(q_hbm, g_hbm, dp_hbm, src_hbm, dst_hbm, r_out_hbm,
                  t_out_hbm, sidx_v, didx_v, rows_v, aux_v, dp_v, acc, g_sh,
                  sems):
        cid = lax.axis_index("c")
        sid = lax.axis_index("s")
        wid = cid * NTILE + sid
        row0 = sid * ROWS_PER_TILE
        half = ROWS_PER_TILE
        stage = [
            pltpu.async_copy(src_hbm.at[wid], sidx_v, sems[0]),
            pltpu.async_copy(dst_hbm.at[wid], didx_v, sems[0]),
            pltpu.async_copy(q_hbm.at[0, pl.ds(row0, half)],
                             rows_v[0].at[pl.ds(0, half)], sems[0]),
            pltpu.async_copy(q_hbm.at[1, pl.ds(row0, half)],
                             rows_v[0].at[pl.ds(half, half)], sems[0]),
            pltpu.async_copy(g_hbm.at[pl.ds(row0, half)],
                             rows_v[1].at[pl.ds(0, half)], sems[0]),
            pltpu.async_copy(dp_hbm.at[0, pl.ds(row0, half)],
                             dp_v.at[pl.ds(0, half)], sems[0]),
            pltpu.async_copy(dp_hbm.at[1, pl.ds(row0, half)],
                             dp_v.at[pl.ds(half, half)], sems[0]),
        ]
        _init_acc_zero(acc, aux_v.at[pl.ds(0, CHUNK)], row0)
        for d in stage:
            d.wait()

        def comb16(i16, carry):
            base = i16 * 16
            degv = (dp_v[pl.ds(base, 16)] + dp_v[pl.ds(half + base, 16)]
                    + 1.0)
            rv = 1.0 / degv
            for j in range(16):
                r = base + j
                s = (rows_v[0][r, :] + rows_v[0][half + r, :]
                     + rows_v[1][r, :])
                aux_v[r, :] = s * rv[j]
            return carry
        lax.fori_loop(0, half // 16, comb16, 0)
        pltpu.sync_copy(aux_v, g_sh.at[pl.ds(row0, half)])
        pltpu.sync_copy(aux_v, t_out_hbm.at[pl.ds(row0, half)])
        plsc.subcore_barrier()

        _edge_stream(nblocks, sidx_v, didx_v, rows_v, g_sh, acc, sems)
        plsc.subcore_barrier()
        pltpu.sync_copy(acc.at[pl.ds(row0, ROWS_PER_TILE)],
                        r_out_hbm.at[cid, pl.ds(row0, ROWS_PER_TILE)])

    return r2_kernel


_BR = 1024


def _tc_matmul(x_pad, w):
    def body(x_ref, w_ref, y_ref):
        y_ref[...] = lax.dot_general(
            x_ref[...], w_ref[...], (((1,), (1,)), ((), ())),
            preferred_element_type=jnp.float32)

    return pl.pallas_call(
        body,
        grid=(NP // _BR,),
        in_specs=[
            pl.BlockSpec((_BR, 128), lambda i: (i, 0)),
            pl.BlockSpec((C, 128), lambda i: (0, 0)),
        ],
        out_specs=pl.BlockSpec((_BR, C), lambda i: (i, 0)),
        out_shape=jax.ShapeDtypeStruct((NP, C), jnp.float32),
    )(x_pad, w)


def _tc_final(rp, t, degp, b2):
    def body(r_ref, t_ref, dp_ref, b_ref, o_ref):
        deg = dp_ref[0]
        for i in range(1, NSC):
            deg = deg + dp_ref[i]
        deg = deg + 1.0
        s = r_ref[0]
        for i in range(1, NSC):
            s = s + r_ref[i]
        s = s + t_ref[...]
        o_ref[...] = s * lax.rsqrt(deg) + b_ref[...]

    return pl.pallas_call(
        body,
        grid=(NP // _BR,),
        in_specs=[
            pl.BlockSpec((NSC, _BR, C), lambda i: (0, i, 0)),
            pl.BlockSpec((_BR, C), lambda i: (i, 0)),
            pl.BlockSpec((NSC, _BR, 1), lambda i: (0, i, 0)),
            pl.BlockSpec((1, C), lambda i: (0, 0)),
        ],
        out_specs=pl.BlockSpec((_BR, C), lambda i: (i, 0)),
        out_shape=jax.ShapeDtypeStruct((NP, C), jnp.float32),
    )(rp, t, degp, b2)


def kernel(x, edge_index, W, b):
    E = edge_index.shape[1]
    blk_edges = BURST * CHUNK
    nblocks = -(-E // (NW * blk_edges))
    per_w = nblocks * blk_edges
    e_pad = NW * per_w

    ei = edge_index.astype(jnp.int32)
    pad = jnp.full((2, e_pad - E), N_NODES, jnp.int32)
    ei = jnp.concatenate([ei, pad], axis=1)
    src = ei[0].reshape(NW, nblocks, blk_edges)
    dst = ei[1].reshape(NW, nblocks, blk_edges)
    x_pad = jnp.pad(x, ((0, NP - x.shape[0]), (0, 0)))
    ones = jnp.ones((blk_edges,), jnp.float32)

    y = _tc_matmul(x_pad, W)
    degp = _sc_degree(nblocks)(dst, ones)
    qp, g = _sc_round1(nblocks)(y, degp, src, dst)
    rp, t = _sc_round2(nblocks)(qp, g, degp, src, dst)
    out = _tc_final(rp, t, degp.reshape(NSC, NP, 1), b.reshape(1, C))
    return out[:N_NODES]

# --- scband reference (transcript-rebuilt; emitter-appended) ---
"""Pipeline reference for scband-bi-sgcn-82480551952880 (READ-ONLY COPY).

The authoritative reference and input builder live on the scoring server;
editing this copy changes nothing except your own understanding.
"""

import jax, jax.numpy as jnp
import numpy as np

N_NODES = 10000
N_EDGES = 320000
IN_CH = 128
NUM_CLASSES = 16
K = 2


def setup_inputs(seed: int = 0) -> dict:
    key = jax.random.key(seed)
    k1, k2, k3, k4 = jax.random.split(key, 4)
    x = jax.random.normal(k1, (N_NODES, IN_CH), dtype=jnp.float32)
    edge_index = jax.random.randint(k2, (2, N_EDGES), 0, N_NODES, dtype=jnp.int64)
    # SGConv linear layer params (torch Linear: weight [out, in], bias [out])
    bound = 1.0 / np.sqrt(IN_CH)
    W = jax.random.uniform(k3, (NUM_CLASSES, IN_CH), dtype=jnp.float32, minval=-bound, maxval=bound)
    b = jax.random.uniform(k4, (NUM_CLASSES,), dtype=jnp.float32, minval=-bound, maxval=bound)
    return {"x": x, "edge_index": edge_index, "W": W, "b": b}


def reference(x, edge_index, W, b):
    N = x.shape[0]
    src = edge_index[0]
    dst = edge_index[1]
    # gcn_norm with added self-loops (fill_value=1.0)
    loop = jnp.arange(N, dtype=src.dtype)
    src = jnp.concatenate([src, loop])
    dst = jnp.concatenate([dst, loop])
    ew = jnp.ones(src.shape[0], dtype=x.dtype)
    deg = jnp.zeros((N,), dtype=x.dtype).at[dst].add(ew)
    deg_inv_sqrt = jnp.where(deg > 0, deg ** -0.5, 0.0)
    norm = deg_inv_sqrt[src] * ew * deg_inv_sqrt[dst]
    # K rounds of propagation: out[i] = sum_{(j,i) in E} norm * h[j]
    h = x
    for _ in range(K):
        msg = norm[:, None] * h[src]
        h = jnp.zeros_like(h).at[dst].add(msg)
    # final linear layer
    out = h @ W.T + b
    return out

if __name__ == "__main__":
    import jax
    _d = setup_inputs()
    print(jax.jit(kernel)(*tuple(_d.values())))

</pallas_src>

<mosaic_0001>
#map = affine_map<(d0, d1) -> (0, 0)>
#map1 = affine_map<(d0, d1) -> (0, 0, 0)>
module attributes {stable_mosaic.version = 14 : i64} {
  func.func @r1_kernel(%arg0: i32, %arg1: i32, %arg2: memref<10240x16xf32, #tpu.memory_space<hbm>>, %arg3: memref<2x10240xf32, #tpu.memory_space<hbm>>, %arg4: memref<32x8x1280xi32, #tpu.memory_space<hbm>>, %arg5: memref<32x8x1280xi32, #tpu.memory_space<hbm>>, %arg6: memref<2x10240x16xf32, #tpu.memory_space<hbm>>, %arg7: memref<10240x16xf32, #tpu.memory_space<hbm>>, %arg8: memref<8x1280xi32, #tpu.memory_space<vmem>>, %arg9: memref<8x1280xi32, #tpu.memory_space<vmem>>, %arg10: memref<1280x16xf32, #tpu.memory_space<vmem>>, %arg11: memref<1280x16xf32, #tpu.memory_space<vmem>>, %arg12: memref<1280xf32, #tpu.memory_space<vmem>>, %arg13: memref<10240x16xf32, #tpu.memory_space<vmem_shared>>, %arg14: memref<10240x16xf32, #tpu.memory_space<vmem_shared>>, %arg15: memref<!tpu.dma_semaphore, #tpu.memory_space<semaphore_mem>>, %arg16: memref<!tpu.dma_semaphore, #tpu.memory_space<semaphore_mem>>, %arg17: memref<!tpu.dma_semaphore, #tpu.memory_space<semaphore_mem>>, %arg18: memref<!tpu.dma_semaphore, #tpu.memory_space<semaphore_mem>>) attributes {dimension_semantics = [#tpu.dimension_semantics<core_parallel>, #tpu.dimension_semantics<subcore_parallel>], iteration_bounds = array<i64: 2, 16>, scalar_prefetch = 0 : i64, scratch_operands = 11 : i64, tpu.core_type = #tpu.core_type<sc_vector_subcore>, window_params = [{transform_indices = #map}, {transform_indices = #map}, {transform_indices = #map1}, {transform_indices = #map1}, {transform_indices = #map1}, {transform_indices = #map}]} {
    %mul3A = arith.constant 16 : i32
    %mul3A_0 = arith.muli %arg0, %mul3A : i32
    %add3A = arith.addi %mul3A_0, %arg1 : i32
    %mul3A_1 = arith.constant 640 : i32
    %mul3A_2 = arith.muli %arg1, %mul3A_1 : i32
    %dma_start3A = arith.constant 0 : i32
    %dma_start3A_3 = arith.constant 0 : i32
    %dma_start3A_4 = tpu.memref_slice %arg4[%add3A, %dma_start3A, %dma_start3A_3] : memref<32x8x1280xi32, #tpu.memory_space<hbm>> -> memref<1x8x1280xi32, #tpu.memory_space<hbm>>
    %dma_start3A_5 = tpu.memref_squeeze %dma_start3A_4 : memref<1x8x1280xi32, #tpu.memory_space<hbm>> -> memref<8x1280xi32, #tpu.memory_space<hbm>>
    %dma_start3A_6 = arith.constant 0 : i32
    %dma_start3A_7 = arith.constant 0 : i32
    %dma_start3A_8 = tpu.memref_slice %arg4[%add3A, %dma_start3A_6, %dma_start3A_7] : memref<32x8x1280xi32, #tpu.memory_space<hbm>> -> memref<1x8x1280xi32, #tpu.memory_space<hbm>>
    %dma_start3A_9 = tpu.memref_squeeze %dma_start3A_8 : memref<1x8x1280xi32, #tpu.memory_space<hbm>> -> memref<8x1280xi32, #tpu.memory_space<hbm>>
    tpu.enqueue_dma source(%dma_start3A_9 : memref<8x1280xi32, #tpu.memory_space<hbm>>) target(%arg8 : memref<8x1280xi32, #tpu.memory_space<vmem>>) target_semaphore(%arg15 : memref<!tpu.dma_semaphore, #tpu.memory_space<semaphore_mem>>)
    %dma_start3A_10 = arith.constant 0 : i32
    %dma_start3A_11 = arith.constant 0 : i32
    %dma_start3A_12 = tpu.memref_slice %arg5[%add3A, %dma_start3A_10, %dma_start3A_11] : memref<32x8x1280xi32, #tpu.memory_space<hbm>> -> memref<1x8x1280xi32, #tpu.memory_space<hbm>>
    %dma_start3A_13 = tpu.memref_squeeze %dma_start3A_12 : memref<1x8x1280xi32, #tpu.memory_space<hbm>> -> memref<8x1280xi32, #tpu.memory_space<hbm>>
    %dma_start3A_14 = arith.constant 0 : i32
    %dma_start3A_15 = arith.constant 0 : i32
    %dma_start3A_16 = tpu.memref_slice %arg5[%add3A, %dma_start3A_14, %dma_start3A_15] : memref<32x8x1280xi32, #tpu.memory_space<hbm>> -> memref<1x8x1280xi32, #tpu.memory_space<hbm>>
    %dma_start3A_17 = tpu.memref_squeeze %dma_start3A_16 : memref<1x8x1280xi32, #tpu.memory_space<hbm>> -> memref<8x1280xi32, #tpu.memory_space<hbm>>
    tpu.enqueue_dma source(%dma_start3A_17 : memref<8x1280xi32, #tpu.memory_space<hbm>>) target(%arg9 : memref<8x1280xi32, #tpu.memory_space<vmem>>) target_semaphore(%arg15 : memref<!tpu.dma_semaphore, #tpu.memory_space<semaphore_mem>>)
    %dma_start3A_18 = arith.constant 0 : i32
    %dma_start3A_19 = arith.constant 0 : i32
    %dma_start3A_20 = tpu.memref_slice %arg10[%dma_start3A_18, %dma_start3A_19] : memref<1280x16xf32, #tpu.memory_space<vmem>> -> memref<640x16xf32, #tpu.memory_space<vmem>>
    %dma_start3A_21 = arith.constant 0 : i32
    %dma_start3A_22 = tpu.memref_slice %arg2[%mul3A_2, %dma_start3A_21] : memref<10240x16xf32, #tpu.memory_space<hbm>> -> memref<640x16xf32, #tpu.memory_space<hbm>>
    %dma_start3A_23 = arith.constant 0 : i32
    %dma_start3A_24 = arith.constant 0 : i32
    %dma_start3A_25 = tpu.memref_slice %arg10[%dma_start3A_23, %dma_start3A_24] : memref<1280x16xf32, #tpu.memory_space<vmem>> -> memref<640x16xf32, #tpu.memory_space<vmem>>
    %dma_start3A_26 = arith.constant 0 : i32
    %dma_start3A_27 = tpu.memref_slice %arg2[%mul3A_2, %dma_start3A_26] : memref<10240x16xf32, #tpu.memory_space<hbm>> -> memref<640x16xf32, #tpu.memory_space<hbm>>
    tpu.enqueue_dma source(%dma_start3A_27 : memref<640x16xf32, #tpu.memory_space<hbm>>) target(%dma_start3A_25 : memref<640x16xf32, #tpu.memory_space<vmem>>) target_semaphore(%arg15 : memref<!tpu.dma_semaphore, #tpu.memory_space<semaphore_mem>>)
    %dma_start3A_28 = arith.constant 0 : i32
    %dma_start3A_29 = arith.constant 0 : i32
    %dma_start3A_30 = tpu.memref_slice %arg12[%dma_start3A_29] : memref<1280xf32, #tpu.memory_space<vmem>> -> memref<640xf32, #tpu.memory_space<vmem>>
    %dma_start3A_31 = tpu.memref_slice %arg3[%dma_start3A_28, %mul3A_2] : memref<2x10240xf32, #tpu.memory_space<hbm>> -> memref<1x640xf32, #tpu.memory_space<hbm>>
    %dma_start3A_32 = tpu.memref_squeeze %dma_start3A_31 : memref<1x640xf32, #tpu.memory_space<hbm>> -> memref<640xf32, #tpu.memory_space<hbm>>
    %dma_start3A_33 = arith.constant 0 : i32
    %dma_start3A_34 = tpu.memref_slice %arg12[%dma_start3A_33] : memref<1280xf32, #tpu.memory_space<vmem>> -> memref<640xf32, #tpu.memory_space<vmem>>
    %dma_start3A_35 = tpu.memref_slice %arg3[%dma_start3A_28, %mul3A_2] : memref<2x10240xf32, #tpu.memory_space<hbm>> -> memref<1x640xf32, #tpu.memory_space<hbm>>
    %dma_start3A_36 = tpu.memref_squeeze %dma_start3A_35 : memref<1x640xf32, #tpu.memory_space<hbm>> -> memref<640xf32, #tpu.memory_space<hbm>>
    tpu.enqueue_dma source(%dma_start3A_36 : memref<640xf32, #tpu.memory_space<hbm>>) target(%dma_start3A_34 : memref<640xf32, #tpu.memory_space<vmem>>) target_semaphore(%arg15 : memref<!tpu.dma_semaphore, #tpu.memory_space<semaphore_mem>>)
    %dma_start3A_37 = arith.constant 1 : i32
    %dma_start3A_38 = arith.constant 640 : i32
    %dma_start3A_39 = tpu.memref_slice %arg12[%dma_start3A_38] : memref<1280xf32, #tpu.memory_space<vmem>> -> memref<640xf32, #tpu.memory_space<vmem>>
    %dma_start3A_40 = tpu.memref_slice %arg3[%dma_start3A_37, %mul3A_2] : memref<2x10240xf32, #tpu.memory_space<hbm>> -> memref<1x640xf32, #tpu.memory_space<hbm>>
    %dma_start3A_41 = tpu.memref_squeeze %dma_start3A_40 : memref<1x640xf32, #tpu.memory_space<hbm>> -> memref<640xf32, #tpu.memory_space<hbm>>
    %dma_start3A_42 = arith.constant 640 : i32
    %dma_start3A_43 = tpu.memref_slice %arg12[%dma_start3A_42] : memref<1280xf32, #tpu.memory_space<vmem>> -> memref<640xf32, #tpu.memory_space<vmem>>
    %dma_start3A_44 = tpu.memref_slice %arg3[%dma_start3A_37, %mul3A_2] : memref<2x10240xf32, #tpu.memory_space<hbm>> -> memref<1x640xf32, #tpu.memory_space<hbm>>
    %dma_start3A_45 = tpu.memref_squeeze %dma_start3A_44 : memref<1x640xf32, #tpu.memory_space<hbm>> -> memref<640xf32, #tpu.memory_space<hbm>>
    tpu.enqueue_dma source(%dma_start3A_45 : memref<640xf32, #tpu.memory_space<hbm>>) target(%dma_start3A_43 : memref<640xf32, #tpu.memory_space<vmem>>) target_semaphore(%arg15 : memref<!tpu.dma_semaphore, #tpu.memory_space<semaphore_mem>>)
    %scan3A = arith.constant 0 : i32
    %scan3A_46 = arith.constant 0 : i32
    %scan3A_47 = arith.constant 128 : i32
    %scan3A_48 = arith.addi %scan3A_46, %scan3A_47 : i32
    %scan3A_49 = arith.constant 1 : i32
    scf.for %scan3A_335 = %scan3A_46 to %scan3A_48 step %scan3A_49  : i32 {
      %broadcast_in_dim3A = arith.constant 0.000000e+00 : f32
      %broadcast_in_dim3A_336 = vector.broadcast %broadcast_in_dim3A : f32 to vector<16xf32>
      %swap3A = arith.constant 0 : i32
      %swap3A_337 = arith.constant 0 : i32
      %swap3A_338 = tpu.memref_slice %arg11[%swap3A, %swap3A_337] : memref<1280x16xf32, #tpu.memory_space<vmem>> -> memref<128x16xf32, #tpu.memory_space<vmem>>
      %swap3A_339 = arith.index_cast %scan3A_335 : i32 to index
      %swap3A_340 = arith.constant 0 : index
      %swap3A_341 = tpu.vector_load %swap3A_338[%swap3A_339, %swap3A_340] {strides = array<i32>} : memref<128x16xf32, #tpu.memory_space<vmem>>, vector<1x16xf32>,
      %swap3A_342 = vector.shape_cast %swap3A_341 : vector<1x16xf32> to vector<16xf32>
      %swap3A_343 = vector.shape_cast %broadcast_in_dim3A_336 : vector<16xf32> to vector<1x16xf32>
      tpu.vector_store %swap3A_338[%swap3A_339, %swap3A_340], %swap3A_343 {strides = array<i32>} : memref<128x16xf32, #tpu.memory_space<vmem>>, vector<1x16xf32>,
    }
    %scan3A_50 = arith.constant 128 : i32
    %add3A_51 = arith.constant 0 : i32
    %add3A_52 = arith.addi %mul3A_2, %add3A_51 : i32
    "tpu.region"() ({
      %run_scoped3A = tpu.sem_alloc : memref<!tpu.dma_semaphore, #tpu.memory_space<semaphore_mem>>
      %dma_start3A_335 = arith.constant 0 : i32
      %dma_start3A_336 = arith.constant 0 : i32
      %dma_start3A_337 = tpu.memref_slice %arg11[%dma_start3A_335, %dma_start3A_336] : memref<1280x16xf32, #tpu.memory_space<vmem>> -> memref<128x16xf32, #tpu.memory_space<vmem>>
      %dma_start3A_338 = arith.constant 0 : i32
      %dma_start3A_339 = tpu.memref_slice %arg13[%add3A_52, %dma_start3A_338] : memref<10240x16xf32, #tpu.memory_space<vmem_shared>> -> memref<128x16xf32, #tpu.memory_space<vmem_shared>>
      %dma_start3A_340 = arith.constant 0 : i32
      %dma_start3A_341 = tpu.memref_slice %arg13[%add3A_52, %dma_start3A_340] : memref<10240x16xf32, #tpu.memory_space<vmem_shared>> -> memref<128x16xf32, #tpu.memory_space<vmem_shared>>
      %dma_start3A_342 = arith.constant 0 : i32
      %dma_start3A_343 = arith.constant 0 : i32
      %dma_start3A_344 = tpu.memref_slice %arg11[%dma_start3A_342, %dma_start3A_343] : memref<1280x16xf32, #tpu.memory_space<vmem>> -> memref<128x16xf32, #tpu.memory_space<vmem>>
      tpu.enqueue_dma source(%dma_start3A_344 : memref<128x16xf32, #tpu.memory_space<vmem>>) target(%dma_start3A_341 : memref<128x16xf32, #tpu.memory_space<vmem_shared>>) target_semaphore(%run_scoped3A : memref<!tpu.dma_semaphore, #tpu.memory_space<semaphore_mem>>)
      %dma_wait3A_345 = arith.constant 0 : i32
      %dma_wait3A_346 = arith.constant 0 : i32
      %dma_wait3A_347 = tpu.memref_slice %arg11[%dma_wait3A_345, %dma_wait3A_346] : memref<1280x16xf32, #tpu.memory_space<vmem>> -> memref<128x16xf32, #tpu.memory_space<vmem>>
      %dma_wait3A_348 = arith.constant 0 : i32
      %dma_wait3A_349 = tpu.memref_slice %arg13[%add3A_52, %dma_wait3A_348] : memref<10240x16xf32, #tpu.memory_space<vmem_shared>> -> memref<128x16xf32, #tpu.memory_space<vmem_shared>>
      %dma_wait3A_350 = arith.constant 0 : i32
      %dma_wait3A_351 = tpu.memref_slice %arg13[%add3A_52, %dma_wait3A_350] : memref<10240x16xf32, #tpu.memory_space<vmem_shared>> -> memref<128x16xf32, #tpu.memory_space<vmem_shared>>
      %dma_wait3A_352 = arith.constant 0 : i32
      %dma_wait3A_353 = arith.constant 0 : i32
      %dma_wait3A_354 = tpu.memref_slice %arg11[%dma_wait3A_352, %dma_wait3A_353] : memref<1280x16xf32, #tpu.memory_space<vmem>> -> memref<128x16xf32, #tpu.memory_space<vmem>>
      tpu.wait_dma2 semaphore(%run_scoped3A : memref<!tpu.dma_semaphore, #tpu.memory_space<semaphore_mem>>) src(%dma_wait3A_354 : memref<128x16xf32, #tpu.memory_space<vmem>>) dst(%dma_wait3A_351 : memref<128x16xf32, #tpu.memory_space<vmem_shared>>)
      tpu.yield
    }) : () -> ()
    %add3A_53 = arith.constant 128 : i32
    %add3A_54 = arith.addi %mul3A_2, %add3A_53 : i32
    "tpu.region"() ({
      %run_scoped3A = tpu.sem_alloc : memref<!tpu.dma_semaphore, #tpu.memory_space<semaphore_mem>>
      %dma_start3A_335 = arith.constant 0 : i32
      %dma_start3A_336 = arith.constant 0 : i32
      %dma_start3A_337 = tpu.memref_slice %arg11[%dma_start3A_335, %dma_start3A_336] : memref<1280x16xf32, #tpu.memory_space<vmem>> -> memref<128x16xf32, #tpu.memory_space<vmem>>
      %dma_start3A_338 = arith.constant 0 : i32
      %dma_start3A_339 = tpu.memref_slice %arg13[%add3A_54, %dma_start3A_338] : memref<10240x16xf32, #tpu.memory_space<vmem_shared>> -> memref<128x16xf32, #tpu.memory_space<vmem_shared>>
      %dma_start3A_340 = arith.constant 0 : i32
      %dma_start3A_341 = tpu.memref_slice %arg13[%add3A_54, %dma_start3A_340] : memref<10240x16xf32, #tpu.memory_space<vmem_shared>> -> memref<128x16xf32, #tpu.memory_space<vmem_shared>>
      %dma_start3A_342 = arith.constant 0 : i32
      %dma_start3A_343 = arith.constant 0 : i32
      %dma_start3A_344 = tpu.memref_slice %arg11[%dma_start3A_342, %dma_start3A_343] : memref<1280x16xf32, #tpu.memory_space<vmem>> -> memref<128x16xf32, #tpu.memory_space<vmem>>
      tpu.enqueue_dma source(%dma_start3A_344 : memref<128x16xf32, #tpu.memory_space<vmem>>) target(%dma_start3A_341 : memref<128x16xf32, #tpu.memory_space<vmem_shared>>) target_semaphore(%run_scoped3A : memref<!tpu.dma_semaphore, #tpu.memory_space<semaphore_mem>>)
      %dma_wait3A_345 = arith.constant 0 : i32
      %dma_wait3A_346 = arith.constant 0 : i32
      %dma_wait3A_347 = tpu.memref_slice %arg11[%dma_wait3A_345, %dma_wait3A_346] : memref<1280x16xf32, #tpu.memory_space<vmem>> -> memref<128x16xf32, #tpu.memory_space<vmem>>
      %dma_wait3A_348 = arith.constant 0 : i32
      %dma_wait3A_349 = tpu.memref_slice %arg13[%add3A_54, %dma_wait3A_348] : memref<10240x16xf32, #tpu.memory_space<vmem_shared>> -> memref<128x16xf32, #tpu.memory_space<vmem_shared>>
      %dma_wait3A_350 = arith.constant 0 : i32
      %dma_wait3A_351 = tpu.memref_slice %arg13[%add3A_54, %dma_wait3A_350] : memref<10240x16xf32, #tpu.memory_space<vmem_shared>> -> memref<128x16xf32, #tpu.memory_space<vmem_shared>>
      %dma_wait3A_352 = arith.constant 0 : i32
      %dma_wait3A_353 = arith.constant 0 : i32
      %dma_wait3A_354 = tpu.memref_slice %arg11[%dma_wait3A_352, %dma_wait3A_353] : memref<1280x16xf32, #tpu.memory_space<vmem>> -> memref<128x16xf32, #tpu.memory_space<vmem>>
      tpu.wait_dma2 semaphore(%run_scoped3A : memref<!tpu.dma_semaphore, #tpu.memory_space<semaphore_mem>>) src(%dma_wait3A_354 : memref<128x16xf32, #tpu.memory_space<vmem>>) dst(%dma_wait3A_351 : memref<128x16xf32, #tpu.memory_space<vmem_shared>>)
      tpu.yield
    }) : () -> ()
    %add3A_55 = arith.constant 256 : i32
    %add3A_56 = arith.addi %mul3A_2, %add3A_55 : i32
    "tpu.region"() ({
      %run_scoped3A = tpu.sem_alloc : memref<!tpu.dma_semaphore, #tpu.memory_space<semaphore_mem>>
      %dma_start3A_335 = arith.constant 0 : i32
      %dma_start3A_336 = arith.constant 0 : i32
      %dma_start3A_337 = tpu.memref_slice %arg11[%dma_start3A_335, %dma_start3A_336] : memref<1280x16xf32, #tpu.memory_space<vmem>> -> memref<128x16xf32, #tpu.memory_space<vmem>>
      %dma_start3A_338 = arith.constant 0 : i32
      %dma_start3A_339 = tpu.memref_slice %arg13[%add3A_56, %dma_start3A_338] : memref<10240x16xf32, #tpu.memory_space<vmem_shared>> -> memref<128x16xf32, #tpu.memory_space<vmem_shared>>
      %dma_start3A_340 = arith.constant 0 : i32
      %dma_start3A_341 = tpu.memref_slice %arg13[%add3A_56, %dma_start3A_340] : memref<10240x16xf32, #tpu.memory_space<vmem_shared>> -> memref<128x16xf32, #tpu.memory_space<vmem_shared>>
      %dma_start3A_342 = arith.constant 0 : i32
      %dma_start3A_343 = arith.constant 0 : i32
      %dma_start3A_344 = tpu.memref_slice %arg11[%dma_start3A_342, %dma_start3A_343] : memref<1280x16xf32, #tpu.memory_space<vmem>> -> memref<128x16xf32, #tpu.memory_space<vmem>>
      tpu.enqueue_dma source(%dma_start3A_344 : memref<128x16xf32, #tpu.memory_space<vmem>>) target(%dma_start3A_341 : memref<128x16xf32, #tpu.memory_space<vmem_shared>>) target_semaphore(%run_scoped3A : memref<!tpu.dma_semaphore, #tpu.memory_space<semaphore_mem>>)
      %dma_wait3A_345 = arith.constant 0 : i32
      %dma_wait3A_346 = arith.constant 0 : i32
      %dma_wait3A_347 = tpu.memref_slice %arg11[%dma_wait3A_345, %dma_wait3A_346] : memref<1280x16xf32, #tpu.memory_space<vmem>> -> memref<128x16xf32, #tpu.memory_space<vmem>>
      %dma_wait3A_348 = arith.constant 0 : i32
      %dma_wait3A_349 = tpu.memref_slice %arg13[%add3A_56, %dma_wait3A_348] : memref<10240x16xf32, #tpu.memory_space<vmem_shared>> -> memref<128x16xf32, #tpu.memory_space<vmem_shared>>
      %dma_wait3A_350 = arith.constant 0 : i32
      %dma_wait3A_351 = tpu.memref_slice %arg13[%add3A_56, %dma_wait3A_350] : memref<10240x16xf32, #tpu.memory_space<vmem_shared>> -> memref<128x16xf32, #tpu.memory_space<vmem_shared>>
      %dma_wait3A_352 = arith.constant 0 : i32
      %dma_wait3A_353 = arith.constant 0 : i32
      %dma_wait3A_354 = tpu.memref_slice %arg11[%dma_wait3A_352, %dma_wait3A_353] : memref<1280x16xf32, #tpu.memory_space<vmem>> -> memref<128x16xf32, #tpu.memory_space<vmem>>
      tpu.wait_dma2 semaphore(%run_scoped3A : memref<!tpu.dma_semaphore, #tpu.memory_space<semaphore_mem>>) src(%dma_wait3A_354 : memref<128x16xf32, #tpu.memory_space<vmem>>) dst(%dma_wait3A_351 : memref<128x16xf32, #tpu.memory_space<vmem_shared>>)
      tpu.yield
    }) : () -> ()
    %add3A_57 = arith.constant 384 : i32
    %add3A_58 = arith.addi %mul3A_2, %add3A_57 : i32
    "tpu.region"() ({
      %run_scoped3A = tpu.sem_alloc : memref<!tpu.dma_semaphore, #tpu.memory_space<semaphore_mem>>
      %dma_start3A_335 = arith.constant 0 : i32
      %dma_start3A_336 = arith.constant 0 : i32
      %dma_start3A_337 = tpu.memref_slice %arg11[%dma_start3A_335, %dma_start3A_336] : memref<1280x16xf32, #tpu.memory_space<vmem>> -> memref<128x16xf32, #tpu.memory_space<vmem>>
      %dma_start3A_338 = arith.constant 0 : i32
      %dma_start3A_339 = tpu.memref_slice %arg13[%add3A_58, %dma_start3A_338] : memref<10240x16xf32, #tpu.memory_space<vmem_shared>> -> memref<128x16xf32, #tpu.memory_space<vmem_shared>>
      %dma_start3A_340 = arith.constant 0 : i32
      %dma_start3A_341 = tpu.memref_slice %arg13[%add3A_58, %dma_start3A_340] : memref<10240x16xf32, #tpu.memory_space<vmem_shared>> -> memref<128x16xf32, #tpu.memory_space<vmem_shared>>
      %dma_start3A_342 = arith.constant 0 : i32
      %dma_start3A_343 = arith.constant 0 : i32
      %dma_start3A_344 = tpu.memref_slice %arg11[%dma_start3A_342, %dma_start3A_343] : memref<1280x16xf32, #tpu.memory_space<vmem>> -> memref<128x16xf32, #tpu.memory_space<vmem>>
      tpu.enqueue_dma source(%dma_start3A_344 : memref<128x16xf32, #tpu.memory_space<vmem>>) target(%dma_start3A_341 : memref<128x16xf32, #tpu.memory_space<vmem_shared>>) target_semaphore(%run_scoped3A : memref<!tpu.dma_semaphore, #tpu.memory_space<semaphore_mem>>)
      %dma_wait3A_345 = arith.constant 0 : i32
      %dma_wait3A_346 = arith.constant 0 : i32
      %dma_wait3A_347 = tpu.memref_slice %arg11[%dma_wait3A_345, %dma_wait3A_346] : memref<1280x16xf32, #tpu.memory_space<vmem>> -> memref<128x16xf32, #tpu.memory_space<vmem>>
      %dma_wait3A_348 = arith.constant 0 : i32
      %dma_wait3A_349 = tpu.memref_slice %arg13[%add3A_58, %dma_wait3A_348] : memref<10240x16xf32, #tpu.memory_space<vmem_shared>> -> memref<128x16xf32, #tpu.memory_space<vmem_shared>>
      %dma_wait3A_350 = arith.constant 0 : i32
      %dma_wait3A_351 = tpu.memref_slice %arg13[%add3A_58, %dma_wait3A_350] : memref<10240x16xf32, #tpu.memory_space<vmem_shared>> -> memref<128x16xf32, #tpu.memory_space<vmem_shared>>
      %dma_wait3A_352 = arith.constant 0 : i32
      %dma_wait3A_353 = arith.constant 0 : i32
      %dma_wait3A_354 = tpu.memref_slice %arg11[%dma_wait3A_352, %dma_wait3A_353] : memref<1280x16xf32, #tpu.memory_space<vmem>> -> memref<128x16xf32, #tpu.memory_space<vmem>>
      tpu.wait_dma2 semaphore(%run_scoped3A : memref<!tpu.dma_semaphore, #tpu.memory_space<semaphore_mem>>) src(%dma_wait3A_354 : memref<128x16xf32, #tpu.memory_space<vmem>>) dst(%dma_wait3A_351 : memref<128x16xf32, #tpu.memory_space<vmem_shared>>)
      tpu.yield
    }) : () -> ()
    %add3A_59 = arith.constant 512 : i32
    %add3A_60 = arith.addi %mul3A_2, %add3A_59 : i32
    "tpu.region"() ({
      %run_scoped3A = tpu.sem_alloc : memref<!tpu.dma_semaphore, #tpu.memory_space<semaphore_mem>>
      %dma_start3A_335 = arith.constant 0 : i32
      %dma_start3A_336 = arith.constant 0 : i32
      %dma_start3A_337 = tpu.memref_slice %arg11[%dma_start3A_335, %dma_start3A_336] : memref<1280x16xf32, #tpu.memory_space<vmem>> -> memref<128x16xf32, #tpu.memory_space<vmem>>
      %dma_start3A_338 = arith.constant 0 : i32
      %dma_start3A_339 = tpu.memref_slice %arg13[%add3A_60, %dma_start3A_338] : memref<10240x16xf32, #tpu.memory_space<vmem_shared>> -> memref<128x16xf32, #tpu.memory_space<vmem_shared>>
      %dma_start3A_340 = arith.constant 0 : i32
      %dma_start3A_341 = tpu.memref_slice %arg13[%add3A_60, %dma_start3A_340] : memref<10240x16xf32, #tpu.memory_space<vmem_shared>> -> memref<128x16xf32, #tpu.memory_space<vmem_shared>>
      %dma_start3A_342 = arith.constant 0 : i32
      %dma_start3A_343 = arith.constant 0 : i32
      %dma_start3A_344 = tpu.memref_slice %arg11[%dma_start3A_342, %dma_start3A_343] : memref<1280x16xf32, #tpu.memory_space<vmem>> -> memref<128x16xf32, #tpu.memory_space<vmem>>
      tpu.enqueue_dma source(%dma_start3A_344 : memref<128x16xf32, #tpu.memory_space<vmem>>) target(%dma_start3A_341 : memref<128x16xf32, #tpu.memory_space<vmem_shared>>) target_semaphore(%run_scoped3A : memref<!tpu.dma_semaphore, #tpu.memory_space<semaphore_mem>>)
      %dma_wait3A_345 = arith.constant 0 : i32
      %dma_wait3A_346 = arith.constant 0 : i32
      %dma_wait3A_347 = tpu.memref_slice %arg11[%dma_wait3A_345, %dma_wait3A_346] : memref<1280x16xf32, #tpu.memory_space<vmem>> -> memref<128x16xf32, #tpu.memory_space<vmem>>
      %dma_wait3A_348 = arith.constant 0 : i32
      %dma_wait3A_349 = tpu.memref_slice %arg13[%add3A_60, %dma_wait3A_348] : memref<10240x16xf32, #tpu.memory_space<vmem_shared>> -> memref<128x16xf32, #tpu.memory_space<vmem_shared>>
      %dma_wait3A_350 = arith.constant 0 : i32
      %dma_wait3A_351 = tpu.memref_slice %arg13[%add3A_60, %dma_wait3A_350] : memref<10240x16xf32, #tpu.memory_space<vmem_shared>> -> memref<128x16xf32, #tpu.memory_space<vmem_shared>>
      %dma_wait3A_352 = arith.constant 0 : i32
      %dma_wait3A_353 = arith.constant 0 : i32
      %dma_wait3A_354 = tpu.memref_slice %arg11[%dma_wait3A_352, %dma_wait3A_353] : memref<1280x16xf32, #tpu.memory_space<vmem>> -> memref<128x16xf32, #tpu.memory_space<vmem>>
      tpu.wait_dma2 semaphore(%run_scoped3A : memref<!tpu.dma_semaphore, #tpu.memory_space<semaphore_mem>>) src(%dma_wait3A_354 : memref<128x16xf32, #tpu.memory_space<vmem>>) dst(%dma_wait3A_351 : memref<128x16xf32, #tpu.memory_space<vmem_shared>>)
      tpu.yield
    }) : () -> ()
    %dma_wait3A = arith.constant 0 : i32
    %dma_wait3A_61 = arith.constant 0 : i32
    %dma_wait3A_62 = tpu.memref_slice %arg4[%add3A, %dma_wait3A, %dma_wait3A_61] : memref<32x8x1280xi32, #tpu.memory_space<hbm>> -> memref<1x8x1280xi32, #tpu.memory_space<hbm>>
    %dma_wait3A_63 = tpu.memref_squeeze %dma_wait3A_62 : memref<1x8x1280xi32, #tpu.memory_space<hbm>> -> memref<8x1280xi32, #tpu.memory_space<hbm>>
    %dma_wait3A_64 = arith.constant 0 : i32
    %dma_wait3A_65 = arith.constant 0 : i32
    %dma_wait3A_66 = tpu.memref_slice %arg4[%add3A, %dma_wait3A_64, %dma_wait3A_65] : memref<32x8x1280xi32, #tpu.memory_space<hbm>> -> memref<1x8x1280xi32, #tpu.memory_space<hbm>>
    %dma_wait3A_67 = tpu.memref_squeeze %dma_wait3A_66 : memref<1x8x1280xi32, #tpu.memory_space<hbm>> -> memref<8x1280xi32, #tpu.memory_space<hbm>>
    tpu.wait_dma2 semaphore(%arg15 : memref<!tpu.dma_semaphore, #tpu.memory_space<semaphore_mem>>) src(%dma_wait3A_67 : memref<8x1280xi32, #tpu.memory_space<hbm>>) dst(%arg8 : memref<8x1280xi32, #tpu.memory_space<vmem>>)
    %dma_wait3A_68 = arith.constant 0 : i32
    %dma_wait3A_69 = arith.constant 0 : i32
    %dma_wait3A_70 = tpu.memref_slice %arg5[%add3A, %dma_wait3A_68, %dma_wait3A_69] : memref<32x8x1280xi32, #tpu.memory_space<hbm>> -> memref<1x8x1280xi32, #tpu.memory_space<hbm>>
    %dma_wait3A_71 = tpu.memref_squeeze %dma_wait3A_70 : memref<1x8x1280xi32, #tpu.memory_space<hbm>> -> memref<8x1280xi32, #tpu.memory_space<hbm>>
    %dma_wait3A_72 = arith.constant 0 : i32
    %dma_wait3A_73 = arith.constant 0 : i32
    %dma_wait3A_74 = tpu.memref_slice %arg5[%add3A, %dma_wait3A_72, %dma_wait3A_73] : memref<32x8x1280xi32, #tpu.memory_space<hbm>> -> memref<1x8x1280xi32, #tpu.memory_space<hbm>>
    %dma_wait3A_75 = tpu.memref_squeeze %dma_wait3A_74 : memref<1x8x1280xi32, #tpu.memory_space<hbm>> -> memref<8x1280xi32, #tpu.memory_space<hbm>>
    tpu.wait_dma2 semaphore(%arg15 : memref<!tpu.dma_semaphore, #tpu.memory_space<semaphore_mem>>) src(%dma_wait3A_75 : memref<8x1280xi32, #tpu.memory_space<hbm>>) dst(%arg9 : memref<8x1280xi32, #tpu.memory_space<vmem>>)
    %dma_wait3A_76 = arith.constant 0 : i32
    %dma_wait3A_77 = arith.constant 0 : i32
    %dma_wait3A_78 = tpu.memref_slice %arg10[%dma_wait3A_76, %dma_wait3A_77] : memref<1280x16xf32, #tpu.memory_space<vmem>> -> memref<640x16xf32, #tpu.memory_space<vmem>>
    %dma_wait3A_79 = arith.constant 0 : i32
    %dma_wait3A_80 = tpu.memref_slice %arg2[%mul3A_2, %dma_wait3A_79] : memref<10240x16xf32, #tpu.memory_space<hbm>> -> memref<640x16xf32, #tpu.memory_space<hbm>>
    %dma_wait3A_81 = arith.constant 0 : i32
    %dma_wait3A_82 = arith.constant 0 : i32
    %dma_wait3A_83 = tpu.memref_slice %arg10[%dma_wait3A_81, %dma_wait3A_82] : memref<1280x16xf32, #tpu.memory_space<vmem>> -> memref<640x16xf32, #tpu.memory_space<vmem>>
    %dma_wait3A_84 = arith.constant 0 : i32
    %dma_wait3A_85 = tpu.memref_slice %arg2[%mul3A_2, %dma_wait3A_84] : memref<10240x16xf32, #tpu.memory_space<hbm>> -> memref<640x16xf32, #tpu.memory_space<hbm>>
    tpu.wait_dma2 semaphore(%arg15 : memref<!tpu.dma_semaphore, #tpu.memory_space<semaphore_mem>>) src(%dma_wait3A_85 : memref<640x16xf32, #tpu.memory_space<hbm>>) dst(%dma_wait3A_83 : memref<640x16xf32, #tpu.memory_space<vmem>>)
    %dma_wait3A_86 = arith.constant 0 : i32
    %dma_wait3A_87 = arith.constant 0 : i32
    %dma_wait3A_88 = tpu.memref_slice %arg12[%dma_wait3A_87] : memref<1280xf32, #tpu.memory_space<vmem>> -> memref<640xf32, #tpu.memory_space<vmem>>
    %dma_wait3A_89 = tpu.memref_slice %arg3[%dma_wait3A_86, %mul3A_2] : memref<2x10240xf32, #tpu.memory_space<hbm>> -> memref<1x640xf32, #tpu.memory_space<hbm>>
    %dma_wait3A_90 = tpu.memref_squeeze %dma_wait3A_89 : memref<1x640xf32, #tpu.memory_space<hbm>> -> memref<640xf32, #tpu.memory_space<hbm>>
    %dma_wait3A_91 = arith.constant 0 : i32
    %dma_wait3A_92 = tpu.memref_slice %arg12[%dma_wait3A_91] : memref<1280xf32, #tpu.memory_space<vmem>> -> memref<640xf32, #tpu.memory_space<vmem>>
    %dma_wait3A_93 = tpu.memref_slice %arg3[%dma_wait3A_86, %mul3A_2] : memref<2x10240xf32, #tpu.memory_space<hbm>> -> memref<1x640xf32, #tpu.memory_space<hbm>>
    %dma_wait3A_94 = tpu.memref_squeeze %dma_wait3A_93 : memref<1x640xf32, #tpu.memory_space<hbm>> -> memref<640xf32, #tpu.memory_space<hbm>>
    tpu.wait_dma2 semaphore(%arg15 : memref<!tpu.dma_semaphore, #tpu.memory_space<semaphore_mem>>) src(%dma_wait3A_94 : memref<640xf32, #tpu.memory_space<hbm>>) dst(%dma_wait3A_92 : memref<640xf32, #tpu.memory_space<vmem>>)
    %dma_wait3A_95 = arith.constant 1 : i32
    %dma_wait3A_96 = arith.constant 640 : i32
    %dma_wait3A_97 = tpu.memref_slice %arg12[%dma_wait3A_96] : memref<1280xf32, #tpu.memory_space<vmem>> -> memref<640xf32, #tpu.memory_space<vmem>>
    %dma_wait3A_98 = tpu.memref_slice %arg3[%dma_wait3A_95, %mul3A_2] : memref<2x10240xf32, #tpu.memory_space<hbm>> -> memref<1x640xf32, #tpu.memory_space<hbm>>
    %dma_wait3A_99 = tpu.memref_squeeze %dma_wait3A_98 : memref<1x640xf32, #tpu.memory_space<hbm>> -> memref<640xf32, #tpu.memory_space<hbm>>
    %dma_wait3A_100 = arith.constant 640 : i32
    %dma_wait3A_101 = tpu.memref_slice %arg12[%dma_wait3A_100] : memref<1280xf32, #tpu.memory_space<vmem>> -> memref<640xf32, #tpu.memory_space<vmem>>
    %dma_wait3A_102 = tpu.memref_slice %arg3[%dma_wait3A_95, %mul3A_2] : memref<2x10240xf32, #tpu.memory_space<hbm>> -> memref<1x640xf32, #tpu.memory_space<hbm>>
    %dma_wait3A_103 = tpu.memref_squeeze %dma_wait3A_102 : memref<1x640xf32, #tpu.memory_space<hbm>> -> memref<640xf32, #tpu.memory_space<hbm>>
    tpu.wait_dma2 semaphore(%arg15 : memref<!tpu.dma_semaphore, #tpu.memory_space<semaphore_mem>>) src(%dma_wait3A_103 : memref<640xf32, #tpu.memory_space<hbm>>) dst(%dma_wait3A_101 : memref<640xf32, #tpu.memory_space<vmem>>)
    %scan3A_104 = arith.constant 0 : i32
    %scan3A_105 = arith.constant 0 : i32
    %scan3A_106 = arith.constant 40 : i32
    %scan3A_107 = arith.addi %scan3A_105, %scan3A_106 : i32
    %scan3A_108 = arith.constant 1 : i32
    scf.for %scan3A_335 = %scan3A_105 to %scan3A_107 step %scan3A_108  : i32 {
      %mul3A_336 = arith.constant 16 : i32
      %mul3A_337 = arith.muli %scan3A_335, %mul3A_336 : i32
      %get3A = arith.index_cast %mul3A_337 : i32 to index
      %get3A_338 = tpu.vector_load %arg12[%get3A] {strides = array<i32>} : memref<1280xf32, #tpu.memory_space<vmem>>, vector<16xf32>,
      %get3A_339 = vector.shape_cast %get3A_338 : vector<16xf32> to vector<16xf32>
      %add3A_340 = arith.constant 640 : i32
      %add3A_341 = arith.addi %add3A_340, %mul3A_337 : i32
      %get3A_342 = arith.index_cast %add3A_341 : i32 to index
      %get3A_343 = tpu.vector_load %arg12[%get3A_342] {strides = array<i32>} : memref<1280xf32, #tpu.memory_space<vmem>>, vector<16xf32>,
      %get3A_344 = vector.shape_cast %get3A_343 : vector<16xf32> to vector<16xf32>
      %add3A_345 = arith.addf %get3A_339, %get3A_344 : vector<16xf32>
      %add3A_346 = arith.constant 1.000000e+00 : f32
      %add3A_347 = vector.broadcast %add3A_346 : f32 to vector<16xf32>
      %add3A_348 = arith.addf %add3A_345, %add3A_347 : vector<16xf32>
      %bitcast_convert_type3A = tpu.bitcast %add3A_348 : vector<16xf32> -> vector<16xi32>
      %shift_right_logical3A = arith.constant 1 : i32
      %shift_right_logical3A_349 = vector.broadcast %shift_right_logical3A : i32 to vector<16xi32>
      %shift_right_logical3A_350 = arith.shrui %bitcast_convert_type3A, %shift_right_logical3A_349 : vector<16xi32>
      %sub3A = arith.constant 1597463007 : i32
      %sub3A_351 = vector.broadcast %sub3A : i32 to vector<16xi32>
      %sub3A_352 = arith.subi %sub3A_351, %shift_right_logical3A_350 : vector<16xi32>
      %bitcast_convert_type3A_353 = tpu.bitcast %sub3A_352 : vector<16xi32> -> vector<16xf32>
      %mul3A_354 = arith.constant 5.000000e-01 : f32
      %mul3A_355 = vector.broadcast %mul3A_354 : f32 to vector<16xf32>
      %mul3A_356 = arith.mulf %mul3A_355, %add3A_348 : vector<16xf32>
      %mul3A_357 = arith.mulf %mul3A_356, %bitcast_convert_type3A_353 : vector<16xf32>
      %mul3A_358 = arith.mulf %mul3A_357, %bitcast_convert_type3A_353 : vector<16xf32>
      %sub3A_359 = arith.constant 1.500000e+00 : f32
      %sub3A_360 = vector.broadcast %sub3A_359 : f32 to vector<16xf32>
      %sub3A_361 = arith.subf %sub3A_360, %mul3A_358 : vector<16xf32>
      %mul3A_362 = arith.mulf %bitcast_convert_type3A_353, %sub3A_361 : vector<16xf32>
      %mul3A_363 = arith.constant 5.000000e-01 : f32
      %mul3A_364 = vector.broadcast %mul3A_363 : f32 to vector<16xf32>
      %mul3A_365 = arith.mulf %mul3A_364, %add3A_348 : vector<16xf32>
      %mul3A_366 = arith.mulf %mul3A_365, %mul3A_362 : vector<16xf32>
      %mul3A_367 = arith.mulf %mul3A_366, %mul3A_362 : vector<16xf32>
      %sub3A_368 = arith.constant 1.500000e+00 : f32
      %sub3A_369 = vector.broadcast %sub3A_368 : f32 to vector<16xf32>
      %sub3A_370 = arith.subf %sub3A_369, %mul3A_367 : vector<16xf32>
      %mul3A_371 = arith.mulf %mul3A_362, %sub3A_370 : vector<16xf32>
      %mul3A_372 = arith.constant 5.000000e-01 : f32
      %mul3A_373 = vector.broadcast %mul3A_372 : f32 to vector<16xf32>
      %mul3A_374 = arith.mulf %mul3A_373, %add3A_348 : vector<16xf32>
      %mul3A_375 = arith.mulf %mul3A_374, %mul3A_371 : vector<16xf32>
      %mul3A_376 = arith.mulf %mul3A_375, %mul3A_371 : vector<16xf32>
      %sub3A_377 = arith.constant 1.500000e+00 : f32
      %sub3A_378 = vector.broadcast %sub3A_377 : f32 to vector<16xf32>
      %sub3A_379 = arith.subf %sub3A_378, %mul3A_376 : vector<16xf32>
      %mul3A_380 = arith.mulf %mul3A_371, %sub3A_379 : vector<16xf32>
      %add3A_381 = arith.constant 0 : i32
      %add3A_382 = arith.addi %mul3A_337, %add3A_381 : i32
      %get3A_383 = arith.index_cast %add3A_382 : i32 to index
      %get3A_384 = arith.constant 0 : index
      %get3A_385 = tpu.vector_load %arg10[%get3A_383, %get3A_384] {strides = array<i32>} : memref<1280x16xf32, #tpu.memory_space<vmem>>, vector<1x16xf32>,
      %get3A_386 = vector.shape_cast %get3A_385 : vector<1x16xf32> to vector<16xf32>
      %slice3A = vector.extract_strided_slice %mul3A_380 {offsets = [0], sizes = [1], strides = [1]} : vector<16xf32> to vector<1xf32>
      %squeeze3A = vector.extract %slice3A[0] : f32 from vector<1xf32>
      %mul3A_387 = vector.broadcast %squeeze3A : f32 to vector<16xf32>
      %mul3A_388 = arith.mulf %get3A_386, %mul3A_387 : vector<16xf32>
      %add3A_389 = arith.constant 640 : i32
      %add3A_390 = arith.addi %add3A_389, %add3A_382 : i32
      %swap3A = arith.index_cast %add3A_390 : i32 to index
      %swap3A_391 = arith.constant 0 : index
      %swap3A_392 = tpu.vector_load %arg10[%swap3A, %swap3A_391] {strides = array<i32>} : memref<1280x16xf32, #tpu.memory_space<vmem>>, vector<1x16xf32>,
      %swap3A_393 = vector.shape_cast %swap3A_392 : vector<1x16xf32> to vector<16xf32>
      %swap3A_394 = vector.shape_cast %mul3A_388 : vector<16xf32> to vector<1x16xf32>
      tpu.vector_store %arg10[%swap3A, %swap3A_391], %swap3A_394 {strides = array<i32>} : memref<1280x16xf32, #tpu.memory_space<vmem>>, vector<1x16xf32>,
      %add3A_395 = arith.constant 1 : i32
      %add3A_396 = arith.addi %mul3A_337, %add3A_395 : i32
      %get3A_397 = arith.index_cast %add3A_396 : i32 to index
      %get3A_398 = arith.constant 0 : index
      %get3A_399 = tpu.vector_load %arg10[%get3A_397, %get3A_398] {strides = array<i32>} : memref<1280x16xf32, #tpu.memory_space<vmem>>, vector<1x16xf32>,
      %get3A_400 = vector.shape_cast %get3A_399 : vector<1x16xf32> to vector<16xf32>
      %slice3A_401 = vector.extract_strided_slice %mul3A_380 {offsets = [1], sizes = [1], strides = [1]} : vector<16xf32> to vector<1xf32>
      %squeeze3A_402 = vector.extract %slice3A_401[0] : f32 from vector<1xf32>
      %mul3A_403 = vector.broadcast %squeeze3A_402 : f32 to vector<16xf32>
      %mul3A_404 = arith.mulf %get3A_400, %mul3A_403 : vector<16xf32>
      %add3A_405 = arith.constant 640 : i32
      %add3A_406 = arith.addi %add3A_405, %add3A_396 : i32
      %swap3A_407 = arith.index_cast %add3A_406 : i32 to index
      %swap3A_408 = arith.constant 0 : index
      %swap3A_409 = tpu.vector_load %arg10[%swap3A_407, %swap3A_408] {strides = array<i32>} : memref<1280x16xf32, #tpu.memory_space<vmem>>, vector<1x16xf32>,
      %swap3A_410 = vector.shape_cast %swap3A_409 : vector<1x16xf32> to vector<16xf32>
      %swap3A_411 = vector.shape_cast %mul3A_404 : vector<16xf32> to vector<1x16xf32>
      tpu.vector_store %arg10[%swap3A_407, %swap3A_408], %swap3A_411 {strides = array<i32>} : memref<1280x16xf32, #tpu.memory_space<vmem>>, vector<1x16xf32>,
      %add3A_412 = arith.constant 2 : i32
      %add3A_413 = arith.addi %mul3A_337, %add3A_412 : i32
      %get3A_414 = arith.index_cast %add3A_413 : i32 to index
      %get3A_415 = arith.constant 0 : index
      %get3A_416 = tpu.vector_load %arg10[%get3A_414, %get3A_415] {strides = array<i32>} : memref<1280x16xf32, #tpu.memory_space<vmem>>, vector<1x16xf32>,
      %get3A_417 = vector.shape_cast %get3A_416 : vector<1x16xf32> to vector<16xf32>
      %slice3A_418 = vector.extract_strided_slice %mul3A_380 {offsets = [2], sizes = [1], strides = [1]} : vector<16xf32> to vector<1xf32>
      %squeeze3A_419 = vector.extract %slice3A_418[0] : f32 from vector<1xf32>
      %mul3A_420 = vector.broadcast %squeeze3A_419 : f32 to vector<16xf32>
      %mul3A_421 = arith.mulf %get3A_417, %mul3A_420 : vector<16xf32>
      %add3A_422 = arith.constant 640 : i32
      %add3A_423 = arith.addi %add3A_422, %add3A_413 : i32
      %swap3A_424 = arith.index_cast %add3A_423 : i32 to index
      %swap3A_425 = arith.constant 0 : index
      %swap3A_426 = tpu.vector_load %arg10[%swap3A_424, %swap3A_425] {strides = array<i32>} : memref<1280x16xf32, #tpu.memory_space<vmem>>, vector<1x16xf32>,
      %swap3A_427 = vector.shape_cast %swap3A_426 : vector<1x16xf32> to vector<16xf32>
      %swap3A_428 = vector.shape_cast %mul3A_421 : vector<16xf32> to vector<1x16xf32>
      tpu.vector_store %arg10[%swap3A_424, %swap3A_425], %swap3A_428 {strides = array<i32>} : memref<1280x16xf32, #tpu.memory_space<vmem>>, vector<1x16xf32>,
      %add3A_429 = arith.constant 3 : i32
      %add3A_430 = arith.addi %mul3A_337, %add3A_429 : i32
      %get3A_431 = arith.index_cast %add3A_430 : i32 to index
      %get3A_432 = arith.constant 0 : index
      %get3A_433 = tpu.vector_load %arg10[%get3A_431, %get3A_432] {strides = array<i32>} : memref<1280x16xf32, #tpu.memory_space<vmem>>, vector<1x16xf32>,
      %get3A_434 = vector.shape_cast %get3A_433 : vector<1x16xf32> to vector<16xf32>
      %slice3A_435 = vector.extract_strided_slice %mul3A_380 {offsets = [3], sizes = [1], strides = [1]} : vector<16xf32> to vector<1xf32>
      %squeeze3A_436 = vector.extract %slice3A_435[0] : f32 from vector<1xf32>
      %mul3A_437 = vector.broadcast %squeeze3A_436 : f32 to vector<16xf32>
      %mul3A_438 = arith.mulf %get3A_434, %mul3A_437 : vector<16xf32>
      %add3A_439 = arith.constant 640 : i32
      %add3A_440 = arith.addi %add3A_439, %add3A_430 : i32
      %swap3A_441 = arith.index_cast %add3A_440 : i32 to index
      %swap3A_442 = arith.constant 0 : index
      %swap3A_443 = tpu.vector_load %arg10[%swap3A_441, %swap3A_442] {strides = array<i32>} : memref<1280x16xf32, #tpu.memory_space<vmem>>, vector<1x16xf32>,
      %swap3A_444 = vector.shape_cast %swap3A_443 : vector<1x16xf32> to vector<16xf32>
      %swap3A_445 = vector.shape_cast %mul3A_438 : vector<16xf32> to vector<1x16xf32>
      tpu.vector_store %arg10[%swap3A_441, %swap3A_442], %swap3A_445 {strides = array<i32>} : memref<1280x16xf32, #tpu.memory_space<vmem>>, vector<1x16xf32>,
      %add3A_446 = arith.constant 4 : i32
      %add3A_447 = arith.addi %mul3A_337, %add3A_446 : i32
      %get3A_448 = arith.index_cast %add3A_447 : i32 to index
      %get3A_449 = arith.constant 0 : index
      %get3A_450 = tpu.vector_load %arg10[%get3A_448, %get3A_449] {strides = array<i32>} : memref<1280x16xf32, #tpu.memory_space<vmem>>, vector<1x16xf32>,
      %get3A_451 = vector.shape_cast %get3A_450 : vector<1x16xf32> to vector<16xf32>
      %slice3A_452 = vector.extract_strided_slice %mul3A_380 {offsets = [4], sizes = [1], strides = [1]} : vector<16xf32> to vector<1xf32>
      %squeeze3A_453 = vector.extract %slice3A_452[0] : f32 from vector<1xf32>
      %mul3A_454 = vector.broadcast %squeeze3A_453 : f32 to vector<16xf32>
      %mul3A_455 = arith.mulf %get3A_451, %mul3A_454 : vector<16xf32>
      %add3A_456 = arith.constant 640 : i32
      %add3A_457 = arith.addi %add3A_456, %add3A_447 : i32
      %swap3A_458 = arith.index_cast %add3A_457 : i32 to index
      %swap3A_459 = arith.constant 0 : index
      %swap3A_460 = tpu.vector_load %arg10[%swap3A_458, %swap3A_459] {strides = array<i32>} : memref<1280x16xf32, #tpu.memory_space<vmem>>, vector<1x16xf32>,
      %swap3A_461 = vector.shape_cast %swap3A_460 : vector<1x16xf32> to vector<16xf32>
      %swap3A_462 = vector.shape_cast %mul3A_455 : vector<16xf32> to vector<1x16xf32>
      tpu.vector_store %arg10[%swap3A_458, %swap3A_459], %swap3A_462 {strides = array<i32>} : memref<1280x16xf32, #tpu.memory_space<vmem>>, vector<1x16xf32>,
      %add3A_463 = arith.constant 5 : i32
      %add3A_464 = arith.addi %mul3A_337, %add3A_463 : i32
      %get3A_465 = arith.index_cast %add3A_464 : i32 to index
      %get3A_466 = arith.constant 0 : index
      %get3A_467 = tpu.vector_load %arg10[%get3A_465, %get3A_466] {strides = array<i32>} : memref<1280x16xf32, #tpu.memory_space<vmem>>, vector<1x16xf32>,
      %get3A_468 = vector.shape_cast %get3A_467 : vector<1x16xf32> to vector<16xf32>
      %slice3A_469 = vector.extract_strided_slice %mul3A_380 {offsets = [5], sizes = [1], strides = [1]} : vector<16xf32> to vector<1xf32>
      %squeeze3A_470 = vector.extract %slice3A_469[0] : f32 from vector<1xf32>
      %mul3A_471 = vector.broadcast %squeeze3A_470 : f32 to vector<16xf32>
      %mul3A_472 = arith.mulf %get3A_468, %mul3A_471 : vector<16xf32>
      %add3A_473 = arith.constant 640 : i32
      %add3A_474 = arith.addi %add3A_473, %add3A_464 : i32
      %swap3A_475 = arith.index_cast %add3A_474 : i32 to index
      %swap3A_476 = arith.constant 0 : index
      %swap3A_477 = tpu.vector_load %arg10[%swap3A_475, %swap3A_476] {strides = array<i32>} : memref<1280x16xf32, #tpu.memory_space<vmem>>, vector<1x16xf32>,
      %swap3A_478 = vector.shape_cast %swap3A_477 : vector<1x16xf32> to vector<16xf32>
      %swap3A_479 = vector.shape_cast %mul3A_472 : vector<16xf32> to vector<1x16xf32>
      tpu.vector_store %arg10[%swap3A_475, %swap3A_476], %swap3A_479 {strides = array<i32>} : memref<1280x16xf32, #tpu.memory_space<vmem>>, vector<1x16xf32>,
      %add3A_480 = arith.constant 6 : i32
      %add3A_481 = arith.addi %mul3A_337, %add3A_480 : i32
      %get3A_482 = arith.index_cast %add3A_481 : i32 to index
      %get3A_483 = arith.constant 0 : index
      %get3A_484 = tpu.vector_load %arg10[%get3A_482, %get3A_483] {strides = array<i32>} : memref<1280x16xf32, #tpu.memory_space<vmem>>, vector<1x16xf32>,
      %get3A_485 = vector.shape_cast %get3A_484 : vector<1x16xf32> to vector<16xf32>
      %slice3A_486 = vector.extract_strided_slice %mul3A_380 {offsets = [6], sizes = [1], strides = [1]} : vector<16xf32> to vector<1xf32>
      %squeeze3A_487 = vector.extract %slice3A_486[0] : f32 from vector<1xf32>
      %mul3A_488 = vector.broadcast %squeeze3A_487 : f32 to vector<16xf32>
      %mul3A_489 = arith.mulf %get3A_485, %mul3A_488 : vector<16xf32>
      %add3A_490 = arith.constant 640 : i32
      %add3A_491 = arith.addi %add3A_490, %add3A_481 : i32
      %swap3A_492 = arith.index_cast %add3A_491 : i32 to index
      %swap3A_493 = arith.constant 0 : index
      %swap3A_494 = tpu.vector_load %arg10[%swap3A_492, %swap3A_493] {strides = array<i32>} : memref<1280x16xf32, #tpu.memory_space<vmem>>, vector<1x16xf32>,
      %swap3A_495 = vector.shape_cast %swap3A_494 : vector<1x16xf32> to vector<16xf32>
      %swap3A_496 = vector.shape_cast %mul3A_489 : vector<16xf32> to vector<1x16xf32>
      tpu.vector_store %arg10[%swap3A_492, %swap3A_493], %swap3A_496 {strides = array<i32>} : memref<1280x16xf32, #tpu.memory_space<vmem>>, vector<1x16xf32>,
      %add3A_497 = arith.constant 7 : i32
      %add3A_498 = arith.addi %mul3A_337, %add3A_497 : i32
      %get3A_499 = arith.index_cast %add3A_498 : i32 to index
      %get3A_500 = arith.constant 0 : index
      %get3A_501 = tpu.vector_load %arg10[%get3A_499, %get3A_500] {strides = array<i32>} : memref<1280x16xf32, #tpu.memory_space<vmem>>, vector<1x16xf32>,
      %get3A_502 = vector.shape_cast %get3A_501 : vector<1x16xf32> to vector<16xf32>
      %slice3A_503 = vector.extract_strided_slice %mul3A_380 {offsets = [7], sizes = [1], strides = [1]} : vector<16xf32> to vector<1xf32>
      %squeeze3A_504 = vector.extract %slice3A_503[0] : f32 from vector<1xf32>
      %mul3A_505 = vector.broadcast %squeeze3A_504 : f32 to vector<16xf32>
      %mul3A_506 = arith.mulf %get3A_502, %mul3A_505 : vector<16xf32>
      %add3A_507 = arith.constant 640 : i32
      %add3A_508 = arith.addi %add3A_507, %add3A_498 : i32
      %swap3A_509 = arith.index_cast %add3A_508 : i32 to index
      %swap3A_510 = arith.constant 0 : index
      %swap3A_511 = tpu.vector_load %arg10[%swap3A_509, %swap3A_510] {strides = array<i32>} : memref<1280x16xf32, #tpu.memory_space<vmem>>, vector<1x16xf32>,
      %swap3A_512 = vector.shape_cast %swap3A_511 : vector<1x16xf32> to vector<16xf32>
      %swap3A_513 = vector.shape_cast %mul3A_506 : vector<16xf32> to vector<1x16xf32>
      tpu.vector_store %arg10[%swap3A_509, %swap3A_510], %swap3A_513 {strides = array<i32>} : memref<1280x16xf32, #tpu.memory_space<vmem>>, vector<1x16xf32>,
      %add3A_514 = arith.constant 8 : i32
      %add3A_515 = arith.addi %mul3A_337, %add3A_514 : i32
      %get3A_516 = arith.index_cast %add3A_515 : i32 to index
      %get3A_517 = arith.constant 0 : index
      %get3A_518 = tpu.vector_load %arg10[%get3A_516, %get3A_517] {strides = array<i32>} : memref<1280x16xf32, #tpu.memory_space<vmem>>, vector<1x16xf32>,
      %get3A_519 = vector.shape_cast %get3A_518 : vector<1x16xf32> to vector<16xf32>
      %slice3A_520 = vector.extract_strided_slice %mul3A_380 {offsets = [8], sizes = [1], strides = [1]} : vector<16xf32> to vector<1xf32>
      %squeeze3A_521 = vector.extract %slice3A_520[0] : f32 from vector<1xf32>
      %mul3A_522 = vector.broadcast %squeeze3A_521 : f32 to vector<16xf32>
      %mul3A_523 = arith.mulf %get3A_519, %mul3A_522 : vector<16xf32>
      %add3A_524 = arith.constant 640 : i32
      %add3A_525 = arith.addi %add3A_524, %add3A_515 : i32
      %swap3A_526 = arith.index_cast %add3A_525 : i32 to index
      %swap3A_527 = arith.constant 0 : index
      %swap3A_528 = tpu.vector_load %arg10[%swap3A_526, %swap3A_527] {strides = array<i32>} : memref<1280x16xf32, #tpu.memory_space<vmem>>, vector<1x16xf32>,
      %swap3A_529 = vector.shape_cast %swap3A_528 : vector<1x16xf32> to vector<16xf32>
      %swap3A_530 = vector.shape_cast %mul3A_523 : vector<16xf32> to vector<1x16xf32>
      tpu.vector_store %arg10[%swap3A_526, %swap3A_527], %swap3A_530 {strides = array<i32>} : memref<1280x16xf32, #tpu.memory_space<vmem>>, vector<1x16xf32>,
      %add3A_531 = arith.constant 9 : i32
      %add3A_532 = arith.addi %mul3A_337, %add3A_531 : i32
      %get3A_533 = arith.index_cast %add3A_532 : i32 to index
      %get3A_534 = arith.constant 0 : index
      %get3A_535 = tpu.vector_load %arg10[%get3A_533, %get3A_534] {strides = array<i32>} : memref<1280x16xf32, #tpu.memory_space<vmem>>, vector<1x16xf32>,
      %get3A_536 = vector.shape_cast %get3A_535 : vector<1x16xf32> to vector<16xf32>
      %slice3A_537 = vector.extract_strided_slice %mul3A_380 {offsets = [9], sizes = [1], strides = [1]} : vector<16xf32> to vector<1xf32>
      %squeeze3A_538 = vector.extract %slice3A_537[0] : f32 from vector<1xf32>
      %mul3A_539 = vector.broadcast %squeeze3A_538 : f32 to vector<16xf32>
      %mul3A_540 = arith.mulf %get3A_536, %mul3A_539 : vector<16xf32>
      %add3A_541 = arith.constant 640 : i32
      %add3A_542 = arith.addi %add3A_541, %add3A_532 : i32
      %swap3A_543 = arith.index_cast %add3A_542 : i32 to index
      %swap3A_544 = arith.constant 0 : index
      %swap3A_545 = tpu.vector_load %arg10[%swap3A_543, %swap3A_544] {strides = array<i32>} : memref<1280x16xf32, #tpu.memory_space<vmem>>, vector<1x16xf32>,
      %swap3A_546 = vector.shape_cast %swap3A_545 : vector<1x16xf32> to vector<16xf32>
      %swap3A_547 = vector.shape_cast %mul3A_540 : vector<16xf32> to vector<1x16xf32>
      tpu.vector_store %arg10[%swap3A_543, %swap3A_544], %swap3A_547 {strides = array<i32>} : memref<1280x16xf32, #tpu.memory_space<vmem>>, vector<1x16xf32>,
      %add3A_548 = arith.constant 10 : i32
      %add3A_549 = arith.addi %mul3A_337, %add3A_548 : i32
      %get3A_550 = arith.index_cast %add3A_549 : i32 to index
      %get3A_551 = arith.constant 0 : index
      %get3A_552 = tpu.vector_load %arg10[%get3A_550, %get3A_551] {strides = array<i32>} : memref<1280x16xf32, #tpu.memory_space<vmem>>, vector<1x16xf32>,
      %get3A_553 = vector.shape_cast %get3A_552 : vector<1x16xf32> to vector<16xf32>
      %slice3A_554 = vector.extract_strided_slice %mul3A_380 {offsets = [10], sizes = [1], strides = [1]} : vector<16xf32> to vector<1xf32>
      %squeeze3A_555 = vector.extract %slice3A_554[0] : f32 from vector<1xf32>
      %mul3A_556 = vector.broadcast %squeeze3A_555 : f32 to vector<16xf32>
      %mul3A_557 = arith.mulf %get3A_553, %mul3A_556 : vector<16xf32>
      %add3A_558 = arith.constant 640 : i32
      %add3A_559 = arith.addi %add3A_558, %add3A_549 : i32
      %swap3A_560 = arith.index_cast %add3A_559 : i32 to index
      %swap3A_561 = arith.constant 0 : index
      %swap3A_562 = tpu.vector_load %arg10[%swap3A_560, %swap3A_561] {strides = array<i32>} : memref<1280x16xf32, #tpu.memory_space<vmem>>, vector<1x16xf32>,
      %swap3A_563 = vector.shape_cast %swap3A_562 : vector<1x16xf32> to vector<16xf32>
      %swap3A_564 = vector.shape_cast %mul3A_557 : vector<16xf32> to vector<1x16xf32>
      tpu.vector_store %arg10[%swap3A_560, %swap3A_561], %swap3A_564 {strides = array<i32>} : memref<1280x16xf32, #tpu.memory_space<vmem>>, vector<1x16xf32>,
      %add3A_565 = arith.constant 11 : i32
      %add3A_566 = arith.addi %mul3A_337, %add3A_565 : i32
      %get3A_567 = arith.index_cast %add3A_566 : i32 to index
      %get3A_568 = arith.constant 0 : index
      %get3A_569 = tpu.vector_load %arg10[%get3A_567, %get3A_568] {strides = array<i32>} : memref<1280x16xf32, #tpu.memory_space<vmem>>, vector<1x16xf32>,
      %get3A_570 = vector.shape_cast %get3A_569 : vector<1x16xf32> to vector<16xf32>
      %slice3A_571 = vector.extract_strided_slice %mul3A_380 {offsets = [11], sizes = [1], strides = [1]} : vector<16xf32> to vector<1xf32>
      %squeeze3A_572 = vector.extract %slice3A_571[0] : f32 from vector<1xf32>
      %mul3A_573 = vector.broadcast %squeeze3A_572 : f32 to vector<16xf32>
      %mul3A_574 = arith.mulf %get3A_570, %mul3A_573 : vector<16xf32>
      %add3A_575 = arith.constant 640 : i32
      %add3A_576 = arith.addi %add3A_575, %add3A_566 : i32
      %swap3A_577 = arith.index_cast %add3A_576 : i32 to index
      %swap3A_578 = arith.constant 0 : index
      %swap3A_579 = tpu.vector_load %arg10[%swap3A_577, %swap3A_578] {strides = array<i32>} : memref<1280x16xf32, #tpu.memory_space<vmem>>, vector<1x16xf32>,
      %swap3A_580 = vector.shape_cast %swap3A_579 : vector<1x16xf32> to vector<16xf32>
      %swap3A_581 = vector.shape_cast %mul3A_574 : vector<16xf32> to vector<1x16xf32>
      tpu.vector_store %arg10[%swap3A_577, %swap3A_578], %swap3A_581 {strides = array<i32>} : memref<1280x16xf32, #tpu.memory_space<vmem>>, vector<1x16xf32>,
      %add3A_582 = arith.constant 12 : i32
      %add3A_583 = arith.addi %mul3A_337, %add3A_582 : i32
      %get3A_584 = arith.index_cast %add3A_583 : i32 to index
      %get3A_585 = arith.constant 0 : index
      %get3A_586 = tpu.vector_load %arg10[%get3A_584, %get3A_585] {strides = array<i32>} : memref<1280x16xf32, #tpu.memory_space<vmem>>, vector<1x16xf32>,
      %get3A_587 = vector.shape_cast %get3A_586 : vector<1x16xf32> to vector<16xf32>
      %slice3A_588 = vector.extract_strided_slice %mul3A_380 {offsets = [12], sizes = [1], strides = [1]} : vector<16xf32> to vector<1xf32>
      %squeeze3A_589 = vector.extract %slice3A_588[0] : f32 from vector<1xf32>
      %mul3A_590 = vector.broadcast %squeeze3A_589 : f32 to vector<16xf32>
      %mul3A_591 = arith.mulf %get3A_587, %mul3A_590 : vector<16xf32>
      %add3A_592 = arith.constant 640 : i32
      %add3A_593 = arith.addi %add3A_592, %add3A_583 : i32
      %swap3A_594 = arith.index_cast %add3A_593 : i32 to index
      %swap3A_595 = arith.constant 0 : index
      %swap3A_596 = tpu.vector_load %arg10[%swap3A_594, %swap3A_595] {strides = array<i32>} : memref<1280x16xf32, #tpu.memory_space<vmem>>, vector<1x16xf32>,
      %swap3A_597 = vector.shape_cast %swap3A_596 : vector<1x16xf32> to vector<16xf32>
      %swap3A_598 = vector.shape_cast %mul3A_591 : vector<16xf32> to vector<1x16xf32>
      tpu.vector_store %arg10[%swap3A_594, %swap3A_595], %swap3A_598 {strides = array<i32>} : memref<1280x16xf32, #tpu.memory_space<vmem>>, vector<1x16xf32>,
      %add3A_599 = arith.constant 13 : i32
      %add3A_600 = arith.addi %mul3A_337, %add3A_599 : i32
      %get3A_601 = arith.index_cast %add3A_600 : i32 to index
      %get3A_602 = arith.constant 0 : index
      %get3A_603 = tpu.vector_load %arg10[%get3A_601, %get3A_602] {strides = array<i32>} : memref<1280x16xf32, #tpu.memory_space<vmem>>, vector<1x16xf32>,
      %get3A_604 = vector.shape_cast %get3A_603 : vector<1x16xf32> to vector<16xf32>
      %slice3A_605 = vector.extract_strided_slice %mul3A_380 {offsets = [13], sizes = [1], strides = [1]} : vector<16xf32> to vector<1xf32>
      %squeeze3A_606 = vector.extract %slice3A_605[0] : f32 from vector<1xf32>
      %mul3A_607 = vector.broadcast %squeeze3A_606 : f32 to vector<16xf32>
      %mul3A_608 = arith.mulf %get3A_604, %mul3A_607 : vector<16xf32>
      %add3A_609 = arith.constant 640 : i32
      %add3A_610 = arith.addi %add3A_609, %add3A_600 : i32
      %swap3A_611 = arith.index_cast %add3A_610 : i32 to index
      %swap3A_612 = arith.constant 0 : index
      %swap3A_613 = tpu.vector_load %arg10[%swap3A_611, %swap3A_612] {strides = array<i32>} : memref<1280x16xf32, #tpu.memory_space<vmem>>, vector<1x16xf32>,
      %swap3A_614 = vector.shape_cast %swap3A_613 : vector<1x16xf32> to vector<16xf32>
      %swap3A_615 = vector.shape_cast %mul3A_608 : vector<16xf32> to vector<1x16xf32>
      tpu.vector_store %arg10[%swap3A_611, %swap3A_612], %swap3A_615 {strides = array<i32>} : memref<1280x16xf32, #tpu.memory_space<vmem>>, vector<1x16xf32>,
      %add3A_616 = arith.constant 14 : i32
      %add3A_617 = arith.addi %mul3A_337, %add3A_616 : i32
      %get3A_618 = arith.index_cast %add3A_617 : i32 to index
      %get3A_619 = arith.constant 0 : index
      %get3A_620 = tpu.vector_load %arg10[%get3A_618, %get3A_619] {strides = array<i32>} : memref<1280x16xf32, #tpu.memory_space<vmem>>, vector<1x16xf32>,
      %get3A_621 = vector.shape_cast %get3A_620 : vector<1x16xf32> to vector<16xf32>
      %slice3A_622 = vector.extract_strided_slice %mul3A_380 {offsets = [14], sizes = [1], strides = [1]} : vector<16xf32> to vector<1xf32>
      %squeeze3A_623 = vector.extract %slice3A_622[0] : f32 from vector<1xf32>
      %mul3A_624 = vector.broadcast %squeeze3A_623 : f32 to vector<16xf32>
      %mul3A_625 = arith.mulf %get3A_621, %mul3A_624 : vector<16xf32>
      %add3A_626 = arith.constant 640 : i32
      %add3A_627 = arith.addi %add3A_626, %add3A_617 : i32
      %swap3A_628 = arith.index_cast %add3A_627 : i32 to index
      %swap3A_629 = arith.constant 0 : index
      %swap3A_630 = tpu.vector_load %arg10[%swap3A_628, %swap3A_629] {strides = array<i32>} : memref<1280x16xf32, #tpu.memory_space<vmem>>, vector<1x16xf32>,
      %swap3A_631 = vector.shape_cast %swap3A_630 : vector<1x16xf32> to vector<16xf32>
      %swap3A_632 = vector.shape_cast %mul3A_625 : vector<16xf32> to vector<1x16xf32>
      tpu.vector_store %arg10[%swap3A_628, %swap3A_629], %swap3A_632 {strides = array<i32>} : memref<1280x16xf32, #tpu.memory_space<vmem>>, vector<1x16xf32>,
      %add3A_633 = arith.constant 15 : i32
      %add3A_634 = arith.addi %mul3A_337, %add3A_633 : i32
      %get3A_635 = arith.index_cast %add3A_634 : i32 to index
      %get3A_636 = arith.constant 0 : index
      %get3A_637 = tpu.vector_load %arg10[%get3A_635, %get3A_636] {strides = array<i32>} : memref<1280x16xf32, #tpu.memory_space<vmem>>, vector<1x16xf32>,
      %get3A_638 = vector.shape_cast %get3A_637 : vector<1x16xf32> to vector<16xf32>
      %slice3A_639 = vector.extract_strided_slice %mul3A_380 {offsets = [15], sizes = [1], strides = [1]} : vector<16xf32> to vector<1xf32>
      %squeeze3A_640 = vector.extract %slice3A_639[0] : f32 from vector<1xf32>
      %mul3A_641 = vector.broadcast %squeeze3A_640 : f32 to vector<16xf32>
      %mul3A_642 = arith.mulf %get3A_638, %mul3A_641 : vector<16xf32>
      %add3A_643 = arith.constant 640 : i32
      %add3A_644 = arith.addi %add3A_643, %add3A_634 : i32
      %swap3A_645 = arith.index_cast %add3A_644 : i32 to index
      %swap3A_646 = arith.constant 0 : index
      %swap3A_647 = tpu.vector_load %arg10[%swap3A_645, %swap3A_646] {strides = array<i32>} : memref<1280x16xf32, #tpu.memory_space<vmem>>, vector<1x16xf32>,
      %swap3A_648 = vector.shape_cast %swap3A_647 : vector<1x16xf32> to vector<16xf32>
      %swap3A_649 = vector.shape_cast %mul3A_642 : vector<16xf32> to vector<1x16xf32>
      tpu.vector_store %arg10[%swap3A_645, %swap3A_646], %swap3A_649 {strides = array<i32>} : memref<1280x16xf32, #tpu.memory_space<vmem>>, vector<1x16xf32>,
    }
    %scan3A_109 = arith.constant 40 : i32
    "tpu.region"() ({
      %run_scoped3A = tpu.sem_alloc : memref<!tpu.dma_semaphore, #tpu.memory_space<semaphore_mem>>
      %dma_start3A_335 = arith.constant 640 : i32
      %dma_start3A_336 = arith.constant 0 : i32
      %dma_start3A_337 = tpu.memref_slice %arg10[%dma_start3A_335, %dma_start3A_336] : memref<1280x16xf32, #tpu.memory_space<vmem>> -> memref<640x16xf32, #tpu.memory_space<vmem>>
      %dma_start3A_338 = arith.constant 0 : i32
      %dma_start3A_339 = tpu.memref_slice %arg14[%mul3A_2, %dma_start3A_338] : memref<10240x16xf32, #tpu.memory_space<vmem_shared>> -> memref<640x16xf32, #tpu.memory_space<vmem_shared>>
      %dma_start3A_340 = arith.constant 0 : i32
      %dma_start3A_341 = tpu.memref_slice %arg14[%mul3A_2, %dma_start3A_340] : memref<10240x16xf32, #tpu.memory_space<vmem_shared>> -> memref<640x16xf32, #tpu.memory_space<vmem_shared>>
      %dma_start3A_342 = arith.constant 640 : i32
      %dma_start3A_343 = arith.constant 0 : i32
      %dma_start3A_344 = tpu.memref_slice %arg10[%dma_start3A_342, %dma_start3A_343] : memref<1280x16xf32, #tpu.memory_space<vmem>> -> memref<640x16xf32, #tpu.memory_space<vmem>>
      tpu.enqueue_dma source(%dma_start3A_344 : memref<640x16xf32, #tpu.memory_space<vmem>>) target(%dma_start3A_341 : memref<640x16xf32, #tpu.memory_space<vmem_shared>>) target_semaphore(%run_scoped3A : memref<!tpu.dma_semaphore, #tpu.memory_space<semaphore_mem>>)
      %dma_wait3A_345 = arith.constant 640 : i32
      %dma_wait3A_346 = arith.constant 0 : i32
      %dma_wait3A_347 = tpu.memref_slice %arg10[%dma_wait3A_345, %dma_wait3A_346] : memref<1280x16xf32, #tpu.memory_space<vmem>> -> memref<640x16xf32, #tpu.memory_space<vmem>>
      %dma_wait3A_348 = arith.constant 0 : i32
      %dma_wait3A_349 = tpu.memref_slice %arg14[%mul3A_2, %dma_wait3A_348] : memref<10240x16xf32, #tpu.memory_space<vmem_shared>> -> memref<640x16xf32, #tpu.memory_space<vmem_shared>>
      %dma_wait3A_350 = arith.constant 0 : i32
      %dma_wait3A_351 = tpu.memref_slice %arg14[%mul3A_2, %dma_wait3A_350] : memref<10240x16xf32, #tpu.memory_space<vmem_shared>> -> memref<640x16xf32, #tpu.memory_space<vmem_shared>>
      %dma_wait3A_352 = arith.constant 640 : i32
      %dma_wait3A_353 = arith.constant 0 : i32
      %dma_wait3A_354 = tpu.memref_slice %arg10[%dma_wait3A_352, %dma_wait3A_353] : memref<1280x16xf32, #tpu.memory_space<vmem>> -> memref<640x16xf32, #tpu.memory_space<vmem>>
      tpu.wait_dma2 semaphore(%run_scoped3A : memref<!tpu.dma_semaphore, #tpu.memory_space<semaphore_mem>>) src(%dma_wait3A_354 : memref<640x16xf32, #tpu.memory_space<vmem>>) dst(%dma_wait3A_351 : memref<640x16xf32, #tpu.memory_space<vmem_shared>>)
      tpu.yield
    }) : () -> ()
    "tpu.region"() ({
      %run_scoped3A = tpu.sem_alloc : memref<!tpu.dma_semaphore, #tpu.memory_space<semaphore_mem>>
      %dma_start3A_335 = arith.constant 640 : i32
      %dma_start3A_336 = arith.constant 0 : i32
      %dma_start3A_337 = tpu.memref_slice %arg10[%dma_start3A_335, %dma_start3A_336] : memref<1280x16xf32, #tpu.memory_space<vmem>> -> memref<640x16xf32, #tpu.memory_space<vmem>>
      %dma_start3A_338 = arith.constant 0 : i32
      %dma_start3A_339 = tpu.memref_slice %arg7[%mul3A_2, %dma_start3A_338] : memref<10240x16xf32, #tpu.memory_space<hbm>> -> memref<640x16xf32, #tpu.memory_space<hbm>>
      %dma_start3A_340 = arith.constant 0 : i32
      %dma_start3A_341 = tpu.memref_slice %arg7[%mul3A_2, %dma_start3A_340] : memref<10240x16xf32, #tpu.memory_space<hbm>> -> memref<640x16xf32, #tpu.memory_space<hbm>>
      %dma_start3A_342 = arith.constant 640 : i32
      %dma_start3A_343 = arith.constant 0 : i32
      %dma_start3A_344 = tpu.memref_slice %arg10[%dma_start3A_342, %dma_start3A_343] : memref<1280x16xf32, #tpu.memory_space<vmem>> -> memref<640x16xf32, #tpu.memory_space<vmem>>
      tpu.enqueue_dma source(%dma_start3A_344 : memref<640x16xf32, #tpu.memory_space<vmem>>) target(%dma_start3A_341 : memref<640x16xf32, #tpu.memory_space<hbm>>) target_semaphore(%run_scoped3A : memref<!tpu.dma_semaphore, #tpu.memory_space<semaphore_mem>>)
      %dma_wait3A_345 = arith.constant 640 : i32
      %dma_wait3A_346 = arith.constant 0 : i32
      %dma_wait3A_347 = tpu.memref_slice %arg10[%dma_wait3A_345, %dma_wait3A_346] : memref<1280x16xf32, #tpu.memory_space<vmem>> -> memref<640x16xf32, #tpu.memory_space<vmem>>
      %dma_wait3A_348 = arith.constant 0 : i32
      %dma_wait3A_349 = tpu.memref_slice %arg7[%mul3A_2, %dma_wait3A_348] : memref<10240x16xf32, #tpu.memory_space<hbm>> -> memref<640x16xf32, #tpu.memory_space<hbm>>
      %dma_wait3A_350 = arith.constant 0 : i32
      %dma_wait3A_351 = tpu.memref_slice %arg7[%mul3A_2, %dma_wait3A_350] : memref<10240x16xf32, #tpu.memory_space<hbm>> -> memref<640x16xf32, #tpu.memory_space<hbm>>
      %dma_wait3A_352 = arith.constant 640 : i32
      %dma_wait3A_353 = arith.constant 0 : i32
      %dma_wait3A_354 = tpu.memref_slice %arg10[%dma_wait3A_352, %dma_wait3A_353] : memref<1280x16xf32, #tpu.memory_space<vmem>> -> memref<640x16xf32, #tpu.memory_space<vmem>>
      tpu.wait_dma2 semaphore(%run_scoped3A : memref<!tpu.dma_semaphore, #tpu.memory_space<semaphore_mem>>) src(%dma_wait3A_354 : memref<640x16xf32, #tpu.memory_space<vmem>>) dst(%dma_wait3A_351 : memref<640x16xf32, #tpu.memory_space<hbm>>)
      tpu.yield
    }) : () -> ()
    %barrier3A = arith.constant 0 : index
    tpu.barrier barrier_id(%barrier3A)
    %dma_start3A_110 = arith.constant 0 : i32
    %dma_start3A_111 = arith.constant 0 : i32
    %dma_start3A_112 = tpu.memref_slice %arg8[%dma_start3A_110, %dma_start3A_111] : memref<8x1280xi32, #tpu.memory_space<vmem>> -> memref<1x1280xi32, #tpu.memory_space<vmem>>
    %dma_start3A_113 = tpu.memref_squeeze %dma_start3A_112 : memref<1x1280xi32, #tpu.memory_space<vmem>> -> memref<1280xi32, #tpu.memory_space<vmem>>
    %dma_start3A_114 = arith.constant 0 : i32
    %dma_start3A_115 = arith.constant 0 : i32
    %dma_start3A_116 = tpu.memref_slice %arg14[%dma_start3A_114, %dma_start3A_115] : memref<10240x16xf32, #tpu.memory_space<vmem_shared>> -> memref<10240x16xf32, #tpu.memory_space<vmem_shared>>
    tpu.enqueue_indirect_dma source(%dma_start3A_116 : memref<10240x16xf32, #tpu.memory_space<vmem_shared>>) target(%arg10 : memref<1280x16xf32, #tpu.memory_space<vmem>>) offsets(%dma_start3A_113 : memref<1280xi32, #tpu.memory_space<vmem>>) semaphore(%arg15 : memref<!tpu.dma_semaphore, #tpu.memory_space<semaphore_mem>>)
    %dma_wait3A_117 = arith.constant 0 : i32
    %dma_wait3A_118 = arith.constant 0 : i32
    %dma_wait3A_119 = tpu.memref_slice %arg8[%dma_wait3A_117, %dma_wait3A_118] : memref<8x1280xi32, #tpu.memory_space<vmem>> -> memref<1x1280xi32, #tpu.memory_space<vmem>>
    %dma_wait3A_120 = tpu.memref_squeeze %dma_wait3A_119 : memref<1x1280xi32, #tpu.memory_space<vmem>> -> memref<1280xi32, #tpu.memory_space<vmem>>
    %dma_wait3A_121 = arith.constant 0 : i32
    %dma_wait3A_122 = arith.constant 0 : i32
    %dma_wait3A_123 = tpu.memref_slice %arg14[%dma_wait3A_121, %dma_wait3A_122] : memref<10240x16xf32, #tpu.memory_space<vmem_shared>> -> memref<10240x16xf32, #tpu.memory_space<vmem_shared>>
    tpu.wait_indirect_dma semaphore(%arg15 : memref<!tpu.dma_semaphore, #tpu.memory_space<semaphore_mem>>) src(%dma_wait3A_123 : memref<10240x16xf32, #tpu.memory_space<vmem_shared>>) dst(%arg10 : memref<1280x16xf32, #tpu.memory_space<vmem>>)
    %dma_start3A_124 = arith.constant 0 : i32
    %dma_start3A_125 = arith.constant 0 : i32
    %dma_start3A_126 = tpu.memref_slice %arg9[%dma_start3A_124, %dma_start3A_125] : memref<8x1280xi32, #tpu.memory_space<vmem>> -> memref<1x1280xi32, #tpu.memory_space<vmem>>
    %dma_start3A_127 = tpu.memref_squeeze %dma_start3A_126 : memref<1x1280xi32, #tpu.memory_space<vmem>> -> memref<1280xi32, #tpu.memory_space<vmem>>
    %dma_start3A_128 = arith.constant 0 : i32
    %dma_start3A_129 = arith.constant 0 : i32
    %dma_start3A_130 = tpu.memref_slice %arg13[%dma_start3A_128, %dma_start3A_129] : memref<10240x16xf32, #tpu.memory_space<vmem_shared>> -> memref<10240x16xf32, #tpu.memory_space<vmem_shared>>
    tpu.enqueue_indirect_dma source(%arg10 : memref<1280x16xf32, #tpu.memory_space<vmem>>) target(%dma_start3A_130 : memref<10240x16xf32, #tpu.memory_space<vmem_shared>>) offsets(%dma_start3A_127 : memref<1280xi32, #tpu.memory_space<vmem>>) semaphore(%arg17 : memref<!tpu.dma_semaphore, #tpu.memory_space<semaphore_mem>>) {add = true}
    %dma_start3A_131 = arith.constant 1 : i32
    %dma_start3A_132 = arith.constant 0 : i32
    %dma_start3A_133 = tpu.memref_slice %arg8[%dma_start3A_131, %dma_start3A_132] : memref<8x1280xi32, #tpu.memory_space<vmem>> -> memref<1x1280xi32, #tpu.memory_space<vmem>>
    %dma_start3A_134 = tpu.memref_squeeze %dma_start3A_133 : memref<1x1280xi32, #tpu.memory_space<vmem>> -> memref<1280xi32, #tpu.memory_space<vmem>>
    %dma_start3A_135 = arith.constant 0 : i32
    %dma_start3A_136 = arith.constant 0 : i32
    %dma_start3A_137 = tpu.memref_slice %arg14[%dma_start3A_135, %dma_start3A_136] : memref<10240x16xf32, #tpu.memory_space<vmem_shared>> -> memref<10240x16xf32, #tpu.memory_space<vmem_shared>>
    tpu.enqueue_indirect_dma source(%dma_start3A_137 : memref<10240x16xf32, #tpu.memory_space<vmem_shared>>) target(%arg11 : memref<1280x16xf32, #tpu.memory_space<vmem>>) offsets(%dma_start3A_134 : memref<1280xi32, #tpu.memory_space<vmem>>) semaphore(%arg16 : memref<!tpu.dma_semaphore, #tpu.memory_space<semaphore_mem>>)
    %dma_wait3A_138 = arith.constant 1 : i32
    %dma_wait3A_139 = arith.constant 0 : i32
    %dma_wait3A_140 = tpu.memref_slice %arg8[%dma_wait3A_138, %dma_wait3A_139] : memref<8x1280xi32, #tpu.memory_space<vmem>> -> memref<1x1280xi32, #tpu.memory_space<vmem>>
    %dma_wait3A_141 = tpu.memref_squeeze %dma_wait3A_140 : memref<1x1280xi32, #tpu.memory_space<vmem>> -> memref<1280xi32, #tpu.memory_space<vmem>>
    %dma_wait3A_142 = arith.constant 0 : i32
    %dma_wait3A_143 = arith.constant 0 : i32
    %dma_wait3A_144 = tpu.memref_slice %arg14[%dma_wait3A_142, %dma_wait3A_143] : memref<10240x16xf32, #tpu.memory_space<vmem_shared>> -> memref<10240x16xf32, #tpu.memory_space<vmem_shared>>
    tpu.wait_indirect_dma semaphore(%arg16 : memref<!tpu.dma_semaphore, #tpu.memory_space<semaphore_mem>>) src(%dma_wait3A_144 : memref<10240x16xf32, #tpu.memory_space<vmem_shared>>) dst(%arg11 : memref<1280x16xf32, #tpu.memory_space<vmem>>)
    %dma_start3A_145 = arith.constant 1 : i32
    %dma_start3A_146 = arith.constant 0 : i32
    %dma_start3A_147 = tpu.memref_slice %arg9[%dma_start3A_145, %dma_start3A_146] : memref<8x1280xi32, #tpu.memory_space<vmem>> -> memref<1x1280xi32, #tpu.memory_space<vmem>>
    %dma_start3A_148 = tpu.memref_squeeze %dma_start3A_147 : memref<1x1280xi32, #tpu.memory_space<vmem>> -> memref<1280xi32, #tpu.memory_space<vmem>>
    %dma_start3A_149 = arith.constant 0 : i32
    %dma_start3A_150 = arith.constant 0 : i32
    %dma_start3A_151 = tpu.memref_slice %arg13[%dma_start3A_149, %dma_start3A_150] : memref<10240x16xf32, #tpu.memory_space<vmem_shared>> -> memref<10240x16xf32, #tpu.memory_space<vmem_shared>>
    tpu.enqueue_indirect_dma source(%arg11 : memref<1280x16xf32, #tpu.memory_space<vmem>>) target(%dma_start3A_151 : memref<10240x16xf32, #tpu.memory_space<vmem_shared>>) offsets(%dma_start3A_148 : memref<1280xi32, #tpu.memory_space<vmem>>) semaphore(%arg18 : memref<!tpu.dma_semaphore, #tpu.memory_space<semaphore_mem>>) {add = true}
    %dma_wait3A_152 = arith.constant 0 : i32
    %dma_wait3A_153 = arith.constant 0 : i32
    %dma_wait3A_154 = tpu.memref_slice %arg9[%dma_wait3A_152, %dma_wait3A_153] : memref<8x1280xi32, #tpu.memory_space<vmem>> -> memref<1x1280xi32, #tpu.memory_space<vmem>>
    %dma_wait3A_155 = tpu.memref_squeeze %dma_wait3A_154 : memref<1x1280xi32, #tpu.memory_space<vmem>> -> memref<1280xi32, #tpu.memory_space<vmem>>
    %dma_wait3A_156 = arith.constant 0 : i32
    %dma_wait3A_157 = arith.constant 0 : i32
    %dma_wait3A_158 = tpu.memref_slice %arg13[%dma_wait3A_156, %dma_wait3A_157] : memref<10240x16xf32, #tpu.memory_space<vmem_shared>> -> memref<10240x16xf32, #tpu.memory_space<vmem_shared>>
    tpu.wait_indirect_dma semaphore(%arg17 : memref<!tpu.dma_semaphore, #tpu.memory_space<semaphore_mem>>) src(%arg10 : memref<1280x16xf32, #tpu.memory_space<vmem>>) dst(%dma_wait3A_158 : memref<10240x16xf32, #tpu.memory_space<vmem_shared>>)
    %dma_start3A_159 = arith.constant 2 : i32
    %dma_start3A_160 = arith.constant 0 : i32
    %dma_start3A_161 = tpu.memref_slice %arg8[%dma_start3A_159, %dma_start3A_160] : memref<8x1280xi32, #tpu.memory_space<vmem>> -> memref<1x1280xi32, #tpu.memory_space<vmem>>
    %dma_start3A_162 = tpu.memref_squeeze %dma_start3A_161 : memref<1x1280xi32, #tpu.memory_space<vmem>> -> memref<1280xi32, #tpu.memory_space<vmem>>
    %dma_start3A_163 = arith.constant 0 : i32
    %dma_start3A_164 = arith.constant 0 : i32
    %dma_start3A_165 = tpu.memref_slice %arg14[%dma_start3A_163, %dma_start3A_164] : memref<10240x16xf32, #tpu.memory_space<vmem_shared>> -> memref<10240x16xf32, #tpu.memory_space<vmem_shared>>
    tpu.enqueue_indirect_dma source(%dma_start3A_165 : memref<10240x16xf32, #tpu.memory_space<vmem_shared>>) target(%arg10 : memref<1280x16xf32, #tpu.memory_space<vmem>>) offsets(%dma_start3A_162 : memref<1280xi32, #tpu.memory_space<vmem>>) semaphore(%arg15 : memref<!tpu.dma_semaphore, #tpu.memory_space<semaphore_mem>>)
    %dma_wait3A_166 = arith.constant 2 : i32
    %dma_wait3A_167 = arith.constant 0 : i32
    %dma_wait3A_168 = tpu.memref_slice %arg8[%dma_wait3A_166, %dma_wait3A_167] : memref<8x1280xi32, #tpu.memory_space<vmem>> -> memref<1x1280xi32, #tpu.memory_space<vmem>>
    %dma_wait3A_169 = tpu.memref_squeeze %dma_wait3A_168 : memref<1x1280xi32, #tpu.memory_space<vmem>> -> memref<1280xi32, #tpu.memory_space<vmem>>
    %dma_wait3A_170 = arith.constant 0 : i32
    %dma_wait3A_171 = arith.constant 0 : i32
    %dma_wait3A_172 = tpu.memref_slice %arg14[%dma_wait3A_170, %dma_wait3A_171] : memref<10240x16xf32, #tpu.memory_space<vmem_shared>> -> memref<10240x16xf32, #tpu.memory_space<vmem_shared>>
    tpu.wait_indirect_dma semaphore(%arg15 : memref<!tpu.dma_semaphore, #tpu.memory_space<semaphore_mem>>) src(%dma_wait3A_172 : memref<10240x16xf32, #tpu.memory_space<vmem_shared>>) dst(%arg10 : memref<1280x16xf32, #tpu.memory_space<vmem>>)
    %dma_start3A_173 = arith.constant 2 : i32
    %dma_start3A_174 = arith.constant 0 : i32
    %dma_start3A_175 = tpu.memref_slice %arg9[%dma_start3A_173, %dma_start3A_174] : memref<8x1280xi32, #tpu.memory_space<vmem>> -> memref<1x1280xi32, #tpu.memory_space<vmem>>
    %dma_start3A_176 = tpu.memref_squeeze %dma_start3A_175 : memref<1x1280xi32, #tpu.memory_space<vmem>> -> memref<1280xi32, #tpu.memory_space<vmem>>
    %dma_start3A_177 = arith.constant 0 : i32
    %dma_start3A_178 = arith.constant 0 : i32
    %dma_start3A_179 = tpu.memref_slice %arg13[%dma_start3A_177, %dma_start3A_178] : memref<10240x16xf32, #tpu.memory_space<vmem_shared>> -> memref<10240x16xf32, #tpu.memory_space<vmem_shared>>
    tpu.enqueue_indirect_dma source(%arg10 : memref<1280x16xf32, #tpu.memory_space<vmem>>) target(%dma_start3A_179 : memref<10240x16xf32, #tpu.memory_space<vmem_shared>>) offsets(%dma_start3A_176 : memref<1280xi32, #tpu.memory_space<vmem>>) semaphore(%arg17 : memref<!tpu.dma_semaphore, #tpu.memory_space<semaphore_mem>>) {add = true}
    %dma_wait3A_180 = arith.constant 1 : i32
    %dma_wait3A_181 = arith.constant 0 : i32
    %dma_wait3A_182 = tpu.memref_slice %arg9[%dma_wait3A_180, %dma_wait3A_181] : memref<8x1280xi32, #tpu.memory_space<vmem>> -> memref<1x1280xi32, #tpu.memory_space<vmem>>
    %dma_wait3A_183 = tpu.memref_squeeze %dma_wait3A_182 : memref<1x1280xi32, #tpu.memory_space<vmem>> -> memref<1280xi32, #tpu.memory_space<vmem>>
    %dma_wait3A_184 = arith.constant 0 : i32
    %dma_wait3A_185 = arith.constant 0 : i32
    %dma_wait3A_186 = tpu.memref_slice %arg13[%dma_wait3A_184, %dma_wait3A_185] : memref<10240x16xf32, #tpu.memory_space<vmem_shared>> -> memref<10240x16xf32, #tpu.memory_space<vmem_shared>>
    tpu.wait_indirect_dma semaphore(%arg18 : memref<!tpu.dma_semaphore, #tpu.memory_space<semaphore_mem>>) src(%arg11 : memref<1280x16xf32, #tpu.memory_space<vmem>>) dst(%dma_wait3A_186 : memref<10240x16xf32, #tpu.memory_space<vmem_shared>>)
    %dma_start3A_187 = arith.constant 3 : i32
    %dma_start3A_188 = arith.constant 0 : i32
    %dma_start3A_189 = tpu.memref_slice %arg8[%dma_start3A_187, %dma_start3A_188] : memref<8x1280xi32, #tpu.memory_space<vmem>> -> memref<1x1280xi32, #tpu.memory_space<vmem>>
    %dma_start3A_190 = tpu.memref_squeeze %dma_start3A_189 : memref<1x1280xi32, #tpu.memory_space<vmem>> -> memref<1280xi32, #tpu.memory_space<vmem>>
    %dma_start3A_191 = arith.constant 0 : i32
    %dma_start3A_192 = arith.constant 0 : i32
    %dma_start3A_193 = tpu.memref_slice %arg14[%dma_start3A_191, %dma_start3A_192] : memref<10240x16xf32, #tpu.memory_space<vmem_shared>> -> memref<10240x16xf32, #tpu.memory_space<vmem_shared>>
    tpu.enqueue_indirect_dma source(%dma_start3A_193 : memref<10240x16xf32, #tpu.memory_space<vmem_shared>>) target(%arg11 : memref<1280x16xf32, #tpu.memory_space<vmem>>) offsets(%dma_start3A_190 : memref<1280xi32, #tpu.memory_space<vmem>>) semaphore(%arg16 : memref<!tpu.dma_semaphore, #tpu.memory_space<semaphore_mem>>)
    %dma_wait3A_194 = arith.constant 3 : i32
    %dma_wait3A_195 = arith.constant 0 : i32
    %dma_wait3A_196 = tpu.memref_slice %arg8[%dma_wait3A_194, %dma_wait3A_195] : memref<8x1280xi32, #tpu.memory_space<vmem>> -> memref<1x1280xi32, #tpu.memory_space<vmem>>
    %dma_wait3A_197 = tpu.memref_squeeze %dma_wait3A_196 : memref<1x1280xi32, #tpu.memory_space<vmem>> -> memref<1280xi32, #tpu.memory_space<vmem>>
    %dma_wait3A_198 = arith.constant 0 : i32
    %dma_wait3A_199 = arith.constant 0 : i32
    %dma_wait3A_200 = tpu.memref_slice %arg14[%dma_wait3A_198, %dma_wait3A_199] : memref<10240x16xf32, #tpu.memory_space<vmem_shared>> -> memref<10240x16xf32, #tpu.memory_space<vmem_shared>>
    tpu.wait_indirect_dma semaphore(%arg16 : memref<!tpu.dma_semaphore, #tpu.memory_space<semaphore_mem>>) src(%dma_wait3A_200 : memref<10240x16xf32, #tpu.memory_space<vmem_shared>>) dst(%arg11 : memref<1280x16xf32, #tpu.memory_space<vmem>>)
    %dma_start3A_201 = arith.constant 3 : i32
    %dma_start3A_202 = arith.constant 0 : i32
    %dma_start3A_203 = tpu.memref_slice %arg9[%dma_start3A_201, %dma_start3A_202] : memref<8x1280xi32, #tpu.memory_space<vmem>> -> memref<1x1280xi32, #tpu.memory_space<vmem>>
    %dma_start3A_204 = tpu.memref_squeeze %dma_start3A_203 : memref<1x1280xi32, #tpu.memory_space<vmem>> -> memref<1280xi32, #tpu.memory_space<vmem>>
    %dma_start3A_205 = arith.constant 0 : i32
    %dma_start3A_206 = arith.constant 0 : i32
    %dma_start3A_207 = tpu.memref_slice %arg13[%dma_start3A_205, %dma_start3A_206] : memref<10240x16xf32, #tpu.memory_space<vmem_shared>> -> memref<10240x16xf32, #tpu.memory_space<vmem_shared>>
    tpu.enqueue_indirect_dma source(%arg11 : memref<1280x16xf32, #tpu.memory_space<vmem>>) target(%dma_start3A_207 : memref<10240x16xf32, #tpu.memory_space<vmem_shared>>) offsets(%dma_start3A_204 : memref<1280xi32, #tpu.memory_space<vmem>>) semaphore(%arg18 : memref<!tpu.dma_semaphore, #tpu.memory_space<semaphore_mem>>) {add = true}
    %dma_wait3A_208 = arith.constant 2 : i32
    %dma_wait3A_209 = arith.constant 0 : i32
    %dma_wait3A_210 = tpu.memref_slice %arg9[%dma_wait3A_208, %dma_wait3A_209] : memref<8x1280xi32, #tpu.memory_space<vmem>> -> memref<1x1280xi32, #tpu.memory_space<vmem>>
    %dma_wait3A_211 = tpu.memref_squeeze %dma_wait3A_210 : memref<1x1280xi32, #tpu.memory_space<vmem>> -> memref<1280xi32, #tpu.memory_space<vmem>>
    %dma_wait3A_212 = arith.constant 0 : i32
    %dma_wait3A_213 = arith.constant 0 : i32
    %dma_wait3A_214 = tpu.memref_slice %arg13[%dma_wait3A_212, %dma_wait3A_213] : memref<10240x16xf32, #tpu.memory_space<vmem_shared>> -> memref<10240x16xf32, #tpu.memory_space<vmem_shared>>
    tpu.wait_indirect_dma semaphore(%arg17 : memref<!tpu.dma_semaphore, #tpu.memory_space<semaphore_mem>>) src(%arg10 : memref<1280x16xf32, #tpu.memory_space<vmem>>) dst(%dma_wait3A_214 : memref<10240x16xf32, #tpu.memory_space<vmem_shared>>)
    %dma_start3A_215 = arith.constant 4 : i32
    %dma_start3A_216 = arith.constant 0 : i32
    %dma_start3A_217 = tpu.memref_slice %arg8[%dma_start3A_215, %dma_start3A_216] : memref<8x1280xi32, #tpu.memory_space<vmem>> -> memref<1x1280xi32, #tpu.memory_space<vmem>>
    %dma_start3A_218 = tpu.memref_squeeze %dma_start3A_217 : memref<1x1280xi32, #tpu.memory_space<vmem>> -> memref<1280xi32, #tpu.memory_space<vmem>>
    %dma_start3A_219 = arith.constant 0 : i32
    %dma_start3A_220 = arith.constant 0 : i32
    %dma_start3A_221 = tpu.memref_slice %arg14[%dma_start3A_219, %dma_start3A_220] : memref<10240x16xf32, #tpu.memory_space<vmem_shared>> -> memref<10240x16xf32, #tpu.memory_space<vmem_shared>>
    tpu.enqueue_indirect_dma source(%dma_start3A_221 : memref<10240x16xf32, #tpu.memory_space<vmem_shared>>) target(%arg10 : memref<1280x16xf32, #tpu.memory_space<vmem>>) offsets(%dma_start3A_218 : memref<1280xi32, #tpu.memory_space<vmem>>) semaphore(%arg15 : memref<!tpu.dma_semaphore, #tpu.memory_space<semaphore_mem>>)
    %dma_wait3A_222 = arith.constant 4 : i32
    %dma_wait3A_223 = arith.constant 0 : i32
    %dma_wait3A_224 = tpu.memref_slice %arg8[%dma_wait3A_222, %dma_wait3A_223] : memref<8x1280xi32, #tpu.memory_space<vmem>> -> memref<1x1280xi32, #tpu.memory_space<vmem>>
    %dma_wait3A_225 = tpu.memref_squeeze %dma_wait3A_224 : memref<1x1280xi32, #tpu.memory_space<vmem>> -> memref<1280xi32, #tpu.memory_space<vmem>>
    %dma_wait3A_226 = arith.constant 0 : i32
    %dma_wait3A_227 = arith.constant 0 : i32
    %dma_wait3A_228 = tpu.memref_slice %arg14[%dma_wait3A_226, %dma_wait3A_227] : memref<10240x16xf32, #tpu.memory_space<vmem_shared>> -> memref<10240x16xf32, #tpu.memory_space<vmem_shared>>
    tpu.wait_indirect_dma semaphore(%arg15 : memref<!tpu.dma_semaphore, #tpu.memory_space<semaphore_mem>>) src(%dma_wait3A_228 : memref<10240x16xf32, #tpu.memory_space<vmem_shared>>) dst(%arg10 : memref<1280x16xf32, #tpu.memory_space<vmem>>)
    %dma_start3A_229 = arith.constant 4 : i32
    %dma_start3A_230 = arith.constant 0 : i32
    %dma_start3A_231 = tpu.memref_slice %arg9[%dma_start3A_229, %dma_start3A_230] : memref<8x1280xi32, #tpu.memory_space<vmem>> -> memref<1x1280xi32, #tpu.memory_space<vmem>>
    %dma_start3A_232 = tpu.memref_squeeze %dma_start3A_231 : memref<1x1280xi32, #tpu.memory_space<vmem>> -> memref<1280xi32, #tpu.memory_space<vmem>>
    %dma_start3A_233 = arith.constant 0 : i32
    %dma_start3A_234 = arith.constant 0 : i32
    %dma_start3A_235 = tpu.memref_slice %arg13[%dma_start3A_233, %dma_start3A_234] : memref<10240x16xf32, #tpu.memory_space<vmem_shared>> -> memref<10240x16xf32, #tpu.memory_space<vmem_shared>>
    tpu.enqueue_indirect_dma source(%arg10 : memref<1280x16xf32, #tpu.memory_space<vmem>>) target(%dma_start3A_235 : memref<10240x16xf32, #tpu.memory_space<vmem_shared>>) offsets(%dma_start3A_232 : memref<1280xi32, #tpu.memory_space<vmem>>) semaphore(%arg17 : memref<!tpu.dma_semaphore, #tpu.memory_space<semaphore_mem>>) {add = true}
    %dma_wait3A_236 = arith.constant 3 : i32
    %dma_wait3A_237 = arith.constant 0 : i32
    %dma_wait3A_238 = tpu.memref_slice %arg9[%dma_wait3A_236, %dma_wait3A_237] : memref<8x1280xi32, #tpu.memory_space<vmem>> -> memref<1x1280xi32, #tpu.memory_space<vmem>>
    %dma_wait3A_239 = tpu.memref_squeeze %dma_wait3A_238 : memref<1x1280xi32, #tpu.memory_space<vmem>> -> memref<1280xi32, #tpu.memory_space<vmem>>
    %dma_wait3A_240 = arith.constant 0 : i32
    %dma_wait3A_241 = arith.constant 0 : i32
    %dma_wait3A_242 = tpu.memref_slice %arg13[%dma_wait3A_240, %dma_wait3A_241] : memref<10240x16xf32, #tpu.memory_space<vmem_shared>> -> memref<10240x16xf32, #tpu.memory_space<vmem_shared>>
    tpu.wait_indirect_dma semaphore(%arg18 : memref<!tpu.dma_semaphore, #tpu.memory_space<semaphore_mem>>) src(%arg11 : memref<1280x16xf32, #tpu.memory_space<vmem>>) dst(%dma_wait3A_242 : memref<10240x16xf32, #tpu.memory_space<vmem_shared>>)
    %dma_start3A_243 = arith.constant 5 : i32
    %dma_start3A_244 = arith.constant 0 : i32
    %dma_start3A_245 = tpu.memref_slice %arg8[%dma_start3A_243, %dma_start3A_244] : memref<8x1280xi32, #tpu.memory_space<vmem>> -> memref<1x1280xi32, #tpu.memory_space<vmem>>
    %dma_start3A_246 = tpu.memref_squeeze %dma_start3A_245 : memref<1x1280xi32, #tpu.memory_space<vmem>> -> memref<1280xi32, #tpu.memory_space<vmem>>
    %dma_start3A_247 = arith.constant 0 : i32
    %dma_start3A_248 = arith.constant 0 : i32
    %dma_start3A_249 = tpu.memref_slice %arg14[%dma_start3A_247, %dma_start3A_248] : memref<10240x16xf32, #tpu.memory_space<vmem_shared>> -> memref<10240x16xf32, #tpu.memory_space<vmem_shared>>
    tpu.enqueue_indirect_dma source(%dma_start3A_249 : memref<10240x16xf32, #tpu.memory_space<vmem_shared>>) target(%arg11 : memref<1280x16xf32, #tpu.memory_space<vmem>>) offsets(%dma_start3A_246 : memref<1280xi32, #tpu.memory_space<vmem>>) semaphore(%arg16 : memref<!tpu.dma_semaphore, #tpu.memory_space<semaphore_mem>>)
    %dma_wait3A_250 = arith.constant 5 : i32
    %dma_wait3A_251 = arith.constant 0 : i32
    %dma_wait3A_252 = tpu.memref_slice %arg8[%dma_wait3A_250, %dma_wait3A_251] : memref<8x1280xi32, #tpu.memory_space<vmem>> -> memref<1x1280xi32, #tpu.memory_space<vmem>>
    %dma_wait3A_253 = tpu.memref_squeeze %dma_wait3A_252 : memref<1x1280xi32, #tpu.memory_space<vmem>> -> memref<1280xi32, #tpu.memory_space<vmem>>
    %dma_wait3A_254 = arith.constant 0 : i32
    %dma_wait3A_255 = arith.constant 0 : i32
    %dma_wait3A_256 = tpu.memref_slice %arg14[%dma_wait3A_254, %dma_wait3A_255] : memref<10240x16xf32, #tpu.memory_space<vmem_shared>> -> memref<10240x16xf32, #tpu.memory_space<vmem_shared>>
    tpu.wait_indirect_dma semaphore(%arg16 : memref<!tpu.dma_semaphore, #tpu.memory_space<semaphore_mem>>) src(%dma_wait3A_256 : memref<10240x16xf32, #tpu.memory_space<vmem_shared>>) dst(%arg11 : memref<1280x16xf32, #tpu.memory_space<vmem>>)
    %dma_start3A_257 = arith.constant 5 : i32
    %dma_start3A_258 = arith.constant 0 : i32
    %dma_start3A_259 = tpu.memref_slice %arg9[%dma_start3A_257, %dma_start3A_258] : memref<8x1280xi32, #tpu.memory_space<vmem>> -> memref<1x1280xi32, #tpu.memory_space<vmem>>
    %dma_start3A_260 = tpu.memref_squeeze %dma_start3A_259 : memref<1x1280xi32, #tpu.memory_space<vmem>> -> memref<1280xi32, #tpu.memory_space<vmem>>
    %dma_start3A_261 = arith.constant 0 : i32
    %dma_start3A_262 = arith.constant 0 : i32
    %dma_start3A_263 = tpu.memref_slice %arg13[%dma_start3A_261, %dma_start3A_262] : memref<10240x16xf32, #tpu.memory_space<vmem_shared>> -> memref<10240x16xf32, #tpu.memory_space<vmem_shared>>
    tpu.enqueue_indirect_dma source(%arg11 : memref<1280x16xf32, #tpu.memory_space<vmem>>) target(%dma_start3A_263 : memref<10240x16xf32, #tpu.memory_space<vmem_shared>>) offsets(%dma_start3A_260 : memref<1280xi32, #tpu.memory_space<vmem>>) semaphore(%arg18 : memref<!tpu.dma_semaphore, #tpu.memory_space<semaphore_mem>>) {add = true}
    %dma_wait3A_264 = arith.constant 4 : i32
    %dma_wait3A_265 = arith.constant 0 : i32
    %dma_wait3A_266 = tpu.memref_slice %arg9[%dma_wait3A_264, %dma_wait3A_265] : memref<8x1280xi32, #tpu.memory_space<vmem>> -> memref<1x1280xi32, #tpu.memory_space<vmem>>
    %dma_wait3A_267 = tpu.memref_squeeze %dma_wait3A_266 : memref<1x1280xi32, #tpu.memory_space<vmem>> -> memref<1280xi32, #tpu.memory_space<vmem>>
    %dma_wait3A_268 = arith.constant 0 : i32
    %dma_wait3A_269 = arith.constant 0 : i32
    %dma_wait3A_270 = tpu.memref_slice %arg13[%dma_wait3A_268, %dma_wait3A_269] : memref<10240x16xf32, #tpu.memory_space<vmem_shared>> -> memref<10240x16xf32, #tpu.memory_space<vmem_shared>>
    tpu.wait_indirect_dma semaphore(%arg17 : memref<!tpu.dma_semaphore, #tpu.memory_space<semaphore_mem>>) src(%arg10 : memref<1280x16xf32, #tpu.memory_space<vmem>>) dst(%dma_wait3A_270 : memref<10240x16xf32, #tpu.memory_space<vmem_shared>>)
    %dma_start3A_271 = arith.constant 6 : i32
    %dma_start3A_272 = arith.constant 0 : i32
    %dma_start3A_273 = tpu.memref_slice %arg8[%dma_start3A_271, %dma_start3A_272] : memref<8x1280xi32, #tpu.memory_space<vmem>> -> memref<1x1280xi32, #tpu.memory_space<vmem>>
    %dma_start3A_274 = tpu.memref_squeeze %dma_start3A_273 : memref<1x1280xi32, #tpu.memory_space<vmem>> -> memref<1280xi32, #tpu.memory_space<vmem>>
    %dma_start3A_275 = arith.constant 0 : i32
    %dma_start3A_276 = arith.constant 0 : i32
    %dma_start3A_277 = tpu.memref_slice %arg14[%dma_start3A_275, %dma_start3A_276] : memref<10240x16xf32, #tpu.memory_space<vmem_shared>> -> memref<10240x16xf32, #tpu.memory_space<vmem_shared>>
    tpu.enqueue_indirect_dma source(%dma_start3A_277 : memref<10240x16xf32, #tpu.memory_space<vmem_shared>>) target(%arg10 : memref<1280x16xf32, #tpu.memory_space<vmem>>) offsets(%dma_start3A_274 : memref<1280xi32, #tpu.memory_space<vmem>>) semaphore(%arg15 : memref<!tpu.dma_semaphore, #tpu.memory_space<semaphore_mem>>)
    %dma_wait3A_278 = arith.constant 6 : i32
    %dma_wait3A_279 = arith.constant 0 : i32
    %dma_wait3A_280 = tpu.memref_slice %arg8[%dma_wait3A_278, %dma_wait3A_279] : memref<8x1280xi32, #tpu.memory_space<vmem>> -> memref<1x1280xi32, #tpu.memory_space<vmem>>
    %dma_wait3A_281 = tpu.memref_squeeze %dma_wait3A_280 : memref<1x1280xi32, #tpu.memory_space<vmem>> -> memref<1280xi32, #tpu.memory_space<vmem>>
    %dma_wait3A_282 = arith.constant 0 : i32
    %dma_wait3A_283 = arith.constant 0 : i32
    %dma_wait3A_284 = tpu.memref_slice %arg14[%dma_wait3A_282, %dma_wait3A_283] : memref<10240x16xf32, #tpu.memory_space<vmem_shared>> -> memref<10240x16xf32, #tpu.memory_space<vmem_shared>>
    tpu.wait_indirect_dma semaphore(%arg15 : memref<!tpu.dma_semaphore, #tpu.memory_space<semaphore_mem>>) src(%dma_wait3A_284 : memref<10240x16xf32, #tpu.memory_space<vmem_shared>>) dst(%arg10 : memref<1280x16xf32, #tpu.memory_space<vmem>>)
    %dma_start3A_285 = arith.constant 6 : i32
    %dma_start3A_286 = arith.constant 0 : i32
    %dma_start3A_287 = tpu.memref_slice %arg9[%dma_start3A_285, %dma_start3A_286] : memref<8x1280xi32, #tpu.memory_space<vmem>> -> memref<1x1280xi32, #tpu.memory_space<vmem>>
    %dma_start3A_288 = tpu.memref_squeeze %dma_start3A_287 : memref<1x1280xi32, #tpu.memory_space<vmem>> -> memref<1280xi32, #tpu.memory_space<vmem>>
    %dma_start3A_289 = arith.constant 0 : i32
    %dma_start3A_290 = arith.constant 0 : i32
    %dma_start3A_291 = tpu.memref_slice %arg13[%dma_start3A_289, %dma_start3A_290] : memref<10240x16xf32, #tpu.memory_space<vmem_shared>> -> memref<10240x16xf32, #tpu.memory_space<vmem_shared>>
    tpu.enqueue_indirect_dma source(%arg10 : memref<1280x16xf32, #tpu.memory_space<vmem>>) target(%dma_start3A_291 : memref<10240x16xf32, #tpu.memory_space<vmem_shared>>) offsets(%dma_start3A_288 : memref<1280xi32, #tpu.memory_space<vmem>>) semaphore(%arg17 : memref<!tpu.dma_semaphore, #tpu.memory_space<semaphore_mem>>) {add = true}
    %dma_wait3A_292 = arith.constant 5 : i32
    %dma_wait3A_293 = arith.constant 0 : i32
    %dma_wait3A_294 = tpu.memref_slice %arg9[%dma_wait3A_292, %dma_wait3A_293] : memref<8x1280xi32, #tpu.memory_space<vmem>> -> memref<1x1280xi32, #tpu.memory_space<vmem>>
    %dma_wait3A_295 = tpu.memref_squeeze %dma_wait3A_294 : memref<1x1280xi32, #tpu.memory_space<vmem>> -> memref<1280xi32, #tpu.memory_space<vmem>>
    %dma_wait3A_296 = arith.constant 0 : i32
    %dma_wait3A_297 = arith.constant 0 : i32
    %dma_wait3A_298 = tpu.memref_slice %arg13[%dma_wait3A_296, %dma_wait3A_297] : memref<10240x16xf32, #tpu.memory_space<vmem_shared>> -> memref<10240x16xf32, #tpu.memory_space<vmem_shared>>
    tpu.wait_indirect_dma semaphore(%arg18 : memref<!tpu.dma_semaphore, #tpu.memory_space<semaphore_mem>>) src(%arg11 : memref<1280x16xf32, #tpu.memory_space<vmem>>) dst(%dma_wait3A_298 : memref<10240x16xf32, #tpu.memory_space<vmem_shared>>)
    %dma_start3A_299 = arith.constant 7 : i32
    %dma_start3A_300 = arith.constant 0 : i32
    %dma_start3A_301 = tpu.memref_slice %arg8[%dma_start3A_299, %dma_start3A_300] : memref<8x1280xi32, #tpu.memory_space<vmem>> -> memref<1x1280xi32, #tpu.memory_space<vmem>>
    %dma_start3A_302 = tpu.memref_squeeze %dma_start3A_301 : memref<1x1280xi32, #tpu.memory_space<vmem>> -> memref<1280xi32, #tpu.memory_space<vmem>>
    %dma_start3A_303 = arith.constant 0 : i32
    %dma_start3A_304 = arith.constant 0 : i32
    %dma_start3A_305 = tpu.memref_slice %arg14[%dma_start3A_303, %dma_start3A_304] : memref<10240x16xf32, #tpu.memory_space<vmem_shared>> -> memref<10240x16xf32, #tpu.memory_space<vmem_shared>>
    tpu.enqueue_indirect_dma source(%dma_start3A_305 : memref<10240x16xf32, #tpu.memory_space<vmem_shared>>) target(%arg11 : memref<1280x16xf32, #tpu.memory_space<vmem>>) offsets(%dma_start3A_302 : memref<1280xi32, #tpu.memory_space<vmem>>) semaphore(%arg16 : memref<!tpu.dma_semaphore, #tpu.memory_space<semaphore_mem>>)
    %dma_wait3A_306 = arith.constant 7 : i32
    %dma_wait3A_307 = arith.constant 0 : i32
    %dma_wait3A_308 = tpu.memref_slice %arg8[%dma_wait3A_306, %dma_wait3A_307] : memref<8x1280xi32, #tpu.memory_space<vmem>> -> memref<1x1280xi32, #tpu.memory_space<vmem>>
    %dma_wait3A_309 = tpu.memref_squeeze %dma_wait3A_308 : memref<1x1280xi32, #tpu.memory_space<vmem>> -> memref<1280xi32, #tpu.memory_space<vmem>>
    %dma_wait3A_310 = arith.constant 0 : i32
    %dma_wait3A_311 = arith.constant 0 : i32
    %dma_wait3A_312 = tpu.memref_slice %arg14[%dma_wait3A_310, %dma_wait3A_311] : memref<10240x16xf32, #tpu.memory_space<vmem_shared>> -> memref<10240x16xf32, #tpu.memory_space<vmem_shared>>
    tpu.wait_indirect_dma semaphore(%arg16 : memref<!tpu.dma_semaphore, #tpu.memory_space<semaphore_mem>>) src(%dma_wait3A_312 : memref<10240x16xf32, #tpu.memory_space<vmem_shared>>) dst(%arg11 : memref<1280x16xf32, #tpu.memory_space<vmem>>)
    %dma_start3A_313 = arith.constant 7 : i32
    %dma_start3A_314 = arith.constant 0 : i32
    %dma_start3A_315 = tpu.memref_slice %arg9[%dma_start3A_313, %dma_start3A_314] : memref<8x1280xi32, #tpu.memory_space<vmem>> -> memref<1x1280xi32, #tpu.memory_space<vmem>>
    %dma_start3A_316 = tpu.memref_squeeze %dma_start3A_315 : memref<1x1280xi32, #tpu.memory_space<vmem>> -> memref<1280xi32, #tpu.memory_space<vmem>>
    %dma_start3A_317 = arith.constant 0 : i32
    %dma_start3A_318 = arith.constant 0 : i32
    %dma_start3A_319 = tpu.memref_slice %arg13[%dma_start3A_317, %dma_start3A_318] : memref<10240x16xf32, #tpu.memory_space<vmem_shared>> -> memref<10240x16xf32, #tpu.memory_space<vmem_shared>>
    tpu.enqueue_indirect_dma source(%arg11 : memref<1280x16xf32, #tpu.memory_space<vmem>>) target(%dma_start3A_319 : memref<10240x16xf32, #tpu.memory_space<vmem_shared>>) offsets(%dma_start3A_316 : memref<1280xi32, #tpu.memory_space<vmem>>) semaphore(%arg18 : memref<!tpu.dma_semaphore, #tpu.memory_space<semaphore_mem>>) {add = true}
    %dma_wait3A_320 = arith.constant 6 : i32
    %dma_wait3A_321 = arith.constant 0 : i32
    %dma_wait3A_322 = tpu.memref_slice %arg9[%dma_wait3A_320, %dma_wait3A_321] : memref<8x1280xi32, #tpu.memory_space<vmem>> -> memref<1x1280xi32, #tpu.memory_space<vmem>>
    %dma_wait3A_323 = tpu.memref_squeeze %dma_wait3A_322 : memref<1x1280xi32, #tpu.memory_space<vmem>> -> memref<1280xi32, #tpu.memory_space<vmem>>
    %dma_wait3A_324 = arith.constant 0 : i32
    %dma_wait3A_325 = arith.constant 0 : i32
    %dma_wait3A_326 = tpu.memref_slice %arg13[%dma_wait3A_324, %dma_wait3A_325] : memref<10240x16xf32, #tpu.memory_space<vmem_shared>> -> memref<10240x16xf32, #tpu.memory_space<vmem_shared>>
    tpu.wait_indirect_dma semaphore(%arg17 : memref<!tpu.dma_semaphore, #tpu.memory_space<semaphore_mem>>) src(%arg10 : memref<1280x16xf32, #tpu.memory_space<vmem>>) dst(%dma_wait3A_326 : memref<10240x16xf32, #tpu.memory_space<vmem_shared>>)
    %dma_wait3A_327 = arith.constant 7 : i32
    %dma_wait3A_328 = arith.constant 0 : i32
    %dma_wait3A_329 = tpu.memref_slice %arg9[%dma_wait3A_327, %dma_wait3A_328] : memref<8x1280xi32, #tpu.memory_space<vmem>> -> memref<1x1280xi32, #tpu.memory_space<vmem>>
    %dma_wait3A_330 = tpu.memref_squeeze %dma_wait3A_329 : memref<1x1280xi32, #tpu.memory_space<vmem>> -> memref<1280xi32, #tpu.memory_space<vmem>>
    %dma_wait3A_331 = arith.constant 0 : i32
    %dma_wait3A_332 = arith.constant 0 : i32
    %dma_wait3A_333 = tpu.memref_slice %arg13[%dma_wait3A_331, %dma_wait3A_332] : memref<10240x16xf32, #tpu.memory_space<vmem_shared>> -> memref<10240x16xf32, #tpu.memory_space<vmem_shared>>
    tpu.wait_indirect_dma semaphore(%arg18 : memref<!tpu.dma_semaphore, #tpu.memory_space<semaphore_mem>>) src(%arg11 : memref<1280x16xf32, #tpu.memory_space<vmem>>) dst(%dma_wait3A_333 : memref<10240x16xf32, #tpu.memory_space<vmem_shared>>)
    %barrier3A_334 = arith.constant 0 : index
    tpu.barrier barrier_id(%barrier3A_334)
    "tpu.region"() ({
      %run_scoped3A = tpu.sem_alloc : memref<!tpu.dma_semaphore, #tpu.memory_space<semaphore_mem>>
      %dma_start3A_335 = arith.constant 0 : i32
      %dma_start3A_336 = tpu.memref_slice %arg6[%arg0, %mul3A_2, %dma_start3A_335] : memref<2x10240x16xf32, #tpu.memory_space<hbm>> -> memref<1x640x16xf32, #tpu.memory_space<hbm>>
      %dma_start3A_337 = tpu.memref_squeeze %dma_start3A_336 : memref<1x640x16xf32, #tpu.memory_space<hbm>> -> memref<640x16xf32, #tpu.memory_space<hbm>>
      %dma_start3A_338 = arith.constant 0 : i32
      %dma_start3A_339 = tpu.memref_slice %arg13[%mul3A_2, %dma_start3A_338] : memref<10240x16xf32, #tpu.memory_space<vmem_shared>> -> memref<640x16xf32, #tpu.memory_space<vmem_shared>>
      tpu.enqueue_dma source(%dma_start3A_339 : memref<640x16xf32, #tpu.memory_space<vmem_shared>>) target(%dma_start3A_337 : memref<640x16xf32, #tpu.memory_space<hbm>>) target_semaphore(%run_scoped3A : memref<!tpu.dma_semaphore, #tpu.memory_space<semaphore_mem>>)
      %dma_wait3A_340 = arith.constant 0 : i32
      %dma_wait3A_341 = tpu.memref_slice %arg6[%arg0, %mul3A_2, %dma_wait3A_340] : memref<2x10240x16xf32, #tpu.memory_space<hbm>> -> memref<1x640x16xf32, #tpu.memory_space<hbm>>
      %dma_wait3A_342 = tpu.memref_squeeze %dma_wait3A_341 : memref<1x640x16xf32, #tpu.memory_space<hbm>> -> memref<640x16xf32, #tpu.memory_space<hbm>>
      %dma_wait3A_343 = arith.constant 0 : i32
      %dma_wait3A_344 = tpu.memref_slice %arg13[%mul3A_2, %dma_wait3A_343] : memref<10240x16xf32, #tpu.memory_space<vmem_shared>> -> memref<640x16xf32, #tpu.memory_space<vmem_shared>>
      tpu.wait_dma2 semaphore(%run_scoped3A : memref<!tpu.dma_semaphore, #tpu.memory_space<semaphore_mem>>) src(%dma_wait3A_344 : memref<640x16xf32, #tpu.memory_space<vmem_shared>>) dst(%dma_wait3A_342 : memref<640x16xf32, #tpu.memory_space<hbm>>)
      tpu.yield
    }) : () -> ()
    return
  }
}

#map = affine_map<(d0, d1) -> (0, 0, 0)>
#map1 = affine_map<(d0, d1) -> (0)>
#map2 = affine_map<(d0, d1) -> (0, 0)>
module attributes {stable_mosaic.version = 14 : i64} {
  func.func @deg_kernel(%arg0: i32, %arg1: i32, %arg2: memref<32x8x1280xi32, #tpu.memory_space<hbm>>, %arg3: memref<1280xf32, #tpu.memory_space<hbm>>, %arg4: memref<2x10240xf32, #tpu.memory_space<hbm>>, %arg5: memref<8x1280xi32, #tpu.memory_space<vmem>>, %arg6: memref<1280xf32, #tpu.memory_space<vmem>>, %arg7: memref<640xf32, #tpu.memory_space<vmem>>, %arg8: memref<10240xf32, #tpu.memory_space<vmem_shared>>, %arg9: memref<!tpu.dma_semaphore, #tpu.memory_space<semaphore_mem>>) attributes {dimension_semantics = [#tpu.dimension_semantics<core_parallel>, #tpu.dimension_semantics<subcore_parallel>], iteration_bounds = array<i64: 2, 16>, scalar_prefetch = 0 : i64, scratch_operands = 5 : i64, tpu.core_type = #tpu.core_type<sc_vector_subcore>, window_params = [{transform_indices = #map}, {transform_indices = #map1}, {transform_indices = #map2}]} {
    %mul3A = arith.constant 16 : i32
    %mul3A_0 = arith.muli %arg0, %mul3A : i32
    %add3A = arith.addi %mul3A_0, %arg1 : i32
    %mul3A_1 = arith.constant 640 : i32
    %mul3A_2 = arith.muli %arg1, %mul3A_1 : i32
    %dma_start3A = arith.constant 0 : i32
    %dma_start3A_3 = arith.constant 0 : i32
    %dma_start3A_4 = tpu.memref_slice %arg2[%add3A, %dma_start3A, %dma_start3A_3] : memref<32x8x1280xi32, #tpu.memory_space<hbm>> -> memref<1x8x1280xi32, #tpu.memory_space<hbm>>
    %dma_start3A_5 = tpu.memref_squeeze %dma_start3A_4 : memref<1x8x1280xi32, #tpu.memory_space<hbm>> -> memref<8x1280xi32, #tpu.memory_space<hbm>>
    %dma_start3A_6 = arith.constant 0 : i32
    %dma_start3A_7 = arith.constant 0 : i32
    %dma_start3A_8 = tpu.memref_slice %arg2[%add3A, %dma_start3A_6, %dma_start3A_7] : memref<32x8x1280xi32, #tpu.memory_space<hbm>> -> memref<1x8x1280xi32, #tpu.memory_space<hbm>>
    %dma_start3A_9 = tpu.memref_squeeze %dma_start3A_8 : memref<1x8x1280xi32, #tpu.memory_space<hbm>> -> memref<8x1280xi32, #tpu.memory_space<hbm>>
    tpu.enqueue_dma source(%dma_start3A_9 : memref<8x1280xi32, #tpu.memory_space<hbm>>) target(%arg5 : memref<8x1280xi32, #tpu.memory_space<vmem>>) target_semaphore(%arg9 : memref<!tpu.dma_semaphore, #tpu.memory_space<semaphore_mem>>)
    tpu.enqueue_dma source(%arg3 : memref<1280xf32, #tpu.memory_space<hbm>>) target(%arg6 : memref<1280xf32, #tpu.memory_space<vmem>>) target_semaphore(%arg9 : memref<!tpu.dma_semaphore, #tpu.memory_space<semaphore_mem>>)
    %scan3A = arith.constant 0 : i32
    %scan3A_10 = arith.constant 0 : i32
    %scan3A_11 = arith.constant 40 : i32
    %scan3A_12 = arith.addi %scan3A_10, %scan3A_11 : i32
    %scan3A_13 = arith.constant 1 : i32
    scf.for %scan3A_119 = %scan3A_10 to %scan3A_12 step %scan3A_13  : i32 {
      %broadcast_in_dim3A = arith.constant 0.000000e+00 : f32
      %broadcast_in_dim3A_120 = vector.broadcast %broadcast_in_dim3A : f32 to vector<16xf32>
      %mul3A_121 = arith.constant 16 : i32
      %mul3A_122 = arith.muli %scan3A_119, %mul3A_121 : i32
      %swap3A = arith.index_cast %mul3A_122 : i32 to index
      %swap3A_123 = tpu.vector_load %arg7[%swap3A] {strides = array<i32>} : memref<640xf32, #tpu.memory_space<vmem>>, vector<16xf32>,
      %swap3A_124 = vector.shape_cast %swap3A_123 : vector<16xf32> to vector<16xf32>
      %swap3A_125 = vector.shape_cast %broadcast_in_dim3A_120 : vector<16xf32> to vector<16xf32>
      tpu.vector_store %arg7[%swap3A], %swap3A_125 {strides = array<i32>} : memref<640xf32, #tpu.memory_space<vmem>>, vector<16xf32>,
    }
    %scan3A_14 = arith.constant 40 : i32
    "tpu.region"() ({
      %run_scoped3A = tpu.sem_alloc : memref<!tpu.dma_semaphore, #tpu.memory_space<semaphore_mem>>
      %dma_start3A_119 = tpu.memref_slice %arg8[%mul3A_2] : memref<10240xf32, #tpu.memory_space<vmem_shared>> -> memref<640xf32, #tpu.memory_space<vmem_shared>>
      %dma_start3A_120 = tpu.memref_slice %arg8[%mul3A_2] : memref<10240xf32, #tpu.memory_space<vmem_shared>> -> memref<640xf32, #tpu.memory_space<vmem_shared>>
      tpu.enqueue_dma source(%arg7 : memref<640xf32, #tpu.memory_space<vmem>>) target(%dma_start3A_120 : memref<640xf32, #tpu.memory_space<vmem_shared>>) target_semaphore(%run_scoped3A : memref<!tpu.dma_semaphore, #tpu.memory_space<semaphore_mem>>)
      %dma_wait3A_121 = tpu.memref_slice %arg8[%mul3A_2] : memref<10240xf32, #tpu.memory_space<vmem_shared>> -> memref<640xf32, #tpu.memory_space<vmem_shared>>
      %dma_wait3A_122 = tpu.memref_slice %arg8[%mul3A_2] : memref<10240xf32, #tpu.memory_space<vmem_shared>> -> memref<640xf32, #tpu.memory_space<vmem_shared>>
      tpu.wait_dma2 semaphore(%run_scoped3A : memref<!tpu.dma_semaphore, #tpu.memory_space<semaphore_mem>>) src(%arg7 : memref<640xf32, #tpu.memory_space<vmem>>) dst(%dma_wait3A_122 : memref<640xf32, #tpu.memory_space<vmem_shared>>)
      tpu.yield
    }) : () -> ()
    %dma_wait3A = arith.constant 0 : i32
    %dma_wait3A_15 = arith.constant 0 : i32
    %dma_wait3A_16 = tpu.memref_slice %arg2[%add3A, %dma_wait3A, %dma_wait3A_15] : memref<32x8x1280xi32, #tpu.memory_space<hbm>> -> memref<1x8x1280xi32, #tpu.memory_space<hbm>>
    %dma_wait3A_17 = tpu.memref_squeeze %dma_wait3A_16 : memref<1x8x1280xi32, #tpu.memory_space<hbm>> -> memref<8x1280xi32, #tpu.memory_space<hbm>>
    %dma_wait3A_18 = arith.constant 0 : i32
    %dma_wait3A_19 = arith.constant 0 : i32
    %dma_wait3A_20 = tpu.memref_slice %arg2[%add3A, %dma_wait3A_18, %dma_wait3A_19] : memref<32x8x1280xi32, #tpu.memory_space<hbm>> -> memref<1x8x1280xi32, #tpu.memory_space<hbm>>
    %dma_wait3A_21 = tpu.memref_squeeze %dma_wait3A_20 : memref<1x8x1280xi32, #tpu.memory_space<hbm>> -> memref<8x1280xi32, #tpu.memory_space<hbm>>
    tpu.wait_dma2 semaphore(%arg9 : memref<!tpu.dma_semaphore, #tpu.memory_space<semaphore_mem>>) src(%dma_wait3A_21 : memref<8x1280xi32, #tpu.memory_space<hbm>>) dst(%arg5 : memref<8x1280xi32, #tpu.memory_space<vmem>>)
    tpu.wait_dma2 semaphore(%arg9 : memref<!tpu.dma_semaphore, #tpu.memory_space<semaphore_mem>>) src(%arg3 : memref<1280xf32, #tpu.memory_space<hbm>>) dst(%arg6 : memref<1280xf32, #tpu.memory_space<vmem>>)
    %barrier3A = arith.constant 0 : index
    tpu.barrier barrier_id(%barrier3A)
    %dma_start3A_22 = arith.constant 0 : i32
    %dma_start3A_23 = arith.constant 0 : i32
    %dma_start3A_24 = tpu.memref_slice %arg5[%dma_start3A_22, %dma_start3A_23] : memref<8x1280xi32, #tpu.memory_space<vmem>> -> memref<1x1280xi32, #tpu.memory_space<vmem>>
    %dma_start3A_25 = tpu.memref_squeeze %dma_start3A_24 : memref<1x1280xi32, #tpu.memory_space<vmem>> -> memref<1280xi32, #tpu.memory_space<vmem>>
    %dma_start3A_26 = arith.constant 0 : i32
    %dma_start3A_27 = tpu.memref_slice %arg8[%dma_start3A_26] : memref<10240xf32, #tpu.memory_space<vmem_shared>> -> memref<10240xf32, #tpu.memory_space<vmem_shared>>
    tpu.enqueue_indirect_dma source(%arg6 : memref<1280xf32, #tpu.memory_space<vmem>>) target(%dma_start3A_27 : memref<10240xf32, #tpu.memory_space<vmem_shared>>) offsets(%dma_start3A_25 : memref<1280xi32, #tpu.memory_space<vmem>>) semaphore(%arg9 : memref<!tpu.dma_semaphore, #tpu.memory_space<semaphore_mem>>) {add = true}
    %dma_start3A_28 = arith.constant 1 : i32
    %dma_start3A_29 = arith.constant 0 : i32
    %dma_start3A_30 = tpu.memref_slice %arg5[%dma_start3A_28, %dma_start3A_29] : memref<8x1280xi32, #tpu.memory_space<vmem>> -> memref<1x1280xi32, #tpu.memory_space<vmem>>
    %dma_start3A_31 = tpu.memref_squeeze %dma_start3A_30 : memref<1x1280xi32, #tpu.memory_space<vmem>> -> memref<1280xi32, #tpu.memory_space<vmem>>
    %dma_start3A_32 = arith.constant 0 : i32
    %dma_start3A_33 = tpu.memref_slice %arg8[%dma_start3A_32] : memref<10240xf32, #tpu.memory_space<vmem_shared>> -> memref<10240xf32, #tpu.memory_space<vmem_shared>>
    tpu.enqueue_indirect_dma source(%arg6 : memref<1280xf32, #tpu.memory_space<vmem>>) target(%dma_start3A_33 : memref<10240xf32, #tpu.memory_space<vmem_shared>>) offsets(%dma_start3A_31 : memref<1280xi32, #tpu.memory_space<vmem>>) semaphore(%arg9 : memref<!tpu.dma_semaphore, #tpu.memory_space<semaphore_mem>>) {add = true}
    %dma_start3A_34 = arith.constant 2 : i32
    %dma_start3A_35 = arith.constant 0 : i32
    %dma_start3A_36 = tpu.memref_slice %arg5[%dma_start3A_34, %dma_start3A_35] : memref<8x1280xi32, #tpu.memory_space<vmem>> -> memref<1x1280xi32, #tpu.memory_space<vmem>>
    %dma_start3A_37 = tpu.memref_squeeze %dma_start3A_36 : memref<1x1280xi32, #tpu.memory_space<vmem>> -> memref<1280xi32, #tpu.memory_space<vmem>>
    %dma_start3A_38 = arith.constant 0 : i32
    %dma_start3A_39 = tpu.memref_slice %arg8[%dma_start3A_38] : memref<10240xf32, #tpu.memory_space<vmem_shared>> -> memref<10240xf32, #tpu.memory_space<vmem_shared>>
    tpu.enqueue_indirect_dma source(%arg6 : memref<1280xf32, #tpu.memory_space<vmem>>) target(%dma_start3A_39 : memref<10240xf32, #tpu.memory_space<vmem_shared>>) offsets(%dma_start3A_37 : memref<1280xi32, #tpu.memory_space<vmem>>) semaphore(%arg9 : memref<!tpu.dma_semaphore, #tpu.memory_space<semaphore_mem>>) {add = true}
    %dma_start3A_40 = arith.constant 3 : i32
    %dma_start3A_41 = arith.constant 0 : i32
    %dma_start3A_42 = tpu.memref_slice %arg5[%dma_start3A_40, %dma_start3A_41] : memref<8x1280xi32, #tpu.memory_space<vmem>> -> memref<1x1280xi32, #tpu.memory_space<vmem>>
    %dma_start3A_43 = tpu.memref_squeeze %dma_start3A_42 : memref<1x1280xi32, #tpu.memory_space<vmem>> -> memref<1280xi32, #tpu.memory_space<vmem>>
    %dma_start3A_44 = arith.constant 0 : i32
    %dma_start3A_45 = tpu.memref_slice %arg8[%dma_start3A_44] : memref<10240xf32, #tpu.memory_space<vmem_shared>> -> memref<10240xf32, #tpu.memory_space<vmem_shared>>
    tpu.enqueue_indirect_dma source(%arg6 : memref<1280xf32, #tpu.memory_space<vmem>>) target(%dma_start3A_45 : memref<10240xf32, #tpu.memory_space<vmem_shared>>) offsets(%dma_start3A_43 : memref<1280xi32, #tpu.memory_space<vmem>>) semaphore(%arg9 : memref<!tpu.dma_semaphore, #tpu.memory_space<semaphore_mem>>) {add = true}
    %dma_start3A_46 = arith.constant 4 : i32
    %dma_start3A_47 = arith.constant 0 : i32
    %dma_start3A_48 = tpu.memref_slice %arg5[%dma_start3A_46, %dma_start3A_47] : memref<8x1280xi32, #tpu.memory_space<vmem>> -> memref<1x1280xi32, #tpu.memory_space<vmem>>
    %dma_start3A_49 = tpu.memref_squeeze %dma_start3A_48 : memref<1x1280xi32, #tpu.memory_space<vmem>> -> memref<1280xi32, #tpu.memory_space<vmem>>
    %dma_start3A_50 = arith.constant 0 : i32
    %dma_start3A_51 = tpu.memref_slice %arg8[%dma_start3A_50] : memref<10240xf32, #tpu.memory_space<vmem_shared>> -> memref<10240xf32, #tpu.memory_space<vmem_shared>>
    tpu.enqueue_indirect_dma source(%arg6 : memref<1280xf32, #tpu.memory_space<vmem>>) target(%dma_start3A_51 : memref<10240xf32, #tpu.memory_space<vmem_shared>>) offsets(%dma_start3A_49 : memref<1280xi32, #tpu.memory_space<vmem>>) semaphore(%arg9 : memref<!tpu.dma_semaphore, #tpu.memory_space<semaphore_mem>>) {add = true}
    %dma_start3A_52 = arith.constant 5 : i32
    %dma_start3A_53 = arith.constant 0 : i32
    %dma_start3A_54 = tpu.memref_slice %arg5[%dma_start3A_52, %dma_start3A_53] : memref<8x1280xi32, #tpu.memory_space<vmem>> -> memref<1x1280xi32, #tpu.memory_space<vmem>>
    %dma_start3A_55 = tpu.memref_squeeze %dma_start3A_54 : memref<1x1280xi32, #tpu.memory_space<vmem>> -> memref<1280xi32, #tpu.memory_space<vmem>>
    %dma_start3A_56 = arith.constant 0 : i32
    %dma_start3A_57 = tpu.memref_slice %arg8[%dma_start3A_56] : memref<10240xf32, #tpu.memory_space<vmem_shared>> -> memref<10240xf32, #tpu.memory_space<vmem_shared>>
    tpu.enqueue_indirect_dma source(%arg6 : memref<1280xf32, #tpu.memory_space<vmem>>) target(%dma_start3A_57 : memref<10240xf32, #tpu.memory_space<vmem_shared>>) offsets(%dma_start3A_55 : memref<1280xi32, #tpu.memory_space<vmem>>) semaphore(%arg9 : memref<!tpu.dma_semaphore, #tpu.memory_space<semaphore_mem>>) {add = true}
    %dma_start3A_58 = arith.constant 6 : i32
    %dma_start3A_59 = arith.constant 0 : i32
    %dma_start3A_60 = tpu.memref_slice %arg5[%dma_start3A_58, %dma_start3A_59] : memref<8x1280xi32, #tpu.memory_space<vmem>> -> memref<1x1280xi32, #tpu.memory_space<vmem>>
    %dma_start3A_61 = tpu.memref_squeeze %dma_start3A_60 : memref<1x1280xi32, #tpu.memory_space<vmem>> -> memref<1280xi32, #tpu.memory_space<vmem>>
    %dma_start3A_62 = arith.constant 0 : i32
    %dma_start3A_63 = tpu.memref_slice %arg8[%dma_start3A_62] : memref<10240xf32, #tpu.memory_space<vmem_shared>> -> memref<10240xf32, #tpu.memory_space<vmem_shared>>
    tpu.enqueue_indirect_dma source(%arg6 : memref<1280xf32, #tpu.memory_space<vmem>>) target(%dma_start3A_63 : memref<10240xf32, #tpu.memory_space<vmem_shared>>) offsets(%dma_start3A_61 : memref<1280xi32, #tpu.memory_space<vmem>>) semaphore(%arg9 : memref<!tpu.dma_semaphore, #tpu.memory_space<semaphore_mem>>) {add = true}
    %dma_start3A_64 = arith.constant 7 : i32
    %dma_start3A_65 = arith.constant 0 : i32
    %dma_start3A_66 = tpu.memref_slice %arg5[%dma_start3A_64, %dma_start3A_65] : memref<8x1280xi32, #tpu.memory_space<vmem>> -> memref<1x1280xi32, #tpu.memory_space<vmem>>
    %dma_start3A_67 = tpu.memref_squeeze %dma_start3A_66 : memref<1x1280xi32, #tpu.memory_space<vmem>> -> memref<1280xi32, #tpu.memory_space<vmem>>
    %dma_start3A_68 = arith.constant 0 : i32
    %dma_start3A_69 = tpu.memref_slice %arg8[%dma_start3A_68] : memref<10240xf32, #tpu.memory_space<vmem_shared>> -> memref<10240xf32, #tpu.memory_space<vmem_shared>>
    tpu.enqueue_indirect_dma source(%arg6 : memref<1280xf32, #tpu.memory_space<vmem>>) target(%dma_start3A_69 : memref<10240xf32, #tpu.memory_space<vmem_shared>>) offsets(%dma_start3A_67 : memref<1280xi32, #tpu.memory_space<vmem>>) semaphore(%arg9 : memref<!tpu.dma_semaphore, #tpu.memory_space<semaphore_mem>>) {add = true}
    %dma_wait3A_70 = arith.constant 0 : i32
    %dma_wait3A_71 = arith.constant 0 : i32
    %dma_wait3A_72 = tpu.memref_slice %arg5[%dma_wait3A_70, %dma_wait3A_71] : memref<8x1280xi32, #tpu.memory_space<vmem>> -> memref<1x1280xi32, #tpu.memory_space<vmem>>
    %dma_wait3A_73 = tpu.memref_squeeze %dma_wait3A_72 : memref<1x1280xi32, #tpu.memory_space<vmem>> -> memref<1280xi32, #tpu.memory_space<vmem>>
    %dma_wait3A_74 = arith.constant 0 : i32
    %dma_wait3A_75 = tpu.memref_slice %arg8[%dma_wait3A_74] : memref<10240xf32, #tpu.memory_space<vmem_shared>> -> memref<10240xf32, #tpu.memory_space<vmem_shared>>
    tpu.wait_indirect_dma semaphore(%arg9 : memref<!tpu.dma_semaphore, #tpu.memory_space<semaphore_mem>>) src(%arg6 : memref<1280xf32, #tpu.memory_space<vmem>>) dst(%dma_wait3A_75 : memref<10240xf32, #tpu.memory_space<vmem_shared>>)
    %dma_wait3A_76 = arith.constant 1 : i32
    %dma_wait3A_77 = arith.constant 0 : i32
    %dma_wait3A_78 = tpu.memref_slice %arg5[%dma_wait3A_76, %dma_wait3A_77] : memref<8x1280xi32, #tpu.memory_space<vmem>> -> memref<1x1280xi32, #tpu.memory_space<vmem>>
    %dma_wait3A_79 = tpu.memref_squeeze %dma_wait3A_78 : memref<1x1280xi32, #tpu.memory_space<vmem>> -> memref<1280xi32, #tpu.memory_space<vmem>>
    %dma_wait3A_80 = arith.constant 0 : i32
    %dma_wait3A_81 = tpu.memref_slice %arg8[%dma_wait3A_80] : memref<10240xf32, #tpu.memory_space<vmem_shared>> -> memref<10240xf32, #tpu.memory_space<vmem_shared>>
    tpu.wait_indirect_dma semaphore(%arg9 : memref<!tpu.dma_semaphore, #tpu.memory_space<semaphore_mem>>) src(%arg6 : memref<1280xf32, #tpu.memory_space<vmem>>) dst(%dma_wait3A_81 : memref<10240xf32, #tpu.memory_space<vmem_shared>>)
    %dma_wait3A_82 = arith.constant 2 : i32
    %dma_wait3A_83 = arith.constant 0 : i32
    %dma_wait3A_84 = tpu.memref_slice %arg5[%dma_wait3A_82, %dma_wait3A_83] : memref<8x1280xi32, #tpu.memory_space<vmem>> -> memref<1x1280xi32, #tpu.memory_space<vmem>>
    %dma_wait3A_85 = tpu.memref_squeeze %dma_wait3A_84 : memref<1x1280xi32, #tpu.memory_space<vmem>> -> memref<1280xi32, #tpu.memory_space<vmem>>
    %dma_wait3A_86 = arith.constant 0 : i32
    %dma_wait3A_87 = tpu.memref_slice %arg8[%dma_wait3A_86] : memref<10240xf32, #tpu.memory_space<vmem_shared>> -> memref<10240xf32, #tpu.memory_space<vmem_shared>>
    tpu.wait_indirect_dma semaphore(%arg9 : memref<!tpu.dma_semaphore, #tpu.memory_space<semaphore_mem>>) src(%arg6 : memref<1280xf32, #tpu.memory_space<vmem>>) dst(%dma_wait3A_87 : memref<10240xf32, #tpu.memory_space<vmem_shared>>)
    %dma_wait3A_88 = arith.constant 3 : i32
    %dma_wait3A_89 = arith.constant 0 : i32
    %dma_wait3A_90 = tpu.memref_slice %arg5[%dma_wait3A_88, %dma_wait3A_89] : memref<8x1280xi32, #tpu.memory_space<vmem>> -> memref<1x1280xi32, #tpu.memory_space<vmem>>
    %dma_wait3A_91 = tpu.memref_squeeze %dma_wait3A_90 : memref<1x1280xi32, #tpu.memory_space<vmem>> -> memref<1280xi32, #tpu.memory_space<vmem>>
    %dma_wait3A_92 = arith.constant 0 : i32
    %dma_wait3A_93 = tpu.memref_slice %arg8[%dma_wait3A_92] : memref<10240xf32, #tpu.memory_space<vmem_shared>> -> memref<10240xf32, #tpu.memory_space<vmem_shared>>
    tpu.wait_indirect_dma semaphore(%arg9 : memref<!tpu.dma_semaphore, #tpu.memory_space<semaphore_mem>>) src(%arg6 : memref<1280xf32, #tpu.memory_space<vmem>>) dst(%dma_wait3A_93 : memref<10240xf32, #tpu.memory_space<vmem_shared>>)
    %dma_wait3A_94 = arith.constant 4 : i32
    %dma_wait3A_95 = arith.constant 0 : i32
    %dma_wait3A_96 = tpu.memref_slice %arg5[%dma_wait3A_94, %dma_wait3A_95] : memref<8x1280xi32, #tpu.memory_space<vmem>> -> memref<1x1280xi32, #tpu.memory_space<vmem>>
    %dma_wait3A_97 = tpu.memref_squeeze %dma_wait3A_96 : memref<1x1280xi32, #tpu.memory_space<vmem>> -> memref<1280xi32, #tpu.memory_space<vmem>>
    %dma_wait3A_98 = arith.constant 0 : i32
    %dma_wait3A_99 = tpu.memref_slice %arg8[%dma_wait3A_98] : memref<10240xf32, #tpu.memory_space<vmem_shared>> -> memref<10240xf32, #tpu.memory_space<vmem_shared>>
    tpu.wait_indirect_dma semaphore(%arg9 : memref<!tpu.dma_semaphore, #tpu.memory_space<semaphore_mem>>) src(%arg6 : memref<1280xf32, #tpu.memory_space<vmem>>) dst(%dma_wait3A_99 : memref<10240xf32, #tpu.memory_space<vmem_shared>>)
    %dma_wait3A_100 = arith.constant 5 : i32
    %dma_wait3A_101 = arith.constant 0 : i32
    %dma_wait3A_102 = tpu.memref_slice %arg5[%dma_wait3A_100, %dma_wait3A_101] : memref<8x1280xi32, #tpu.memory_space<vmem>> -> memref<1x1280xi32, #tpu.memory_space<vmem>>
    %dma_wait3A_103 = tpu.memref_squeeze %dma_wait3A_102 : memref<1x1280xi32, #tpu.memory_space<vmem>> -> memref<1280xi32, #tpu.memory_space<vmem>>
    %dma_wait3A_104 = arith.constant 0 : i32
    %dma_wait3A_105 = tpu.memref_slice %arg8[%dma_wait3A_104] : memref<10240xf32, #tpu.memory_space<vmem_shared>> -> memref<10240xf32, #tpu.memory_space<vmem_shared>>
    tpu.wait_indirect_dma semaphore(%arg9 : memref<!tpu.dma_semaphore, #tpu.memory_space<semaphore_mem>>) src(%arg6 : memref<1280xf32, #tpu.memory_space<vmem>>) dst(%dma_wait3A_105 : memref<10240xf32, #tpu.memory_space<vmem_shared>>)
    %dma_wait3A_106 = arith.constant 6 : i32
    %dma_wait3A_107 = arith.constant 0 : i32
    %dma_wait3A_108 = tpu.memref_slice %arg5[%dma_wait3A_106, %dma_wait3A_107] : memref<8x1280xi32, #tpu.memory_space<vmem>> -> memref<1x1280xi32, #tpu.memory_space<vmem>>
    %dma_wait3A_109 = tpu.memref_squeeze %dma_wait3A_108 : memref<1x1280xi32, #tpu.memory_space<vmem>> -> memref<1280xi32, #tpu.memory_space<vmem>>
    %dma_wait3A_110 = arith.constant 0 : i32
    %dma_wait3A_111 = tpu.memref_slice %arg8[%dma_wait3A_110] : memref<10240xf32, #tpu.memory_space<vmem_shared>> -> memref<10240xf32, #tpu.memory_space<vmem_shared>>
    tpu.wait_indirect_dma semaphore(%arg9 : memref<!tpu.dma_semaphore, #tpu.memory_space<semaphore_mem>>) src(%arg6 : memref<1280xf32, #tpu.memory_space<vmem>>) dst(%dma_wait3A_111 : memref<10240xf32, #tpu.memory_space<vmem_shared>>)
    %dma_wait3A_112 = arith.constant 7 : i32
    %dma_wait3A_113 = arith.constant 0 : i32
    %dma_wait3A_114 = tpu.memref_slice %arg5[%dma_wait3A_112, %dma_wait3A_113] : memref<8x1280xi32, #tpu.memory_space<vmem>> -> memref<1x1280xi32, #tpu.memory_space<vmem>>
    %dma_wait3A_115 = tpu.memref_squeeze %dma_wait3A_114 : memref<1x1280xi32, #tpu.memory_space<vmem>> -> memref<1280xi32, #tpu.memory_space<vmem>>
    %dma_wait3A_116 = arith.constant 0 : i32
    %dma_wait3A_117 = tpu.memref_slice %arg8[%dma_wait3A_116] : memref<10240xf32, #tpu.memory_space<vmem_shared>> -> memref<10240xf32, #tpu.memory_space<vmem_shared>>
    tpu.wait_indirect_dma semaphore(%arg9 : memref<!tpu.dma_semaphore, #tpu.memory_space<semaphore_mem>>) src(%arg6 : memref<1280xf32, #tpu.memory_space<vmem>>) dst(%dma_wait3A_117 : memref<10240xf32, #tpu.memory_space<vmem_shared>>)
    %barrier3A_118 = arith.constant 0 : index
    tpu.barrier barrier_id(%barrier3A_118)
    "tpu.region"() ({
      %run_scoped3A = tpu.sem_alloc : memref<!tpu.dma_semaphore, #tpu.memory_space<semaphore_mem>>
      %dma_start3A_119 = tpu.memref_slice %arg4[%arg0, %mul3A_2] : memref<2x10240xf32, #tpu.memory_space<hbm>> -> memref<1x640xf32, #tpu.memory_space<hbm>>
      %dma_start3A_120 = tpu.memref_squeeze %dma_start3A_119 : memref<1x640xf32, #tpu.memory_space<hbm>> -> memref<640xf32, #tpu.memory_space<hbm>>
      %dma_start3A_121 = tpu.memref_slice %arg8[%mul3A_2] : memref<10240xf32, #tpu.memory_space<vmem_shared>> -> memref<640xf32, #tpu.memory_space<vmem_shared>>
      tpu.enqueue_dma source(%dma_start3A_121 : memref<640xf32, #tpu.memory_space<vmem_shared>>) target(%dma_start3A_120 : memref<640xf32, #tpu.memory_space<hbm>>) target_semaphore(%run_scoped3A : memref<!tpu.dma_semaphore, #tpu.memory_space<semaphore_mem>>)
      %dma_wait3A_122 = tpu.memref_slice %arg4[%arg0, %mul3A_2] : memref<2x10240xf32, #tpu.memory_space<hbm>> -> memref<1x640xf32, #tpu.memory_space<hbm>>
      %dma_wait3A_123 = tpu.memref_squeeze %dma_wait3A_122 : memref<1x640xf32, #tpu.memory_space<hbm>> -> memref<640xf32, #tpu.memory_space<hbm>>
      %dma_wait3A_124 = tpu.memref_slice %arg8[%mul3A_2] : memref<10240xf32, #tpu.memory_space<vmem_shared>> -> memref<640xf32, #tpu.memory_space<vmem_shared>>
      tpu.wait_dma2 semaphore(%run_scoped3A : memref<!tpu.dma_semaphore, #tpu.memory_space<semaphore_mem>>) src(%dma_wait3A_124 : memref<640xf32, #tpu.memory_space<vmem_shared>>) dst(%dma_wait3A_123 : memref<640xf32, #tpu.memory_space<hbm>>)
      tpu.yield
    }) : () -> ()
    return
  }
}

#map = affine_map<(d0, d1) -> (0, 0, 0)>
#map1 = affine_map<(d0, d1) -> (0, 0)>
module attributes {stable_mosaic.version = 14 : i64} {
  func.func @r2_kernel(%arg0: i32, %arg1: i32, %arg2: memref<2x10240x16xf32, #tpu.memory_space<hbm>>, %arg3: memref<10240x16xf32, #tpu.memory_space<hbm>>, %arg4: memref<2x10240xf32, #tpu.memory_space<hbm>>, %arg5: memref<32x8x1280xi32, #tpu.memory_space<hbm>>, %arg6: memref<32x8x1280xi32, #tpu.memory_space<hbm>>, %arg7: memref<2x10240x16xf32, #tpu.memory_space<hbm>>, %arg8: memref<10240x16xf32, #tpu.memory_space<hbm>>, %arg9: memref<8x1280xi32, #tpu.memory_space<vmem>>, %arg10: memref<8x1280xi32, #tpu.memory_space<vmem>>, %arg11: memref<1280x16xf32, #tpu.memory_space<vmem>>, %arg12: memref<1280x16xf32, #tpu.memory_space<vmem>>, %arg13: memref<1280x16xf32, #tpu.memory_space<vmem>>, %arg14: memref<640x16xf32, #tpu.memory_space<vmem>>, %arg15: memref<1280xf32, #tpu.memory_space<vmem>>, %arg16: memref<10240x16xf32, #tpu.memory_space<vmem_shared>>, %arg17: memref<10240x16xf32, #tpu.memory_space<vmem_shared>>, %arg18: memref<!tpu.dma_semaphore, #tpu.memory_space<semaphore_mem>>, %arg19: memref<!tpu.dma_semaphore, #tpu.memory_space<semaphore_mem>>, %arg20: memref<!tpu.dma_semaphore, #tpu.memory_space<semaphore_mem>>, %arg21: memref<!tpu.dma_semaphore, #tpu.memory_space<semaphore_mem>>, %arg22: memref<!tpu.dma_semaphore, #tpu.memory_space<semaphore_mem>>, %arg23: memref<!tpu.dma_semaphore, #tpu.memory_space<semaphore_mem>>) attributes {dimension_semantics = [#tpu.dimension_semantics<core_parallel>, #tpu.dimension_semantics<subcore_parallel>], iteration_bounds = array<i64: 2, 16>, scalar_prefetch = 0 : i64, scratch_operands = 15 : i64, tpu.core_type = #tpu.core_type<sc_vector_subcore>, window_params = [{transform_indices = #map}, {transform_indices = #map1}, {transform_indices = #map1}, {transform_indices = #map}, {transform_indices = #map}, {transform_indices = #map}, {transform_indices = #map1}]} {
    %mul3A = arith.constant 16 : i32
    %mul3A_0 = arith.muli %arg0, %mul3A : i32
    %add3A = arith.addi %mul3A_0, %arg1 : i32
    %mul3A_1 = arith.constant 640 : i32
    %mul3A_2 = arith.muli %arg1, %mul3A_1 : i32
    %dma_start3A = arith.constant 0 : i32
    %dma_start3A_3 = arith.constant 0 : i32
    %dma_start3A_4 = tpu.memref_slice %arg5[%add3A, %dma_start3A, %dma_start3A_3] : memref<32x8x1280xi32, #tpu.memory_space<hbm>> -> memref<1x8x1280xi32, #tpu.memory_space<hbm>>
    %dma_start3A_5 = tpu.memref_squeeze %dma_start3A_4 : memref<1x8x1280xi32, #tpu.memory_space<hbm>> -> memref<8x1280xi32, #tpu.memory_space<hbm>>
    %dma_start3A_6 = arith.constant 0 : i32
    %dma_start3A_7 = arith.constant 0 : i32
    %dma_start3A_8 = tpu.memref_slice %arg5[%add3A, %dma_start3A_6, %dma_start3A_7] : memref<32x8x1280xi32, #tpu.memory_space<hbm>> -> memref<1x8x1280xi32, #tpu.memory_space<hbm>>
    %dma_start3A_9 = tpu.memref_squeeze %dma_start3A_8 : memref<1x8x1280xi32, #tpu.memory_space<hbm>> -> memref<8x1280xi32, #tpu.memory_space<hbm>>
    tpu.enqueue_dma source(%dma_start3A_9 : memref<8x1280xi32, #tpu.memory_space<hbm>>) target(%arg9 : memref<8x1280xi32, #tpu.memory_space<vmem>>) target_semaphore(%arg18 : memref<!tpu.dma_semaphore, #tpu.memory_space<semaphore_mem>>)
    %dma_start3A_10 = arith.constant 0 : i32
    %dma_start3A_11 = arith.constant 0 : i32
    %dma_start3A_12 = tpu.memref_slice %arg6[%add3A, %dma_start3A_10, %dma_start3A_11] : memref<32x8x1280xi32, #tpu.memory_space<hbm>> -> memref<1x8x1280xi32, #tpu.memory_space<hbm>>
    %dma_start3A_13 = tpu.memref_squeeze %dma_start3A_12 : memref<1x8x1280xi32, #tpu.memory_space<hbm>> -> memref<8x1280xi32, #tpu.memory_space<hbm>>
    %dma_start3A_14 = arith.constant 0 : i32
    %dma_start3A_15 = arith.constant 0 : i32
    %dma_start3A_16 = tpu.memref_slice %arg6[%add3A, %dma_start3A_14, %dma_start3A_15] : memref<32x8x1280xi32, #tpu.memory_space<hbm>> -> memref<1x8x1280xi32, #tpu.memory_space<hbm>>
    %dma_start3A_17 = tpu.memref_squeeze %dma_start3A_16 : memref<1x8x1280xi32, #tpu.memory_space<hbm>> -> memref<8x1280xi32, #tpu.memory_space<hbm>>
    tpu.enqueue_dma source(%dma_start3A_17 : memref<8x1280xi32, #tpu.memory_space<hbm>>) target(%arg10 : memref<8x1280xi32, #tpu.memory_space<vmem>>) target_semaphore(%arg18 : memref<!tpu.dma_semaphore, #tpu.memory_space<semaphore_mem>>)
    %dma_start3A_18 = arith.constant 0 : i32
    %dma_start3A_19 = arith.constant 0 : i32
    %dma_start3A_20 = arith.constant 0 : i32
    %dma_start3A_21 = tpu.memref_slice %arg11[%dma_start3A_19, %dma_start3A_20] : memref<1280x16xf32, #tpu.memory_space<vmem>> -> memref<640x16xf32, #tpu.memory_space<vmem>>
    %dma_start3A_22 = arith.constant 0 : i32
    %dma_start3A_23 = tpu.memref_slice %arg2[%dma_start3A_18, %mul3A_2, %dma_start3A_22] : memref<2x10240x16xf32, #tpu.memory_space<hbm>> -> memref<1x640x16xf32, #tpu.memory_space<hbm>>
    %dma_start3A_24 = tpu.memref_squeeze %dma_start3A_23 : memref<1x640x16xf32, #tpu.memory_space<hbm>> -> memref<640x16xf32, #tpu.memory_space<hbm>>
    %dma_start3A_25 = arith.constant 0 : i32
    %dma_start3A_26 = arith.constant 0 : i32
    %dma_start3A_27 = tpu.memref_slice %arg11[%dma_start3A_25, %dma_start3A_26] : memref<1280x16xf32, #tpu.memory_space<vmem>> -> memref<640x16xf32, #tpu.memory_space<vmem>>
    %dma_start3A_28 = arith.constant 0 : i32
    %dma_start3A_29 = tpu.memref_slice %arg2[%dma_start3A_18, %mul3A_2, %dma_start3A_28] : memref<2x10240x16xf32, #tpu.memory_space<hbm>> -> memref<1x640x16xf32, #tpu.memory_space<hbm>>
    %dma_start3A_30 = tpu.memref_squeeze %dma_start3A_29 : memref<1x640x16xf32, #tpu.memory_space<hbm>> -> memref<640x16xf32, #tpu.memory_space<hbm>>
    tpu.enqueue_dma source(%dma_start3A_30 : memref<640x16xf32, #tpu.memory_space<hbm>>) target(%dma_start3A_27 : memref<640x16xf32, #tpu.memory_space<vmem>>) target_semaphore(%arg18 : memref<!tpu.dma_semaphore, #tpu.memory_space<semaphore_mem>>)
    %dma_start3A_31 = arith.constant 1 : i32
    %dma_start3A_32 = arith.constant 640 : i32
    %dma_start3A_33 = arith.constant 0 : i32
    %dma_start3A_34 = tpu.memref_slice %arg11[%dma_start3A_32, %dma_start3A_33] : memref<1280x16xf32, #tpu.memory_space<vmem>> -> memref<640x16xf32, #tpu.memory_space<vmem>>
    %dma_start3A_35 = arith.constant 0 : i32
    %dma_start3A_36 = tpu.memref_slice %arg2[%dma_start3A_31, %mul3A_2, %dma_start3A_35] : memref<2x10240x16xf32, #tpu.memory_space<hbm>> -> memref<1x640x16xf32, #tpu.memory_space<hbm>>
    %dma_start3A_37 = tpu.memref_squeeze %dma_start3A_36 : memref<1x640x16xf32, #tpu.memory_space<hbm>> -> memref<640x16xf32, #tpu.memory_space<hbm>>
    %dma_start3A_38 = arith.constant 640 : i32
    %dma_start3A_39 = arith.constant 0 : i32
    %dma_start3A_40 = tpu.memref_slice %arg11[%dma_start3A_38, %dma_start3A_39] : memref<1280x16xf32, #tpu.memory_space<vmem>> -> memref<640x16xf32, #tpu.memory_space<vmem>>
    %dma_start3A_41 = arith.constant 0 : i32
    %dma_start3A_42 = tpu.memref_slice %arg2[%dma_start3A_31, %mul3A_2, %dma_start3A_41] : memref<2x10240x16xf32, #tpu.memory_space<hbm>> -> memref<1x640x16xf32, #tpu.memory_space<hbm>>
    %dma_start3A_43 = tpu.memref_squeeze %dma_start3A_42 : memref<1x640x16xf32, #tpu.memory_space<hbm>> -> memref<640x16xf32, #tpu.memory_space<hbm>>
    tpu.enqueue_dma source(%dma_start3A_43 : memref<640x16xf32, #tpu.memory_space<hbm>>) target(%dma_start3A_40 : memref<640x16xf32, #tpu.memory_space<vmem>>) target_semaphore(%arg18 : memref<!tpu.dma_semaphore, #tpu.memory_space<semaphore_mem>>)
    %dma_start3A_44 = arith.constant 0 : i32
    %dma_start3A_45 = arith.constant 0 : i32
    %dma_start3A_46 = tpu.memref_slice %arg12[%dma_start3A_44, %dma_start3A_45] : memref<1280x16xf32, #tpu.memory_space<vmem>> -> memref<640x16xf32, #tpu.memory_space<vmem>>
    %dma_start3A_47 = arith.constant 0 : i32
    %dma_start3A_48 = tpu.memref_slice %arg3[%mul3A_2, %dma_start3A_47] : memref<10240x16xf32, #tpu.memory_space<hbm>> -> memref<640x16xf32, #tpu.memory_space<hbm>>
    %dma_start3A_49 = arith.constant 0 : i32
    %dma_start3A_50 = arith.constant 0 : i32
    %dma_start3A_51 = tpu.memref_slice %arg12[%dma_start3A_49, %dma_start3A_50] : memref<1280x16xf32, #tpu.memory_space<vmem>> -> memref<640x16xf32, #tpu.memory_space<vmem>>
    %dma_start3A_52 = arith.constant 0 : i32
    %dma_start3A_53 = tpu.memref_slice %arg3[%mul3A_2, %dma_start3A_52] : memref<10240x16xf32, #tpu.memory_space<hbm>> -> memref<640x16xf32, #tpu.memory_space<hbm>>
    tpu.enqueue_dma source(%dma_start3A_53 : memref<640x16xf32, #tpu.memory_space<hbm>>) target(%dma_start3A_51 : memref<640x16xf32, #tpu.memory_space<vmem>>) target_semaphore(%arg18 : memref<!tpu.dma_semaphore, #tpu.memory_space<semaphore_mem>>)
    %dma_start3A_54 = arith.constant 0 : i32
    %dma_start3A_55 = arith.constant 0 : i32
    %dma_start3A_56 = tpu.memref_slice %arg15[%dma_start3A_55] : memref<1280xf32, #tpu.memory_space<vmem>> -> memref<640xf32, #tpu.memory_space<vmem>>
    %dma_start3A_57 = tpu.memref_slice %arg4[%dma_start3A_54, %mul3A_2] : memref<2x10240xf32, #tpu.memory_space<hbm>> -> memref<1x640xf32, #tpu.memory_space<hbm>>
    %dma_start3A_58 = tpu.memref_squeeze %dma_start3A_57 : memref<1x640xf32, #tpu.memory_space<hbm>> -> memref<640xf32, #tpu.memory_space<hbm>>
    %dma_start3A_59 = arith.constant 0 : i32
    %dma_start3A_60 = tpu.memref_slice %arg15[%dma_start3A_59] : memref<1280xf32, #tpu.memory_space<vmem>> -> memref<640xf32, #tpu.memory_space<vmem>>
    %dma_start3A_61 = tpu.memref_slice %arg4[%dma_start3A_54, %mul3A_2] : memref<2x10240xf32, #tpu.memory_space<hbm>> -> memref<1x640xf32, #tpu.memory_space<hbm>>
    %dma_start3A_62 = tpu.memref_squeeze %dma_start3A_61 : memref<1x640xf32, #tpu.memory_space<hbm>> -> memref<640xf32, #tpu.memory_space<hbm>>
    tpu.enqueue_dma source(%dma_start3A_62 : memref<640xf32, #tpu.memory_space<hbm>>) target(%dma_start3A_60 : memref<640xf32, #tpu.memory_space<vmem>>) target_semaphore(%arg18 : memref<!tpu.dma_semaphore, #tpu.memory_space<semaphore_mem>>)
    %dma_start3A_63 = arith.constant 1 : i32
    %dma_start3A_64 = arith.constant 640 : i32
    %dma_start3A_65 = tpu.memref_slice %arg15[%dma_start3A_64] : memref<1280xf32, #tpu.memory_space<vmem>> -> memref<640xf32, #tpu.memory_space<vmem>>
    %dma_start3A_66 = tpu.memref_slice %arg4[%dma_start3A_63, %mul3A_2] : memref<2x10240xf32, #tpu.memory_space<hbm>> -> memref<1x640xf32, #tpu.memory_space<hbm>>
    %dma_start3A_67 = tpu.memref_squeeze %dma_start3A_66 : memref<1x640xf32, #tpu.memory_space<hbm>> -> memref<640xf32, #tpu.memory_space<hbm>>
    %dma_start3A_68 = arith.constant 640 : i32
    %dma_start3A_69 = tpu.memref_slice %arg15[%dma_start3A_68] : memref<1280xf32, #tpu.memory_space<vmem>> -> memref<640xf32, #tpu.memory_space<vmem>>
    %dma_start3A_70 = tpu.memref_slice %arg4[%dma_start3A_63, %mul3A_2] : memref<2x10240xf32, #tpu.memory_space<hbm>> -> memref<1x640xf32, #tpu.memory_space<hbm>>
    %dma_start3A_71 = tpu.memref_squeeze %dma_start3A_70 : memref<1x640xf32, #tpu.memory_space<hbm>> -> memref<640xf32, #tpu.memory_space<hbm>>
    tpu.enqueue_dma source(%dma_start3A_71 : memref<640xf32, #tpu.memory_space<hbm>>) target(%dma_start3A_69 : memref<640xf32, #tpu.memory_space<vmem>>) target_semaphore(%arg18 : memref<!tpu.dma_semaphore, #tpu.memory_space<semaphore_mem>>)
    %scan3A = arith.constant 0 : i32
    %scan3A_72 = arith.constant 0 : i32
    %scan3A_73 = arith.constant 128 : i32
    %scan3A_74 = arith.addi %scan3A_72, %scan3A_73 : i32
    %scan3A_75 = arith.constant 1 : i32
    scf.for %scan3A_387 = %scan3A_72 to %scan3A_74 step %scan3A_75  : i32 {
      %broadcast_in_dim3A = arith.constant 0.000000e+00 : f32
      %broadcast_in_dim3A_388 = vector.broadcast %broadcast_in_dim3A : f32 to vector<16xf32>
      %swap3A = arith.constant 0 : i32
      %swap3A_389 = arith.constant 0 : i32
      %swap3A_390 = tpu.memref_slice %arg14[%swap3A, %swap3A_389] : memref<640x16xf32, #tpu.memory_space<vmem>> -> memref<128x16xf32, #tpu.memory_space<vmem>>
      %swap3A_391 = arith.index_cast %scan3A_387 : i32 to index
      %swap3A_392 = arith.constant 0 : index
      %swap3A_393 = tpu.vector_load %swap3A_390[%swap3A_391, %swap3A_392] {strides = array<i32>} : memref<128x16xf32, #tpu.memory_space<vmem>>, vector<1x16xf32>,
      %swap3A_394 = vector.shape_cast %swap3A_393 : vector<1x16xf32> to vector<16xf32>
      %swap3A_395 = vector.shape_cast %broadcast_in_dim3A_388 : vector<16xf32> to vector<1x16xf32>
      tpu.vector_store %swap3A_390[%swap3A_391, %swap3A_392], %swap3A_395 {strides = array<i32>} : memref<128x16xf32, #tpu.memory_space<vmem>>, vector<1x16xf32>,
    }
    %scan3A_76 = arith.constant 128 : i32
    %add3A_77 = arith.constant 0 : i32
    %add3A_78 = arith.addi %mul3A_2, %add3A_77 : i32
    "tpu.region"() ({
      %run_scoped3A = tpu.sem_alloc : memref<!tpu.dma_semaphore, #tpu.memory_space<semaphore_mem>>
      %dma_start3A_387 = arith.constant 0 : i32
      %dma_start3A_388 = arith.constant 0 : i32
      %dma_start3A_389 = tpu.memref_slice %arg14[%dma_start3A_387, %dma_start3A_388] : memref<640x16xf32, #tpu.memory_space<vmem>> -> memref<128x16xf32, #tpu.memory_space<vmem>>
      %dma_start3A_390 = arith.constant 0 : i32
      %dma_start3A_391 = tpu.memref_slice %arg16[%add3A_78, %dma_start3A_390] : memref<10240x16xf32, #tpu.memory_space<vmem_shared>> -> memref<128x16xf32, #tpu.memory_space<vmem_shared>>
      %dma_start3A_392 = arith.constant 0 : i32
      %dma_start3A_393 = tpu.memref_slice %arg16[%add3A_78, %dma_start3A_392] : memref<10240x16xf32, #tpu.memory_space<vmem_shared>> -> memref<128x16xf32, #tpu.memory_space<vmem_shared>>
      %dma_start3A_394 = arith.constant 0 : i32
      %dma_start3A_395 = arith.constant 0 : i32
      %dma_start3A_396 = tpu.memref_slice %arg14[%dma_start3A_394, %dma_start3A_395] : memref<640x16xf32, #tpu.memory_space<vmem>> -> memref<128x16xf32, #tpu.memory_space<vmem>>
      tpu.enqueue_dma source(%dma_start3A_396 : memref<128x16xf32, #tpu.memory_space<vmem>>) target(%dma_start3A_393 : memref<128x16xf32, #tpu.memory_space<vmem_shared>>) target_semaphore(%run_scoped3A : memref<!tpu.dma_semaphore, #tpu.memory_space<semaphore_mem>>)
      %dma_wait3A_397 = arith.constant 0 : i32
      %dma_wait3A_398 = arith.constant 0 : i32
      %dma_wait3A_399 = tpu.memref_slice %arg14[%dma_wait3A_397, %dma_wait3A_398] : memref<640x16xf32, #tpu.memory_space<vmem>> -> memref<128x16xf32, #tpu.memory_space<vmem>>
      %dma_wait3A_400 = arith.constant 0 : i32
      %dma_wait3A_401 = tpu.memref_slice %arg16[%add3A_78, %dma_wait3A_400] : memref<10240x16xf32, #tpu.memory_space<vmem_shared>> -> memref<128x16xf32, #tpu.memory_space<vmem_shared>>
      %dma_wait3A_402 = arith.constant 0 : i32
      %dma_wait3A_403 = tpu.memref_slice %arg16[%add3A_78, %dma_wait3A_402] : memref<10240x16xf32, #tpu.memory_space<vmem_shared>> -> memref<128x16xf32, #tpu.memory_space<vmem_shared>>
      %dma_wait3A_404 = arith.constant 0 : i32
      %dma_wait3A_405 = arith.constant 0 : i32
      %dma_wait3A_406 = tpu.memref_slice %arg14[%dma_wait3A_404, %dma_wait3A_405] : memref<640x16xf32, #tpu.memory_space<vmem>> -> memref<128x16xf32, #tpu.memory_space<vmem>>
      tpu.wait_dma2 semaphore(%run_scoped3A : memref<!tpu.dma_semaphore, #tpu.memory_space<semaphore_mem>>) src(%dma_wait3A_406 : memref<128x16xf32, #tpu.memory_space<vmem>>) dst(%dma_wait3A_403 : memref<128x16xf32, #tpu.memory_space<vmem_shared>>)
      tpu.yield
    }) : () -> ()
    %add3A_79 = arith.constant 128 : i32
    %add3A_80 = arith.addi %mul3A_2, %add3A_79 : i32
    "tpu.region"() ({
      %run_scoped3A = tpu.sem_alloc : memref<!tpu.dma_semaphore, #tpu.memory_space<semaphore_mem>>
      %dma_start3A_387 = arith.constant 0 : i32
      %dma_start3A_388 = arith.constant 0 : i32
      %dma_start3A_389 = tpu.memref_slice %arg14[%dma_start3A_387, %dma_start3A_388] : memref<640x16xf32, #tpu.memory_space<vmem>> -> memref<128x16xf32, #tpu.memory_space<vmem>>
      %dma_start3A_390 = arith.constant 0 : i32
      %dma_start3A_391 = tpu.memref_slice %arg16[%add3A_80, %dma_start3A_390] : memref<10240x16xf32, #tpu.memory_space<vmem_shared>> -> memref<128x16xf32, #tpu.memory_space<vmem_shared>>
      %dma_start3A_392 = arith.constant 0 : i32
      %dma_start3A_393 = tpu.memref_slice %arg16[%add3A_80, %dma_start3A_392] : memref<10240x16xf32, #tpu.memory_space<vmem_shared>> -> memref<128x16xf32, #tpu.memory_space<vmem_shared>>
      %dma_start3A_394 = arith.constant 0 : i32
      %dma_start3A_395 = arith.constant 0 : i32
      %dma_start3A_396 = tpu.memref_slice %arg14[%dma_start3A_394, %dma_start3A_395] : memref<640x16xf32, #tpu.memory_space<vmem>> -> memref<128x16xf32, #tpu.memory_space<vmem>>
      tpu.enqueue_dma source(%dma_start3A_396 : memref<128x16xf32, #tpu.memory_space<vmem>>) target(%dma_start3A_393 : memref<128x16xf32, #tpu.memory_space<vmem_shared>>) target_semaphore(%run_scoped3A : memref<!tpu.dma_semaphore, #tpu.memory_space<semaphore_mem>>)
      %dma_wait3A_397 = arith.constant 0 : i32
      %dma_wait3A_398 = arith.constant 0 : i32
      %dma_wait3A_399 = tpu.memref_slice %arg14[%dma_wait3A_397, %dma_wait3A_398] : memref<640x16xf32, #tpu.memory_space<vmem>> -> memref<128x16xf32, #tpu.memory_space<vmem>>
      %dma_wait3A_400 = arith.constant 0 : i32
      %dma_wait3A_401 = tpu.memref_slice %arg16[%add3A_80, %dma_wait3A_400] : memref<10240x16xf32, #tpu.memory_space<vmem_shared>> -> memref<128x16xf32, #tpu.memory_space<vmem_shared>>
      %dma_wait3A_402 = arith.constant 0 : i32
      %dma_wait3A_403 = tpu.memref_slice %arg16[%add3A_80, %dma_wait3A_402] : memref<10240x16xf32, #tpu.memory_space<vmem_shared>> -> memref<128x16xf32, #tpu.memory_space<vmem_shared>>
      %dma_wait3A_404 = arith.constant 0 : i32
      %dma_wait3A_405 = arith.constant 0 : i32
      %dma_wait3A_406 = tpu.memref_slice %arg14[%dma_wait3A_404, %dma_wait3A_405] : memref<640x16xf32, #tpu.memory_space<vmem>> -> memref<128x16xf32, #tpu.memory_space<vmem>>
      tpu.wait_dma2 semaphore(%run_scoped3A : memref<!tpu.dma_semaphore, #tpu.memory_space<semaphore_mem>>) src(%dma_wait3A_406 : memref<128x16xf32, #tpu.memory_space<vmem>>) dst(%dma_wait3A_403 : memref<128x16xf32, #tpu.memory_space<vmem_shared>>)
      tpu.yield
    }) : () -> ()
    %add3A_81 = arith.constant 256 : i32
    %add3A_82 = arith.addi %mul3A_2, %add3A_81 : i32
    "tpu.region"() ({
      %run_scoped3A = tpu.sem_alloc : memref<!tpu.dma_semaphore, #tpu.memory_space<semaphore_mem>>
      %dma_start3A_387 = arith.constant 0 : i32
      %dma_start3A_388 = arith.constant 0 : i32
      %dma_start3A_389 = tpu.memref_slice %arg14[%dma_start3A_387, %dma_start3A_388] : memref<640x16xf32, #tpu.memory_space<vmem>> -> memref<128x16xf32, #tpu.memory_space<vmem>>
      %dma_start3A_390 = arith.constant 0 : i32
      %dma_start3A_391 = tpu.memref_slice %arg16[%add3A_82, %dma_start3A_390] : memref<10240x16xf32, #tpu.memory_space<vmem_shared>> -> memref<128x16xf32, #tpu.memory_space<vmem_shared>>
      %dma_start3A_392 = arith.constant 0 : i32
      %dma_start3A_393 = tpu.memref_slice %arg16[%add3A_82, %dma_start3A_392] : memref<10240x16xf32, #tpu.memory_space<vmem_shared>> -> memref<128x16xf32, #tpu.memory_space<vmem_shared>>
      %dma_start3A_394 = arith.constant 0 : i32
      %dma_start3A_395 = arith.constant 0 : i32
      %dma_start3A_396 = tpu.memref_slice %arg14[%dma_start3A_394, %dma_start3A_395] : memref<640x16xf32, #tpu.memory_space<vmem>> -> memref<128x16xf32, #tpu.memory_space<vmem>>
      tpu.enqueue_dma source(%dma_start3A_396 : memref<128x16xf32, #tpu.memory_space<vmem>>) target(%dma_start3A_393 : memref<128x16xf32, #tpu.memory_space<vmem_shared>>) target_semaphore(%run_scoped3A : memref<!tpu.dma_semaphore, #tpu.memory_space<semaphore_mem>>)
      %dma_wait3A_397 = arith.constant 0 : i32
      %dma_wait3A_398 = arith.constant 0 : i32
      %dma_wait3A_399 = tpu.memref_slice %arg14[%dma_wait3A_397, %dma_wait3A_398] : memref<640x16xf32, #tpu.memory_space<vmem>> -> memref<128x16xf32, #tpu.memory_space<vmem>>
      %dma_wait3A_400 = arith.constant 0 : i32
      %dma_wait3A_401 = tpu.memref_slice %arg16[%add3A_82, %dma_wait3A_400] : memref<10240x16xf32, #tpu.memory_space<vmem_shared>> -> memref<128x16xf32, #tpu.memory_space<vmem_shared>>
      %dma_wait3A_402 = arith.constant 0 : i32
      %dma_wait3A_403 = tpu.memref_slice %arg16[%add3A_82, %dma_wait3A_402] : memref<10240x16xf32, #tpu.memory_space<vmem_shared>> -> memref<128x16xf32, #tpu.memory_space<vmem_shared>>
      %dma_wait3A_404 = arith.constant 0 : i32
      %dma_wait3A_405 = arith.constant 0 : i32
      %dma_wait3A_406 = tpu.memref_slice %arg14[%dma_wait3A_404, %dma_wait3A_405] : memref<640x16xf32, #tpu.memory_space<vmem>> -> memref<128x16xf32, #tpu.memory_space<vmem>>
      tpu.wait_dma2 semaphore(%run_scoped3A : memref<!tpu.dma_semaphore, #tpu.memory_space<semaphore_mem>>) src(%dma_wait3A_406 : memref<128x16xf32, #tpu.memory_space<vmem>>) dst(%dma_wait3A_403 : memref<128x16xf32, #tpu.memory_space<vmem_shared>>)
      tpu.yield
    }) : () -> ()
    %add3A_83 = arith.constant 384 : i32
    %add3A_84 = arith.addi %mul3A_2, %add3A_83 : i32
    "tpu.region"() ({
      %run_scoped3A = tpu.sem_alloc : memref<!tpu.dma_semaphore, #tpu.memory_space<semaphore_mem>>
      %dma_start3A_387 = arith.constant 0 : i32
      %dma_start3A_388 = arith.constant 0 : i32
      %dma_start3A_389 = tpu.memref_slice %arg14[%dma_start3A_387, %dma_start3A_388] : memref<640x16xf32, #tpu.memory_space<vmem>> -> memref<128x16xf32, #tpu.memory_space<vmem>>
      %dma_start3A_390 = arith.constant 0 : i32
      %dma_start3A_391 = tpu.memref_slice %arg16[%add3A_84, %dma_start3A_390] : memref<10240x16xf32, #tpu.memory_space<vmem_shared>> -> memref<128x16xf32, #tpu.memory_space<vmem_shared>>
      %dma_start3A_392 = arith.constant 0 : i32
      %dma_start3A_393 = tpu.memref_slice %arg16[%add3A_84, %dma_start3A_392] : memref<10240x16xf32, #tpu.memory_space<vmem_shared>> -> memref<128x16xf32, #tpu.memory_space<vmem_shared>>
      %dma_start3A_394 = arith.constant 0 : i32
      %dma_start3A_395 = arith.constant 0 : i32
      %dma_start3A_396 = tpu.memref_slice %arg14[%dma_start3A_394, %dma_start3A_395] : memref<640x16xf32, #tpu.memory_space<vmem>> -> memref<128x16xf32, #tpu.memory_space<vmem>>
      tpu.enqueue_dma source(%dma_start3A_396 : memref<128x16xf32, #tpu.memory_space<vmem>>) target(%dma_start3A_393 : memref<128x16xf32, #tpu.memory_space<vmem_shared>>) target_semaphore(%run_scoped3A : memref<!tpu.dma_semaphore, #tpu.memory_space<semaphore_mem>>)
      %dma_wait3A_397 = arith.constant 0 : i32
      %dma_wait3A_398 = arith.constant 0 : i32
      %dma_wait3A_399 = tpu.memref_slice %arg14[%dma_wait3A_397, %dma_wait3A_398] : memref<640x16xf32, #tpu.memory_space<vmem>> -> memref<128x16xf32, #tpu.memory_space<vmem>>
      %dma_wait3A_400 = arith.constant 0 : i32
      %dma_wait3A_401 = tpu.memref_slice %arg16[%add3A_84, %dma_wait3A_400] : memref<10240x16xf32, #tpu.memory_space<vmem_shared>> -> memref<128x16xf32, #tpu.memory_space<vmem_shared>>
      %dma_wait3A_402 = arith.constant 0 : i32
      %dma_wait3A_403 = tpu.memref_slice %arg16[%add3A_84, %dma_wait3A_402] : memref<10240x16xf32, #tpu.memory_space<vmem_shared>> -> memref<128x16xf32, #tpu.memory_space<vmem_shared>>
      %dma_wait3A_404 = arith.constant 0 : i32
      %dma_wait3A_405 = arith.constant 0 : i32
      %dma_wait3A_406 = tpu.memref_slice %arg14[%dma_wait3A_404, %dma_wait3A_405] : memref<640x16xf32, #tpu.memory_space<vmem>> -> memref<128x16xf32, #tpu.memory_space<vmem>>
      tpu.wait_dma2 semaphore(%run_scoped3A : memref<!tpu.dma_semaphore, #tpu.memory_space<semaphore_mem>>) src(%dma_wait3A_406 : memref<128x16xf32, #tpu.memory_space<vmem>>) dst(%dma_wait3A_403 : memref<128x16xf32, #tpu.memory_space<vmem_shared>>)
      tpu.yield
    }) : () -> ()
    %add3A_85 = arith.constant 512 : i32
    %add3A_86 = arith.addi %mul3A_2, %add3A_85 : i32
    "tpu.region"() ({
      %run_scoped3A = tpu.sem_alloc : memref<!tpu.dma_semaphore, #tpu.memory_space<semaphore_mem>>
      %dma_start3A_387 = arith.constant 0 : i32
      %dma_start3A_388 = arith.constant 0 : i32
      %dma_start3A_389 = tpu.memref_slice %arg14[%dma_start3A_387, %dma_start3A_388] : memref<640x16xf32, #tpu.memory_space<vmem>> -> memref<128x16xf32, #tpu.memory_space<vmem>>
      %dma_start3A_390 = arith.constant 0 : i32
      %dma_start3A_391 = tpu.memref_slice %arg16[%add3A_86, %dma_start3A_390] : memref<10240x16xf32, #tpu.memory_space<vmem_shared>> -> memref<128x16xf32, #tpu.memory_space<vmem_shared>>
      %dma_start3A_392 = arith.constant 0 : i32
      %dma_start3A_393 = tpu.memref_slice %arg16[%add3A_86, %dma_start3A_392] : memref<10240x16xf32, #tpu.memory_space<vmem_shared>> -> memref<128x16xf32, #tpu.memory_space<vmem_shared>>
      %dma_start3A_394 = arith.constant 0 : i32
      %dma_start3A_395 = arith.constant 0 : i32
      %dma_start3A_396 = tpu.memref_slice %arg14[%dma_start3A_394, %dma_start3A_395] : memref<640x16xf32, #tpu.memory_space<vmem>> -> memref<128x16xf32, #tpu.memory_space<vmem>>
      tpu.enqueue_dma source(%dma_start3A_396 : memref<128x16xf32, #tpu.memory_space<vmem>>) target(%dma_start3A_393 : memref<128x16xf32, #tpu.memory_space<vmem_shared>>) target_semaphore(%run_scoped3A : memref<!tpu.dma_semaphore, #tpu.memory_space<semaphore_mem>>)
      %dma_wait3A_397 = arith.constant 0 : i32
      %dma_wait3A_398 = arith.constant 0 : i32
      %dma_wait3A_399 = tpu.memref_slice %arg14[%dma_wait3A_397, %dma_wait3A_398] : memref<640x16xf32, #tpu.memory_space<vmem>> -> memref<128x16xf32, #tpu.memory_space<vmem>>
      %dma_wait3A_400 = arith.constant 0 : i32
      %dma_wait3A_401 = tpu.memref_slice %arg16[%add3A_86, %dma_wait3A_400] : memref<10240x16xf32, #tpu.memory_space<vmem_shared>> -> memref<128x16xf32, #tpu.memory_space<vmem_shared>>
      %dma_wait3A_402 = arith.constant 0 : i32
      %dma_wait3A_403 = tpu.memref_slice %arg16[%add3A_86, %dma_wait3A_402] : memref<10240x16xf32, #tpu.memory_space<vmem_shared>> -> memref<128x16xf32, #tpu.memory_space<vmem_shared>>
      %dma_wait3A_404 = arith.constant 0 : i32
      %dma_wait3A_405 = arith.constant 0 : i32
      %dma_wait3A_406 = tpu.memref_slice %arg14[%dma_wait3A_404, %dma_wait3A_405] : memref<640x16xf32, #tpu.memory_space<vmem>> -> memref<128x16xf32, #tpu.memory_space<vmem>>
      tpu.wait_dma2 semaphore(%run_scoped3A : memref<!tpu.dma_semaphore, #tpu.memory_space<semaphore_mem>>) src(%dma_wait3A_406 : memref<128x16xf32, #tpu.memory_space<vmem>>) dst(%dma_wait3A_403 : memref<128x16xf32, #tpu.memory_space<vmem_shared>>)
      tpu.yield
    }) : () -> ()
    %dma_wait3A = arith.constant 0 : i32
    %dma_wait3A_87 = arith.constant 0 : i32
    %dma_wait3A_88 = tpu.memref_slice %arg5[%add3A, %dma_wait3A, %dma_wait3A_87] : memref<32x8x1280xi32, #tpu.memory_space<hbm>> -> memref<1x8x1280xi32, #tpu.memory_space<hbm>>
    %dma_wait3A_89 = tpu.memref_squeeze %dma_wait3A_88 : memref<1x8x1280xi32, #tpu.memory_space<hbm>> -> memref<8x1280xi32, #tpu.memory_space<hbm>>
    %dma_wait3A_90 = arith.constant 0 : i32
    %dma_wait3A_91 = arith.constant 0 : i32
    %dma_wait3A_92 = tpu.memref_slice %arg5[%add3A, %dma_wait3A_90, %dma_wait3A_91] : memref<32x8x1280xi32, #tpu.memory_space<hbm>> -> memref<1x8x1280xi32, #tpu.memory_space<hbm>>
    %dma_wait3A_93 = tpu.memref_squeeze %dma_wait3A_92 : memref<1x8x1280xi32, #tpu.memory_space<hbm>> -> memref<8x1280xi32, #tpu.memory_space<hbm>>
    tpu.wait_dma2 semaphore(%arg18 : memref<!tpu.dma_semaphore, #tpu.memory_space<semaphore_mem>>) src(%dma_wait3A_93 : memref<8x1280xi32, #tpu.memory_space<hbm>>) dst(%arg9 : memref<8x1280xi32, #tpu.memory_space<vmem>>)
    %dma_wait3A_94 = arith.constant 0 : i32
    %dma_wait3A_95 = arith.constant 0 : i32
    %dma_wait3A_96 = tpu.memref_slice %arg6[%add3A, %dma_wait3A_94, %dma_wait3A_95] : memref<32x8x1280xi32, #tpu.memory_space<hbm>> -> memref<1x8x1280xi32, #tpu.memory_space<hbm>>
    %dma_wait3A_97 = tpu.memref_squeeze %dma_wait3A_96 : memref<1x8x1280xi32, #tpu.memory_space<hbm>> -> memref<8x1280xi32, #tpu.memory_space<hbm>>
    %dma_wait3A_98 = arith.constant 0 : i32
    %dma_wait3A_99 = arith.constant 0 : i32
    %dma_wait3A_100 = tpu.memref_slice %arg6[%add3A, %dma_wait3A_98, %dma_wait3A_99] : memref<32x8x1280xi32, #tpu.memory_space<hbm>> -> memref<1x8x1280xi32, #tpu.memory_space<hbm>>
    %dma_wait3A_101 = tpu.memref_squeeze %dma_wait3A_100 : memref<1x8x1280xi32, #tpu.memory_space<hbm>> -> memref<8x1280xi32, #tpu.memory_space<hbm>>
    tpu.wait_dma2 semaphore(%arg18 : memref<!tpu.dma_semaphore, #tpu.memory_space<semaphore_mem>>) src(%dma_wait3A_101 : memref<8x1280xi32, #tpu.memory_space<hbm>>) dst(%arg10 : memref<8x1280xi32, #tpu.memory_space<vmem>>)
    %dma_wait3A_102 = arith.constant 0 : i32
    %dma_wait3A_103 = arith.constant 0 : i32
    %dma_wait3A_104 = arith.constant 0 : i32
    %dma_wait3A_105 = tpu.memref_slice %arg11[%dma_wait3A_103, %dma_wait3A_104] : memref<1280x16xf32, #tpu.memory_space<vmem>> -> memref<640x16xf32, #tpu.memory_space<vmem>>
    %dma_wait3A_106 = arith.constant 0 : i32
    %dma_wait3A_107 = tpu.memref_slice %arg2[%dma_wait3A_102, %mul3A_2, %dma_wait3A_106] : memref<2x10240x16xf32, #tpu.memory_space<hbm>> -> memref<1x640x16xf32, #tpu.memory_space<hbm>>
    %dma_wait3A_108 = tpu.memref_squeeze %dma_wait3A_107 : memref<1x640x16xf32, #tpu.memory_space<hbm>> -> memref<640x16xf32, #tpu.memory_space<hbm>>
    %dma_wait3A_109 = arith.constant 0 : i32
    %dma_wait3A_110 = arith.constant 0 : i32
    %dma_wait3A_111 = tpu.memref_slice %arg11[%dma_wait3A_109, %dma_wait3A_110] : memref<1280x16xf32, #tpu.memory_space<vmem>> -> memref<640x16xf32, #tpu.memory_space<vmem>>
    %dma_wait3A_112 = arith.constant 0 : i32
    %dma_wait3A_113 = tpu.memref_slice %arg2[%dma_wait3A_102, %mul3A_2, %dma_wait3A_112] : memref<2x10240x16xf32, #tpu.memory_space<hbm>> -> memref<1x640x16xf32, #tpu.memory_space<hbm>>
    %dma_wait3A_114 = tpu.memref_squeeze %dma_wait3A_113 : memref<1x640x16xf32, #tpu.memory_space<hbm>> -> memref<640x16xf32, #tpu.memory_space<hbm>>
    tpu.wait_dma2 semaphore(%arg18 : memref<!tpu.dma_semaphore, #tpu.memory_space<semaphore_mem>>) src(%dma_wait3A_114 : memref<640x16xf32, #tpu.memory_space<hbm>>) dst(%dma_wait3A_111 : memref<640x16xf32, #tpu.memory_space<vmem>>)
    %dma_wait3A_115 = arith.constant 1 : i32
    %dma_wait3A_116 = arith.constant 640 : i32
    %dma_wait3A_117 = arith.constant 0 : i32
    %dma_wait3A_118 = tpu.memref_slice %arg11[%dma_wait3A_116, %dma_wait3A_117] : memref<1280x16xf32, #tpu.memory_space<vmem>> -> memref<640x16xf32, #tpu.memory_space<vmem>>
    %dma_wait3A_119 = arith.constant 0 : i32
    %dma_wait3A_120 = tpu.memref_slice %arg2[%dma_wait3A_115, %mul3A_2, %dma_wait3A_119] : memref<2x10240x16xf32, #tpu.memory_space<hbm>> -> memref<1x640x16xf32, #tpu.memory_space<hbm>>
    %dma_wait3A_121 = tpu.memref_squeeze %dma_wait3A_120 : memref<1x640x16xf32, #tpu.memory_space<hbm>> -> memref<640x16xf32, #tpu.memory_space<hbm>>
    %dma_wait3A_122 = arith.constant 640 : i32
    %dma_wait3A_123 = arith.constant 0 : i32
    %dma_wait3A_124 = tpu.memref_slice %arg11[%dma_wait3A_122, %dma_wait3A_123] : memref<1280x16xf32, #tpu.memory_space<vmem>> -> memref<640x16xf32, #tpu.memory_space<vmem>>
    %dma_wait3A_125 = arith.constant 0 : i32
    %dma_wait3A_126 = tpu.memref_slice %arg2[%dma_wait3A_115, %mul3A_2, %dma_wait3A_125] : memref<2x10240x16xf32, #tpu.memory_space<hbm>> -> memref<1x640x16xf32, #tpu.memory_space<hbm>>
    %dma_wait3A_127 = tpu.memref_squeeze %dma_wait3A_126 : memref<1x640x16xf32, #tpu.memory_space<hbm>> -> memref<640x16xf32, #tpu.memory_space<hbm>>
    tpu.wait_dma2 semaphore(%arg18 : memref<!tpu.dma_semaphore, #tpu.memory_space<semaphore_mem>>) src(%dma_wait3A_127 : memref<640x16xf32, #tpu.memory_space<hbm>>) dst(%dma_wait3A_124 : memref<640x16xf32, #tpu.memory_space<vmem>>)
    %dma_wait3A_128 = arith.constant 0 : i32
    %dma_wait3A_129 = arith.constant 0 : i32
    %dma_wait3A_130 = tpu.memref_slice %arg12[%dma_wait3A_128, %dma_wait3A_129] : memref<1280x16xf32, #tpu.memory_space<vmem>> -> memref<640x16xf32, #tpu.memory_space<vmem>>
    %dma_wait3A_131 = arith.constant 0 : i32
    %dma_wait3A_132 = tpu.memref_slice %arg3[%mul3A_2, %dma_wait3A_131] : memref<10240x16xf32, #tpu.memory_space<hbm>> -> memref<640x16xf32, #tpu.memory_space<hbm>>
    %dma_wait3A_133 = arith.constant 0 : i32
    %dma_wait3A_134 = arith.constant 0 : i32
    %dma_wait3A_135 = tpu.memref_slice %arg12[%dma_wait3A_133, %dma_wait3A_134] : memref<1280x16xf32, #tpu.memory_space<vmem>> -> memref<640x16xf32, #tpu.memory_space<vmem>>
    %dma_wait3A_136 = arith.constant 0 : i32
    %dma_wait3A_137 = tpu.memref_slice %arg3[%mul3A_2, %dma_wait3A_136] : memref<10240x16xf32, #tpu.memory_space<hbm>> -> memref<640x16xf32, #tpu.memory_space<hbm>>
    tpu.wait_dma2 semaphore(%arg18 : memref<!tpu.dma_semaphore, #tpu.memory_space<semaphore_mem>>) src(%dma_wait3A_137 : memref<640x16xf32, #tpu.memory_space<hbm>>) dst(%dma_wait3A_135 : memref<640x16xf32, #tpu.memory_space<vmem>>)
    %dma_wait3A_138 = arith.constant 0 : i32
    %dma_wait3A_139 = arith.constant 0 : i32
    %dma_wait3A_140 = tpu.memref_slice %arg15[%dma_wait3A_139] : memref<1280xf32, #tpu.memory_space<vmem>> -> memref<640xf32, #tpu.memory_space<vmem>>
    %dma_wait3A_141 = tpu.memref_slice %arg4[%dma_wait3A_138, %mul3A_2] : memref<2x10240xf32, #tpu.memory_space<hbm>> -> memref<1x640xf32, #tpu.memory_space<hbm>>
    %dma_wait3A_142 = tpu.memref_squeeze %dma_wait3A_141 : memref<1x640xf32, #tpu.memory_space<hbm>> -> memref<640xf32, #tpu.memory_space<hbm>>
    %dma_wait3A_143 = arith.constant 0 : i32
    %dma_wait3A_144 = tpu.memref_slice %arg15[%dma_wait3A_143] : memref<1280xf32, #tpu.memory_space<vmem>> -> memref<640xf32, #tpu.memory_space<vmem>>
    %dma_wait3A_145 = tpu.memref_slice %arg4[%dma_wait3A_138, %mul3A_2] : memref<2x10240xf32, #tpu.memory_space<hbm>> -> memref<1x640xf32, #tpu.memory_space<hbm>>
    %dma_wait3A_146 = tpu.memref_squeeze %dma_wait3A_145 : memref<1x640xf32, #tpu.memory_space<hbm>> -> memref<640xf32, #tpu.memory_space<hbm>>
    tpu.wait_dma2 semaphore(%arg18 : memref<!tpu.dma_semaphore, #tpu.memory_space<semaphore_mem>>) src(%dma_wait3A_146 : memref<640xf32, #tpu.memory_space<hbm>>) dst(%dma_wait3A_144 : memref<640xf32, #tpu.memory_space<vmem>>)
    %dma_wait3A_147 = arith.constant 1 : i32
    %dma_wait3A_148 = arith.constant 640 : i32
    %dma_wait3A_149 = tpu.memref_slice %arg15[%dma_wait3A_148] : memref<1280xf32, #tpu.memory_space<vmem>> -> memref<640xf32, #tpu.memory_space<vmem>>
    %dma_wait3A_150 = tpu.memref_slice %arg4[%dma_wait3A_147, %mul3A_2] : memref<2x10240xf32, #tpu.memory_space<hbm>> -> memref<1x640xf32, #tpu.memory_space<hbm>>
    %dma_wait3A_151 = tpu.memref_squeeze %dma_wait3A_150 : memref<1x640xf32, #tpu.memory_space<hbm>> -> memref<640xf32, #tpu.memory_space<hbm>>
    %dma_wait3A_152 = arith.constant 640 : i32
    %dma_wait3A_153 = tpu.memref_slice %arg15[%dma_wait3A_152] : memref<1280xf32, #tpu.memory_space<vmem>> -> memref<640xf32, #tpu.memory_space<vmem>>
    %dma_wait3A_154 = tpu.memref_slice %arg4[%dma_wait3A_147, %mul3A_2] : memref<2x10240xf32, #tpu.memory_space<hbm>> -> memref<1x640xf32, #tpu.memory_space<hbm>>
    %dma_wait3A_155 = tpu.memref_squeeze %dma_wait3A_154 : memref<1x640xf32, #tpu.memory_space<hbm>> -> memref<640xf32, #tpu.memory_space<hbm>>
    tpu.wait_dma2 semaphore(%arg18 : memref<!tpu.dma_semaphore, #tpu.memory_space<semaphore_mem>>) src(%dma_wait3A_155 : memref<640xf32, #tpu.memory_space<hbm>>) dst(%dma_wait3A_153 : memref<640xf32, #tpu.memory_space<vmem>>)
    %scan3A_156 = arith.constant 0 : i32
    %scan3A_157 = arith.constant 0 : i32
    %scan3A_158 = arith.constant 40 : i32
    %scan3A_159 = arith.addi %scan3A_157, %scan3A_158 : i32
    %scan3A_160 = arith.constant 1 : i32
    scf.for %scan3A_387 = %scan3A_157 to %scan3A_159 step %scan3A_160  : i32 {
      %mul3A_388 = arith.constant 16 : i32
      %mul3A_389 = arith.muli %scan3A_387, %mul3A_388 : i32
      %get3A = arith.index_cast %mul3A_389 : i32 to index
      %get3A_390 = tpu.vector_load %arg15[%get3A] {strides = array<i32>} : memref<1280xf32, #tpu.memory_space<vmem>>, vector<16xf32>,
      %get3A_391 = vector.shape_cast %get3A_390 : vector<16xf32> to vector<16xf32>
      %add3A_392 = arith.constant 640 : i32
      %add3A_393 = arith.addi %add3A_392, %mul3A_389 : i32
      %get3A_394 = arith.index_cast %add3A_393 : i32 to index
      %get3A_395 = tpu.vector_load %arg15[%get3A_394] {strides = array<i32>} : memref<1280xf32, #tpu.memory_space<vmem>>, vector<16xf32>,
      %get3A_396 = vector.shape_cast %get3A_395 : vector<16xf32> to vector<16xf32>
      %add3A_397 = arith.addf %get3A_391, %get3A_396 : vector<16xf32>
      %add3A_398 = arith.constant 1.000000e+00 : f32
      %add3A_399 = vector.broadcast %add3A_398 : f32 to vector<16xf32>
      %add3A_400 = arith.addf %add3A_397, %add3A_399 : vector<16xf32>
      %div3A = arith.constant 1.000000e+00 : f32
      %div3A_401 = vector.broadcast %div3A : f32 to vector<16xf32>
      %div3A_402 = arith.divf %div3A_401, %add3A_400 : vector<16xf32>
      %add3A_403 = arith.constant 0 : i32
      %add3A_404 = arith.addi %mul3A_389, %add3A_403 : i32
      %get3A_405 = arith.index_cast %add3A_404 : i32 to index
      %get3A_406 = arith.constant 0 : index
      %get3A_407 = tpu.vector_load %arg11[%get3A_405, %get3A_406] {strides = array<i32>} : memref<1280x16xf32, #tpu.memory_space<vmem>>, vector<1x16xf32>,
      %get3A_408 = vector.shape_cast %get3A_407 : vector<1x16xf32> to vector<16xf32>
      %add3A_409 = arith.constant 640 : i32
      %add3A_410 = arith.addi %add3A_409, %add3A_404 : i32
      %get3A_411 = arith.index_cast %add3A_410 : i32 to index
      %get3A_412 = arith.constant 0 : index
      %get3A_413 = tpu.vector_load %arg11[%get3A_411, %get3A_412] {strides = array<i32>} : memref<1280x16xf32, #tpu.memory_space<vmem>>, vector<1x16xf32>,
      %get3A_414 = vector.shape_cast %get3A_413 : vector<1x16xf32> to vector<16xf32>
      %add3A_415 = arith.addf %get3A_408, %get3A_414 : vector<16xf32>
      %get3A_416 = arith.index_cast %add3A_404 : i32 to index
      %get3A_417 = arith.constant 0 : index
      %get3A_418 = tpu.vector_load %arg12[%get3A_416, %get3A_417] {strides = array<i32>} : memref<1280x16xf32, #tpu.memory_space<vmem>>, vector<1x16xf32>,
      %get3A_419 = vector.shape_cast %get3A_418 : vector<1x16xf32> to vector<16xf32>
      %add3A_420 = arith.addf %add3A_415, %get3A_419 : vector<16xf32>
      %slice3A = vector.extract_strided_slice %div3A_402 {offsets = [0], sizes = [1], strides = [1]} : vector<16xf32> to vector<1xf32>
      %squeeze3A = vector.extract %slice3A[0] : f32 from vector<1xf32>
      %mul3A_421 = vector.broadcast %squeeze3A : f32 to vector<16xf32>
      %mul3A_422 = arith.mulf %add3A_420, %mul3A_421 : vector<16xf32>
      %swap3A = arith.index_cast %add3A_404 : i32 to index
      %swap3A_423 = arith.constant 0 : index
      %swap3A_424 = tpu.vector_load %arg14[%swap3A, %swap3A_423] {strides = array<i32>} : memref<640x16xf32, #tpu.memory_space<vmem>>, vector<1x16xf32>,
      %swap3A_425 = vector.shape_cast %swap3A_424 : vector<1x16xf32> to vector<16xf32>
      %swap3A_426 = vector.shape_cast %mul3A_422 : vector<16xf32> to vector<1x16xf32>
      tpu.vector_store %arg14[%swap3A, %swap3A_423], %swap3A_426 {strides = array<i32>} : memref<640x16xf32, #tpu.memory_space<vmem>>, vector<1x16xf32>,
      %add3A_427 = arith.constant 1 : i32
      %add3A_428 = arith.addi %mul3A_389, %add3A_427 : i32
      %get3A_429 = arith.index_cast %add3A_428 : i32 to index
      %get3A_430 = arith.constant 0 : index
      %get3A_431 = tpu.vector_load %arg11[%get3A_429, %get3A_430] {strides = array<i32>} : memref<1280x16xf32, #tpu.memory_space<vmem>>, vector<1x16xf32>,
      %get3A_432 = vector.shape_cast %get3A_431 : vector<1x16xf32> to vector<16xf32>
      %add3A_433 = arith.constant 640 : i32
      %add3A_434 = arith.addi %add3A_433, %add3A_428 : i32
      %get3A_435 = arith.index_cast %add3A_434 : i32 to index
      %get3A_436 = arith.constant 0 : index
      %get3A_437 = tpu.vector_load %arg11[%get3A_435, %get3A_436] {strides = array<i32>} : memref<1280x16xf32, #tpu.memory_space<vmem>>, vector<1x16xf32>,
      %get3A_438 = vector.shape_cast %get3A_437 : vector<1x16xf32> to vector<16xf32>
      %add3A_439 = arith.addf %get3A_432, %get3A_438 : vector<16xf32>
      %get3A_440 = arith.index_cast %add3A_428 : i32 to index
      %get3A_441 = arith.constant 0 : index
      %get3A_442 = tpu.vector_load %arg12[%get3A_440, %get3A_441] {strides = array<i32>} : memref<1280x16xf32, #tpu.memory_space<vmem>>, vector<1x16xf32>,
      %get3A_443 = vector.shape_cast %get3A_442 : vector<1x16xf32> to vector<16xf32>
      %add3A_444 = arith.addf %add3A_439, %get3A_443 : vector<16xf32>
      %slice3A_445 = vector.extract_strided_slice %div3A_402 {offsets = [1], sizes = [1], strides = [1]} : vector<16xf32> to vector<1xf32>
      %squeeze3A_446 = vector.extract %slice3A_445[0] : f32 from vector<1xf32>
      %mul3A_447 = vector.broadcast %squeeze3A_446 : f32 to vector<16xf32>
      %mul3A_448 = arith.mulf %add3A_444, %mul3A_447 : vector<16xf32>
      %swap3A_449 = arith.index_cast %add3A_428 : i32 to index
      %swap3A_450 = arith.constant 0 : index
      %swap3A_451 = tpu.vector_load %arg14[%swap3A_449, %swap3A_450] {strides = array<i32>} : memref<640x16xf32, #tpu.memory_space<vmem>>, vector<1x16xf32>,
      %swap3A_452 = vector.shape_cast %swap3A_451 : vector<1x16xf32> to vector<16xf32>
      %swap3A_453 = vector.shape_cast %mul3A_448 : vector<16xf32> to vector<1x16xf32>
      tpu.vector_store %arg14[%swap3A_449, %swap3A_450], %swap3A_453 {strides = array<i32>} : memref<640x16xf32, #tpu.memory_space<vmem>>, vector<1x16xf32>,
      %add3A_454 = arith.constant 2 : i32
      %add3A_455 = arith.addi %mul3A_389, %add3A_454 : i32
      %get3A_456 = arith.index_cast %add3A_455 : i32 to index
      %get3A_457 = arith.constant 0 : index
      %get3A_458 = tpu.vector_load %arg11[%get3A_456, %get3A_457] {strides = array<i32>} : memref<1280x16xf32, #tpu.memory_space<vmem>>, vector<1x16xf32>,
      %get3A_459 = vector.shape_cast %get3A_458 : vector<1x16xf32> to vector<16xf32>
      %add3A_460 = arith.constant 640 : i32
      %add3A_461 = arith.addi %add3A_460, %add3A_455 : i32
      %get3A_462 = arith.index_cast %add3A_461 : i32 to index
      %get3A_463 = arith.constant 0 : index
      %get3A_464 = tpu.vector_load %arg11[%get3A_462, %get3A_463] {strides = array<i32>} : memref<1280x16xf32, #tpu.memory_space<vmem>>, vector<1x16xf32>,
      %get3A_465 = vector.shape_cast %get3A_464 : vector<1x16xf32> to vector<16xf32>
      %add3A_466 = arith.addf %get3A_459, %get3A_465 : vector<16xf32>
      %get3A_467 = arith.index_cast %add3A_455 : i32 to index
      %get3A_468 = arith.constant 0 : index
      %get3A_469 = tpu.vector_load %arg12[%get3A_467, %get3A_468] {strides = array<i32>} : memref<1280x16xf32, #tpu.memory_space<vmem>>, vector<1x16xf32>,
      %get3A_470 = vector.shape_cast %get3A_469 : vector<1x16xf32> to vector<16xf32>
      %add3A_471 = arith.addf %add3A_466, %get3A_470 : vector<16xf32>
      %slice3A_472 = vector.extract_strided_slice %div3A_402 {offsets = [2], sizes = [1], strides = [1]} : vector<16xf32> to vector<1xf32>
      %squeeze3A_473 = vector.extract %slice3A_472[0] : f32 from vector<1xf32>
      %mul3A_474 = vector.broadcast %squeeze3A_473 : f32 to vector<16xf32>
      %mul3A_475 = arith.mulf %add3A_471, %mul3A_474 : vector<16xf32>
      %swap3A_476 = arith.index_cast %add3A_455 : i32 to index
      %swap3A_477 = arith.constant 0 : index
      %swap3A_478 = tpu.vector_load %arg14[%swap3A_476, %swap3A_477] {strides = array<i32>} : memref<640x16xf32, #tpu.memory_space<vmem>>, vector<1x16xf32>,
      %swap3A_479 = vector.shape_cast %swap3A_478 : vector<1x16xf32> to vector<16xf32>
      %swap3A_480 = vector.shape_cast %mul3A_475 : vector<16xf32> to vector<1x16xf32>
      tpu.vector_store %arg14[%swap3A_476, %swap3A_477], %swap3A_480 {strides = array<i32>} : memref<640x16xf32, #tpu.memory_space<vmem>>, vector<1x16xf32>,
      %add3A_481 = arith.constant 3 : i32
      %add3A_482 = arith.addi %mul3A_389, %add3A_481 : i32
      %get3A_483 = arith.index_cast %add3A_482 : i32 to index
      %get3A_484 = arith.constant 0 : index
      %get3A_485 = tpu.vector_load %arg11[%get3A_483, %get3A_484] {strides = array<i32>} : memref<1280x16xf32, #tpu.memory_space<vmem>>, vector<1x16xf32>,
      %get3A_486 = vector.shape_cast %get3A_485 : vector<1x16xf32> to vector<16xf32>
      %add3A_487 = arith.constant 640 : i32
      %add3A_488 = arith.addi %add3A_487, %add3A_482 : i32
      %get3A_489 = arith.index_cast %add3A_488 : i32 to index
      %get3A_490 = arith.constant 0 : index
      %get3A_491 = tpu.vector_load %arg11[%get3A_489, %get3A_490] {strides = array<i32>} : memref<1280x16xf32, #tpu.memory_space<vmem>>, vector<1x16xf32>,
      %get3A_492 = vector.shape_cast %get3A_491 : vector<1x16xf32> to vector<16xf32>
      %add3A_493 = arith.addf %get3A_486, %get3A_492 : vector<16xf32>
      %get3A_494 = arith.index_cast %add3A_482 : i32 to index
      %get3A_495 = arith.constant 0 : index
      %get3A_496 = tpu.vector_load %arg12[%get3A_494, %get3A_495] {strides = array<i32>} : memref<1280x16xf32, #tpu.memory_space<vmem>>, vector<1x16xf32>,
      %get3A_497 = vector.shape_cast %get3A_496 : vector<1x16xf32> to vector<16xf32>
      %add3A_498 = arith.addf %add3A_493, %get3A_497 : vector<16xf32>
      %slice3A_499 = vector.extract_strided_slice %div3A_402 {offsets = [3], sizes = [1], strides = [1]} : vector<16xf32> to vector<1xf32>
      %squeeze3A_500 = vector.extract %slice3A_499[0] : f32 from vector<1xf32>
      %mul3A_501 = vector.broadcast %squeeze3A_500 : f32 to vector<16xf32>
      %mul3A_502 = arith.mulf %add3A_498, %mul3A_501 : vector<16xf32>
      %swap3A_503 = arith.index_cast %add3A_482 : i32 to index
      %swap3A_504 = arith.constant 0 : index
      %swap3A_505 = tpu.vector_load %arg14[%swap3A_503, %swap3A_504] {strides = array<i32>} : memref<640x16xf32, #tpu.memory_space<vmem>>, vector<1x16xf32>,
      %swap3A_506 = vector.shape_cast %swap3A_505 : vector<1x16xf32> to vector<16xf32>
      %swap3A_507 = vector.shape_cast %mul3A_502 : vector<16xf32> to vector<1x16xf32>
      tpu.vector_store %arg14[%swap3A_503, %swap3A_504], %swap3A_507 {strides = array<i32>} : memref<640x16xf32, #tpu.memory_space<vmem>>, vector<1x16xf32>,
      %add3A_508 = arith.constant 4 : i32
      %add3A_509 = arith.addi %mul3A_389, %add3A_508 : i32
      %get3A_510 = arith.index_cast %add3A_509 : i32 to index
      %get3A_511 = arith.constant 0 : index
      %get3A_512 = tpu.vector_load %arg11[%get3A_510, %get3A_511] {strides = array<i32>} : memref<1280x16xf32, #tpu.memory_space<vmem>>, vector<1x16xf32>,
      %get3A_513 = vector.shape_cast %get3A_512 : vector<1x16xf32> to vector<16xf32>
      %add3A_514 = arith.constant 640 : i32
      %add3A_515 = arith.addi %add3A_514, %add3A_509 : i32
      %get3A_516 = arith.index_cast %add3A_515 : i32 to index
      %get3A_517 = arith.constant 0 : index
      %get3A_518 = tpu.vector_load %arg11[%get3A_516, %get3A_517] {strides = array<i32>} : memref<1280x16xf32, #tpu.memory_space<vmem>>, vector<1x16xf32>,
      %get3A_519 = vector.shape_cast %get3A_518 : vector<1x16xf32> to vector<16xf32>
      %add3A_520 = arith.addf %get3A_513, %get3A_519 : vector<16xf32>
      %get3A_521 = arith.index_cast %add3A_509 : i32 to index
      %get3A_522 = arith.constant 0 : index
      %get3A_523 = tpu.vector_load %arg12[%get3A_521, %get3A_522] {strides = array<i32>} : memref<1280x16xf32, #tpu.memory_space<vmem>>, vector<1x16xf32>,
      %get3A_524 = vector.shape_cast %get3A_523 : vector<1x16xf32> to vector<16xf32>
      %add3A_525 = arith.addf %add3A_520, %get3A_524 : vector<16xf32>
      %slice3A_526 = vector.extract_strided_slice %div3A_402 {offsets = [4], sizes = [1], strides = [1]} : vector<16xf32> to vector<1xf32>
      %squeeze3A_527 = vector.extract %slice3A_526[0] : f32 from vector<1xf32>
      %mul3A_528 = vector.broadcast %squeeze3A_527 : f32 to vector<16xf32>
      %mul3A_529 = arith.mulf %add3A_525, %mul3A_528 : vector<16xf32>
      %swap3A_530 = arith.index_cast %add3A_509 : i32 to index
      %swap3A_531 = arith.constant 0 : index
      %swap3A_532 = tpu.vector_load %arg14[%swap3A_530, %swap3A_531] {strides = array<i32>} : memref<640x16xf32, #tpu.memory_space<vmem>>, vector<1x16xf32>,
      %swap3A_533 = vector.shape_cast %swap3A_532 : vector<1x16xf32> to vector<16xf32>
      %swap3A_534 = vector.shape_cast %mul3A_529 : vector<16xf32> to vector<1x16xf32>
      tpu.vector_store %arg14[%swap3A_530, %swap3A_531], %swap3A_534 {strides = array<i32>} : memref<640x16xf32, #tpu.memory_space<vmem>>, vector<1x16xf32>,
      %add3A_535 = arith.constant 5 : i32
      %add3A_536 = arith.addi %mul3A_389, %add3A_535 : i32
      %get3A_537 = arith.index_cast %add3A_536 : i32 to index
      %get3A_538 = arith.constant 0 : index
      %get3A_539 = tpu.vector_load %arg11[%get3A_537, %get3A_538] {strides = array<i32>} : memref<1280x16xf32, #tpu.memory_space<vmem>>, vector<1x16xf32>,
      %get3A_540 = vector.shape_cast %get3A_539 : vector<1x16xf32> to vector<16xf32>
      %add3A_541 = arith.constant 640 : i32
      %add3A_542 = arith.addi %add3A_541, %add3A_536 : i32
      %get3A_543 = arith.index_cast %add3A_542 : i32 to index
      %get3A_544 = arith.constant 0 : index
      %get3A_545 = tpu.vector_load %arg11[%get3A_543, %get3A_544] {strides = array<i32>} : memref<1280x16xf32, #tpu.memory_space<vmem>>, vector<1x16xf32>,
      %get3A_546 = vector.shape_cast %get3A_545 : vector<1x16xf32> to vector<16xf32>
      %add3A_547 = arith.addf %get3A_540, %get3A_546 : vector<16xf32>
      %get3A_548 = arith.index_cast %add3A_536 : i32 to index
      %get3A_549 = arith.constant 0 : index
      %get3A_550 = tpu.vector_load %arg12[%get3A_548, %get3A_549] {strides = array<i32>} : memref<1280x16xf32, #tpu.memory_space<vmem>>, vector<1x16xf32>,
      %get3A_551 = vector.shape_cast %get3A_550 : vector<1x16xf32> to vector<16xf32>
      %add3A_552 = arith.addf %add3A_547, %get3A_551 : vector<16xf32>
      %slice3A_553 = vector.extract_strided_slice %div3A_402 {offsets = [5], sizes = [1], strides = [1]} : vector<16xf32> to vector<1xf32>
      %squeeze3A_554 = vector.extract %slice3A_553[0] : f32 from vector<1xf32>
      %mul3A_555 = vector.broadcast %squeeze3A_554 : f32 to vector<16xf32>
      %mul3A_556 = arith.mulf %add3A_552, %mul3A_555 : vector<16xf32>
      %swap3A_557 = arith.index_cast %add3A_536 : i32 to index
      %swap3A_558 = arith.constant 0 : index
      %swap3A_559 = tpu.vector_load %arg14[%swap3A_557, %swap3A_558] {strides = array<i32>} : memref<640x16xf32, #tpu.memory_space<vmem>>, vector<1x16xf32>,
      %swap3A_560 = vector.shape_cast %swap3A_559 : vector<1x16xf32> to vector<16xf32>
      %swap3A_561 = vector.shape_cast %mul3A_556 : vector<16xf32> to vector<1x16xf32>
      tpu.vector_store %arg14[%swap3A_557, %swap3A_558], %swap3A_561 {strides = array<i32>} : memref<640x16xf32, #tpu.memory_space<vmem>>, vector<1x16xf32>,
      %add3A_562 = arith.constant 6 : i32
      %add3A_563 = arith.addi %mul3A_389, %add3A_562 : i32
      %get3A_564 = arith.index_cast %add3A_563 : i32 to index
      %get3A_565 = arith.constant 0 : index
      %get3A_566 = tpu.vector_load %arg11[%get3A_564, %get3A_565] {strides = array<i32>} : memref<1280x16xf32, #tpu.memory_space<vmem>>, vector<1x16xf32>,
      %get3A_567 = vector.shape_cast %get3A_566 : vector<1x16xf32> to vector<16xf32>
      %add3A_568 = arith.constant 640 : i32
      %add3A_569 = arith.addi %add3A_568, %add3A_563 : i32
      %get3A_570 = arith.index_cast %add3A_569 : i32 to index
      %get3A_571 = arith.constant 0 : index
      %get3A_572 = tpu.vector_load %arg11[%get3A_570, %get3A_571] {strides = array<i32>} : memref<1280x16xf32, #tpu.memory_space<vmem>>, vector<1x16xf32>,
      %get3A_573 = vector.shape_cast %get3A_572 : vector<1x16xf32> to vector<16xf32>
      %add3A_574 = arith.addf %get3A_567, %get3A_573 : vector<16xf32>
      %get3A_575 = arith.index_cast %add3A_563 : i32 to index
      %get3A_576 = arith.constant 0 : index
      %get3A_577 = tpu.vector_load %arg12[%get3A_575, %get3A_576] {strides = array<i32>} : memref<1280x16xf32, #tpu.memory_space<vmem>>, vector<1x16xf32>,
      %get3A_578 = vector.shape_cast %get3A_577 : vector<1x16xf32> to vector<16xf32>
      %add3A_579 = arith.addf %add3A_574, %get3A_578 : vector<16xf32>
      %slice3A_580 = vector.extract_strided_slice %div3A_402 {offsets = [6], sizes = [1], strides = [1]} : vector<16xf32> to vector<1xf32>
      %squeeze3A_581 = vector.extract %slice3A_580[0] : f32 from vector<1xf32>
      %mul3A_582 = vector.broadcast %squeeze3A_581 : f32 to vector<16xf32>
      %mul3A_583 = arith.mulf %add3A_579, %mul3A_582 : vector<16xf32>
      %swap3A_584 = arith.index_cast %add3A_563 : i32 to index
      %swap3A_585 = arith.constant 0 : index
      %swap3A_586 = tpu.vector_load %arg14[%swap3A_584, %swap3A_585] {strides = array<i32>} : memref<640x16xf32, #tpu.memory_space<vmem>>, vector<1x16xf32>,
      %swap3A_587 = vector.shape_cast %swap3A_586 : vector<1x16xf32> to vector<16xf32>
      %swap3A_588 = vector.shape_cast %mul3A_583 : vector<16xf32> to vector<1x16xf32>
      tpu.vector_store %arg14[%swap3A_584, %swap3A_585], %swap3A_588 {strides = array<i32>} : memref<640x16xf32, #tpu.memory_space<vmem>>, vector<1x16xf32>,
      %add3A_589 = arith.constant 7 : i32
      %add3A_590 = arith.addi %mul3A_389, %add3A_589 : i32
      %get3A_591 = arith.index_cast %add3A_590 : i32 to index
      %get3A_592 = arith.constant 0 : index
      %get3A_593 = tpu.vector_load %arg11[%get3A_591, %get3A_592] {strides = array<i32>} : memref<1280x16xf32, #tpu.memory_space<vmem>>, vector<1x16xf32>,
      %get3A_594 = vector.shape_cast %get3A_593 : vector<1x16xf32> to vector<16xf32>
      %add3A_595 = arith.constant 640 : i32
      %add3A_596 = arith.addi %add3A_595, %add3A_590 : i32
      %get3A_597 = arith.index_cast %add3A_596 : i32 to index
      %get3A_598 = arith.constant 0 : index
      %get3A_599 = tpu.vector_load %arg11[%get3A_597, %get3A_598] {strides = array<i32>} : memref<1280x16xf32, #tpu.memory_space<vmem>>, vector<1x16xf32>,
      %get3A_600 = vector.shape_cast %get3A_599 : vector<1x16xf32> to vector<16xf32>
      %add3A_601 = arith.addf %get3A_594, %get3A_600 : vector<16xf32>
      %get3A_602 = arith.index_cast %add3A_590 : i32 to index
      %get3A_603 = arith.constant 0 : index
      %get3A_604 = tpu.vector_load %arg12[%get3A_602, %get3A_603] {strides = array<i32>} : memref<1280x16xf32, #tpu.memory_space<vmem>>, vector<1x16xf32>,
      %get3A_605 = vector.shape_cast %get3A_604 : vector<1x16xf32> to vector<16xf32>
      %add3A_606 = arith.addf %add3A_601, %get3A_605 : vector<16xf32>
      %slice3A_607 = vector.extract_strided_slice %div3A_402 {offsets = [7], sizes = [1], strides = [1]} : vector<16xf32> to vector<1xf32>
      %squeeze3A_608 = vector.extract %slice3A_607[0] : f32 from vector<1xf32>
      %mul3A_609 = vector.broadcast %squeeze3A_608 : f32 to vector<16xf32>
      %mul3A_610 = arith.mulf %add3A_606, %mul3A_609 : vector<16xf32>
      %swap3A_611 = arith.index_cast %add3A_590 : i32 to index
      %swap3A_612 = arith.constant 0 : index
      %swap3A_613 = tpu.vector_load %arg14[%swap3A_611, %swap3A_612] {strides = array<i32>} : memref<640x16xf32, #tpu.memory_space<vmem>>, vector<1x16xf32>,
      %swap3A_614 = vector.shape_cast %swap3A_613 : vector<1x16xf32> to vector<16xf32>
      %swap3A_615 = vector.shape_cast %mul3A_610 : vector<16xf32> to vector<1x16xf32>
      tpu.vector_store %arg14[%swap3A_611, %swap3A_612], %swap3A_615 {strides = array<i32>} : memref<640x16xf32, #tpu.memory_space<vmem>>, vector<1x16xf32>,
      %add3A_616 = arith.constant 8 : i32
      %add3A_617 = arith.addi %mul3A_389, %add3A_616 : i32
      %get3A_618 = arith.index_cast %add3A_617 : i32 to index
      %get3A_619 = arith.constant 0 : index
      %get3A_620 = tpu.vector_load %arg11[%get3A_618, %get3A_619] {strides = array<i32>} : memref<1280x16xf32, #tpu.memory_space<vmem>>, vector<1x16xf32>,
      %get3A_621 = vector.shape_cast %get3A_620 : vector<1x16xf32> to vector<16xf32>
      %add3A_622 = arith.constant 640 : i32
      %add3A_623 = arith.addi %add3A_622, %add3A_617 : i32
      %get3A_624 = arith.index_cast %add3A_623 : i32 to index
      %get3A_625 = arith.constant 0 : index
      %get3A_626 = tpu.vector_load %arg11[%get3A_624, %get3A_625] {strides = array<i32>} : memref<1280x16xf32, #tpu.memory_space<vmem>>, vector<1x16xf32>,
      %get3A_627 = vector.shape_cast %get3A_626 : vector<1x16xf32> to vector<16xf32>
      %add3A_628 = arith.addf %get3A_621, %get3A_627 : vector<16xf32>
      %get3A_629 = arith.index_cast %add3A_617 : i32 to index
      %get3A_630 = arith.constant 0 : index
      %get3A_631 = tpu.vector_load %arg12[%get3A_629, %get3A_630] {strides = array<i32>} : memref<1280x16xf32, #tpu.memory_space<vmem>>, vector<1x16xf32>,
      %get3A_632 = vector.shape_cast %get3A_631 : vector<1x16xf32> to vector<16xf32>
      %add3A_633 = arith.addf %add3A_628, %get3A_632 : vector<16xf32>
      %slice3A_634 = vector.extract_strided_slice %div3A_402 {offsets = [8], sizes = [1], strides = [1]} : vector<16xf32> to vector<1xf32>
      %squeeze3A_635 = vector.extract %slice3A_634[0] : f32 from vector<1xf32>
      %mul3A_636 = vector.broadcast %squeeze3A_635 : f32 to vector<16xf32>
      %mul3A_637 = arith.mulf %add3A_633, %mul3A_636 : vector<16xf32>
      %swap3A_638 = arith.index_cast %add3A_617 : i32 to index
      %swap3A_639 = arith.constant 0 : index
      %swap3A_640 = tpu.vector_load %arg14[%swap3A_638, %swap3A_639] {strides = array<i32>} : memref<640x16xf32, #tpu.memory_space<vmem>>, vector<1x16xf32>,
      %swap3A_641 = vector.shape_cast %swap3A_640 : vector<1x16xf32> to vector<16xf32>
      %swap3A_642 = vector.shape_cast %mul3A_637 : vector<16xf32> to vector<1x16xf32>
      tpu.vector_store %arg14[%swap3A_638, %swap3A_639], %swap3A_642 {strides = array<i32>} : memref<640x16xf32, #tpu.memory_space<vmem>>, vector<1x16xf32>,
      %add3A_643 = arith.constant 9 : i32
      %add3A_644 = arith.addi %mul3A_389, %add3A_643 : i32
      %get3A_645 = arith.index_cast %add3A_644 : i32 to index
      %get3A_646 = arith.constant 0 : index
      %get3A_647 = tpu.vector_load %arg11[%get3A_645, %get3A_646] {strides = array<i32>} : memref<1280x16xf32, #tpu.memory_space<vmem>>, vector<1x16xf32>,
      %get3A_648 = vector.shape_cast %get3A_647 : vector<1x16xf32> to vector<16xf32>
      %add3A_649 = arith.constant 640 : i32
      %add3A_650 = arith.addi %add3A_649, %add3A_644 : i32
      %get3A_651 = arith.index_cast %add3A_650 : i32 to index
      %get3A_652 = arith.constant 0 : index
      %get3A_653 = tpu.vector_load %arg11[%get3A_651, %get3A_652] {strides = array<i32>} : memref<1280x16xf32, #tpu.memory_space<vmem>>, vector<1x16xf32>,
      %get3A_654 = vector.shape_cast %get3A_653 : vector<1x16xf32> to vector<16xf32>
      %add3A_655 = arith.addf %get3A_648, %get3A_654 : vector<16xf32>
      %get3A_656 = arith.index_cast %add3A_644 : i32 to index
      %get3A_657 = arith.constant 0 : index
      %get3A_658 = tpu.vector_load %arg12[%get3A_656, %get3A_657] {strides = array<i32>} : memref<1280x16xf32, #tpu.memory_space<vmem>>, vector<1x16xf32>,
      %get3A_659 = vector.shape_cast %get3A_658 : vector<1x16xf32> to vector<16xf32>
      %add3A_660 = arith.addf %add3A_655, %get3A_659 : vector<16xf32>
      %slice3A_661 = vector.extract_strided_slice %div3A_402 {offsets = [9], sizes = [1], strides = [1]} : vector<16xf32> to vector<1xf32>
      %squeeze3A_662 = vector.extract %slice3A_661[0] : f32 from vector<1xf32>
      %mul3A_663 = vector.broadcast %squeeze3A_662 : f32 to vector<16xf32>
      %mul3A_664 = arith.mulf %add3A_660, %mul3A_663 : vector<16xf32>
      %swap3A_665 = arith.index_cast %add3A_644 : i32 to index
      %swap3A_666 = arith.constant 0 : index
      %swap3A_667 = tpu.vector_load %arg14[%swap3A_665, %swap3A_666] {strides = array<i32>} : memref<640x16xf32, #tpu.memory_space<vmem>>, vector<1x16xf32>,
      %swap3A_668 = vector.shape_cast %swap3A_667 : vector<1x16xf32> to vector<16xf32>
      %swap3A_669 = vector.shape_cast %mul3A_664 : vector<16xf32> to vector<1x16xf32>
      tpu.vector_store %arg14[%swap3A_665, %swap3A_666], %swap3A_669 {strides = array<i32>} : memref<640x16xf32, #tpu.memory_space<vmem>>, vector<1x16xf32>,
      %add3A_670 = arith.constant 10 : i32
      %add3A_671 = arith.addi %mul3A_389, %add3A_670 : i32
      %get3A_672 = arith.index_cast %add3A_671 : i32 to index
      %get3A_673 = arith.constant 0 : index
      %get3A_674 = tpu.vector_load %arg11[%get3A_672, %get3A_673] {strides = array<i32>} : memref<1280x16xf32, #tpu.memory_space<vmem>>, vector<1x16xf32>,
      %get3A_675 = vector.shape_cast %get3A_674 : vector<1x16xf32> to vector<16xf32>
      %add3A_676 = arith.constant 640 : i32
      %add3A_677 = arith.addi %add3A_676, %add3A_671 : i32
      %get3A_678 = arith.index_cast %add3A_677 : i32 to index
      %get3A_679 = arith.constant 0 : index
      %get3A_680 = tpu.vector_load %arg11[%get3A_678, %get3A_679] {strides = array<i32>} : memref<1280x16xf32, #tpu.memory_space<vmem>>, vector<1x16xf32>,
      %get3A_681 = vector.shape_cast %get3A_680 : vector<1x16xf32> to vector<16xf32>
      %add3A_682 = arith.addf %get3A_675, %get3A_681 : vector<16xf32>
      %get3A_683 = arith.index_cast %add3A_671 : i32 to index
      %get3A_684 = arith.constant 0 : index
      %get3A_685 = tpu.vector_load %arg12[%get3A_683, %get3A_684] {strides = array<i32>} : memref<1280x16xf32, #tpu.memory_space<vmem>>, vector<1x16xf32>,
      %get3A_686 = vector.shape_cast %get3A_685 : vector<1x16xf32> to vector<16xf32>
      %add3A_687 = arith.addf %add3A_682, %get3A_686 : vector<16xf32>
      %slice3A_688 = vector.extract_strided_slice %div3A_402 {offsets = [10], sizes = [1], strides = [1]} : vector<16xf32> to vector<1xf32>
      %squeeze3A_689 = vector.extract %slice3A_688[0] : f32 from vector<1xf32>
      %mul3A_690 = vector.broadcast %squeeze3A_689 : f32 to vector<16xf32>
      %mul3A_691 = arith.mulf %add3A_687, %mul3A_690 : vector<16xf32>
      %swap3A_692 = arith.index_cast %add3A_671 : i32 to index
      %swap3A_693 = arith.constant 0 : index
      %swap3A_694 = tpu.vector_load %arg14[%swap3A_692, %swap3A_693] {strides = array<i32>} : memref<640x16xf32, #tpu.memory_space<vmem>>, vector<1x16xf32>,
      %swap3A_695 = vector.shape_cast %swap3A_694 : vector<1x16xf32> to vector<16xf32>
      %swap3A_696 = vector.shape_cast %mul3A_691 : vector<16xf32> to vector<1x16xf32>
      tpu.vector_store %arg14[%swap3A_692, %swap3A_693], %swap3A_696 {strides = array<i32>} : memref<640x16xf32, #tpu.memory_space<vmem>>, vector<1x16xf32>,
      %add3A_697 = arith.constant 11 : i32
      %add3A_698 = arith.addi %mul3A_389, %add3A_697 : i32
      %get3A_699 = arith.index_cast %add3A_698 : i32 to index
      %get3A_700 = arith.constant 0 : index
      %get3A_701 = tpu.vector_load %arg11[%get3A_699, %get3A_700] {strides = array<i32>} : memref<1280x16xf32, #tpu.memory_space<vmem>>, vector<1x16xf32>,
      %get3A_702 = vector.shape_cast %get3A_701 : vector<1x16xf32> to vector<16xf32>
      %add3A_703 = arith.constant 640 : i32
      %add3A_704 = arith.addi %add3A_703, %add3A_698 : i32
      %get3A_705 = arith.index_cast %add3A_704 : i32 to index
      %get3A_706 = arith.constant 0 : index
      %get3A_707 = tpu.vector_load %arg11[%get3A_705, %get3A_706] {strides = array<i32>} : memref<1280x16xf32, #tpu.memory_space<vmem>>, vector<1x16xf32>,
      %get3A_708 = vector.shape_cast %get3A_707 : vector<1x16xf32> to vector<16xf32>
      %add3A_709 = arith.addf %get3A_702, %get3A_708 : vector<16xf32>
      %get3A_710 = arith.index_cast %add3A_698 : i32 to index
      %get3A_711 = arith.constant 0 : index
      %get3A_712 = tpu.vector_load %arg12[%get3A_710, %get3A_711] {strides = array<i32>} : memref<1280x16xf32, #tpu.memory_space<vmem>>, vector<1x16xf32>,
      %get3A_713 = vector.shape_cast %get3A_712 : vector<1x16xf32> to vector<16xf32>
      %add3A_714 = arith.addf %add3A_709, %get3A_713 : vector<16xf32>
      %slice3A_715 = vector.extract_strided_slice %div3A_402 {offsets = [11], sizes = [1], strides = [1]} : vector<16xf32> to vector<1xf32>
      %squeeze3A_716 = vector.extract %slice3A_715[0] : f32 from vector<1xf32>
      %mul3A_717 = vector.broadcast %squeeze3A_716 : f32 to vector<16xf32>
      %mul3A_718 = arith.mulf %add3A_714, %mul3A_717 : vector<16xf32>
      %swap3A_719 = arith.index_cast %add3A_698 : i32 to index
      %swap3A_720 = arith.constant 0 : index
      %swap3A_721 = tpu.vector_load %arg14[%swap3A_719, %swap3A_720] {strides = array<i32>} : memref<640x16xf32, #tpu.memory_space<vmem>>, vector<1x16xf32>,
      %swap3A_722 = vector.shape_cast %swap3A_721 : vector<1x16xf32> to vector<16xf32>
      %swap3A_723 = vector.shape_cast %mul3A_718 : vector<16xf32> to vector<1x16xf32>
      tpu.vector_store %arg14[%swap3A_719, %swap3A_720], %swap3A_723 {strides = array<i32>} : memref<640x16xf32, #tpu.memory_space<vmem>>, vector<1x16xf32>,
      %add3A_724 = arith.constant 12 : i32
      %add3A_725 = arith.addi %mul3A_389, %add3A_724 : i32
      %get3A_726 = arith.index_cast %add3A_725 : i32 to index
      %get3A_727 = arith.constant 0 : index
      %get3A_728 = tpu.vector_load %arg11[%get3A_726, %get3A_727] {strides = array<i32>} : memref<1280x16xf32, #tpu.memory_space<vmem>>, vector<1x16xf32>,
      %get3A_729 = vector.shape_cast %get3A_728 : vector<1x16xf32> to vector<16xf32>
      %add3A_730 = arith.constant 640 : i32
      %add3A_731 = arith.addi %add3A_730, %add3A_725 : i32
      %get3A_732 = arith.index_cast %add3A_731 : i32 to index
      %get3A_733 = arith.constant 0 : index
      %get3A_734 = tpu.vector_load %arg11[%get3A_732, %get3A_733] {strides = array<i32>} : memref<1280x16xf32, #tpu.memory_space<vmem>>, vector<1x16xf32>,
      %get3A_735 = vector.shape_cast %get3A_734 : vector<1x16xf32> to vector<16xf32>
      %add3A_736 = arith.addf %get3A_729, %get3A_735 : vector<16xf32>
      %get3A_737 = arith.index_cast %add3A_725 : i32 to index
      %get3A_738 = arith.constant 0 : index
      %get3A_739 = tpu.vector_load %arg12[%get3A_737, %get3A_738] {strides = array<i32>} : memref<1280x16xf32, #tpu.memory_space<vmem>>, vector<1x16xf32>,
      %get3A_740 = vector.shape_cast %get3A_739 : vector<1x16xf32> to vector<16xf32>
      %add3A_741 = arith.addf %add3A_736, %get3A_740 : vector<16xf32>
      %slice3A_742 = vector.extract_strided_slice %div3A_402 {offsets = [12], sizes = [1], strides = [1]} : vector<16xf32> to vector<1xf32>
      %squeeze3A_743 = vector.extract %slice3A_742[0] : f32 from vector<1xf32>
      %mul3A_744 = vector.broadcast %squeeze3A_743 : f32 to vector<16xf32>
      %mul3A_745 = arith.mulf %add3A_741, %mul3A_744 : vector<16xf32>
      %swap3A_746 = arith.index_cast %add3A_725 : i32 to index
      %swap3A_747 = arith.constant 0 : index
      %swap3A_748 = tpu.vector_load %arg14[%swap3A_746, %swap3A_747] {strides = array<i32>} : memref<640x16xf32, #tpu.memory_space<vmem>>, vector<1x16xf32>,
      %swap3A_749 = vector.shape_cast %swap3A_748 : vector<1x16xf32> to vector<16xf32>
      %swap3A_750 = vector.shape_cast %mul3A_745 : vector<16xf32> to vector<1x16xf32>
      tpu.vector_store %arg14[%swap3A_746, %swap3A_747], %swap3A_750 {strides = array<i32>} : memref<640x16xf32, #tpu.memory_space<vmem>>, vector<1x16xf32>,
      %add3A_751 = arith.constant 13 : i32
      %add3A_752 = arith.addi %mul3A_389, %add3A_751 : i32
      %get3A_753 = arith.index_cast %add3A_752 : i32 to index
      %get3A_754 = arith.constant 0 : index
      %get3A_755 = tpu.vector_load %arg11[%get3A_753, %get3A_754] {strides = array<i32>} : memref<1280x16xf32, #tpu.memory_space<vmem>>, vector<1x16xf32>,
      %get3A_756 = vector.shape_cast %get3A_755 : vector<1x16xf32> to vector<16xf32>
      %add3A_757 = arith.constant 640 : i32
      %add3A_758 = arith.addi %add3A_757, %add3A_752 : i32
      %get3A_759 = arith.index_cast %add3A_758 : i32 to index
      %get3A_760 = arith.constant 0 : index
      %get3A_761 = tpu.vector_load %arg11[%get3A_759, %get3A_760] {strides = array<i32>} : memref<1280x16xf32, #tpu.memory_space<vmem>>, vector<1x16xf32>,
      %get3A_762 = vector.shape_cast %get3A_761 : vector<1x16xf32> to vector<16xf32>
      %add3A_763 = arith.addf %get3A_756, %get3A_762 : vector<16xf32>
      %get3A_764 = arith.index_cast %add3A_752 : i32 to index
      %get3A_765 = arith.constant 0 : index
      %get3A_766 = tpu.vector_load %arg12[%get3A_764, %get3A_765] {strides = array<i32>} : memref<1280x16xf32, #tpu.memory_space<vmem>>, vector<1x16xf32>,
      %get3A_767 = vector.shape_cast %get3A_766 : vector<1x16xf32> to vector<16xf32>
      %add3A_768 = arith.addf %add3A_763, %get3A_767 : vector<16xf32>
      %slice3A_769 = vector.extract_strided_slice %div3A_402 {offsets = [13], sizes = [1], strides = [1]} : vector<16xf32> to vector<1xf32>
      %squeeze3A_770 = vector.extract %slice3A_769[0] : f32 from vector<1xf32>
      %mul3A_771 = vector.broadcast %squeeze3A_770 : f32 to vector<16xf32>
      %mul3A_772 = arith.mulf %add3A_768, %mul3A_771 : vector<16xf32>
      %swap3A_773 = arith.index_cast %add3A_752 : i32 to index
      %swap3A_774 = arith.constant 0 : index
      %swap3A_775 = tpu.vector_load %arg14[%swap3A_773, %swap3A_774] {strides = array<i32>} : memref<640x16xf32, #tpu.memory_space<vmem>>, vector<1x16xf32>,
      %swap3A_776 = vector.shape_cast %swap3A_775 : vector<1x16xf32> to vector<16xf32>
      %swap3A_777 = vector.shape_cast %mul3A_772 : vector<16xf32> to vector<1x16xf32>
      tpu.vector_store %arg14[%swap3A_773, %swap3A_774], %swap3A_777 {strides = array<i32>} : memref<640x16xf32, #tpu.memory_space<vmem>>, vector<1x16xf32>,
      %add3A_778 = arith.constant 14 : i32
      %add3A_779 = arith.addi %mul3A_389, %add3A_778 : i32
      %get3A_780 = arith.index_cast %add3A_779 : i32 to index
      %get3A_781 = arith.constant 0 : index
      %get3A_782 = tpu.vector_load %arg11[%get3A_780, %get3A_781] {strides = array<i32>} : memref<1280x16xf32, #tpu.memory_space<vmem>>, vector<1x16xf32>,
      %get3A_783 = vector.shape_cast %get3A_782 : vector<1x16xf32> to vector<16xf32>
      %add3A_784 = arith.constant 640 : i32
      %add3A_785 = arith.addi %add3A_784, %add3A_779 : i32
      %get3A_786 = arith.index_cast %add3A_785 : i32 to index
      %get3A_787 = arith.constant 0 : index
      %get3A_788 = tpu.vector_load %arg11[%get3A_786, %get3A_787] {strides = array<i32>} : memref<1280x16xf32, #tpu.memory_space<vmem>>, vector<1x16xf32>,
      %get3A_789 = vector.shape_cast %get3A_788 : vector<1x16xf32> to vector<16xf32>
      %add3A_790 = arith.addf %get3A_783, %get3A_789 : vector<16xf32>
      %get3A_791 = arith.index_cast %add3A_779 : i32 to index
      %get3A_792 = arith.constant 0 : index
      %get3A_793 = tpu.vector_load %arg12[%get3A_791, %get3A_792] {strides = array<i32>} : memref<1280x16xf32, #tpu.memory_space<vmem>>, vector<1x16xf32>,
      %get3A_794 = vector.shape_cast %get3A_793 : vector<1x16xf32> to vector<16xf32>
      %add3A_795 = arith.addf %add3A_790, %get3A_794 : vector<16xf32>
      %slice3A_796 = vector.extract_strided_slice %div3A_402 {offsets = [14], sizes = [1], strides = [1]} : vector<16xf32> to vector<1xf32>
      %squeeze3A_797 = vector.extract %slice3A_796[0] : f32 from vector<1xf32>
      %mul3A_798 = vector.broadcast %squeeze3A_797 : f32 to vector<16xf32>
      %mul3A_799 = arith.mulf %add3A_795, %mul3A_798 : vector<16xf32>
      %swap3A_800 = arith.index_cast %add3A_779 : i32 to index
      %swap3A_801 = arith.constant 0 : index
      %swap3A_802 = tpu.vector_load %arg14[%swap3A_800, %swap3A_801] {strides = array<i32>} : memref<640x16xf32, #tpu.memory_space<vmem>>, vector<1x16xf32>,
      %swap3A_803 = vector.shape_cast %swap3A_802 : vector<1x16xf32> to vector<16xf32>
      %swap3A_804 = vector.shape_cast %mul3A_799 : vector<16xf32> to vector<1x16xf32>
      tpu.vector_store %arg14[%swap3A_800, %swap3A_801], %swap3A_804 {strides = array<i32>} : memref<640x16xf32, #tpu.memory_space<vmem>>, vector<1x16xf32>,
      %add3A_805 = arith.constant 15 : i32
      %add3A_806 = arith.addi %mul3A_389, %add3A_805 : i32
      %get3A_807 = arith.index_cast %add3A_806 : i32 to index
      %get3A_808 = arith.constant 0 : index
      %get3A_809 = tpu.vector_load %arg11[%get3A_807, %get3A_808] {strides = array<i32>} : memref<1280x16xf32, #tpu.memory_space<vmem>>, vector<1x16xf32>,
      %get3A_810 = vector.shape_cast %get3A_809 : vector<1x16xf32> to vector<16xf32>
      %add3A_811 = arith.constant 640 : i32
      %add3A_812 = arith.addi %add3A_811, %add3A_806 : i32
      %get3A_813 = arith.index_cast %add3A_812 : i32 to index
      %get3A_814 = arith.constant 0 : index
      %get3A_815 = tpu.vector_load %arg11[%get3A_813, %get3A_814] {strides = array<i32>} : memref<1280x16xf32, #tpu.memory_space<vmem>>, vector<1x16xf32>,
      %get3A_816 = vector.shape_cast %get3A_815 : vector<1x16xf32> to vector<16xf32>
      %add3A_817 = arith.addf %get3A_810, %get3A_816 : vector<16xf32>
      %get3A_818 = arith.index_cast %add3A_806 : i32 to index
      %get3A_819 = arith.constant 0 : index
      %get3A_820 = tpu.vector_load %arg12[%get3A_818, %get3A_819] {strides = array<i32>} : memref<1280x16xf32, #tpu.memory_space<vmem>>, vector<1x16xf32>,
      %get3A_821 = vector.shape_cast %get3A_820 : vector<1x16xf32> to vector<16xf32>
      %add3A_822 = arith.addf %add3A_817, %get3A_821 : vector<16xf32>
      %slice3A_823 = vector.extract_strided_slice %div3A_402 {offsets = [15], sizes = [1], strides = [1]} : vector<16xf32> to vector<1xf32>
      %squeeze3A_824 = vector.extract %slice3A_823[0] : f32 from vector<1xf32>
      %mul3A_825 = vector.broadcast %squeeze3A_824 : f32 to vector<16xf32>
      %mul3A_826 = arith.mulf %add3A_822, %mul3A_825 : vector<16xf32>
      %swap3A_827 = arith.index_cast %add3A_806 : i32 to index
      %swap3A_828 = arith.constant 0 : index
      %swap3A_829 = tpu.vector_load %arg14[%swap3A_827, %swap3A_828] {strides = array<i32>} : memref<640x16xf32, #tpu.memory_space<vmem>>, vector<1x16xf32>,
      %swap3A_830 = vector.shape_cast %swap3A_829 : vector<1x16xf32> to vector<16xf32>
      %swap3A_831 = vector.shape_cast %mul3A_826 : vector<16xf32> to vector<1x16xf32>
      tpu.vector_store %arg14[%swap3A_827, %swap3A_828], %swap3A_831 {strides = array<i32>} : memref<640x16xf32, #tpu.memory_space<vmem>>, vector<1x16xf32>,
    }
    %scan3A_161 = arith.constant 40 : i32
    "tpu.region"() ({
      %run_scoped3A = tpu.sem_alloc : memref<!tpu.dma_semaphore, #tpu.memory_space<semaphore_mem>>
      %dma_start3A_387 = arith.constant 0 : i32
      %dma_start3A_388 = tpu.memref_slice %arg17[%mul3A_2, %dma_start3A_387] : memref<10240x16xf32, #tpu.memory_space<vmem_shared>> -> memref<640x16xf32, #tpu.memory_space<vmem_shared>>
      %dma_start3A_389 = arith.constant 0 : i32
      %dma_start3A_390 = tpu.memref_slice %arg17[%mul3A_2, %dma_start3A_389] : memref<10240x16xf32, #tpu.memory_space<vmem_shared>> -> memref<640x16xf32, #tpu.memory_space<vmem_shared>>
      tpu.enqueue_dma source(%arg14 : memref<640x16xf32, #tpu.memory_space<vmem>>) target(%dma_start3A_390 : memref<640x16xf32, #tpu.memory_space<vmem_shared>>) target_semaphore(%run_scoped3A : memref<!tpu.dma_semaphore, #tpu.memory_space<semaphore_mem>>)
      %dma_wait3A_391 = arith.constant 0 : i32
      %dma_wait3A_392 = tpu.memref_slice %arg17[%mul3A_2, %dma_wait3A_391] : memref<10240x16xf32, #tpu.memory_space<vmem_shared>> -> memref<640x16xf32, #tpu.memory_space<vmem_shared>>
      %dma_wait3A_393 = arith.constant 0 : i32
      %dma_wait3A_394 = tpu.memref_slice %arg17[%mul3A_2, %dma_wait3A_393] : memref<10240x16xf32, #tpu.memory_space<vmem_shared>> -> memref<640x16xf32, #tpu.memory_space<vmem_shared>>
      tpu.wait_dma2 semaphore(%run_scoped3A : memref<!tpu.dma_semaphore, #tpu.memory_space<semaphore_mem>>) src(%arg14 : memref<640x16xf32, #tpu.memory_space<vmem>>) dst(%dma_wait3A_394 : memref<640x16xf32, #tpu.memory_space<vmem_shared>>)
      tpu.yield
    }) : () -> ()
    "tpu.region"() ({
      %run_scoped3A = tpu.sem_alloc : memref<!tpu.dma_semaphore, #tpu.memory_space<semaphore_mem>>
      %dma_start3A_387 = arith.constant 0 : i32
      %dma_start3A_388 = tpu.memref_slice %arg8[%mul3A_2, %dma_start3A_387] : memref<10240x16xf32, #tpu.memory_space<hbm>> -> memref<640x16xf32, #tpu.memory_space<hbm>>
      %dma_start3A_389 = arith.constant 0 : i32
      %dma_start3A_390 = tpu.memref_slice %arg8[%mul3A_2, %dma_start3A_389] : memref<10240x16xf32, #tpu.memory_space<hbm>> -> memref<640x16xf32, #tpu.memory_space<hbm>>
      tpu.enqueue_dma source(%arg14 : memref<640x16xf32, #tpu.memory_space<vmem>>) target(%dma_start3A_390 : memref<640x16xf32, #tpu.memory_space<hbm>>) target_semaphore(%run_scoped3A : memref<!tpu.dma_semaphore, #tpu.memory_space<semaphore_mem>>)
      %dma_wait3A_391 = arith.constant 0 : i32
      %dma_wait3A_392 = tpu.memref_slice %arg8[%mul3A_2, %dma_wait3A_391] : memref<10240x16xf32, #tpu.memory_space<hbm>> -> memref<640x16xf32, #tpu.memory_space<hbm>>
      %dma_wait3A_393 = arith.constant 0 : i32
      %dma_wait3A_394 = tpu.memref_slice %arg8[%mul3A_2, %dma_wait3A_393] : memref<10240x16xf32, #tpu.memory_space<hbm>> -> memref<640x16xf32, #tpu.memory_space<hbm>>
      tpu.wait_dma2 semaphore(%run_scoped3A : memref<!tpu.dma_semaphore, #tpu.memory_space<semaphore_mem>>) src(%arg14 : memref<640x16xf32, #tpu.memory_space<vmem>>) dst(%dma_wait3A_394 : memref<640x16xf32, #tpu.memory_space<hbm>>)
      tpu.yield
    }) : () -> ()
    %barrier3A = arith.constant 0 : index
    tpu.barrier barrier_id(%barrier3A)
    %dma_start3A_162 = arith.constant 0 : i32
    %dma_start3A_163 = arith.constant 0 : i32
    %dma_start3A_164 = tpu.memref_slice %arg9[%dma_start3A_162, %dma_start3A_163] : memref<8x1280xi32, #tpu.memory_space<vmem>> -> memref<1x1280xi32, #tpu.memory_space<vmem>>
    %dma_start3A_165 = tpu.memref_squeeze %dma_start3A_164 : memref<1x1280xi32, #tpu.memory_space<vmem>> -> memref<1280xi32, #tpu.memory_space<vmem>>
    %dma_start3A_166 = arith.constant 0 : i32
    %dma_start3A_167 = arith.constant 0 : i32
    %dma_start3A_168 = tpu.memref_slice %arg17[%dma_start3A_166, %dma_start3A_167] : memref<10240x16xf32, #tpu.memory_space<vmem_shared>> -> memref<10240x16xf32, #tpu.memory_space<vmem_shared>>
    tpu.enqueue_indirect_dma source(%dma_start3A_168 : memref<10240x16xf32, #tpu.memory_space<vmem_shared>>) target(%arg11 : memref<1280x16xf32, #tpu.memory_space<vmem>>) offsets(%dma_start3A_165 : memref<1280xi32, #tpu.memory_space<vmem>>) semaphore(%arg18 : memref<!tpu.dma_semaphore, #tpu.memory_space<semaphore_mem>>)
    %dma_start3A_169 = arith.constant 1 : i32
    %dma_start3A_170 = arith.constant 0 : i32
    %dma_start3A_171 = tpu.memref_slice %arg9[%dma_start3A_169, %dma_start3A_170] : memref<8x1280xi32, #tpu.memory_space<vmem>> -> memref<1x1280xi32, #tpu.memory_space<vmem>>
    %dma_start3A_172 = tpu.memref_squeeze %dma_start3A_171 : memref<1x1280xi32, #tpu.memory_space<vmem>> -> memref<1280xi32, #tpu.memory_space<vmem>>
    %dma_start3A_173 = arith.constant 0 : i32
    %dma_start3A_174 = arith.constant 0 : i32
    %dma_start3A_175 = tpu.memref_slice %arg17[%dma_start3A_173, %dma_start3A_174] : memref<10240x16xf32, #tpu.memory_space<vmem_shared>> -> memref<10240x16xf32, #tpu.memory_space<vmem_shared>>
    tpu.enqueue_indirect_dma source(%dma_start3A_175 : memref<10240x16xf32, #tpu.memory_space<vmem_shared>>) target(%arg12 : memref<1280x16xf32, #tpu.memory_space<vmem>>) offsets(%dma_start3A_172 : memref<1280xi32, #tpu.memory_space<vmem>>) semaphore(%arg19 : memref<!tpu.dma_semaphore, #tpu.memory_space<semaphore_mem>>)
    %dma_wait3A_176 = arith.constant 0 : i32
    %dma_wait3A_177 = arith.constant 0 : i32
    %dma_wait3A_178 = tpu.memref_slice %arg9[%dma_wait3A_176, %dma_wait3A_177] : memref<8x1280xi32, #tpu.memory_space<vmem>> -> memref<1x1280xi32, #tpu.memory_space<vmem>>
    %dma_wait3A_179 = tpu.memref_squeeze %dma_wait3A_178 : memref<1x1280xi32, #tpu.memory_space<vmem>> -> memref<1280xi32, #tpu.memory_space<vmem>>
    %dma_wait3A_180 = arith.constant 0 : i32
    %dma_wait3A_181 = arith.constant 0 : i32
    %dma_wait3A_182 = tpu.memref_slice %arg17[%dma_wait3A_180, %dma_wait3A_181] : memref<10240x16xf32, #tpu.memory_space<vmem_shared>> -> memref<10240x16xf32, #tpu.memory_space<vmem_shared>>
    tpu.wait_indirect_dma semaphore(%arg18 : memref<!tpu.dma_semaphore, #tpu.memory_space<semaphore_mem>>) src(%dma_wait3A_182 : memref<10240x16xf32, #tpu.memory_space<vmem_shared>>) dst(%arg11 : memref<1280x16xf32, #tpu.memory_space<vmem>>)
    %dma_start3A_183 = arith.constant 0 : i32
    %dma_start3A_184 = arith.constant 0 : i32
    %dma_start3A_185 = tpu.memref_slice %arg10[%dma_start3A_183, %dma_start3A_184] : memref<8x1280xi32, #tpu.memory_space<vmem>> -> memref<1x1280xi32, #tpu.memory_space<vmem>>
    %dma_start3A_186 = tpu.memref_squeeze %dma_start3A_185 : memref<1x1280xi32, #tpu.memory_space<vmem>> -> memref<1280xi32, #tpu.memory_space<vmem>>
    %dma_start3A_187 = arith.constant 0 : i32
    %dma_start3A_188 = arith.constant 0 : i32
    %dma_start3A_189 = tpu.memref_slice %arg16[%dma_start3A_187, %dma_start3A_188] : memref<10240x16xf32, #tpu.memory_space<vmem_shared>> -> memref<10240x16xf32, #tpu.memory_space<vmem_shared>>
    tpu.enqueue_indirect_dma source(%arg11 : memref<1280x16xf32, #tpu.memory_space<vmem>>) target(%dma_start3A_189 : memref<10240x16xf32, #tpu.memory_space<vmem_shared>>) offsets(%dma_start3A_186 : memref<1280xi32, #tpu.memory_space<vmem>>) semaphore(%arg21 : memref<!tpu.dma_semaphore, #tpu.memory_space<semaphore_mem>>) {add = true}
    %dma_start3A_190 = arith.constant 2 : i32
    %dma_start3A_191 = arith.constant 0 : i32
    %dma_start3A_192 = tpu.memref_slice %arg9[%dma_start3A_190, %dma_start3A_191] : memref<8x1280xi32, #tpu.memory_space<vmem>> -> memref<1x1280xi32, #tpu.memory_space<vmem>>
    %dma_start3A_193 = tpu.memref_squeeze %dma_start3A_192 : memref<1x1280xi32, #tpu.memory_space<vmem>> -> memref<1280xi32, #tpu.memory_space<vmem>>
    %dma_start3A_194 = arith.constant 0 : i32
    %dma_start3A_195 = arith.constant 0 : i32
    %dma_start3A_196 = tpu.memref_slice %arg17[%dma_start3A_194, %dma_start3A_195] : memref<10240x16xf32, #tpu.memory_space<vmem_shared>> -> memref<10240x16xf32, #tpu.memory_space<vmem_shared>>
    tpu.enqueue_indirect_dma source(%dma_start3A_196 : memref<10240x16xf32, #tpu.memory_space<vmem_shared>>) target(%arg13 : memref<1280x16xf32, #tpu.memory_space<vmem>>) offsets(%dma_start3A_193 : memref<1280xi32, #tpu.memory_space<vmem>>) semaphore(%arg20 : memref<!tpu.dma_semaphore, #tpu.memory_space<semaphore_mem>>)
    %dma_wait3A_197 = arith.constant 1 : i32
    %dma_wait3A_198 = arith.constant 0 : i32
    %dma_wait3A_199 = tpu.memref_slice %arg9[%dma_wait3A_197, %dma_wait3A_198] : memref<8x1280xi32, #tpu.memory_space<vmem>> -> memref<1x1280xi32, #tpu.memory_space<vmem>>
    %dma_wait3A_200 = tpu.memref_squeeze %dma_wait3A_199 : memref<1x1280xi32, #tpu.memory_space<vmem>> -> memref<1280xi32, #tpu.memory_space<vmem>>
    %dma_wait3A_201 = arith.constant 0 : i32
    %dma_wait3A_202 = arith.constant 0 : i32
    %dma_wait3A_203 = tpu.memref_slice %arg17[%dma_wait3A_201, %dma_wait3A_202] : memref<10240x16xf32, #tpu.memory_space<vmem_shared>> -> memref<10240x16xf32, #tpu.memory_space<vmem_shared>>
    tpu.wait_indirect_dma semaphore(%arg19 : memref<!tpu.dma_semaphore, #tpu.memory_space<semaphore_mem>>) src(%dma_wait3A_203 : memref<10240x16xf32, #tpu.memory_space<vmem_shared>>) dst(%arg12 : memref<1280x16xf32, #tpu.memory_space<vmem>>)
    %dma_start3A_204 = arith.constant 1 : i32
    %dma_start3A_205 = arith.constant 0 : i32
    %dma_start3A_206 = tpu.memref_slice %arg10[%dma_start3A_204, %dma_start3A_205] : memref<8x1280xi32, #tpu.memory_space<vmem>> -> memref<1x1280xi32, #tpu.memory_space<vmem>>
    %dma_start3A_207 = tpu.memref_squeeze %dma_start3A_206 : memref<1x1280xi32, #tpu.memory_space<vmem>> -> memref<1280xi32, #tpu.memory_space<vmem>>
    %dma_start3A_208 = arith.constant 0 : i32
    %dma_start3A_209 = arith.constant 0 : i32
    %dma_start3A_210 = tpu.memref_slice %arg16[%dma_start3A_208, %dma_start3A_209] : memref<10240x16xf32, #tpu.memory_space<vmem_shared>> -> memref<10240x16xf32, #tpu.memory_space<vmem_shared>>
    tpu.enqueue_indirect_dma source(%arg12 : memref<1280x16xf32, #tpu.memory_space<vmem>>) target(%dma_start3A_210 : memref<10240x16xf32, #tpu.memory_space<vmem_shared>>) offsets(%dma_start3A_207 : memref<1280xi32, #tpu.memory_space<vmem>>) semaphore(%arg22 : memref<!tpu.dma_semaphore, #tpu.memory_space<semaphore_mem>>) {add = true}
    %dma_wait3A_211 = arith.constant 0 : i32
    %dma_wait3A_212 = arith.constant 0 : i32
    %dma_wait3A_213 = tpu.memref_slice %arg10[%dma_wait3A_211, %dma_wait3A_212] : memref<8x1280xi32, #tpu.memory_space<vmem>> -> memref<1x1280xi32, #tpu.memory_space<vmem>>
    %dma_wait3A_214 = tpu.memref_squeeze %dma_wait3A_213 : memref<1x1280xi32, #tpu.memory_space<vmem>> -> memref<1280xi32, #tpu.memory_space<vmem>>
    %dma_wait3A_215 = arith.constant 0 : i32
    %dma_wait3A_216 = arith.constant 0 : i32
    %dma_wait3A_217 = tpu.memref_slice %arg16[%dma_wait3A_215, %dma_wait3A_216] : memref<10240x16xf32, #tpu.memory_space<vmem_shared>> -> memref<10240x16xf32, #tpu.memory_space<vmem_shared>>
    tpu.wait_indirect_dma semaphore(%arg21 : memref<!tpu.dma_semaphore, #tpu.memory_space<semaphore_mem>>) src(%arg11 : memref<1280x16xf32, #tpu.memory_space<vmem>>) dst(%dma_wait3A_217 : memref<10240x16xf32, #tpu.memory_space<vmem_shared>>)
    %dma_start3A_218 = arith.constant 3 : i32
    %dma_start3A_219 = arith.constant 0 : i32
    %dma_start3A_220 = tpu.memref_slice %arg9[%dma_start3A_218, %dma_start3A_219] : memref<8x1280xi32, #tpu.memory_space<vmem>> -> memref<1x1280xi32, #tpu.memory_space<vmem>>
    %dma_start3A_221 = tpu.memref_squeeze %dma_start3A_220 : memref<1x1280xi32, #tpu.memory_space<vmem>> -> memref<1280xi32, #tpu.memory_space<vmem>>
    %dma_start3A_222 = arith.constant 0 : i32
    %dma_start3A_223 = arith.constant 0 : i32
    %dma_start3A_224 = tpu.memref_slice %arg17[%dma_start3A_222, %dma_start3A_223] : memref<10240x16xf32, #tpu.memory_space<vmem_shared>> -> memref<10240x16xf32, #tpu.memory_space<vmem_shared>>
    tpu.enqueue_indirect_dma source(%dma_start3A_224 : memref<10240x16xf32, #tpu.memory_space<vmem_shared>>) target(%arg11 : memref<1280x16xf32, #tpu.memory_space<vmem>>) offsets(%dma_start3A_221 : memref<1280xi32, #tpu.memory_space<vmem>>) semaphore(%arg18 : memref<!tpu.dma_semaphore, #tpu.memory_space<semaphore_mem>>)
    %dma_wait3A_225 = arith.constant 2 : i32
    %dma_wait3A_226 = arith.constant 0 : i32
    %dma_wait3A_227 = tpu.memref_slice %arg9[%dma_wait3A_225, %dma_wait3A_226] : memref<8x1280xi32, #tpu.memory_space<vmem>> -> memref<1x1280xi32, #tpu.memory_space<vmem>>
    %dma_wait3A_228 = tpu.memref_squeeze %dma_wait3A_227 : memref<1x1280xi32, #tpu.memory_space<vmem>> -> memref<1280xi32, #tpu.memory_space<vmem>>
    %dma_wait3A_229 = arith.constant 0 : i32
    %dma_wait3A_230 = arith.constant 0 : i32
    %dma_wait3A_231 = tpu.memref_slice %arg17[%dma_wait3A_229, %dma_wait3A_230] : memref<10240x16xf32, #tpu.memory_space<vmem_shared>> -> memref<10240x16xf32, #tpu.memory_space<vmem_shared>>
    tpu.wait_indirect_dma semaphore(%arg20 : memref<!tpu.dma_semaphore, #tpu.memory_space<semaphore_mem>>) src(%dma_wait3A_231 : memref<10240x16xf32, #tpu.memory_space<vmem_shared>>) dst(%arg13 : memref<1280x16xf32, #tpu.memory_space<vmem>>)
    %dma_start3A_232 = arith.constant 2 : i32
    %dma_start3A_233 = arith.constant 0 : i32
    %dma_start3A_234 = tpu.memref_slice %arg10[%dma_start3A_232, %dma_start3A_233] : memref<8x1280xi32, #tpu.memory_space<vmem>> -> memref<1x1280xi32, #tpu.memory_space<vmem>>
    %dma_start3A_235 = tpu.memref_squeeze %dma_start3A_234 : memref<1x1280xi32, #tpu.memory_space<vmem>> -> memref<1280xi32, #tpu.memory_space<vmem>>
    %dma_start3A_236 = arith.constant 0 : i32
    %dma_start3A_237 = arith.constant 0 : i32
    %dma_start3A_238 = tpu.memref_slice %arg16[%dma_start3A_236, %dma_start3A_237] : memref<10240x16xf32, #tpu.memory_space<vmem_shared>> -> memref<10240x16xf32, #tpu.memory_space<vmem_shared>>
    tpu.enqueue_indirect_dma source(%arg13 : memref<1280x16xf32, #tpu.memory_space<vmem>>) target(%dma_start3A_238 : memref<10240x16xf32, #tpu.memory_space<vmem_shared>>) offsets(%dma_start3A_235 : memref<1280xi32, #tpu.memory_space<vmem>>) semaphore(%arg23 : memref<!tpu.dma_semaphore, #tpu.memory_space<semaphore_mem>>) {add = true}
    %dma_wait3A_239 = arith.constant 1 : i32
    %dma_wait3A_240 = arith.constant 0 : i32
    %dma_wait3A_241 = tpu.memref_slice %arg10[%dma_wait3A_239, %dma_wait3A_240] : memref<8x1280xi32, #tpu.memory_space<vmem>> -> memref<1x1280xi32, #tpu.memory_space<vmem>>
    %dma_wait3A_242 = tpu.memref_squeeze %dma_wait3A_241 : memref<1x1280xi32, #tpu.memory_space<vmem>> -> memref<1280xi32, #tpu.memory_space<vmem>>
    %dma_wait3A_243 = arith.constant 0 : i32
    %dma_wait3A_244 = arith.constant 0 : i32
    %dma_wait3A_245 = tpu.memref_slice %arg16[%dma_wait3A_243, %dma_wait3A_244] : memref<10240x16xf32, #tpu.memory_space<vmem_shared>> -> memref<10240x16xf32, #tpu.memory_space<vmem_shared>>
    tpu.wait_indirect_dma semaphore(%arg22 : memref<!tpu.dma_semaphore, #tpu.memory_space<semaphore_mem>>) src(%arg12 : memref<1280x16xf32, #tpu.memory_space<vmem>>) dst(%dma_wait3A_245 : memref<10240x16xf32, #tpu.memory_space<vmem_shared>>)
    %dma_start3A_246 = arith.constant 4 : i32
    %dma_start3A_247 = arith.constant 0 : i32
    %dma_start3A_248 = tpu.memref_slice %arg9[%dma_start3A_246, %dma_start3A_247] : memref<8x1280xi32, #tpu.memory_space<vmem>> -> memref<1x1280xi32, #tpu.memory_space<vmem>>
    %dma_start3A_249 = tpu.memref_squeeze %dma_start3A_248 : memref<1x1280xi32, #tpu.memory_space<vmem>> -> memref<1280xi32, #tpu.memory_space<vmem>>
    %dma_start3A_250 = arith.constant 0 : i32
    %dma_start3A_251 = arith.constant 0 : i32
    %dma_start3A_252 = tpu.memref_slice %arg17[%dma_start3A_250, %dma_start3A_251] : memref<10240x16xf32, #tpu.memory_space<vmem_shared>> -> memref<10240x16xf32, #tpu.memory_space<vmem_shared>>
    tpu.enqueue_indirect_dma source(%dma_start3A_252 : memref<10240x16xf32, #tpu.memory_space<vmem_shared>>) target(%arg12 : memref<1280x16xf32, #tpu.memory_space<vmem>>) offsets(%dma_start3A_249 : memref<1280xi32, #tpu.memory_space<vmem>>) semaphore(%arg19 : memref<!tpu.dma_semaphore, #tpu.memory_space<semaphore_mem>>)
    %dma_wait3A_253 = arith.constant 3 : i32
    %dma_wait3A_254 = arith.constant 0 : i32
    %dma_wait3A_255 = tpu.memref_slice %arg9[%dma_wait3A_253, %dma_wait3A_254] : memref<8x1280xi32, #tpu.memory_space<vmem>> -> memref<1x1280xi32, #tpu.memory_space<vmem>>
    %dma_wait3A_256 = tpu.memref_squeeze %dma_wait3A_255 : memref<1x1280xi32, #tpu.memory_space<vmem>> -> memref<1280xi32, #tpu.memory_space<vmem>>
    %dma_wait3A_257 = arith.constant 0 : i32
    %dma_wait3A_258 = arith.constant 0 : i32
    %dma_wait3A_259 = tpu.memref_slice %arg17[%dma_wait3A_257, %dma_wait3A_258] : memref<10240x16xf32, #tpu.memory_space<vmem_shared>> -> memref<10240x16xf32, #tpu.memory_space<vmem_shared>>
    tpu.wait_indirect_dma semaphore(%arg18 : memref<!tpu.dma_semaphore, #tpu.memory_space<semaphore_mem>>) src(%dma_wait3A_259 : memref<10240x16xf32, #tpu.memory_space<vmem_shared>>) dst(%arg11 : memref<1280x16xf32, #tpu.memory_space<vmem>>)
    %dma_start3A_260 = arith.constant 3 : i32
    %dma_start3A_261 = arith.constant 0 : i32
    %dma_start3A_262 = tpu.memref_slice %arg10[%dma_start3A_260, %dma_start3A_261] : memref<8x1280xi32, #tpu.memory_space<vmem>> -> memref<1x1280xi32, #tpu.memory_space<vmem>>
    %dma_start3A_263 = tpu.memref_squeeze %dma_start3A_262 : memref<1x1280xi32, #tpu.memory_space<vmem>> -> memref<1280xi32, #tpu.memory_space<vmem>>
    %dma_start3A_264 = arith.constant 0 : i32
    %dma_start3A_265 = arith.constant 0 : i32
    %dma_start3A_266 = tpu.memref_slice %arg16[%dma_start3A_264, %dma_start3A_265] : memref<10240x16xf32, #tpu.memory_space<vmem_shared>> -> memref<10240x16xf32, #tpu.memory_space<vmem_shared>>
    tpu.enqueue_indirect_dma source(%arg11 : memref<1280x16xf32, #tpu.memory_space<vmem>>) target(%dma_start3A_266 : memref<10240x16xf32, #tpu.memory_space<vmem_shared>>) offsets(%dma_start3A_263 : memref<1280xi32, #tpu.memory_space<vmem>>) semaphore(%arg21 : memref<!tpu.dma_semaphore, #tpu.memory_space<semaphore_mem>>) {add = true}
    %dma_wait3A_267 = arith.constant 2 : i32
    %dma_wait3A_268 = arith.constant 0 : i32
    %dma_wait3A_269 = tpu.memref_slice %arg10[%dma_wait3A_267, %dma_wait3A_268] : memref<8x1280xi32, #tpu.memory_space<vmem>> -> memref<1x1280xi32, #tpu.memory_space<vmem>>
    %dma_wait3A_270 = tpu.memref_squeeze %dma_wait3A_269 : memref<1x1280xi32, #tpu.memory_space<vmem>> -> memref<1280xi32, #tpu.memory_space<vmem>>
    %dma_wait3A_271 = arith.constant 0 : i32
    %dma_wait3A_272 = arith.constant 0 : i32
    %dma_wait3A_273 = tpu.memref_slice %arg16[%dma_wait3A_271, %dma_wait3A_272] : memref<10240x16xf32, #tpu.memory_space<vmem_shared>> -> memref<10240x16xf32, #tpu.memory_space<vmem_shared>>
    tpu.wait_indirect_dma semaphore(%arg23 : memref<!tpu.dma_semaphore, #tpu.memory_space<semaphore_mem>>) src(%arg13 : memref<1280x16xf32, #tpu.memory_space<vmem>>) dst(%dma_wait3A_273 : memref<10240x16xf32, #tpu.memory_space<vmem_shared>>)
    %dma_start3A_274 = arith.constant 5 : i32
    %dma_start3A_275 = arith.constant 0 : i32
    %dma_start3A_276 = tpu.memref_slice %arg9[%dma_start3A_274, %dma_start3A_275] : memref<8x1280xi32, #tpu.memory_space<vmem>> -> memref<1x1280xi32, #tpu.memory_space<vmem>>
    %dma_start3A_277 = tpu.memref_squeeze %dma_start3A_276 : memref<1x1280xi32, #tpu.memory_space<vmem>> -> memref<1280xi32, #tpu.memory_space<vmem>>
    %dma_start3A_278 = arith.constant 0 : i32
    %dma_start3A_279 = arith.constant 0 : i32
    %dma_start3A_280 = tpu.memref_slice %arg17[%dma_start3A_278, %dma_start3A_279] : memref<10240x16xf32, #tpu.memory_space<vmem_shared>> -> memref<10240x16xf32, #tpu.memory_space<vmem_shared>>
    tpu.enqueue_indirect_dma source(%dma_start3A_280 : memref<10240x16xf32, #tpu.memory_space<vmem_shared>>) target(%arg13 : memref<1280x16xf32, #tpu.memory_space<vmem>>) offsets(%dma_start3A_277 : memref<1280xi32, #tpu.memory_space<vmem>>) semaphore(%arg20 : memref<!tpu.dma_semaphore, #tpu.memory_space<semaphore_mem>>)
    %dma_wait3A_281 = arith.constant 4 : i32
    %dma_wait3A_282 = arith.constant 0 : i32
    %dma_wait3A_283 = tpu.memref_slice %arg9[%dma_wait3A_281, %dma_wait3A_282] : memref<8x1280xi32, #tpu.memory_space<vmem>> -> memref<1x1280xi32, #tpu.memory_space<vmem>>
    %dma_wait3A_284 = tpu.memref_squeeze %dma_wait3A_283 : memref<1x1280xi32, #tpu.memory_space<vmem>> -> memref<1280xi32, #tpu.memory_space<vmem>>
    %dma_wait3A_285 = arith.constant 0 : i32
    %dma_wait3A_286 = arith.constant 0 : i32
    %dma_wait3A_287 = tpu.memref_slice %arg17[%dma_wait3A_285, %dma_wait3A_286] : memref<10240x16xf32, #tpu.memory_space<vmem_shared>> -> memref<10240x16xf32, #tpu.memory_space<vmem_shared>>
    tpu.wait_indirect_dma semaphore(%arg19 : memref<!tpu.dma_semaphore, #tpu.memory_space<semaphore_mem>>) src(%dma_wait3A_287 : memref<10240x16xf32, #tpu.memory_space<vmem_shared>>) dst(%arg12 : memref<1280x16xf32, #tpu.memory_space<vmem>>)
    %dma_start3A_288 = arith.constant 4 : i32
    %dma_start3A_289 = arith.constant 0 : i32
    %dma_start3A_290 = tpu.memref_slice %arg10[%dma_start3A_288, %dma_start3A_289] : memref<8x1280xi32, #tpu.memory_space<vmem>> -> memref<1x1280xi32, #tpu.memory_space<vmem>>
    %dma_start3A_291 = tpu.memref_squeeze %dma_start3A_290 : memref<1x1280xi32, #tpu.memory_space<vmem>> -> memref<1280xi32, #tpu.memory_space<vmem>>
    %dma_start3A_292 = arith.constant 0 : i32
    %dma_start3A_293 = arith.constant 0 : i32
    %dma_start3A_294 = tpu.memref_slice %arg16[%dma_start3A_292, %dma_start3A_293] : memref<10240x16xf32, #tpu.memory_space<vmem_shared>> -> memref<10240x16xf32, #tpu.memory_space<vmem_shared>>
    tpu.enqueue_indirect_dma source(%arg12 : memref<1280x16xf32, #tpu.memory_space<vmem>>) target(%dma_start3A_294 : memref<10240x16xf32, #tpu.memory_space<vmem_shared>>) offsets(%dma_start3A_291 : memref<1280xi32, #tpu.memory_space<vmem>>) semaphore(%arg22 : memref<!tpu.dma_semaphore, #tpu.memory_space<semaphore_mem>>) {add = true}
    %dma_wait3A_295 = arith.constant 3 : i32
    %dma_wait3A_296 = arith.constant 0 : i32
    %dma_wait3A_297 = tpu.memref_slice %arg10[%dma_wait3A_295, %dma_wait3A_296] : memref<8x1280xi32, #tpu.memory_space<vmem>> -> memref<1x1280xi32, #tpu.memory_space<vmem>>
    %dma_wait3A_298 = tpu.memref_squeeze %dma_wait3A_297 : memref<1x1280xi32, #tpu.memory_space<vmem>> -> memref<1280xi32, #tpu.memory_space<vmem>>
    %dma_wait3A_299 = arith.constant 0 : i32
    %dma_wait3A_300 = arith.constant 0 : i32
    %dma_wait3A_301 = tpu.memref_slice %arg16[%dma_wait3A_299, %dma_wait3A_300] : memref<10240x16xf32, #tpu.memory_space<vmem_shared>> -> memref<10240x16xf32, #tpu.memory_space<vmem_shared>>
    tpu.wait_indirect_dma semaphore(%arg21 : memref<!tpu.dma_semaphore, #tpu.memory_space<semaphore_mem>>) src(%arg11 : memref<1280x16xf32, #tpu.memory_space<vmem>>) dst(%dma_wait3A_301 : memref<10240x16xf32, #tpu.memory_space<vmem_shared>>)
    %dma_start3A_302 = arith.constant 6 : i32
    %dma_start3A_303 = arith.constant 0 : i32
    %dma_start3A_304 = tpu.memref_slice %arg9[%dma_start3A_302, %dma_start3A_303] : memref<8x1280xi32, #tpu.memory_space<vmem>> -> memref<1x1280xi32, #tpu.memory_space<vmem>>
    %dma_start3A_305 = tpu.memref_squeeze %dma_start3A_304 : memref<1x1280xi32, #tpu.memory_space<vmem>> -> memref<1280xi32, #tpu.memory_space<vmem>>
    %dma_start3A_306 = arith.constant 0 : i32
    %dma_start3A_307 = arith.constant 0 : i32
    %dma_start3A_308 = tpu.memref_slice %arg17[%dma_start3A_306, %dma_start3A_307] : memref<10240x16xf32, #tpu.memory_space<vmem_shared>> -> memref<10240x16xf32, #tpu.memory_space<vmem_shared>>
    tpu.enqueue_indirect_dma source(%dma_start3A_308 : memref<10240x16xf32, #tpu.memory_space<vmem_shared>>) target(%arg11 : memref<1280x16xf32, #tpu.memory_space<vmem>>) offsets(%dma_start3A_305 : memref<1280xi32, #tpu.memory_space<vmem>>) semaphore(%arg18 : memref<!tpu.dma_semaphore, #tpu.memory_space<semaphore_mem>>)
    %dma_wait3A_309 = arith.constant 5 : i32
    %dma_wait3A_310 = arith.constant 0 : i32
    %dma_wait3A_311 = tpu.memref_slice %arg9[%dma_wait3A_309, %dma_wait3A_310] : memref<8x1280xi32, #tpu.memory_space<vmem>> -> memref<1x1280xi32, #tpu.memory_space<vmem>>
    %dma_wait3A_312 = tpu.memref_squeeze %dma_wait3A_311 : memref<1x1280xi32, #tpu.memory_space<vmem>> -> memref<1280xi32, #tpu.memory_space<vmem>>
    %dma_wait3A_313 = arith.constant 0 : i32
    %dma_wait3A_314 = arith.constant 0 : i32
    %dma_wait3A_315 = tpu.memref_slice %arg17[%dma_wait3A_313, %dma_wait3A_314] : memref<10240x16xf32, #tpu.memory_space<vmem_shared>> -> memref<10240x16xf32, #tpu.memory_space<vmem_shared>>
    tpu.wait_indirect_dma semaphore(%arg20 : memref<!tpu.dma_semaphore, #tpu.memory_space<semaphore_mem>>) src(%dma_wait3A_315 : memref<10240x16xf32, #tpu.memory_space<vmem_shared>>) dst(%arg13 : memref<1280x16xf32, #tpu.memory_space<vmem>>)
    %dma_start3A_316 = arith.constant 5 : i32
    %dma_start3A_317 = arith.constant 0 : i32
    %dma_start3A_318 = tpu.memref_slice %arg10[%dma_start3A_316, %dma_start3A_317] : memref<8x1280xi32, #tpu.memory_space<vmem>> -> memref<1x1280xi32, #tpu.memory_space<vmem>>
    %dma_start3A_319 = tpu.memref_squeeze %dma_start3A_318 : memref<1x1280xi32, #tpu.memory_space<vmem>> -> memref<1280xi32, #tpu.memory_space<vmem>>
    %dma_start3A_320 = arith.constant 0 : i32
    %dma_start3A_321 = arith.constant 0 : i32
    %dma_start3A_322 = tpu.memref_slice %arg16[%dma_start3A_320, %dma_start3A_321] : memref<10240x16xf32, #tpu.memory_space<vmem_shared>> -> memref<10240x16xf32, #tpu.memory_space<vmem_shared>>
    tpu.enqueue_indirect_dma source(%arg13 : memref<1280x16xf32, #tpu.memory_space<vmem>>) target(%dma_start3A_322 : memref<10240x16xf32, #tpu.memory_space<vmem_shared>>) offsets(%dma_start3A_319 : memref<1280xi32, #tpu.memory_space<vmem>>) semaphore(%arg23 : memref<!tpu.dma_semaphore, #tpu.memory_space<semaphore_mem>>) {add = true}
    %dma_wait3A_323 = arith.constant 4 : i32
    %dma_wait3A_324 = arith.constant 0 : i32
    %dma_wait3A_325 = tpu.memref_slice %arg10[%dma_wait3A_323, %dma_wait3A_324] : memref<8x1280xi32, #tpu.memory_space<vmem>> -> memref<1x1280xi32, #tpu.memory_space<vmem>>
    %dma_wait3A_326 = tpu.memref_squeeze %dma_wait3A_325 : memref<1x1280xi32, #tpu.memory_space<vmem>> -> memref<1280xi32, #tpu.memory_space<vmem>>
    %dma_wait3A_327 = arith.constant 0 : i32
    %dma_wait3A_328 = arith.constant 0 : i32
    %dma_wait3A_329 = tpu.memref_slice %arg16[%dma_wait3A_327, %dma_wait3A_328] : memref<10240x16xf32, #tpu.memory_space<vmem_shared>> -> memref<10240x16xf32, #tpu.memory_space<vmem_shared>>
    tpu.wait_indirect_dma semaphore(%arg22 : memref<!tpu.dma_semaphore, #tpu.memory_space<semaphore_mem>>) src(%arg12 : memref<1280x16xf32, #tpu.memory_space<vmem>>) dst(%dma_wait3A_329 : memref<10240x16xf32, #tpu.memory_space<vmem_shared>>)
    %dma_start3A_330 = arith.constant 7 : i32
    %dma_start3A_331 = arith.constant 0 : i32
    %dma_start3A_332 = tpu.memref_slice %arg9[%dma_start3A_330, %dma_start3A_331] : memref<8x1280xi32, #tpu.memory_space<vmem>> -> memref<1x1280xi32, #tpu.memory_space<vmem>>
    %dma_start3A_333 = tpu.memref_squeeze %dma_start3A_332 : memref<1x1280xi32, #tpu.memory_space<vmem>> -> memref<1280xi32, #tpu.memory_space<vmem>>
    %dma_start3A_334 = arith.constant 0 : i32
    %dma_start3A_335 = arith.constant 0 : i32
    %dma_start3A_336 = tpu.memref_slice %arg17[%dma_start3A_334, %dma_start3A_335] : memref<10240x16xf32, #tpu.memory_space<vmem_shared>> -> memref<10240x16xf32, #tpu.memory_space<vmem_shared>>
    tpu.enqueue_indirect_dma source(%dma_start3A_336 : memref<10240x16xf32, #tpu.memory_space<vmem_shared>>) target(%arg12 : memref<1280x16xf32, #tpu.memory_space<vmem>>) offsets(%dma_start3A_333 : memref<1280xi32, #tpu.memory_space<vmem>>) semaphore(%arg19 : memref<!tpu.dma_semaphore, #tpu.memory_space<semaphore_mem>>)
    %dma_wait3A_337 = arith.constant 6 : i32
    %dma_wait3A_338 = arith.constant 0 : i32
    %dma_wait3A_339 = tpu.memref_slice %arg9[%dma_wait3A_337, %dma_wait3A_338] : memref<8x1280xi32, #tpu.memory_space<vmem>> -> memref<1x1280xi32, #tpu.memory_space<vmem>>
    %dma_wait3A_340 = tpu.memref_squeeze %dma_wait3A_339 : memref<1x1280xi32, #tpu.memory_space<vmem>> -> memref<1280xi32, #tpu.memory_space<vmem>>
    %dma_wait3A_341 = arith.constant 0 : i32
    %dma_wait3A_342 = arith.constant 0 : i32
    %dma_wait3A_343 = tpu.memref_slice %arg17[%dma_wait3A_341, %dma_wait3A_342] : memref<10240x16xf32, #tpu.memory_space<vmem_shared>> -> memref<10240x16xf32, #tpu.memory_space<vmem_shared>>
    tpu.wait_indirect_dma semaphore(%arg18 : memref<!tpu.dma_semaphore, #tpu.memory_space<semaphore_mem>>) src(%dma_wait3A_343 : memref<10240x16xf32, #tpu.memory_space<vmem_shared>>) dst(%arg11 : memref<1280x16xf32, #tpu.memory_space<vmem>>)
    %dma_start3A_344 = arith.constant 6 : i32
    %dma_start3A_345 = arith.constant 0 : i32
    %dma_start3A_346 = tpu.memref_slice %arg10[%dma_start3A_344, %dma_start3A_345] : memref<8x1280xi32, #tpu.memory_space<vmem>> -> memref<1x1280xi32, #tpu.memory_space<vmem>>
    %dma_start3A_347 = tpu.memref_squeeze %dma_start3A_346 : memref<1x1280xi32, #tpu.memory_space<vmem>> -> memref<1280xi32, #tpu.memory_space<vmem>>
    %dma_start3A_348 = arith.constant 0 : i32
    %dma_start3A_349 = arith.constant 0 : i32
    %dma_start3A_350 = tpu.memref_slice %arg16[%dma_start3A_348, %dma_start3A_349] : memref<10240x16xf32, #tpu.memory_space<vmem_shared>> -> memref<10240x16xf32, #tpu.memory_space<vmem_shared>>
    tpu.enqueue_indirect_dma source(%arg11 : memref<1280x16xf32, #tpu.memory_space<vmem>>) target(%dma_start3A_350 : memref<10240x16xf32, #tpu.memory_space<vmem_shared>>) offsets(%dma_start3A_347 : memref<1280xi32, #tpu.memory_space<vmem>>) semaphore(%arg21 : memref<!tpu.dma_semaphore, #tpu.memory_space<semaphore_mem>>) {add = true}
    %dma_wait3A_351 = arith.constant 7 : i32
    %dma_wait3A_352 = arith.constant 0 : i32
    %dma_wait3A_353 = tpu.memref_slice %arg9[%dma_wait3A_351, %dma_wait3A_352] : memref<8x1280xi32, #tpu.memory_space<vmem>> -> memref<1x1280xi32, #tpu.memory_space<vmem>>
    %dma_wait3A_354 = tpu.memref_squeeze %dma_wait3A_353 : memref<1x1280xi32, #tpu.memory_space<vmem>> -> memref<1280xi32, #tpu.memory_space<vmem>>
    %dma_wait3A_355 = arith.constant 0 : i32
    %dma_wait3A_356 = arith.constant 0 : i32
    %dma_wait3A_357 = tpu.memref_slice %arg17[%dma_wait3A_355, %dma_wait3A_356] : memref<10240x16xf32, #tpu.memory_space<vmem_shared>> -> memref<10240x16xf32, #tpu.memory_space<vmem_shared>>
    tpu.wait_indirect_dma semaphore(%arg19 : memref<!tpu.dma_semaphore, #tpu.memory_space<semaphore_mem>>) src(%dma_wait3A_357 : memref<10240x16xf32, #tpu.memory_space<vmem_shared>>) dst(%arg12 : memref<1280x16xf32, #tpu.memory_space<vmem>>)
    %dma_start3A_358 = arith.constant 7 : i32
    %dma_start3A_359 = arith.constant 0 : i32
    %dma_start3A_360 = tpu.memref_slice %arg10[%dma_start3A_358, %dma_start3A_359] : memref<8x1280xi32, #tpu.memory_space<vmem>> -> memref<1x1280xi32, #tpu.memory_space<vmem>>
    %dma_start3A_361 = tpu.memref_squeeze %dma_start3A_360 : memref<1x1280xi32, #tpu.memory_space<vmem>> -> memref<1280xi32, #tpu.memory_space<vmem>>
    %dma_start3A_362 = arith.constant 0 : i32
    %dma_start3A_363 = arith.constant 0 : i32
    %dma_start3A_364 = tpu.memref_slice %arg16[%dma_start3A_362, %dma_start3A_363] : memref<10240x16xf32, #tpu.memory_space<vmem_shared>> -> memref<10240x16xf32, #tpu.memory_space<vmem_shared>>
    tpu.enqueue_indirect_dma source(%arg12 : memref<1280x16xf32, #tpu.memory_space<vmem>>) target(%dma_start3A_364 : memref<10240x16xf32, #tpu.memory_space<vmem_shared>>) offsets(%dma_start3A_361 : memref<1280xi32, #tpu.memory_space<vmem>>) semaphore(%arg22 : memref<!tpu.dma_semaphore, #tpu.memory_space<semaphore_mem>>) {add = true}
    %dma_wait3A_365 = arith.constant 5 : i32
    %dma_wait3A_366 = arith.constant 0 : i32
    %dma_wait3A_367 = tpu.memref_slice %arg10[%dma_wait3A_365, %dma_wait3A_366] : memref<8x1280xi32, #tpu.memory_space<vmem>> -> memref<1x1280xi32, #tpu.memory_space<vmem>>
    %dma_wait3A_368 = tpu.memref_squeeze %dma_wait3A_367 : memref<1x1280xi32, #tpu.memory_space<vmem>> -> memref<1280xi32, #tpu.memory_space<vmem>>
    %dma_wait3A_369 = arith.constant 0 : i32
    %dma_wait3A_370 = arith.constant 0 : i32
    %dma_wait3A_371 = tpu.memref_slice %arg16[%dma_wait3A_369, %dma_wait3A_370] : memref<10240x16xf32, #tpu.memory_space<vmem_shared>> -> memref<10240x16xf32, #tpu.memory_space<vmem_shared>>
    tpu.wait_indirect_dma semaphore(%arg23 : memref<!tpu.dma_semaphore, #tpu.memory_space<semaphore_mem>>) src(%arg13 : memref<1280x16xf32, #tpu.memory_space<vmem>>) dst(%dma_wait3A_371 : memref<10240x16xf32, #tpu.memory_space<vmem_shared>>)
    %dma_wait3A_372 = arith.constant 6 : i32
    %dma_wait3A_373 = arith.constant 0 : i32
    %dma_wait3A_374 = tpu.memref_slice %arg10[%dma_wait3A_372, %dma_wait3A_373] : memref<8x1280xi32, #tpu.memory_space<vmem>> -> memref<1x1280xi32, #tpu.memory_space<vmem>>
    %dma_wait3A_375 = tpu.memref_squeeze %dma_wait3A_374 : memref<1x1280xi32, #tpu.memory_space<vmem>> -> memref<1280xi32, #tpu.memory_space<vmem>>
    %dma_wait3A_376 = arith.constant 0 : i32
    %dma_wait3A_377 = arith.constant 0 : i32
    %dma_wait3A_378 = tpu.memref_slice %arg16[%dma_wait3A_376, %dma_wait3A_377] : memref<10240x16xf32, #tpu.memory_space<vmem_shared>> -> memref<10240x16xf32, #tpu.memory_space<vmem_shared>>
    tpu.wait_indirect_dma semaphore(%arg21 : memref<!tpu.dma_semaphore, #tpu.memory_space<semaphore_mem>>) src(%arg11 : memref<1280x16xf32, #tpu.memory_space<vmem>>) dst(%dma_wait3A_378 : memref<10240x16xf32, #tpu.memory_space<vmem_shared>>)
    %dma_wait3A_379 = arith.constant 7 : i32
    %dma_wait3A_380 = arith.constant 0 : i32
    %dma_wait3A_381 = tpu.memref_slice %arg10[%dma_wait3A_379, %dma_wait3A_380] : memref<8x1280xi32, #tpu.memory_space<vmem>> -> memref<1x1280xi32, #tpu.memory_space<vmem>>
    %dma_wait3A_382 = tpu.memref_squeeze %dma_wait3A_381 : memref<1x1280xi32, #tpu.memory_space<vmem>> -> memref<1280xi32, #tpu.memory_space<vmem>>
    %dma_wait3A_383 = arith.constant 0 : i32
    %dma_wait3A_384 = arith.constant 0 : i32
    %dma_wait3A_385 = tpu.memref_slice %arg16[%dma_wait3A_383, %dma_wait3A_384] : memref<10240x16xf32, #tpu.memory_space<vmem_shared>> -> memref<10240x16xf32, #tpu.memory_space<vmem_shared>>
    tpu.wait_indirect_dma semaphore(%arg22 : memref<!tpu.dma_semaphore, #tpu.memory_space<semaphore_mem>>) src(%arg12 : memref<1280x16xf32, #tpu.memory_space<vmem>>) dst(%dma_wait3A_385 : memref<10240x16xf32, #tpu.memory_space<vmem_shared>>)
    %barrier3A_386 = arith.constant 0 : index
    tpu.barrier barrier_id(%barrier3A_386)
    "tpu.region"() ({
      %run_scoped3A = tpu.sem_alloc : memref<!tpu.dma_semaphore, #tpu.memory_space<semaphore_mem>>
      %dma_start3A_387 = arith.constant 0 : i32
      %dma_start3A_388 = tpu.memref_slice %arg7[%arg0, %mul3A_2, %dma_start3A_387] : memref<2x10240x16xf32, #tpu.memory_space<hbm>> -> memref<1x640x16xf32, #tpu.memory_space<hbm>>
      %dma_start3A_389 = tpu.memref_squeeze %dma_start3A_388 : memref<1x640x16xf32, #tpu.memory_space<hbm>> -> memref<640x16xf32, #tpu.memory_space<hbm>>
      %dma_start3A_390 = arith.constant 0 : i32
      %dma_start3A_391 = tpu.memref_slice %arg16[%mul3A_2, %dma_start3A_390] : memref<10240x16xf32, #tpu.memory_space<vmem_shared>> -> memref<640x16xf32, #tpu.memory_space<vmem_shared>>
      tpu.enqueue_dma source(%dma_start3A_391 : memref<640x16xf32, #tpu.memory_space<vmem_shared>>) target(%dma_start3A_389 : memref<640x16xf32, #tpu.memory_space<hbm>>) target_semaphore(%run_scoped3A : memref<!tpu.dma_semaphore, #tpu.memory_space<semaphore_mem>>)
      %dma_wait3A_392 = arith.constant 0 : i32
      %dma_wait3A_393 = tpu.memref_slice %arg7[%arg0, %mul3A_2, %dma_wait3A_392] : memref<2x10240x16xf32, #tpu.memory_space<hbm>> -> memref<1x640x16xf32, #tpu.memory_space<hbm>>
      %dma_wait3A_394 = tpu.memref_squeeze %dma_wait3A_393 : memref<1x640x16xf32, #tpu.memory_space<hbm>> -> memref<640x16xf32, #tpu.memory_space<hbm>>
      %dma_wait3A_395 = arith.constant 0 : i32
      %dma_wait3A_396 = tpu.memref_slice %arg16[%mul3A_2, %dma_wait3A_395] : memref<10240x16xf32, #tpu.memory_space<vmem_shared>> -> memref<640x16xf32, #tpu.memory_space<vmem_shared>>
      tpu.wait_dma2 semaphore(%run_scoped3A : memref<!tpu.dma_semaphore, #tpu.memory_space<semaphore_mem>>) src(%dma_wait3A_396 : memref<640x16xf32, #tpu.memory_space<vmem_shared>>) dst(%dma_wait3A_394 : memref<640x16xf32, #tpu.memory_space<hbm>>)
      tpu.yield
    }) : () -> ()
    return
  }
}

module attributes {stable_mosaic.version = 14 : i64} {
  func.func @body(%arg0: i32, %arg1: memref<1024x128xf32, #tpu.memory_space<vmem>>, %arg2: memref<16x128xf32, #tpu.memory_space<vmem>>, %arg3: memref<1024x16xf32, #tpu.memory_space<vmem>>) attributes {dimension_semantics = [#tpu.dimension_semantics<arbitrary>], iteration_bounds = array<i64: 10>, scalar_prefetch = 0 : i64, scratch_operands = 0 : i64, tpu.core_type = #tpu.core_type<tc>, window_params = [{transform_indices = @transform_0, window_bounds = array<i64: 1024, 128>}, {pipeline_mode = #tpu.pipeline_mode<synchronous>, transform_indices = @transform_1, window_bounds = array<i64: 16, 128>}, {transform_indices = @transform_2, window_bounds = array<i64: 1024, 16>}]} {
    %get3A = arith.constant 0 : index
    %get3A_0 = arith.constant 0 : index
    %get3A_1 = vector.load %arg1[%get3A, %get3A_0] : memref<1024x128xf32, #tpu.memory_space<vmem>>, vector<1024x128xf32>
    %get3A_2 = arith.constant 0 : index
    %get3A_3 = arith.constant 0 : index
    %get3A_4 = vector.load %arg2[%get3A_2, %get3A_3] : memref<16x128xf32, #tpu.memory_space<vmem>>, vector<16x128xf32>
    %dot_general3A = arith.constant dense<0.000000e+00> : vector<1024x16xf32>
    %dot_general3A_5 = tpu.matmul %get3A_1, %get3A_4, %dot_general3A {dimension_numbers = #tpu.dot_dimension_numbers<[1], [1], [0], [0], [0, 0, 1, 0], [], []>, transpose_lhs_hint = false} : vector<1024x128xf32>, vector<16x128xf32>, vector<1024x16xf32> -> vector<1024x16xf32>
    %swap3A = arith.constant 0 : index
    %swap3A_6 = arith.constant 0 : index
    %swap3A_7 = vector.load %arg3[%swap3A, %swap3A_6] : memref<1024x16xf32, #tpu.memory_space<vmem>>, vector<1024x16xf32>
    tpu.vector_store %arg3[%swap3A, %swap3A_6], %dot_general3A_5 {strides = array<i32>} : memref<1024x16xf32, #tpu.memory_space<vmem>>, vector<1024x16xf32>,
    return
  }
  func.func @transform_0(%arg0: i32) -> (i32, i32) {
    %c0_i32 = arith.constant 0 : i32
    %c0_i32_0 = arith.constant 0 : i32
    return %arg0, %c0_i32 : i32, i32
  }
  func.func @transform_1(%arg0: i32) -> (i32, i32) {
    %c0_i32 = arith.constant 0 : i32
    %c0_i32_0 = arith.constant 0 : i32
    %c0_i32_1 = arith.constant 0 : i32
    return %c0_i32, %c0_i32_0 : i32, i32
  }
  func.func @transform_2(%arg0: i32) -> (i32, i32) {
    %c0_i32 = arith.constant 0 : i32
    %c0_i32_0 = arith.constant 0 : i32
    return %arg0, %c0_i32 : i32, i32
  }
}

module attributes {stable_mosaic.version = 14 : i64} {
  func.func @body(%arg0: i32, %arg1: memref<2x1024x16xf32, #tpu.memory_space<vmem>>, %arg2: memref<1024x16xf32, #tpu.memory_space<vmem>>, %arg3: memref<2x1024x1xf32, #tpu.memory_space<vmem>>, %arg4: memref<1x16xf32, #tpu.memory_space<vmem>>, %arg5: memref<1024x16xf32, #tpu.memory_space<vmem>>) attributes {dimension_semantics = [#tpu.dimension_semantics<arbitrary>], iteration_bounds = array<i64: 10>, scalar_prefetch = 0 : i64, scratch_operands = 0 : i64, tpu.core_type = #tpu.core_type<tc>, window_params = [{transform_indices = @transform_0, window_bounds = array<i64: 2, 1024, 16>}, {transform_indices = @transform_1, window_bounds = array<i64: 1024, 16>}, {transform_indices = @transform_2, window_bounds = array<i64: 2, 1024, 1>}, {pipeline_mode = #tpu.pipeline_mode<synchronous>, transform_indices = @transform_3, window_bounds = array<i64: 1, 16>}, {transform_indices = @transform_4, window_bounds = array<i64: 1024, 16>}]} {
    %get3A = arith.constant 0 : index
    %get3A_0 = arith.constant 0 : index
    %get3A_1 = arith.constant 0 : index
    %get3A_2 = vector.load %arg3[%get3A, %get3A_0, %get3A_1] : memref<2x1024x1xf32, #tpu.memory_space<vmem>>, vector<1x1024x1xf32>
    %get3A_3 = vector.shape_cast %get3A_2 : vector<1x1024x1xf32> to vector<1024x1xf32>
    %get3A_4 = arith.constant 1 : index
    %get3A_5 = arith.constant 0 : index
    %get3A_6 = arith.constant 0 : index
    %get3A_7 = vector.load %arg3[%get3A_4, %get3A_5, %get3A_6] : memref<2x1024x1xf32, #tpu.memory_space<vmem>>, vector<1x1024x1xf32>
    %get3A_8 = vector.shape_cast %get3A_7 : vector<1x1024x1xf32> to vector<1024x1xf32>
    %add3A = arith.addf %get3A_3, %get3A_8 : vector<1024x1xf32>
    %add3A_9 = arith.constant 1.000000e+00 : f32
    %add3A_10 = vector.broadcast %add3A_9 : f32 to vector<1024x1xf32>
    %add3A_11 = arith.addf %add3A, %add3A_10 : vector<1024x1xf32>
    %get3A_12 = arith.constant 0 : index
    %get3A_13 = arith.constant 0 : index
    %get3A_14 = arith.constant 0 : index
    %get3A_15 = vector.load %arg1[%get3A_12, %get3A_13, %get3A_14] : memref<2x1024x16xf32, #tpu.memory_space<vmem>>, vector<1x1024x16xf32>
    %get3A_16 = vector.shape_cast %get3A_15 : vector<1x1024x16xf32> to vector<1024x16xf32>
    %get3A_17 = arith.constant 1 : index
    %get3A_18 = arith.constant 0 : index
    %get3A_19 = arith.constant 0 : index
    %get3A_20 = vector.load %arg1[%get3A_17, %get3A_18, %get3A_19] : memref<2x1024x16xf32, #tpu.memory_space<vmem>>, vector<1x1024x16xf32>
    %get3A_21 = vector.shape_cast %get3A_20 : vector<1x1024x16xf32> to vector<1024x16xf32>
    %add3A_22 = arith.addf %get3A_16, %get3A_21 : vector<1024x16xf32>
    %get3A_23 = arith.constant 0 : index
    %get3A_24 = arith.constant 0 : index
    %get3A_25 = vector.load %arg2[%get3A_23, %get3A_24] : memref<1024x16xf32, #tpu.memory_space<vmem>>, vector<1024x16xf32>
    %add3A_26 = arith.addf %add3A_22, %get3A_25 : vector<1024x16xf32>
    %rsqrt3A = math.rsqrt %add3A_11 : vector<1024x1xf32>
    %mul3A = vector.broadcast %rsqrt3A : vector<1024x1xf32> to vector<1024x16xf32>
    %mul3A_27 = arith.mulf %add3A_26, %mul3A : vector<1024x16xf32>
    %get3A_28 = arith.constant 0 : index
    %get3A_29 = arith.constant 0 : index
    %get3A_30 = vector.load %arg4[%get3A_28, %get3A_29] : memref<1x16xf32, #tpu.memory_space<vmem>>, vector<1x16xf32>
    %add3A_31 = vector.broadcast %get3A_30 : vector<1x16xf32> to vector<1024x16xf32>
    %add3A_32 = arith.addf %mul3A_27, %add3A_31 : vector<1024x16xf32>
    %swap3A = arith.constant 0 : index
    %swap3A_33 = arith.constant 0 : index
    %swap3A_34 = vector.load %arg5[%swap3A, %swap3A_33] : memref<1024x16xf32, #tpu.memory_space<vmem>>, vector<1024x16xf32>
    tpu.vector_store %arg5[%swap3A, %swap3A_33], %add3A_32 {strides = array<i32>} : memref<1024x16xf32, #tpu.memory_space<vmem>>, vector<1024x16xf32>,
    return
  }
  func.func @transform_0(%arg0: i32) -> (i32, i32, i32) {
    %c0_i32 = arith.constant 0 : i32
    %c0_i32_0 = arith.constant 0 : i32
    %c0_i32_1 = arith.constant 0 : i32
    return %c0_i32, %arg0, %c0_i32_0 : i32, i32, i32
  }
  func.func @transform_1(%arg0: i32) -> (i32, i32) {
    %c0_i32 = arith.constant 0 : i32
    %c0_i32_0 = arith.constant 0 : i32
    return %arg0, %c0_i32 : i32, i32
  }
  func.func @transform_2(%arg0: i32) -> (i32, i32, i32) {
    %c0_i32 = arith.constant 0 : i32
    %c0_i32_0 = arith.constant 0 : i32
    %c0_i32_1 = arith.constant 0 : i32
    return %c0_i32, %arg0, %c0_i32_0 : i32, i32, i32
  }
  func.func @transform_3(%arg0: i32) -> (i32, i32) {
    %c0_i32 = arith.constant 0 : i32
    %c0_i32_0 = arith.constant 0 : i32
    %c0_i32_1 = arith.constant 0 : i32
    return %c0_i32, %c0_i32_0 : i32, i32
  }
  func.func @transform_4(%arg0: i32) -> (i32, i32) {
    %c0_i32 = arith.constant 0 : i32
    %c0_i32_0 = arith.constant 0 : i32
    return %arg0, %c0_i32 : i32, i32
  }
}

</mosaic_0001>

<sc_bundles>
// kernel: kernel.10.cloned.1.call-start
scs
__scs_entry_jumppad:
0x0: {  	(pc) =	sbr.rel $0x88, $3  }
0x1: {  	(tag) =	ssettag $0x0;
	lr =	simm.s32 $0x1  }
0x2: {  	[smem:$0x3F9D] =	sst lr;
	_ =	strace $0xD0000000  }
0x3: {  	_ = 	snop  }
0x4: {  	_ = 	snop  }
0x5: {  	_ = 	snop  }
0x6: {  	_ = 	snop  }
0x7: {  	_ = 	snop  }
__scs_overlays_trampoline_lowered:
0x8: {  	[smem:$0x3FAC] =	sst s0  }
0x9: {  	[smem:$0x3FAD] =	sst s1  }
0xa: {  	[smem:$0x3FAE] =	sst s2  }
0xb: {  	[smem:$0x3FAF] =	sst s3  }
0xc: {  	[smem:$0x3FB0] =	sst s4  }
0xd: {  	[smem:$0x3FB1] =	sst s5  }
0xe: {  	[smem:$0x3FB2] =	sst s6  }
0xf: {  	[smem:$0x3FB3] =	sst s7  }
0x10: {  	[smem:$0x3FB4] =	sst s8  }
0x11: {  	[smem:$0x3FB5] =	sst s9;
	s0 =	simm.s32 @!p0 $0x0  }
0x12: {  	s1 =	sld [smem:$0x3F9B];
	s0 =	simm.s32 @p0 $0x1  }
0x13: {  	[smem:$0x3FB6] =	sst s0;
	s0 =	simm.s32 @!p1 $0x0  }
0x14: {  	s2 =	sld [smem:$0x3F9A];
	s0 =	simm.s32 @p1 $0x1  }
0x15: {  	[smem:$0x3FB7] =	sst s0;
	s0 =	simm.s32 @!p2 $0x0  }
0x16: {  	s3 =	sld [smem:$0x3FDB];
	s0 =	simm.s32 @p2 $0x1  }
0x17: {  	s4 =	simm.s32 $0x1BF5;
	[smem:$0x3FB9] =	sst s0  }
0x18: {  	s0 =	sld [smem:$0x3F9C];
	_ =	swait.ge [sflag:s4], $0x0  }
0x19: {  	s7 =	sld [smem:$0x3F9D]  }
0x1a: {  	s8 =	sadd.s32 $0xFFFFE003, lr  }
0x1b: {  	s9 =	sadd.s32 $0xFFFFFEF7, lr;
	s5 =	simm.s32 $0xFFFFFFFF;
	p2 =	slt.u32 s8, $0xFFFFF086  }
0x1c: {  	p1 =	slt.u32 s9, $0xF7A;
	s5 =	simm.s32 @!p2 $0x0  }
0x1d: {  	s5 =	simm.s32 @p1 $0x1;
	p0 =	seq.s32 s7, s2  }
0x1e: {  	s7 =	smul.u32 @!p0 $0xF7A, s2;
	p2 =	seq.s32 @!p0 s5, $0x0  }
0x1f: {  	s9 =	smul.u32 $0xF7A, s1;
	s8 =	simm.s32 @!p0 $0x1BF5;
	p2 =	por !p2, p0  }
0x20: {  	[sflag:s8] =	ssyncset.s32 @!p0 $0xFFFFF086;
	s6 =	sadd.s32 @!p0 s3, s7;
	s7 =	simm.s32 @!p0 $0x108  }
0x21: {  	s3 =	sadd.s32 s3, s9;
	s6 =	sadd.s32 @!p0 $0x88, s6;
	s7 =	simm.s32 @p2 $0x1082  }
0x22: {  	[simem:s7], [sflag:s8] =	dma.local @!p0 [hbm:s6], $0xF7A  }
0x23: {  	s9 =	sor.u32 $0xD0000000, s2;
	s6 =	simm.s32 $0x108;
	_ =	swait.ge @!p0 [sflag:s8], $0x0  }
0x24: {  	s3 =	sadd.s32 $0x88, s3;
	s6 =	simm.s32 @!p1 $0x1082;
	[sflag:s4] =	ssyncset.s32 $0xFFFFF086  }
0x25: {  	[simem:s6], [sflag:s4] =	dma.local [hbm:s3], $0xF7A  }
0x26: {  	[smem:$0x3F9D] =	sst s1;
	(tag) =	ssettag s2;
	_ =	strace s9  }
0x27: {  	s1 =	sld [smem:$0x3FAD]  }
0x28: {  	s2 =	sld [smem:$0x3FAE]  }
0x29: {  	s4 =	sld [smem:$0x3FB0]  }
0x2a: {  	p0 =	seq.s32 s5, $0x0;
	s5 =	sld [smem:$0x3FB1]  }
0x2b: {  	s6 =	sld [smem:$0x3FB2]  }
0x2c: {  	s7 =	sld [smem:$0x3FB3]  }
0x2d: {  	s3 =	simm.s32 $0x108;
	s8 =	sld [smem:$0x3FB4]  }
0x2e: {  	s3 =	simm.s32 @!p0 $0x1082;
	s9 =	sld [smem:$0x3FB5]  }
0x2f: {  	lr =	sadd.s32 s0, s3;
	s0 =	sld [smem:$0x3FAC]  }
0x30: {  	s3 =	sld [smem:$0x3FAF]  }
0x31: {  	[smem:$0x3FB8] =	sst s10  }
0x32: {  	s10 =	sld [smem:$0x3FB6];
	_ =	sdelay $0x3  }
0x33: {  	p0 =	seq.s32 s10, $0x1;
	s10 =	sld [smem:$0x3FB8];
	_ =	sdelay $0x3  }
0x34: {  	[smem:$0x3FB8] =	sst s10  }
0x35: {  	s10 =	sld [smem:$0x3FB7];
	_ =	sdelay $0x3  }
0x36: {  	p1 =	seq.s32 s10, $0x1;
	s10 =	sld [smem:$0x3FB8];
	_ =	sdelay $0x3  }
0x37: {  	[smem:$0x3FB8] =	sst s10  }
0x38: {  	s10 =	sld [smem:$0x3FB9]  }
0x39: {  	_ = 	snop;
	(pc) =	sbr.ind lr, $3  }
0x3a: {  	_ = 	snop  }
0x3b: {  	_ = 	snop  }
0x3c: {  	p2 =	seq.s32 s10, $0x1;
	s10 =	sld [smem:$0x3FB8]  }
0x3d: {  	_ =	shalt  }
0x3e: {  	_ =	shalt  }
0x3f: {  	_ =	shalt  }
0x40: {  	_ =	shalt  }
0x41: {  	_ =	shalt  }
0x42: {  	_ =	shalt  }
0x43: {  	_ =	shalt  }
0x44: {  	_ =	shalt  }
0x45: {  	_ =	shalt  }
0x46: {  	_ =	shalt  }
0x47: {  	_ =	shalt  }
0x48: {  	_ =	shalt  }
0x49: {  	_ =	shalt  }
0x4a: {  	_ =	shalt  }
0x4b: {  	_ =	shalt  }
0x4c: {  	_ =	shalt  }
0x4d: {  	_ =	shalt  }
0x4e: {  	_ =	shalt  }
0x4f: {  	_ =	shalt  }
0x50: {  	_ =	shalt  }
0x51: {  	_ =	shalt  }
0x52: {  	_ =	shalt  }
0x53: {  	_ =	shalt  }
0x54: {  	_ =	shalt  }
0x55: {  	_ =	shalt  }
0x56: {  	_ =	shalt  }
0x57: {  	_ =	shalt  }
0x58: {  	_ =	shalt  }
0x59: {  	_ =	shalt  }
0x5a: {  	_ =	shalt  }
0x5b: {  	_ =	shalt  }
0x5c: {  	_ =	shalt  }
0x5d: {  	_ =	shalt  }
0x5e: {  	_ =	shalt  }
0x5f: {  	_ =	shalt  }
0x60: {  	_ =	shalt  }
0x61: {  	_ =	shalt  }
0x62: {  	_ =	shalt  }
0x63: {  	_ =	shalt  }
0x64: {  	_ =	shalt  }
0x65: {  	_ =	shalt  }
0x66: {  	_ =	shalt  }
0x67: {  	_ =	shalt  }
0x68: {  	_ =	shalt  }
0x69: {  	_ =	shalt  }
0x6a: {  	_ =	shalt  }
0x6b: {  	_ =	shalt  }
0x6c: {  	_ =	shalt  }
0x6d: {  	_ =	shalt  }
0x6e: {  	_ =	shalt  }
0x6f: {  	_ =	shalt  }
0x70: {  	_ =	shalt  }
0x71: {  	_ =	shalt  }
0x72: {  	_ =	shalt  }
0x73: {  	_ =	shalt  }
0x74: {  	_ =	shalt  }
0x75: {  	_ =	shalt  }
0x76: {  	_ =	shalt  }
0x77: {  	_ =	shalt  }
0x78: {  	_ =	shalt  }
0x79: {  	_ =	shalt  }
0x7a: {  	_ =	shalt  }
0x7b: {  	_ =	shalt  }
0x7c: {  	_ =	shalt  }
0x7d: {  	_ =	shalt  }
0x7e: {  	_ =	shalt  }
0x7f: {  	_ =	shalt  }
0x80: {  	_ =	shalt  }
0x81: {  	_ =	shalt  }
0x82: {  	_ =	shalt  }
0x83: {  	_ =	shalt  }
0x84: {  	_ =	shalt  }
0x85: {  	_ =	shalt  }
0x86: {  	_ =	shalt  }
0x87: {  	_ =	shalt  }
.Lfunc_end0:
.L_simem_size_0:
called_computation.1_lowered:
.L_overlay_start_0:
0x88: {  	s2 =	sld [smem:$0x3FD9]  }
0x89: {  	s3 =	sld [smem:$0x3FFE];
	_ =	sdelay $0x1  }
0x8a: {  	s1 =	srdreg.scid  }
0x8b: {  	s0 =	sand.u32 $0x1, s1  }
0x8c: {  	s17 =	sshll.u32 s0, $0xA;
	s2 =	sadd.s32 s3, s2  }
0x8d: {  	s2 =	sadd.s32 s2, s17  }
0x8e: {  	[smem:$0x3FC4] =	sst s2  }
0x8f: {  	_ = 	snop  }
0x90: {  	s2 =	sld [smem:$0x3FD0];
	(tm) =	ssettm $0x1  }
0x91: {  	s18 =	sld [smem:$0x3FFB];
	_ =	sdelay $0x3  }
0x92: {  	_ =	strace s18  }
0x93: {  	s3 =	sld [smem:$0x3FFC];
	_ =	sdelay $0x3  }
0x94: {  	_ =	strace s3  }
0x95: {  	s3 =	sld [smem:$0x3FFD];
	_ =	sdelay $0x3  }
0x96: {  	_ =	strace s3  }
0x97: {  	_ =	strace $0x8FFFFFFF  }
0x98: {  	s19 =	sld [smem:$0x3FDB];
	_ =	sdelay $0x1  }
0x99: {  	s4 =	simm.s32 $_scs_section_size  }
0x9a: {  	s5 =	simm.s32 $_size__tile_overlayer_lowered;
	s6 =	simm.s32 $_tile_overlayer_lowered  }
0x9b: {  	s22 =	simm.s32 $0x1BFF;
	s21 =	sshll.u32 s6, $0x1;
	s3 =	sadd.s32 s4, s19  }
0x9c: {  	s7 =	simm.s32 $0x0;
	s20 =	sshll.u32 s5, $0x1;
	s5 =	sadd.s32 s21, s3  }
0x9d: {  	[timem:s7], [sflag:s22] =	dma.local [hbm:s5], s20  }
0x9e: {  	_ =	swait.ge [sflag:s22], s20  }
0x9f: {  	s4 =	ssub.s32 $0x0, s20;
	[sflag:s22] =	ssyncset.done $0x0  }
0xa0: {  	[sflag:s22] =	ssyncadd.s32 s4;
	_ =	sdelay $0x1  }
0xa1: {  	s23 =	simm.s32 $0x1B8B  }
0xa2: {  	_ =	swait.ge [sflag:s23], $0x1  }
0xa3: {  	[sflag:s23] =	ssyncset.done $0x0  }
0xa4: {  	s25 =	simm.s32 $0x1B8E;
	s24 =	sld [smem:$0x3FFE];
	[sflag:s23] =	ssyncadd.s32 $0xFFFFFFFF  }
0xa5: {  	s26 =	simm.s32 $execute0_lowered;
	[smem:$0x3FD2] =	sst s25  }
0xa6: {  	s5 =	sshll.u32 s26, $0x1;
	_ =	strace $0x80000049;
	[dreg:$0x1] =	wrdreg $0xFFFFFFFF  }
0xa7: {  	s28 =	simm.s32 $_size_execute0_lowered;
	s3 =	sadd.s32 s3, s5;
	[dreg:$0x0] =	wrdreg $0x0  }
0xa8: {  	s5 =	sshll.u32 s28, $0x1;
	[dreg:$0x2] =	wrdreg s3  }
0xa9: {  	[dreg:$0x3] =	wrdreg s5  }
0xaa: {  	[dreg:$0x4] =	wrdreg $0xC0  }
0xab: {  	_ =	task [dreg:s7], $0x5FFFF  }
0xac: {  	[dreg:$0x1] =	wrdreg $0xFFFFFFFF  }
0xad: {  	[dreg:$0x0] =	wrdreg $0x60  }
0xae: {  	[dreg:$0x2] =	wrdreg s24  }
0xaf: {  	[dreg:$0x3] =	wrdreg s2  }
0xb0: {  	[dreg:$0x4] =	wrdreg $0xF5000  }
0xb1: {  	[dreg:$0x5] =	wrdreg $0x11D000  }
0xb2: {  	[dreg:$0x6] =	wrdreg $0x9  }
0xb3: {  	_ =	task.clear_ibuf [dreg:s7], $0x7FFFF;
	_ =	strace $0x90000049  }
0xb4: {  	s29 =	simm.s32 $0x9;
	_ =	strace $0x8000004B  }
0xb5: {  	_ =	swait.ge [sflag:s29], $0x1  }
0xb6: {  	[sflag:s29] =	ssyncadd.s32 $0xFFFFFFFF  }
0xb7: {  	_ =	strace $0x9000004B  }
0xb8: {  	_ =	sfence  }
0xb9: {  	s30 =	sld [smem:$0x0];
	_ =	sdelay $0x2  }
0xba: {  	s31 =	sshll.u32 s1, $0xD;
	s1 =	sshrl.u32 s1, $0x2  }
0xbb: {  	s3 =	sand.u32 $0x4000, s31;
	s1 =	sadd.s32 s1, s30  }
0xbc: {  	s0 =	sor.u32 s3, s0;
	s1 =	sshll.u32 s1, $0x11  }
0xbd: {  	s0 =	sor.u32 s1, s0  }
0xbe: {  	s0 =	sadd.s32 $0x8F2B, s0  }
0xbf: {  	[sflag:s0] =	ssyncadd.remote.s32 $0x1  }
0xc0: {  	_ =	sfence.sel $0xFFFF  }
0xc1: {  	[dreg:$0x0] =	wrdreg $0xFFFFFFFF;
	(pc) =	sbr.abs _section_cstart, $3  }
0xc2: {  	[dreg:$0x1] =	wrdreg $0xFFFFFFFF  }
0xc3: {  	_ =	task.clear_ibuf [dreg:s7], $0x2FFFF;
	_ =	strace $0x9FFFFFFF  }
0xc4: {  	(tm) =	ssettm $0x7FFFFFFF  }
0xc5: {  	_ =	shalt  }
tec
execute0_lowered:
.L_overlay_start_1:
0x0: {  	(tag) =	ssettag $0x1  }
0x1: {  	s0 =	rddreg [dreg:$0x0]  }
0x2: {  	s5 =	rddreg [dreg:$0x1]  }
0x3: {  	s1 =	srdreg.scid;
	s2 =	rddreg [dreg:$0x2]  }
0x4: {  	s10 =	stileid.u32;
	s3 =	rddreg [dreg:$0x3];
	s19 =	simm.s32 $0x2800  }
0x5: {  	s20 =	simm.s32 $0x5000;
	s28 =	simm.s32 $0x500;
	s29 =	simm.s32 $0x2  }
0x6: {  	s31 =	simm.s32 $0x3;
	s1 =	sand.u32 $0x1, s1;
	s15 =	smul.u32 $0x2800, s10  }
0x7: {  	s22 =	simm.s32 $0x4;
	s23 =	smul.u32 $0x280, s10;
	s4 =	sshll.u32 s1, $0x4  }
0x8: {  	s7 =	smul.u32 $0x28000, s1;
	s1 =	ssub.s32 $0x2, s1;
	s6 =	sor.u32 s10, s4  }
0x9: {  	s4 =	simm.s32 $0x0;
	s8 =	sshrl.u32 s15, $0x3;
	s9 =	sshrl.u32 s1, $0x1  }
0xa: {  	s10 =	smul.u32 $0xA000, s10;
	s25 =	sshrl.u32 s23, $0x3;
	s23 =	simm.s32 $0xA000  }
0xb: {  	s6 =	smul.u32 $0x500, s6;
	[smem:$0x7FF] =	sst s4;
	s7 =	sadd.s32 s15, s7  }
0xc: {  	s1 =	ssub.s32 s1, s9;
	_ =	strace $0x8000004A;
	s7 =	sshrl.u32 s7, $0x3  }
0xd: {  	s26 =	sshrl.u32 s10, $0x2;
	s10 =	sadd.s32 s15, s2;
	s15 =	sadd.s32 s15, s3  }
0xe: {  	s18 =	smax.u32 s1, $0x1;
	s6 =	sadd.s32 s6, s0;
	s17 =	sadd.s32 s7, s0  }
0xf: {  	s0 =	sadd.s32 s8, s0;
	s8 =	sadd.s32 s5, s25;
	s30 =	sadd.s32 s26, s2  }
0x10: {  	s25 =	simm.s32 $0x1;
	s26 =	simm.s32 $0x7800;
	s24 =	sadd.s32 $0x2600, s6  }
0x11: {  	s6 =	sadd.s32 $0xC600, s6;
	s7 =	sadd.s32 $0x16800, s0;
	s9 =	sadd.s32 $0x500, s8  }
0x12: {  	s11 =	sadd.s32 $0x800, s30;
	s12 =	sadd.s32 $0x1000, s30;
	s13 =	sadd.s32 $0x1800, s30  }
0x13: {  	s14 =	sadd.s32 $0x2000, s30;
	s16 =	sadd.s32 $0x25800, s0;
	s17 =	sadd.s32 $0x1B800, s17  }
0x14: {  	v0 =	vimm.f32 $0.0e+00;
	s0 =	simm.s32 $0x0;
	[dreg:$0x5] =	wrdreg s24;
	s24 =	simm.s32 $0x5  }
.LBB2_1:
0x15: {  	s1 =	rddreg [dreg:$0x5]  }
0x16: {  	[tilespmem:s4], [sflag:$0x1] =	stream.linear.gather [hbm4b:s1+s4], $0x2800, $0x38;
	[tilespmem:$0x14500] =	vst v63  }
0x17: {  	_ = 	snop  }
0x18: {  	[tilespmem:s19], [sflag:$0x1] =	stream.linear.gather [hbm4b:s6+s4], $0x2800, $0x38;
	[tilespmem:$0x14500] =	vst v63  }
0x19: {  	_ = 	snop  }
0x1a: {  	[tilespmem:s20], [sflag:$0x1] =	stream.linear.gather [hbm4b:s7+s4], $0x2800, $0x38;
	[tilespmem:$0x14500] =	vst v63  }
0x1b: {  	s21 =	simm.s32 $0xF000  }
0x1c: {  	[tilespmem:s21], [sflag:$0x1] =	stream.linear.gather [hbm4b:s8+s4], $0x280, $0x38;
	[tilespmem:$0x14500] =	vst v63  }
0x1d: {  	s30 =	simm.s32 $0xF280;
	s5 =	simm.s32 $0x0;
	s1 =	simm.s32 $0x40  }
0x1e: {  	[tilespmem:s30], [sflag:$0x1] =	stream.linear.gather [hbm4b:s9+s4], $0x280, $0x38;
	[tilespmem:$0x14500] =	vst v63  }
.LBB2_2:
0x1f: {  	p0 =	sne.s32 s1, $0x1FC0;
	[tilespmem:s5+$0xA000] =	vst v0;
	s5 =	smov.u32 s1;
	s1 =	sadd.s32 $0x40, s1  }
.Ltmp0:
0x20: {  	(pc) =	sbr.rel @p0 .LBB2_2-.Ltmp0, $2  }
0x21: {  	_ =	sdelay $0x2  }
0x22: {  	s5 =	sshra.s32 s5, $0x2  }
0x23: {  	[tilespmem:s5+$0xA000] =	vst v0  }
0x24: {  	[spmem:s10] =	stream.linear.scatter [tilespmem:s23], [sflag:$0x5], $0x800, $0x38;
	[tilespmem:$0x14500] =	vst v63  }
0x25: {  	_ =	swait.ge [sflag:s24], $0x800  }
0x26: {  	[sflag:s24] =	ssyncset.done $0x0  }
0x27: {  	[sflag:s24] =	ssyncadd.s32 $0xFFFFF800  }
0x28: {  	[spmem:s11] =	stream.linear.scatter [tilespmem:s23], [sflag:$0x5], $0x800, $0x38;
	[tilespmem:$0x14500] =	vst v63  }
0x29: {  	_ =	swait.ge [sflag:s24], $0x800  }
0x2a: {  	[sflag:s24] =	ssyncset.done $0x0  }
0x2b: {  	[sflag:s24] =	ssyncadd.s32 $0xFFFFF800  }
0x2c: {  	[spmem:s12] =	stream.linear.scatter [tilespmem:s23], [sflag:$0x5], $0x800, $0x38;
	[tilespmem:$0x14500] =	vst v63  }
0x2d: {  	_ =	swait.ge [sflag:s24], $0x800  }
0x2e: {  	[sflag:s24] =	ssyncset.done $0x0  }
0x2f: {  	[sflag:s24] =	ssyncadd.s32 $0xFFFFF800  }
0x30: {  	[spmem:s13] =	stream.linear.scatter [tilespmem:s23], [sflag:$0x5], $0x800, $0x38;
	[tilespmem:$0x14500] =	vst v63  }
0x31: {  	_ =	swait.ge [sflag:s24], $0x800  }
0x32: {  	[sflag:s24] =	ssyncset.done $0x0  }
0x33: {  	[sflag:s24] =	ssyncadd.s32 $0xFFFFF800  }
0x34: {  	[spmem:s14] =	stream.linear.scatter [tilespmem:s23], [sflag:$0x5], $0x800, $0x38;
	[tilespmem:$0x14500] =	vst v63  }
0x35: {  	_ =	swait.ge [sflag:s24], $0x800  }
0x36: {  	[sflag:s24] =	ssyncset.done $0x0  }
0x37: {  	[sflag:s24] =	ssyncadd.s32 $0xFFFFF800  }
0x38: {  	_ =	swait.ge [sflag:s25], $0x2800  }
0x39: {  	[sflag:s25] =	ssyncset.done $0x0  }
0x3a: {  	[sflag:s25] =	ssyncadd.s32 $0xFFFFD800  }
0x3b: {  	_ =	swait.ge [sflag:s25], $0x2800  }
0x3c: {  	[sflag:s25] =	ssyncset.done $0x0  }
0x3d: {  	[sflag:s25] =	ssyncadd.s32 $0xFFFFD800  }
0x3e: {  	_ =	swait.ge [sflag:s25], $0x2800  }
0x3f: {  	[sflag:s25] =	ssyncset.done $0x0  }
0x40: {  	[sflag:s25] =	ssyncadd.s32 $0xFFFFD800  }
0x41: {  	_ =	swait.ge [sflag:s25], $0x280  }
0x42: {  	[sflag:s25] =	ssyncset.done $0x0  }
0x43: {  	[sflag:s25] =	ssyncadd.s32 $0xFFFFFD80  }
0x44: {  	_ =	swait.ge [sflag:s25], $0x280  }
0x45: {  	[sflag:s25] =	ssyncset.done $0x0  }
0x46: {  	s1 =	simm.s32 $0xF000;
	[sflag:s25] =	ssyncadd.s32 $0xFFFFFD80  }
0x47: {  	v1 =	vld [tilespmem:s1+$0x280]  }
0x48: {  	s30 =	simm.s32 $0x0;
	s21 =	simm.s32 $0x400;
	v2 =	vld [tilespmem:s1+$0x0]  }
.LBB2_4:
0x49: {  	p0 =	sne.s32 s21, $0x9C00;
	_ =	sdelay $0x3  }
0x4a: {  	v1 =	vadd.f32 v1, v2;
	_ =	sdelay $0x1  }
0x4b: {  	v1 =	vadd.f32 $1.000000000e+00, v1;
	_ =	sdelay $0x1  }
0x4c: {  	v2 =	vshrl.u32 v1, $0x1;
	v1 =	vmul.f32 $5.000000000e-01, v1  }
0x4d: {  	v2 =	vsub.s32 $0x5F3759DF, v2  }
0x4e: {  	v3 =	vmul.f32 v2, v1;
	_ =	sdelay $0x1  }
0x4f: {  	v3 =	vmul.f32 v2, v3;
	_ =	sdelay $0x1  }
0x50: {  	v3 =	vsub.f32 $1.500000000e+00, v3;
	_ =	sdelay $0x1  }
0x51: {  	v2 =	vmul.f32 v2, v3;
	_ =	sdelay $0x1  }
0x52: {  	v3 =	vmul.f32 v2, v1;
	_ =	sdelay $0x1  }
0x53: {  	v3 =	vmul.f32 v3, v2;
	_ =	sdelay $0x1  }
0x54: {  	v3 =	vsub.f32 $1.500000000e+00, v3;
	_ =	sdelay $0x1  }
0x55: {  	v2 =	vmul.f32 v3, v2;
	_ =	sdelay $0x1  }
0x56: {  	v1 =	vmul.f32 v2, v1;
	_ =	sdelay $0x1  }
0x57: {  	s5 =	sshra.s32 s30, $0x2;
	s30 =	smov.u32 s21;
	v1 =	vmul.f32 v1, v2  }
0x58: {  	v3 =	vld [tilespmem:s5+$0x50C0]  }
0x59: {  	v1 =	vsub.f32 $1.500000000e+00, v1;
	v4 =	vld [tilespmem:s5+$0x50E0]  }
0x5a: {  	v5 =	vld [tilespmem:s5+$0x50F0]  }
0x5b: {  	v1 =	vmul.f32 v1, v2;
	v2 =	vld [tilespmem:s5+$0x50D0]  }
0x5c: {  	v6 =	vld [tilespmem:s5+$0x5080]  }
0x5d: {  	v7 =	vld [tilespmem:s5+$0x50A0];
	v8 =	vbroadcast v1, $0xE;
	v9 =	vbroadcast v1, $0xF  }
0x5e: {  	v11 =	vbroadcast v1, $0xC;
	v12 =	vbroadcast v1, $0xD;
	v10 =	vld [tilespmem:s5+$0x50B0]  }
0x5f: {  	v13 =	vld [tilespmem:s5+$0x5090];
	v4 =	vmul.f32 v4, v8;
	v5 =	vmul.f32 v5, v9  }
0x60: {  	v3 =	vmul.f32 v3, v11;
	v8 =	vld [tilespmem:s5+$0x5040];
	v2 =	vmul.f32 v2, v12  }
0x61: {  	v11 =	vbroadcast v1, $0xA;
	v12 =	vbroadcast v1, $0xB;
	v9 =	vld [tilespmem:s5+$0x5060];
	[tilespmem:s5+$0x78F0] =	vst v5  }
0x62: {  	v14 =	vbroadcast v1, $0x8;
	v15 =	vbroadcast v1, $0x9;
	v5 =	vld [tilespmem:s5+$0x5070];
	[tilespmem:s5+$0x78E0] =	vst v4  }
0x63: {  	v7 =	vmul.f32 v7, v11;
	v4 =	vld [tilespmem:s5+$0x5050];
	v10 =	vmul.f32 v10, v12;
	[tilespmem:s5+$0x78D0] =	vst v2  }
0x64: {  	v6 =	vmul.f32 v14, v6;
	v2 =	vld [tilespmem:s5+$0x5000];
	v11 =	vmul.f32 v15, v13;
	[tilespmem:s5+$0x78C0] =	vst v3  }
0x65: {  	v12 =	vbroadcast v1, $0x6;
	v13 =	vbroadcast v1, $0x7;
	v3 =	vld [tilespmem:s5+$0x5020];
	[tilespmem:s5+$0x78B0] =	vst v10  }
0x66: {  	v14 =	vbroadcast v1, $0x4;
	v15 =	vbroadcast v1, $0x5;
	v10 =	vld [tilespmem:s5+$0x5030];
	[tilespmem:s5+$0x78A0] =	vst v7  }
0x67: {  	v9 =	vmul.f32 v12, v9;
	v7 =	vld [tilespmem:s5+$0x5010];
	v5 =	vmul.f32 v13, v5;
	[tilespmem:s5+$0x7890] =	vst v11  }
0x68: {  	v8 =	vmul.f32 v14, v8;
	v4 =	vmul.f32 v15, v4;
	[tilespmem:s5+$0x7880] =	vst v6  }
0x69: {  	v11 =	vbroadcast v1, $0x3;
	v6 =	vbroadcast v1, $0x2;
	[tilespmem:s5+$0x7870] =	vst v5  }
0x6a: {  	v5 =	vbroadcast v1, $0x0;
	v1 =	vbroadcast v1, $0x1;
	[tilespmem:s5+$0x7860] =	vst v9  }
0x6b: {  	v3 =	vmul.f32 v6, v3;
	v6 =	vmul.f32 v11, v10;
	[tilespmem:s5+$0x7850] =	vst v4  }
0x6c: {  	v2 =	vmul.f32 v5, v2;
	v1 =	vmul.f32 v1, v7;
	[tilespmem:s5+$0x7840] =	vst v8  }
0x6d: {  	[tilespmem:s5+$0x7830] =	vst v6  }
.Ltmp1:
0x6e: {  	[tilespmem:s5+$0x7820] =	vst v3;
	(pc) =	sbr.rel @p0 .LBB2_4-.Ltmp1, $4  }
0x6f: {  	[tilespmem:s5+$0x7810] =	vst v1  }
0x70: {  	s1 =	sadd.s32 $0x10, s1;
	[tilespmem:s5+$0x7800] =	vst v2  }
0x71: {  	v1 =	vld [tilespmem:s1+$0x280]  }
0x72: {  	s21 =	sadd.s32 $0x400, s21;
	v2 =	vld [tilespmem:s1+$0x0]  }
0x73: {  	_ =	sdelay $0x3  }
0x74: {  	v1 =	vadd.f32 v1, v2;
	_ =	sdelay $0x1  }
0x75: {  	v1 =	vadd.f32 $1.000000000e+00, v1;
	_ =	sdelay $0x1  }
0x76: {  	v2 =	vshrl.u32 v1, $0x1;
	v1 =	vmul.f32 $5.000000000e-01, v1  }
0x77: {  	v2 =	vsub.s32 $0x5F3759DF, v2  }
0x78: {  	v3 =	vmul.f32 v2, v1;
	_ =	sdelay $0x1  }
0x79: {  	v3 =	vmul.f32 v2, v3;
	_ =	sdelay $0x1  }
0x7a: {  	v3 =	vsub.f32 $1.500000000e+00, v3;
	_ =	sdelay $0x1  }
0x7b: {  	v2 =	vmul.f32 v2, v3;
	_ =	sdelay $0x1  }
0x7c: {  	v3 =	vmul.f32 v2, v1;
	_ =	sdelay $0x1  }
0x7d: {  	v3 =	vmul.f32 v3, v2;
	_ =	sdelay $0x1  }
0x7e: {  	v3 =	vsub.f32 $1.500000000e+00, v3;
	_ =	sdelay $0x1  }
0x7f: {  	v2 =	vmul.f32 v3, v2;
	_ =	sdelay $0x1  }
0x80: {  	v1 =	vmul.f32 v2, v1;
	_ =	sdelay $0x1  }
0x81: {  	v1 =	vmul.f32 v1, v2;
	_ =	sdelay $0x1  }
0x82: {  	s1 =	sshra.s32 s30, $0x2;
	v1 =	vsub.f32 $1.500000000e+00, v1  }
0x83: {  	v3 =	vld [tilespmem:s1+$0x50F0]  }
0x84: {  	v4 =	vld [tilespmem:s1+$0x50E0];
	v1 =	vmul.f32 v1, v2  }
0x85: {  	v8 =	vld [tilespmem:s1+$0x50B0]  }
0x86: {  	v11 =	vld [tilespmem:s1+$0x5090];
	v6 =	vbroadcast v1, $0xF  }
0x87: {  	v2 =	vld [tilespmem:s1+$0x50D0];
	v7 =	vbroadcast v1, $0xE  }
0x88: {  	v5 =	vld [tilespmem:s1+$0x50C0];
	v47 =	vbroadcast v1, $0xB;
	v3 =	vmul.f32 v3, v6  }
0x89: {  	v49 =	vld [tilespmem:s1+$0x5070];
	v12 =	vbroadcast v1, $0x9;
	v4 =	vmul.f32 v4, v7  }
0x8a: {  	v51 =	vld [tilespmem:s1+$0x5050];
	v10 =	vbroadcast v1, $0xD;
	v8 =	vmul.f32 v8, v47;
	[tilespmem:s1+$0x78F0] =	vst v3  }
0x8b: {  	v46 =	vld [tilespmem:s1+$0x5080];
	v45 =	vbroadcast v1, $0xC;
	v52 =	vmul.f32 v12, v11;
	[tilespmem:s1+$0x78E0] =	vst v4  }
0x8c: {  	v9 =	vld [tilespmem:s1+$0x50A0];
	v53 =	vbroadcast v1, $0x7;
	v2 =	vmul.f32 v2, v10;
	[tilespmem:s1+$0x78B0] =	vst v8  }
0x8d: {  	v50 =	vld [tilespmem:s1+$0x5060];
	v57 =	vbroadcast v1, $0x5;
	v3 =	vmul.f32 v5, v45;
	[tilespmem:s1+$0x7890] =	vst v52  }
0x8e: {  	v55 =	vld [tilespmem:s1+$0x5030];
	v6 =	vmul.f32 v53, v49;
	[tilespmem:s1+$0x78D0] =	vst v2;
	v2 =	vbroadcast v1, $0x8  }
0x8f: {  	v48 =	vbroadcast v1, $0xA;
	v60 =	vmul.f32 v57, v51;
	[tilespmem:s1+$0x78C0] =	vst v3;
	v3 =	vld [tilespmem:s1+$0x5040]  }
0x90: {  	v56 =	vld [tilespmem:s1+$0x5020];
	v54 =	vbroadcast v1, $0x6;
	[tilespmem:s1+$0x7870] =	vst v6;
	v2 =	vmul.f32 v2, v46  }
0x91: {  	v59 =	vld [tilespmem:s1+$0x5010];
	v61 =	vbroadcast v1, $0x3;
	v5 =	vmul.f32 v9, v48;
	[tilespmem:s1+$0x7850] =	vst v60  }
0x92: {  	v58 =	vbroadcast v1, $0x4;
	v4 =	vmul.f32 v54, v50;
	[tilespmem:s1+$0x7880] =	vst v2;
	v2 =	vld [tilespmem:s1+$0x5000]  }
0x93: {  	v62 =	vbroadcast v1, $0x2;
	v8 =	vmul.f32 v61, v55;
	[tilespmem:s1+$0x78A0] =	vst v5  }
0x94: {  	v63 =	vbroadcast v1, $0x1;
	[tilespmem:s1+$0x7860] =	vst v4;
	v3 =	vmul.f32 v58, v3  }
0x95: {  	v1 =	vbroadcast v1, $0x0;
	v5 =	vmul.f32 v62, v56;
	[tilespmem:s1+$0x7830] =	vst v8  }
0x96: {  	[tilespmem:s1+$0x7840] =	vst v3;
	v3 =	vmul.f32 v63, v59  }
0x97: {  	[tilespmem:s1+$0x7820] =	vst v5;
	v1 =	vmul.f32 v1, v2  }
0x98: {  	[tilespmem:s1+$0x7810] =	vst v3  }
0x99: {  	[tilespmem:s1+$0x7800] =	vst v1  }
0x9a: {  	[spmem:s15] =	stream.linear.scatter [tilespmem:s26], [sflag:$0x5], $0x2800, $0x38;
	[tilespmem:$0x14500] =	vst v63  }
0x9b: {  	_ =	swait.ge [sflag:s24], $0x2800  }
0x9c: {  	[sflag:s24] =	ssyncset.done $0x0  }
0x9d: {  	[sflag:s24] =	ssyncadd.s32 $0xFFFFD800  }
0x9e: {  	[hbm4b:s16+s4] =	stream.linear.scatter [tilespmem:s26], [sflag:$0x5], $0x2800, $0x38;
	[tilespmem:$0x14500] =	vst v63  }
0x9f: {  	_ =	swait.ge [sflag:s24], $0x2800  }
0xa0: {  	[sflag:s24] =	ssyncset.done $0x0  }
0xa1: {  	[sflag:s24] =	ssyncadd.s32 $0xFFFFD800  }
0xa2: {  	[bflag:$0x0] =	sbarrier.arrive $0xFFFF  }
0xa3: {  	[tilespmem:s20], [sflag:$0x1] =	stream.indirect.gather [spmem:s3], $0x10, s4, s28, $0xb8;
	[tilespmem:$0x14500] =	vst v63  }
0xa4: {  	_ =	swait.ge [sflag:s25], $0x5000  }
0xa5: {  	[sflag:s25] =	ssyncset.done $0x0  }
0xa6: {  	[sflag:s25] =	ssyncadd.s32 $0xFFFFB000  }
0xa7: {  	[spmem:s2] =	stream.indirect.scatter.add.f32 [tilespmem:s20], [sflag:$0x3], $0x10, s19, s28, $0xb8;
	[tilespmem:$0x14500] =	vst v63  }
0xa8: {  	_ = 	snop  }
0xa9: {  	[tilespmem:s23], [sflag:$0x2] =	stream.indirect.gather [spmem:s3], $0x10, s28, s28, $0xb8;
	[tilespmem:$0x14500] =	vst v63  }
0xaa: {  	_ =	swait.ge [sflag:s29], $0x5000  }
0xab: {  	[sflag:s29] =	ssyncset.done $0x0  }
0xac: {  	s21 =	simm.s32 $0x2D00;
	[sflag:s29] =	ssyncadd.s32 $0xFFFFB000  }
0xad: {  	[spmem:s2] =	stream.indirect.scatter.add.f32 [tilespmem:s23], [sflag:$0x4], $0x10, s21, s28, $0xb8;
	[tilespmem:$0x14500] =	vst v63  }
0xae: {  	_ =	swait.ge [sflag:s31], $0x5000  }
0xaf: {  	[sflag:s31] =	ssyncset.done $0x0  }
0xb0: {  	s30 =	simm.s32 $0xA00;
	[sflag:s31] =	ssyncadd.s32 $0xFFFFB000  }
0xb1: {  	[tilespmem:s20], [sflag:$0x1] =	stream.indirect.gather [spmem:s3], $0x10, s30, s28, $0xb8;
	[tilespmem:$0x14500] =	vst v63  }
0xb2: {  	_ =	swait.ge [sflag:s25], $0x5000  }
0xb3: {  	[sflag:s25] =	ssyncset.done $0x0  }
0xb4: {  	s5 =	simm.s32 $0x3200;
	[sflag:s25] =	ssyncadd.s32 $0xFFFFB000  }
0xb5: {  	[spmem:s2] =	stream.indirect.scatter.add.f32 [tilespmem:s20], [sflag:$0x3], $0x10, s5, s28, $0xb8;
	[tilespmem:$0x14500] =	vst v63  }
0xb6: {  	_ =	swait.ge [sflag:s22], $0x5000  }
0xb7: {  	[sflag:s22] =	ssyncset.done $0x0  }
0xb8: {  	s21 =	simm.s32 $0xF00;
	[sflag:s22] =	ssyncadd.s32 $0xFFFFB000  }
0xb9: {  	[tilespmem:s23], [sflag:$0x2] =	stream.indirect.gather [spmem:s3], $0x10, s21, s28, $0xb8;
	[tilespmem:$0x14500] =	vst v63  }
0xba: {  	_ =	swait.ge [sflag:s29], $0x5000  }
0xbb: {  	[sflag:s29] =	ssyncset.done $0x0  }
0xbc: {  	s30 =	simm.s32 $0x3700;
	[sflag:s29] =	ssyncadd.s32 $0xFFFFB000  }
0xbd: {  	[spmem:s2] =	stream.indirect.scatter.add.f32 [tilespmem:s23], [sflag:$0x4], $0x10, s30, s28, $0xb8;
	[tilespmem:$0x14500] =	vst v63  }
0xbe: {  	_ =	swait.ge [sflag:s31], $0x5000  }
0xbf: {  	[sflag:s31] =	ssyncset.done $0x0  }
0xc0: {  	s5 =	simm.s32 $0x1400;
	[sflag:s31] =	ssyncadd.s32 $0xFFFFB000  }
0xc1: {  	[tilespmem:s20], [sflag:$0x1] =	stream.indirect.gather [spmem:s3], $0x10, s5, s28, $0xb8;
	[tilespmem:$0x14500] =	vst v63  }
0xc2: {  	_ =	swait.ge [sflag:s25], $0x5000  }
0xc3: {  	[sflag:s25] =	ssyncset.done $0x0  }
0xc4: {  	s21 =	simm.s32 $0x3C00;
	[sflag:s25] =	ssyncadd.s32 $0xFFFFB000  }
0xc5: {  	[spmem:s2] =	stream.indirect.scatter.add.f32 [tilespmem:s20], [sflag:$0x3], $0x10, s21, s28, $0xb8;
	[tilespmem:$0x14500] =	vst v63  }
0xc6: {  	_ =	swait.ge [sflag:s22], $0x5000  }
0xc7: {  	[sflag:s22] =	ssyncset.done $0x0  }
0xc8: {  	s30 =	simm.s32 $0x1900;
	[sflag:s22] =	ssyncadd.s32 $0xFFFFB000  }
0xc9: {  	[tilespmem:s23], [sflag:$0x2] =	stream.indirect.gather [spmem:s3], $0x10, s30, s28, $0xb8;
	[tilespmem:$0x14500] =	vst v63  }
0xca: {  	_ =	swait.ge [sflag:s29], $0x5000  }
0xcb: {  	[sflag:s29] =	ssyncset.done $0x0  }
0xcc: {  	s5 =	simm.s32 $0x4100;
	[sflag:s29] =	ssyncadd.s32 $0xFFFFB000  }
0xcd: {  	[spmem:s2] =	stream.indirect.scatter.add.f32 [tilespmem:s23], [sflag:$0x4], $0x10, s5, s28, $0xb8;
	[tilespmem:$0x14500] =	vst v63  }
0xce: {  	_ =	swait.ge [sflag:s31], $0x5000  }
0xcf: {  	[sflag:s31] =	ssyncset.done $0x0  }
0xd0: {  	s21 =	simm.s32 $0x1E00;
	[sflag:s31] =	ssyncadd.s32 $0xFFFFB000  }
0xd1: {  	[tilespmem:s20], [sflag:$0x1] =	stream.indirect.gather [spmem:s3], $0x10, s21, s28, $0xb8;
	[tilespmem:$0x14500] =	vst v63  }
0xd2: {  	_ =	swait.ge [sflag:s25], $0x5000  }
0xd3: {  	[sflag:s25] =	ssyncset.done $0x0  }
0xd4: {  	s30 =	simm.s32 $0x4600;
	[sflag:s25] =	ssyncadd.s32 $0xFFFFB000  }
0xd5: {  	[spmem:s2] =	stream.indirect.scatter.add.f32 [tilespmem:s20], [sflag:$0x3], $0x10, s30, s28, $0xb8;
	[tilespmem:$0x14500] =	vst v63  }
0xd6: {  	_ =	swait.ge [sflag:s22], $0x5000  }
0xd7: {  	[sflag:s22] =	ssyncset.done $0x0  }
0xd8: {  	s5 =	simm.s32 $0x2300;
	[sflag:s22] =	ssyncadd.s32 $0xFFFFB000  }
0xd9: {  	[tilespmem:s23], [sflag:$0x2] =	stream.indirect.gather [spmem:s3], $0x10, s5, s28, $0xb8;
	[tilespmem:$0x14500] =	vst v63  }
0xda: {  	_ =	swait.ge [sflag:s29], $0x5000  }
0xdb: {  	[sflag:s29] =	ssyncset.done $0x0  }
0xdc: {  	s21 =	simm.s32 $0x4B00;
	[sflag:s29] =	ssyncadd.s32 $0xFFFFB000  }
0xdd: {  	[spmem:s2] =	stream.indirect.scatter.add.f32 [tilespmem:s23], [sflag:$0x4], $0x10, s21, s28, $0xb8;
	[tilespmem:$0x14500] =	vst v63  }
0xde: {  	_ =	swait.ge [sflag:s31], $0x5000  }
0xdf: {  	[sflag:s31] =	ssyncset.done $0x0  }
0xe0: {  	[sflag:s31] =	ssyncadd.s32 $0xFFFFB000  }
0xe1: {  	s30 =	stileid.u32;
	_ =	swait.ge [sflag:s22], $0x5000  }
0xe2: {  	s0 =	sadd.s32 $0x1, s0;
	s1 =	sshll.u32 s30, $0x6;
	[sflag:s22] =	ssyncset.done $0x0  }
0xe3: {  	p0 =	sne.s32 s0, s18;
	s1 =	sor.u32 $0x1C05, s1;
	[sflag:s22] =	ssyncadd.s32 $0xFFFFB000  }
.Ltmp2:
0xe4: {  	s5 =	sshrl.u32 s10, $0x3;
	[bflag:$0x0] =	sbarrier.arrive $0xFFFF;
	(pc) =	sbr.rel @p0 .LBB2_1-.Ltmp2, $4  }
0xe5: {  	[hbm:s17], [sflag:s1] =	dma.local [spmem:s5], $0x500  }
0xe6: {  	_ =	swait.ge [sflag:s24], $0x500  }
0xe7: {  	[sflag:s24] =	ssyncset.done $0x0  }
0xe8: {  	[sflag:s24] =	ssyncadd.s32 $0xFFFFFB00  }
0xe9: {  	_ =	sfence.sel $0x180000  }
0xea: {  	[bflag:$0x0] =	sbarrier.arrive $0xFFFF  }
0xeb: {  	_ =	strace $0x9000004A  }
0xec: {  	s0 =	stileid.u32;
	[bflag:$0x2] =	sbarrier.arrive $0xFFFF  }
0xed: {  	p0 =	sne.s32 s0, $0x0;
	s0 =	rddreg [dreg:$0x4]  }
0xee: {  	s0 =	sadd.s32 @!p0 $0x100000, s0  }
0xef: {  	[sflag:s0] =	ssyncadd.tile.s32 @!p0 $0x1;
	_ =	shalt  }
.Lfunc_end2:
_tile_overlayer_lowered:
.L_overlay_start_2:
0xf0: {  	(tag) =	ssettag $0x2  }
0xf1: {  	s0 =	rddreg [dreg:$0x0];
	s2 =	stileid.u32  }
0xf2: {  	s1 =	rddreg [dreg:$0x1];
	p0 =	sne.s32 s2, $0x0  }
0xf3: {  	s3 =	rddreg [dreg:$0x2];
	[bflag:$0x3] =	sbarrier.arrive $0xFFFF;
	s2 =	simm.s32 @!p0 $0x1C05  }
0xf4: {  	[timem:s3], [sflag:s2] =	dma.local @!p0 [hbm:s0], s1  }
0xf5: {  	s0 =	simm.s32 @!p0 $0x5  }
0xf6: {  	_ =	swait.ge @!p0 [sflag:s0], s1  }
0xf7: {  	s1 =	ssub.s32 @!p0 $0x0, s1;
	[sflag:s0] =	ssyncset.done @!p0 $0x0  }
0xf8: {  	[sflag:s0] =	ssyncadd.s32 @!p0 s1  }
0xf9: {  	[bflag:$0x3] =	sbarrier.arrive $0xFFFF  }
0xfa: {  	_ =	shalt  }

// kernel: kernel.13.cloned.1.call-start
scs
__scs_entry_jumppad:
0x0: {  	(pc) =	sbr.rel $0x88, $3  }
0x1: {  	(tag) =	ssettag $0x0;
	lr =	simm.s32 $0x1  }
0x2: {  	[smem:$0x3F9D] =	sst lr;
	_ =	strace $0xD0000000  }
0x3: {  	_ = 	snop  }
0x4: {  	_ = 	snop  }
0x5: {  	_ = 	snop  }
0x6: {  	_ = 	snop  }
0x7: {  	_ = 	snop  }
__scs_overlays_trampoline_lowered:
0x8: {  	[smem:$0x3FAC] =	sst s0  }
0x9: {  	[smem:$0x3FAD] =	sst s1  }
0xa: {  	[smem:$0x3FAE] =	sst s2  }
0xb: {  	[smem:$0x3FAF] =	sst s3  }
0xc: {  	[smem:$0x3FB0] =	sst s4  }
0xd: {  	[smem:$0x3FB1] =	sst s5  }
0xe: {  	[smem:$0x3FB2] =	sst s6  }
0xf: {  	[smem:$0x3FB3] =	sst s7  }
0x10: {  	[smem:$0x3FB4] =	sst s8  }
0x11: {  	[smem:$0x3FB5] =	sst s9;
	s0 =	simm.s32 @!p0 $0x0  }
0x12: {  	s1 =	sld [smem:$0x3F9B];
	s0 =	simm.s32 @p0 $0x1  }
0x13: {  	[smem:$0x3FB6] =	sst s0;
	s0 =	simm.s32 @!p1 $0x0  }
0x14: {  	s2 =	sld [smem:$0x3F9A];
	s0 =	simm.s32 @p1 $0x1  }
0x15: {  	[smem:$0x3FB7] =	sst s0;
	s0 =	simm.s32 @!p2 $0x0  }
0x16: {  	s3 =	sld [smem:$0x3FDB];
	s0 =	simm.s32 @p2 $0x1  }
0x17: {  	s4 =	simm.s32 $0x1BF5;
	[smem:$0x3FB9] =	sst s0  }
0x18: {  	s0 =	sld [smem:$0x3F9C];
	_ =	swait.ge [sflag:s4], $0x0  }
0x19: {  	s7 =	sld [smem:$0x3F9D]  }
0x1a: {  	s8 =	sadd.s32 $0xFFFFE003, lr  }
0x1b: {  	s9 =	sadd.s32 $0xFFFFFEF7, lr;
	s5 =	simm.s32 $0xFFFFFFFF;
	p2 =	slt.u32 s8, $0xFFFFF086  }
0x1c: {  	p1 =	slt.u32 s9, $0xF7A;
	s5 =	simm.s32 @!p2 $0x0  }
0x1d: {  	s5 =	simm.s32 @p1 $0x1;
	p0 =	seq.s32 s7, s2  }
0x1e: {  	s7 =	smul.u32 @!p0 $0xF7A, s2;
	p2 =	seq.s32 @!p0 s5, $0x0  }
0x1f: {  	s9 =	smul.u32 $0xF7A, s1;
	s8 =	simm.s32 @!p0 $0x1BF5;
	p2 =	por !p2, p0  }
0x20: {  	[sflag:s8] =	ssyncset.s32 @!p0 $0xFFFFF086;
	s6 =	sadd.s32 @!p0 s3, s7;
	s7 =	simm.s32 @!p0 $0x108  }
0x21: {  	s3 =	sadd.s32 s3, s9;
	s6 =	sadd.s32 @!p0 $0x88, s6;
	s7 =	simm.s32 @p2 $0x1082  }
0x22: {  	[simem:s7], [sflag:s8] =	dma.local @!p0 [hbm:s6], $0xF7A  }
0x23: {  	s9 =	sor.u32 $0xD0000000, s2;
	s6 =	simm.s32 $0x108;
	_ =	swait.ge @!p0 [sflag:s8], $0x0  }
0x24: {  	s3 =	sadd.s32 $0x88, s3;
	s6 =	simm.s32 @!p1 $0x1082;
	[sflag:s4] =	ssyncset.s32 $0xFFFFF086  }
0x25: {  	[simem:s6], [sflag:s4] =	dma.local [hbm:s3], $0xF7A  }
0x26: {  	[smem:$0x3F9D] =	sst s1;
	(tag) =	ssettag s2;
	_ =	strace s9  }
0x27: {  	s1 =	sld [smem:$0x3FAD]  }
0x28: {  	s2 =	sld [smem:$0x3FAE]  }
0x29: {  	s4 =	sld [smem:$0x3FB0]  }
0x2a: {  	p0 =	seq.s32 s5, $0x0;
	s5 =	sld [smem:$0x3FB1]  }
0x2b: {  	s6 =	sld [smem:$0x3FB2]  }
0x2c: {  	s7 =	sld [smem:$0x3FB3]  }
0x2d: {  	s3 =	simm.s32 $0x108;
	s8 =	sld [smem:$0x3FB4]  }
0x2e: {  	s3 =	simm.s32 @!p0 $0x1082;
	s9 =	sld [smem:$0x3FB5]  }
0x2f: {  	lr =	sadd.s32 s0, s3;
	s0 =	sld [smem:$0x3FAC]  }
0x30: {  	s3 =	sld [smem:$0x3FAF]  }
0x31: {  	[smem:$0x3FB8] =	sst s10  }
0x32: {  	s10 =	sld [smem:$0x3FB6];
	_ =	sdelay $0x3  }
0x33: {  	p0 =	seq.s32 s10, $0x1;
	s10 =	sld [smem:$0x3FB8];
	_ =	sdelay $0x3  }
0x34: {  	[smem:$0x3FB8] =	sst s10  }
0x35: {  	s10 =	sld [smem:$0x3FB7];
	_ =	sdelay $0x3  }
0x36: {  	p1 =	seq.s32 s10, $0x1;
	s10 =	sld [smem:$0x3FB8];
	_ =	sdelay $0x3  }
0x37: {  	[smem:$0x3FB8] =	sst s10  }
0x38: {  	s10 =	sld [smem:$0x3FB9]  }
0x39: {  	_ = 	snop;
	(pc) =	sbr.ind lr, $3  }
0x3a: {  	_ = 	snop  }
0x3b: {  	_ = 	snop  }
0x3c: {  	p2 =	seq.s32 s10, $0x1;
	s10 =	sld [smem:$0x3FB8]  }
0x3d: {  	_ =	shalt  }
0x3e: {  	_ =	shalt  }
0x3f: {  	_ =	shalt  }
0x40: {  	_ =	shalt  }
0x41: {  	_ =	shalt  }
0x42: {  	_ =	shalt  }
0x43: {  	_ =	shalt  }
0x44: {  	_ =	shalt  }
0x45: {  	_ =	shalt  }
0x46: {  	_ =	shalt  }
0x47: {  	_ =	shalt  }
0x48: {  	_ =	shalt  }
0x49: {  	_ =	shalt  }
0x4a: {  	_ =	shalt  }
0x4b: {  	_ =	shalt  }
0x4c: {  	_ =	shalt  }
0x4d: {  	_ =	shalt  }
0x4e: {  	_ =	shalt  }
0x4f: {  	_ =	shalt  }
0x50: {  	_ =	shalt  }
0x51: {  	_ =	shalt  }
0x52: {  	_ =	shalt  }
0x53: {  	_ =	shalt  }
0x54: {  	_ =	shalt  }
0x55: {  	_ =	shalt  }
0x56: {  	_ =	shalt  }
0x57: {  	_ =	shalt  }
0x58: {  	_ =	shalt  }
0x59: {  	_ =	shalt  }
0x5a: {  	_ =	shalt  }
0x5b: {  	_ =	shalt  }
0x5c: {  	_ =	shalt  }
0x5d: {  	_ =	shalt  }
0x5e: {  	_ =	shalt  }
0x5f: {  	_ =	shalt  }
0x60: {  	_ =	shalt  }
0x61: {  	_ =	shalt  }
0x62: {  	_ =	shalt  }
0x63: {  	_ =	shalt  }
0x64: {  	_ =	shalt  }
0x65: {  	_ =	shalt  }
0x66: {  	_ =	shalt  }
0x67: {  	_ =	shalt  }
0x68: {  	_ =	shalt  }
0x69: {  	_ =	shalt  }
0x6a: {  	_ =	shalt  }
0x6b: {  	_ =	shalt  }
0x6c: {  	_ =	shalt  }
0x6d: {  	_ =	shalt  }
0x6e: {  	_ =	shalt  }
0x6f: {  	_ =	shalt  }
0x70: {  	_ =	shalt  }
0x71: {  	_ =	shalt  }
0x72: {  	_ =	shalt  }
0x73: {  	_ =	shalt  }
0x74: {  	_ =	shalt  }
0x75: {  	_ =	shalt  }
0x76: {  	_ =	shalt  }
0x77: {  	_ =	shalt  }
0x78: {  	_ =	shalt  }
0x79: {  	_ =	shalt  }
0x7a: {  	_ =	shalt  }
0x7b: {  	_ =	shalt  }
0x7c: {  	_ =	shalt  }
0x7d: {  	_ =	shalt  }
0x7e: {  	_ =	shalt  }
0x7f: {  	_ =	shalt  }
0x80: {  	_ =	shalt  }
0x81: {  	_ =	shalt  }
0x82: {  	_ =	shalt  }
0x83: {  	_ =	shalt  }
0x84: {  	_ =	shalt  }
0x85: {  	_ =	shalt  }
0x86: {  	_ =	shalt  }
0x87: {  	_ =	shalt  }
.Lfunc_end0:
.L_simem_size_0:
called_computation.2_lowered:
.L_overlay_start_0:
0x88: {  	s2 =	sld [smem:$0x3FD9]  }
0x89: {  	s3 =	sld [smem:$0x3FFE];
	_ =	sdelay $0x1  }
0x8a: {  	s1 =	srdreg.scid  }
0x8b: {  	s0 =	sand.u32 $0x1, s1  }
0x8c: {  	s17 =	sshll.u32 s0, $0xA;
	s2 =	sadd.s32 s3, s2  }
0x8d: {  	s2 =	sadd.s32 s2, s17  }
0x8e: {  	[smem:$0x3FC4] =	sst s2  }
0x8f: {  	_ = 	snop  }
0x90: {  	s2 =	sld [smem:$0x3FD0];
	(tm) =	ssettm $0x1  }
0x91: {  	s18 =	sld [smem:$0x3FFB];
	_ =	sdelay $0x3  }
0x92: {  	_ =	strace s18  }
0x93: {  	s3 =	sld [smem:$0x3FFC];
	_ =	sdelay $0x3  }
0x94: {  	_ =	strace s3  }
0x95: {  	s3 =	sld [smem:$0x3FFD];
	_ =	sdelay $0x3  }
0x96: {  	_ =	strace s3  }
0x97: {  	_ =	strace $0x8FFFFFFF  }
0x98: {  	s19 =	sld [smem:$0x3FDB];
	_ =	sdelay $0x1  }
0x99: {  	s4 =	simm.s32 $_scs_section_size  }
0x9a: {  	s5 =	simm.s32 $_size__tile_overlayer_lowered;
	s6 =	simm.s32 $_tile_overlayer_lowered  }
0x9b: {  	s22 =	simm.s32 $0x1BFF;
	s21 =	sshll.u32 s6, $0x1;
	s3 =	sadd.s32 s4, s19  }
0x9c: {  	s7 =	simm.s32 $0x0;
	s20 =	sshll.u32 s5, $0x1;
	s5 =	sadd.s32 s21, s3  }
0x9d: {  	[timem:s7], [sflag:s22] =	dma.local [hbm:s5], s20  }
0x9e: {  	_ =	swait.ge [sflag:s22], s20  }
0x9f: {  	s4 =	ssub.s32 $0x0, s20;
	[sflag:s22] =	ssyncset.done $0x0  }
0xa0: {  	[sflag:s22] =	ssyncadd.s32 s4;
	_ =	sdelay $0x1  }
0xa1: {  	s23 =	simm.s32 $0x1B8B  }
0xa2: {  	_ =	swait.ge [sflag:s23], $0x1  }
0xa3: {  	[sflag:s23] =	ssyncset.done $0x0  }
0xa4: {  	s25 =	simm.s32 $0x1B8E;
	s24 =	sld [smem:$0x3FFE];
	[sflag:s23] =	ssyncadd.s32 $0xFFFFFFFF  }
0xa5: {  	s26 =	simm.s32 $execute0_lowered;
	[smem:$0x3FD2] =	sst s25  }
0xa6: {  	s5 =	sshll.u32 s26, $0x1;
	_ =	strace $0x8000004C;
	[dreg:$0x1] =	wrdreg $0xFFFFFFFF  }
0xa7: {  	s28 =	simm.s32 $_size_execute0_lowered;
	s3 =	sadd.s32 s3, s5;
	[dreg:$0x0] =	wrdreg $0x0  }
0xa8: {  	s5 =	sshll.u32 s28, $0x1;
	[dreg:$0x2] =	wrdreg s3  }
0xa9: {  	[dreg:$0x3] =	wrdreg s5  }
0xaa: {  	[dreg:$0x4] =	wrdreg $0xC0  }
0xab: {  	_ =	task [dreg:s7], $0x5FFFF  }
0xac: {  	[dreg:$0x1] =	wrdreg $0xFFFFFFFF  }
0xad: {  	[dreg:$0x0] =	wrdreg $0x60  }
0xae: {  	[dreg:$0x2] =	wrdreg s24  }
0xaf: {  	[dreg:$0x3] =	wrdreg s2  }
0xb0: {  	[dreg:$0x4] =	wrdreg $0x16D000  }
0xb1: {  	[dreg:$0x5] =	wrdreg $0x195000  }
0xb2: {  	[dreg:$0x6] =	wrdreg $0x9  }
0xb3: {  	_ =	task.clear_ibuf [dreg:s7], $0x7FFFF;
	_ =	strace $0x9000004C  }
0xb4: {  	s29 =	simm.s32 $0x9;
	_ =	strace $0x8000004E  }
0xb5: {  	_ =	swait.ge [sflag:s29], $0x1  }
0xb6: {  	[sflag:s29] =	ssyncadd.s32 $0xFFFFFFFF  }
0xb7: {  	_ =	strace $0x9000004E  }
0xb8: {  	_ =	sfence  }
0xb9: {  	s30 =	sld [smem:$0x0];
	_ =	sdelay $0x2  }
0xba: {  	s31 =	sshll.u32 s1, $0xD;
	s1 =	sshrl.u32 s1, $0x2  }
0xbb: {  	s3 =	sand.u32 $0x4000, s31;
	s1 =	sadd.s32 s1, s30  }
0xbc: {  	s0 =	sor.u32 s3, s0;
	s1 =	sshll.u32 s1, $0x11  }
0xbd: {  	s0 =	sor.u32 s1, s0  }
0xbe: {  	s0 =	sadd.s32 $0x8F2B, s0  }
0xbf: {  	[sflag:s0] =	ssyncadd.remote.s32 $0x1  }
0xc0: {  	_ =	sfence.sel $0xFFFF  }
0xc1: {  	[dreg:$0x0] =	wrdreg $0xFFFFFFFF;
	(pc) =	sbr.abs _section_cstart, $3  }
0xc2: {  	[dreg:$0x1] =	wrdreg $0xFFFFFFFF  }
0xc3: {  	_ =	task.clear_ibuf [dreg:s7], $0x2FFFF;
	_ =	strace $0x9FFFFFFF  }
0xc4: {  	(tm) =	ssettm $0x7FFFFFFF  }
0xc5: {  	_ =	shalt  }
tec
execute0_lowered:
.L_overlay_start_1:
0x0: {  	(tag) =	ssettag $0x1  }
0x1: {  	s0 =	rddreg [dreg:$0x0]  }
0x2: {  	s1 =	srdreg.scid;
	s5 =	rddreg [dreg:$0x1]  }
0x3: {  	s11 =	stileid.u32;
	s2 =	rddreg [dreg:$0x2]  }
0x4: {  	s3 =	rddreg [dreg:$0x3];
	s28 =	simm.s32 $0x14000;
	s29 =	simm.s32 $0x7  }
0x5: {  	s30 =	simm.s32 $0x1;
	s1 =	sand.u32 $0x1, s1;
	s6 =	smul.u32 $0x2800, s11  }
0x6: {  	s31 =	simm.s32 $0x500;
	s10 =	smul.u32 $0x280, s11;
	s4 =	sshll.u32 s1, $0x4  }
0x7: {  	s8 =	smul.u32 $0x28000, s1;
	s1 =	ssub.s32 $0x2, s1;
	s7 =	sor.u32 s11, s4  }
0x8: {  	s4 =	simm.s32 $0x0;
	s9 =	sshrl.u32 s6, $0x3;
	s19 =	sshrl.u32 s1, $0x1  }
0x9: {  	s11 =	smul.u32 $0xA000, s11;
	s22 =	sshrl.u32 s10, $0x3;
	s12 =	sadd.s32 s6, s2  }
0xa: {  	s17 =	sadd.s32 s6, s3;
	s7 =	smul.u32 $0x500, s7;
	[smem:$0x7FF] =	sst s4  }
0xb: {  	s8 =	sadd.s32 s6, s8;
	s1 =	ssub.s32 s1, s19;
	s6 =	simm.s32 $0x0  }
0xc: {  	_ =	strace $0x8000004D;
	s8 =	sshrl.u32 s8, $0x3;
	s24 =	sshrl.u32 s11, $0x2  }
0xd: {  	s7 =	sadd.s32 s7, s0;
	s8 =	sadd.s32 s8, s0;
	s0 =	sadd.s32 s9, s0  }
0xe: {  	s9 =	sadd.s32 s5, s22;
	s5 =	sadd.s32 s24, s2;
	s22 =	simm.s32 $0x5000  }
0xf: {  	s24 =	simm.s32 $0xA000;
	s20 =	sadd.s32 $0x2600, s7;
	s7 =	sadd.s32 $0xC600, s7  }
0x10: {  	s21 =	sadd.s32 $0x1B800, s0;
	s23 =	sadd.s32 $0x20800, s0;
	[dreg:$0x5] =	wrdreg s20  }
0x11: {  	s25 =	sadd.s32 $0x25800, s0;
	s26 =	sadd.s32 $0x500, s9;
	[dreg:$0x6] =	wrdreg s7  }
0x12: {  	s13 =	sadd.s32 $0x800, s5;
	s14 =	sadd.s32 $0x1000, s5;
	[dreg:$0x7] =	wrdreg s21  }
0x13: {  	s15 =	sadd.s32 $0x1800, s5;
	s16 =	sadd.s32 $0x2000, s5;
	[dreg:$0x8] =	wrdreg s23  }
0x14: {  	s18 =	sadd.s32 $0x16600, s0;
	s19 =	sadd.s32 $0x2A800, s8;
	[dreg:$0x9] =	wrdreg s25  }
0x15: {  	s0 =	simm.s32 $0x5;
	s5 =	simm.s32 $0x6;
	[dreg:$0xa] =	wrdreg s26  }
0x16: {  	s20 =	smax.u32 s1, $0x1;
	s21 =	simm.s32 $0x2800;
	s23 =	simm.s32 $0xF000  }
0x17: {  	v0 =	vimm.f32 $0.0e+00;
	s25 =	simm.s32 $0x2;
	s1 =	simm.s32 $0x4;
	s26 =	simm.s32 $0x3  }
.LBB2_1:
0x18: {  	s7 =	rddreg [dreg:$0x5]  }
0x19: {  	[tilespmem:s4], [sflag:$0x1] =	stream.linear.gather [hbm4b:s7+s4], $0x2800, $0x38;
	[tilespmem:$0x1BD00] =	vst v63  }
0x1a: {  	s11 =	rddreg [dreg:$0x6]  }
0x1b: {  	[tilespmem:s21], [sflag:$0x1] =	stream.linear.gather [hbm4b:s11+s4], $0x2800, $0x38;
	[tilespmem:$0x1BD00] =	vst v63  }
0x1c: {  	s8 =	rddreg [dreg:$0x7]  }
0x1d: {  	[tilespmem:s22], [sflag:$0x1] =	stream.linear.gather [hbm4b:s8+s4], $0x2800, $0x38;
	[tilespmem:$0x1BD00] =	vst v63  }
0x1e: {  	s10 =	rddreg [dreg:$0x8];
	s8 =	simm.s32 $0x7800  }
0x1f: {  	[tilespmem:s8], [sflag:$0x1] =	stream.linear.gather [hbm4b:s10+s4], $0x2800, $0x38;
	[tilespmem:$0x1BD00] =	vst v63  }
0x20: {  	s11 =	rddreg [dreg:$0x9]  }
0x21: {  	[tilespmem:s24], [sflag:$0x1] =	stream.linear.gather [hbm4b:s11+s4], $0x2800, $0x38;
	[tilespmem:$0x1BD00] =	vst v63  }
0x22: {  	s7 =	simm.s32 $0x40;
	s8 =	simm.s32 $0x16800  }
0x23: {  	[tilespmem:s8], [sflag:$0x1] =	stream.linear.gather [hbm4b:s9+s4], $0x280, $0x38;
	[tilespmem:$0x1BD00] =	vst v63  }
0x24: {  	s10 =	rddreg [dreg:$0xa];
	s11 =	simm.s32 $0x16A80;
	s8 =	simm.s32 $0x0  }
0x25: {  	[tilespmem:s11], [sflag:$0x1] =	stream.linear.gather [hbm4b:s10+s4], $0x280, $0x38;
	[tilespmem:$0x1BD00] =	vst v63  }
.LBB2_2:
0x26: {  	p0 =	sne.s32 s7, $0x1FC0;
	[tilespmem:s8+$0x14000] =	vst v0;
	s8 =	smov.u32 s7;
	s7 =	sadd.s32 $0x40, s7  }
.Ltmp0:
0x27: {  	(pc) =	sbr.rel @p0 .LBB2_2-.Ltmp0, $2  }
0x28: {  	_ =	sdelay $0x2  }
0x29: {  	s8 =	sshra.s32 s8, $0x2  }
0x2a: {  	[tilespmem:s8+$0x14000] =	vst v0  }
0x2b: {  	[spmem:s12] =	stream.linear.scatter [tilespmem:s28], [sflag:$0x7], $0x800, $0x38;
	[tilespmem:$0x1BD00] =	vst v63  }
0x2c: {  	_ =	swait.ge [sflag:s29], $0x800  }
0x2d: {  	[sflag:s29] =	ssyncset.done $0x0  }
0x2e: {  	[sflag:s29] =	ssyncadd.s32 $0xFFFFF800  }
0x2f: {  	[spmem:s13] =	stream.linear.scatter [tilespmem:s28], [sflag:$0x7], $0x800, $0x38;
	[tilespmem:$0x1BD00] =	vst v63  }
0x30: {  	_ =	swait.ge [sflag:s29], $0x800  }
0x31: {  	[sflag:s29] =	ssyncset.done $0x0  }
0x32: {  	[sflag:s29] =	ssyncadd.s32 $0xFFFFF800  }
0x33: {  	[spmem:s14] =	stream.linear.scatter [tilespmem:s28], [sflag:$0x7], $0x800, $0x38;
	[tilespmem:$0x1BD00] =	vst v63  }
0x34: {  	_ =	swait.ge [sflag:s29], $0x800  }
0x35: {  	[sflag:s29] =	ssyncset.done $0x0  }
0x36: {  	[sflag:s29] =	ssyncadd.s32 $0xFFFFF800  }
0x37: {  	[spmem:s15] =	stream.linear.scatter [tilespmem:s28], [sflag:$0x7], $0x800, $0x38;
	[tilespmem:$0x1BD00] =	vst v63  }
0x38: {  	_ =	swait.ge [sflag:s29], $0x800  }
0x39: {  	[sflag:s29] =	ssyncset.done $0x0  }
0x3a: {  	[sflag:s29] =	ssyncadd.s32 $0xFFFFF800  }
0x3b: {  	[spmem:s16] =	stream.linear.scatter [tilespmem:s28], [sflag:$0x7], $0x800, $0x38;
	[tilespmem:$0x1BD00] =	vst v63  }
0x3c: {  	_ =	swait.ge [sflag:s29], $0x800  }
0x3d: {  	[sflag:s29] =	ssyncset.done $0x0  }
0x3e: {  	[sflag:s29] =	ssyncadd.s32 $0xFFFFF800  }
0x3f: {  	_ =	swait.ge [sflag:s30], $0x2800  }
0x40: {  	[sflag:s30] =	ssyncset.done $0x0  }
0x41: {  	[sflag:s30] =	ssyncadd.s32 $0xFFFFD800  }
0x42: {  	_ =	swait.ge [sflag:s30], $0x2800  }
0x43: {  	[sflag:s30] =	ssyncset.done $0x0  }
0x44: {  	[sflag:s30] =	ssyncadd.s32 $0xFFFFD800  }
0x45: {  	_ =	swait.ge [sflag:s30], $0x2800  }
0x46: {  	[sflag:s30] =	ssyncset.done $0x0  }
0x47: {  	[sflag:s30] =	ssyncadd.s32 $0xFFFFD800  }
0x48: {  	_ =	swait.ge [sflag:s30], $0x2800  }
0x49: {  	[sflag:s30] =	ssyncset.done $0x0  }
0x4a: {  	[sflag:s30] =	ssyncadd.s32 $0xFFFFD800  }
0x4b: {  	_ =	swait.ge [sflag:s30], $0x2800  }
0x4c: {  	[sflag:s30] =	ssyncset.done $0x0  }
0x4d: {  	[sflag:s30] =	ssyncadd.s32 $0xFFFFD800  }
0x4e: {  	_ =	swait.ge [sflag:s30], $0x280  }
0x4f: {  	[sflag:s30] =	ssyncset.done $0x0  }
0x50: {  	[sflag:s30] =	ssyncadd.s32 $0xFFFFFD80  }
0x51: {  	_ =	swait.ge [sflag:s30], $0x280  }
0x52: {  	[sflag:s30] =	ssyncset.done $0x0  }
0x53: {  	s7 =	simm.s32 $0x0;
	[sflag:s30] =	ssyncadd.s32 $0xFFFFFD80  }
0x54: {  	v1 =	vld [tilespmem:s7+$0xA000]  }
0x55: {  	v2 =	vld [tilespmem:s7+$0x5000]  }
0x56: {  	v3 =	vld [tilespmem:s7+$0x7800]  }
0x57: {  	v4 =	vld [tilespmem:s7+$0x5010]  }
0x58: {  	v5 =	vld [tilespmem:s7+$0x7810]  }
0x59: {  	v6 =	vld [tilespmem:s7+$0x5020]  }
0x5a: {  	v7 =	vld [tilespmem:s7+$0x7820]  }
0x5b: {  	v8 =	vld [tilespmem:s7+$0x5030]  }
0x5c: {  	v10 =	vld [tilespmem:s7+$0x7830]  }
0x5d: {  	v9 =	vld [tilespmem:s7+$0x5040]  }
0x5e: {  	v11 =	vld [tilespmem:s7+$0x7840]  }
0x5f: {  	v12 =	vld [tilespmem:s7+$0x5050]  }
0x60: {  	v17 =	vld [tilespmem:s7+$0x7850]  }
0x61: {  	v14 =	vld [tilespmem:s7+$0x5060]  }
0x62: {  	v19 =	vld [tilespmem:s7+$0x7860]  }
0x63: {  	v13 =	vld [tilespmem:s7+$0x5070]  }
0x64: {  	v18 =	vld [tilespmem:s7+$0x7870]  }
0x65: {  	v16 =	vld [tilespmem:s7+$0x5080]  }
0x66: {  	v20 =	vld [tilespmem:s7+$0x7880]  }
0x67: {  	v15 =	vld [tilespmem:s7+$0x5090]  }
0x68: {  	s8 =	simm.s32 $0x16800;
	v21 =	vld [tilespmem:s7+$0x7890]  }
0x69: {  	v22 =	vld [tilespmem:s8+$0x280]  }
0x6a: {  	s10 =	simm.s32 $0x400;
	v23 =	vld [tilespmem:s8+$0x0]  }
.LBB2_4:
0x6b: {  	p0 =	sne.s32 s10, $0x9C00;
	v24 =	vld [tilespmem:s7+$0x50A0]  }
0x6c: {  	v25 =	vld [tilespmem:s7+$0x78A0]  }
0x6d: {  	v26 =	vld [tilespmem:s7+$0x50B0]  }
0x6e: {  	v27 =	vld [tilespmem:s7+$0x78B0]  }
0x6f: {  	v22 =	vadd.f32 v22, v23;
	v23 =	vld [tilespmem:s7+$0x50C0]  }
0x70: {  	v28 =	vld [tilespmem:s7+$0x78C0]  }
0x71: {  	v22 =	vadd.f32 $1.000000000e+00, v22;
	v29 =	vld [tilespmem:s7+$0x50D0]  }
0x72: {  	v30 =	vld [tilespmem:s7+$0x78D0]  }
0x73: {  	v31 =	vld [tilespmem:s7+$0x50E0];
	(erf) = vrcp.f32 v22  }
0x74: {  	v2 =	vadd.f32 v3, v2;
	v3 =	vadd.f32 v5, v4;
	v4 =	vld [tilespmem:s7+$0x78E0]  }
0x75: {  	v5 =	vadd.f32 v7, v6;
	v6 =	vadd.f32 v10, v8;
	v7 =	vld [tilespmem:s7+$0x50F0]  }
0x76: {  	v8 =	vadd.f32 v11, v9;
	v9 =	vadd.f32 v17, v12;
	v10 =	vld [tilespmem:s7+$0x78F0]  }
0x77: {  	v12 =	vadd.f32 v19, v14;
	v13 =	vadd.f32 v18, v13;
	v11 =	vld [tilespmem:s7+$0xA010]  }
0x78: {  	v16 =	vadd.f32 v20, v16;
	v15 =	vadd.f32 v21, v15;
	v14 =	vld [tilespmem:s7+$0xA020]  }
0x79: {  	v18 =	vadd.f32 v25, v24;
	v19 =	vadd.f32 v27, v26;
	v17 =	vld [tilespmem:s7+$0xA030]  }
0x7a: {  	v21 =	vadd.f32 v28, v23;
	v22 =	vadd.f32 v30, v29;
	v20 =	vld [tilespmem:s7+$0xA040]  }
0x7b: {  	v24 =	vadd.f32 v4, v31;
	v23 =	vld [tilespmem:s7+$0xA050];
	v7 =	vadd.f32 v10, v7  }
0x7c: {  	v1 =	vadd.f32 v1, v2;
	v2 =	vadd.f32 v11, v3;
	v3 =	vld [tilespmem:s7+$0xA060];
	v10 =	vpop (erf)  }
0x7d: {  	v4 =	vbroadcast v10, $0x0;
	v11 =	vbroadcast v10, $0x1;
	v5 =	vadd.f32 v14, v5;
	v14 =	vld [tilespmem:s7+$0xA070]  }
0x7e: {  	v25 =	vbroadcast v10, $0x2;
	v6 =	vadd.f32 v17, v6;
	v17 =	vbroadcast v10, $0x3;
	v26 =	vld [tilespmem:s7+$0xA080]  }
0x7f: {  	v1 =	vmul.f32 v4, v1;
	v2 =	vmul.f32 v2, v11;
	v4 =	vadd.f32 v20, v8;
	v8 =	vld [tilespmem:s7+$0xA090]  }
0x80: {  	v5 =	vmul.f32 v5, v25;
	v6 =	vmul.f32 v6, v17;
	v9 =	vadd.f32 v23, v9;
	v11 =	vld [tilespmem:s7+$0xA0A0]  }
0x81: {  	v17 =	vbroadcast v10, $0x5;
	[tilespmem:s7+$0x14000] =	vst v1;
	v1 =	vbroadcast v10, $0x4;
	v3 =	vadd.f32 v3, v12;
	v12 =	vld [tilespmem:s7+$0xA0B0]  }
0x82: {  	[tilespmem:s7+$0x14010] =	vst v2;
	v2 =	vbroadcast v10, $0x6;
	v13 =	vadd.f32 v14, v13;
	v14 =	vbroadcast v10, $0x7;
	v20 =	vld [tilespmem:s7+$0xA0C0]  }
0x83: {  	[tilespmem:s7+$0x14020] =	vst v5;
	v1 =	vmul.f32 v4, v1;
	v4 =	vmul.f32 v9, v17;
	v5 =	vadd.f32 v26, v16;
	v9 =	vld [tilespmem:s7+$0xA0D0]  }
0x84: {  	[tilespmem:s7+$0x14030] =	vst v6;
	v3 =	vmul.f32 v3, v2;
	v6 =	vmul.f32 v13, v14;
	v8 =	vadd.f32 v8, v15;
	v13 =	vld [tilespmem:s7+$0xA0E0]  }
0x85: {  	s11 =	sshra.s32 s10, $0x2;
	v14 =	vbroadcast v10, $0x8;
	v15 =	vbroadcast v10, $0x9;
	[tilespmem:s7+$0x14040] =	vst v1;
	v11 =	vadd.f32 v11, v18;
	v16 =	vld [tilespmem:s7+$0xA0F0]  }
0x86: {  	v17 =	vbroadcast v10, $0xB;
	v1 =	vld [tilespmem:s11+$0xA000];
	[tilespmem:s7+$0x14050] =	vst v4;
	v4 =	vbroadcast v10, $0xA;
	v12 =	vadd.f32 v12, v19  }
0x87: {  	v5 =	vmul.f32 v5, v14;
	v8 =	vmul.f32 v8, v15;
	v2 =	vld [tilespmem:s11+$0x5000];
	[tilespmem:s7+$0x14060] =	vst v3;
	v14 =	vadd.f32 v20, v21  }
0x88: {  	v3 =	vld [tilespmem:s11+$0x7800];
	[tilespmem:s7+$0x14070] =	vst v6;
	v11 =	vmul.f32 v11, v4;
	v12 =	vmul.f32 v12, v17;
	v9 =	vadd.f32 v9, v22  }
0x89: {  	v15 =	vbroadcast v10, $0xC;
	v17 =	vbroadcast v10, $0xD;
	v4 =	vld [tilespmem:s11+$0x5010];
	[tilespmem:s7+$0x14080] =	vst v5;
	v13 =	vadd.f32 v13, v24  }
0x8a: {  	v5 =	vld [tilespmem:s11+$0x7810];
	[tilespmem:s7+$0x14090] =	vst v8;
	v8 =	vbroadcast v10, $0xE;
	v16 =	vadd.f32 v16, v7;
	v10 =	vbroadcast v10, $0xF  }
0x8b: {  	v9 =	vmul.f32 v9, v17;
	v6 =	vld [tilespmem:s11+$0x5020];
	[tilespmem:s7+$0x140A0] =	vst v11;
	v11 =	vmul.f32 v14, v15  }
0x8c: {  	v7 =	vld [tilespmem:s11+$0x7820];
	[tilespmem:s7+$0x140B0] =	vst v12;
	v12 =	vmul.f32 v13, v8;
	v13 =	vmul.f32 v16, v10  }
0x8d: {  	v8 =	vld [tilespmem:s11+$0x5030];
	[tilespmem:s7+$0x140C0] =	vst v11  }
0x8e: {  	v10 =	vld [tilespmem:s11+$0x7830];
	[tilespmem:s7+$0x140D0] =	vst v9  }
0x8f: {  	v9 =	vld [tilespmem:s11+$0x5040];
	[tilespmem:s7+$0x140E0] =	vst v12  }
0x90: {  	v11 =	vld [tilespmem:s11+$0x7840];
	[tilespmem:s7+$0x140F0] =	vst v13;
	s7 =	smov.u32 s11  }
0x91: {  	v12 =	vld [tilespmem:s7+$0x5050]  }
0x92: {  	v17 =	vld [tilespmem:s7+$0x7850]  }
0x93: {  	v14 =	vld [tilespmem:s7+$0x5060]  }
0x94: {  	v19 =	vld [tilespmem:s7+$0x7860]  }
0x95: {  	v13 =	vld [tilespmem:s7+$0x5070]  }
0x96: {  	v18 =	vld [tilespmem:s7+$0x7870]  }
0x97: {  	v16 =	vld [tilespmem:s7+$0x5080]  }
.Ltmp1:
0x98: {  	v20 =	vld [tilespmem:s7+$0x7880];
	(pc) =	sbr.rel @p0 .LBB2_4-.Ltmp1, $4  }
0x99: {  	v15 =	vld [tilespmem:s7+$0x5090]  }
0x9a: {  	s8 =	sadd.s32 $0x10, s8;
	v21 =	vld [tilespmem:s7+$0x7890]  }
0x9b: {  	v22 =	vld [tilespmem:s8+$0x280]  }
0x9c: {  	s10 =	sadd.s32 $0x400, s10;
	v23 =	vld [tilespmem:s8+$0x0]  }
0x9d: {  	_ =	sdelay $0x1  }
0x9e: {  	v24 =	vld [tilespmem:s7+$0x50A0]  }
0x9f: {  	v25 =	vld [tilespmem:s7+$0x78A0]  }
0xa0: {  	v26 =	vld [tilespmem:s7+$0x50B0];
	v22 =	vadd.f32 v22, v23  }
0xa1: {  	v27 =	vld [tilespmem:s7+$0x78B0]  }
0xa2: {  	v53 =	vld [tilespmem:s7+$0x50C0];
	v22 =	vadd.f32 $1.000000000e+00, v22  }
0xa3: {  	v28 =	vld [tilespmem:s7+$0x78C0]  }
0xa4: {  	v29 =	vld [tilespmem:s7+$0x50D0];
	(erf) = vrcp.f32 v22  }
0xa5: {  	v31 =	vld [tilespmem:s7+$0x50E0]  }
0xa6: {  	v32 =	vld [tilespmem:s7+$0x50F0]  }
0xa7: {  	v34 =	vld [tilespmem:s7+$0xA010];
	v2 =	vadd.f32 v3, v2;
	v3 =	vadd.f32 v5, v4  }
0xa8: {  	v35 =	vld [tilespmem:s7+$0xA020];
	v56 =	vadd.f32 v7, v6;
	v57 =	vadd.f32 v10, v8  }
0xa9: {  	v36 =	vld [tilespmem:s7+$0xA030];
	v9 =	vadd.f32 v11, v9;
	v60 =	vadd.f32 v17, v12  }
0xaa: {  	v37 =	vld [tilespmem:s7+$0xA040];
	v61 =	vadd.f32 v19, v14;
	v13 =	vadd.f32 v18, v13  }
0xab: {  	v55 =	vld [tilespmem:s7+$0xA050];
	v16 =	vadd.f32 v20, v16;
	v1 =	vadd.f32 v1, v2  }
0xac: {  	v33 =	vld [tilespmem:s7+$0x78F0];
	v15 =	vadd.f32 v21, v15;
	v3 =	vadd.f32 v34, v3  }
0xad: {  	v58 =	vld [tilespmem:s7+$0xA060];
	v5 =	vadd.f32 v35, v56;
	v38 =	vadd.f32 v25, v24;
	v8 =	vpop (erf)  }
0xae: {  	v59 =	vld [tilespmem:s7+$0xA070];
	v6 =	vadd.f32 v36, v57;
	v41 =	vadd.f32 v28, v53;
	v2 =	vbroadcast v8, $0x0  }
0xaf: {  	v62 =	vld [tilespmem:s7+$0xA080];
	v9 =	vadd.f32 v37, v9;
	v63 =	vbroadcast v8, $0x1;
	v40 =	vbroadcast v8, $0x3  }
0xb0: {  	v54 =	vld [tilespmem:s7+$0x78E0];
	v4 =	vadd.f32 v55, v60;
	v43 =	vbroadcast v8, $0x4;
	v1 =	vmul.f32 v2, v1  }
0xb1: {  	v30 =	vld [tilespmem:s7+$0x78D0];
	v46 =	vadd.f32 v33, v32;
	v45 =	vbroadcast v8, $0x5;
	v3 =	vmul.f32 v3, v63  }
0xb2: {  	v34 =	vld [tilespmem:s7+$0xA0A0];
	v7 =	vadd.f32 v58, v61;
	v47 =	vbroadcast v8, $0x6;
	v6 =	vmul.f32 v6, v40;
	[tilespmem:s7+$0x14000] =	vst v1  }
0xb3: {  	v39 =	vld [tilespmem:s7+$0xA0B0];
	v10 =	vadd.f32 v59, v13;
	v49 =	vbroadcast v8, $0x7;
	v9 =	vmul.f32 v9, v43;
	[tilespmem:s7+$0x14010] =	vst v3  }
0xb4: {  	v50 =	vadd.f32 v62, v16;
	v51 =	vbroadcast v8, $0x8;
	v2 =	vld [tilespmem:s7+$0xA090];
	v4 =	vmul.f32 v4, v45;
	[tilespmem:s7+$0x14030] =	vst v6  }
0xb5: {  	v42 =	vld [tilespmem:s7+$0xA0C0];
	v22 =	vadd.f32 v54, v31;
	v53 =	vbroadcast v8, $0x9;
	v7 =	vmul.f32 v7, v47;
	[tilespmem:s7+$0x14040] =	vst v9  }
0xb6: {  	v52 =	vld [tilespmem:s7+$0xA0F0];
	v10 =	vmul.f32 v10, v49;
	v1 =	vbroadcast v8, $0x2;
	v3 =	vadd.f32 v27, v26;
	[tilespmem:s7+$0x14050] =	vst v4  }
0xb7: {  	v44 =	vld [tilespmem:s7+$0xA0D0];
	v54 =	vadd.f32 v34, v38;
	v55 =	vbroadcast v8, $0xA;
	v56 =	vmul.f32 v50, v51;
	[tilespmem:s7+$0x14060] =	vst v7  }
0xb8: {  	v48 =	vld [tilespmem:s7+$0xA0E0];
	v57 =	vbroadcast v8, $0xB;
	[tilespmem:s7+$0x14070] =	vst v10;
	v1 =	vmul.f32 v5, v1;
	v3 =	vadd.f32 v39, v3  }
0xb9: {  	v58 =	vbroadcast v8, $0xC;
	v4 =	vmul.f32 v54, v55;
	[tilespmem:s7+$0x14080] =	vst v56;
	v2 =	vadd.f32 v2, v15  }
0xba: {  	v5 =	vadd.f32 v42, v41;
	[tilespmem:s7+$0x14020] =	vst v1;
	v1 =	vadd.f32 v30, v29;
	v3 =	vmul.f32 v3, v57  }
0xbb: {  	v62 =	vadd.f32 v52, v46;
	v63 =	vbroadcast v8, $0xF;
	[tilespmem:s7+$0x140A0] =	vst v4;
	v2 =	vmul.f32 v2, v53  }
0xbc: {  	v59 =	vbroadcast v8, $0xD;
	v61 =	vmul.f32 v5, v58;
	v1 =	vadd.f32 v44, v1;
	[tilespmem:s7+$0x140B0] =	vst v3  }
0xbd: {  	v60 =	vbroadcast v8, $0xE;
	v3 =	vmul.f32 v62, v63;
	[tilespmem:s7+$0x14090] =	vst v2;
	v2 =	vadd.f32 v48, v22  }
0xbe: {  	[tilespmem:s7+$0x140C0] =	vst v61;
	v1 =	vmul.f32 v1, v59  }
0xbf: {  	[tilespmem:s7+$0x140F0] =	vst v3;
	v2 =	vmul.f32 v2, v60  }
0xc0: {  	[tilespmem:s7+$0x140D0] =	vst v1  }
0xc1: {  	[tilespmem:s7+$0x140E0] =	vst v2  }
0xc2: {  	[spmem:s17] =	stream.linear.scatter [tilespmem:s28], [sflag:$0x7], $0x2800, $0x38;
	[tilespmem:$0x1BD00] =	vst v63  }
0xc3: {  	_ =	swait.ge [sflag:s29], $0x2800  }
0xc4: {  	[sflag:s29] =	ssyncset.done $0x0  }
0xc5: {  	[sflag:s29] =	ssyncadd.s32 $0xFFFFD800  }
0xc6: {  	[hbm4b:s18+s4] =	stream.linear.scatter [tilespmem:s28], [sflag:$0x7], $0x2800, $0x38;
	[tilespmem:$0x1BD00] =	vst v63  }
0xc7: {  	_ =	swait.ge [sflag:s29], $0x2800  }
0xc8: {  	[sflag:s29] =	ssyncset.done $0x0  }
0xc9: {  	[sflag:s29] =	ssyncadd.s32 $0xFFFFD800  }
0xca: {  	[bflag:$0x0] =	sbarrier.arrive $0xFFFF  }
0xcb: {  	[tilespmem:s22], [sflag:$0x1] =	stream.indirect.gather [spmem:s3], $0x10, s4, s31, $0xb8;
	[tilespmem:$0x1BD00] =	vst v63  }
0xcc: {  	_ = 	snop  }
0xcd: {  	[tilespmem:s24], [sflag:$0x2] =	stream.indirect.gather [spmem:s3], $0x10, s31, s31, $0xb8;
	[tilespmem:$0x1BD00] =	vst v63  }
0xce: {  	_ =	swait.ge [sflag:s30], $0x5000  }
0xcf: {  	[sflag:s30] =	ssyncset.done $0x0  }
0xd0: {  	[sflag:s30] =	ssyncadd.s32 $0xFFFFB000  }
0xd1: {  	[spmem:s2] =	stream.indirect.scatter.add.f32 [tilespmem:s22], [sflag:$0x4], $0x10, s21, s31, $0xb8;
	[tilespmem:$0x1BD00] =	vst v63  }
0xd2: {  	s10 =	simm.s32 $0xA00  }
0xd3: {  	[tilespmem:s23], [sflag:$0x3] =	stream.indirect.gather [spmem:s3], $0x10, s10, s31, $0xb8;
	[tilespmem:$0x1BD00] =	vst v63  }
0xd4: {  	_ =	swait.ge [sflag:s25], $0x5000  }
0xd5: {  	[sflag:s25] =	ssyncset.done $0x0  }
0xd6: {  	s11 =	simm.s32 $0x2D00;
	[sflag:s25] =	ssyncadd.s32 $0xFFFFB000  }
0xd7: {  	[spmem:s2] =	stream.indirect.scatter.add.f32 [tilespmem:s24], [sflag:$0x5], $0x10, s11, s31, $0xb8;
	[tilespmem:$0x1BD00] =	vst v63  }
0xd8: {  	_ =	swait.ge [sflag:s1], $0x5000  }
0xd9: {  	[sflag:s1] =	ssyncset.done $0x0  }
0xda: {  	s8 =	simm.s32 $0xF00;
	[sflag:s1] =	ssyncadd.s32 $0xFFFFB000  }
0xdb: {  	[tilespmem:s22], [sflag:$0x1] =	stream.indirect.gather [spmem:s3], $0x10, s8, s31, $0xb8;
	[tilespmem:$0x1BD00] =	vst v63  }
0xdc: {  	_ =	swait.ge [sflag:s26], $0x5000  }
0xdd: {  	[sflag:s26] =	ssyncset.done $0x0  }
0xde: {  	s10 =	simm.s32 $0x3200;
	[sflag:s26] =	ssyncadd.s32 $0xFFFFB000  }
0xdf: {  	[spmem:s2] =	stream.indirect.scatter.add.f32 [tilespmem:s23], [sflag:$0x6], $0x10, s10, s31, $0xb8;
	[tilespmem:$0x1BD00] =	vst v63  }
0xe0: {  	_ =	swait.ge [sflag:s0], $0x5000  }
0xe1: {  	[sflag:s0] =	ssyncset.done $0x0  }
0xe2: {  	s11 =	simm.s32 $0x1400;
	[sflag:s0] =	ssyncadd.s32 $0xFFFFB000  }
0xe3: {  	[tilespmem:s24], [sflag:$0x2] =	stream.indirect.gather [spmem:s3], $0x10, s11, s31, $0xb8;
	[tilespmem:$0x1BD00] =	vst v63  }
0xe4: {  	_ =	swait.ge [sflag:s30], $0x5000  }
0xe5: {  	[sflag:s30] =	ssyncset.done $0x0  }
0xe6: {  	s8 =	simm.s32 $0x3700;
	[sflag:s30] =	ssyncadd.s32 $0xFFFFB000  }
0xe7: {  	[spmem:s2] =	stream.indirect.scatter.add.f32 [tilespmem:s22], [sflag:$0x4], $0x10, s8, s31, $0xb8;
	[tilespmem:$0x1BD00] =	vst v63  }
0xe8: {  	_ =	swait.ge [sflag:s5], $0x5000  }
0xe9: {  	[sflag:s5] =	ssyncset.done $0x0  }
0xea: {  	s10 =	simm.s32 $0x1900;
	[sflag:s5] =	ssyncadd.s32 $0xFFFFB000  }
0xeb: {  	[tilespmem:s23], [sflag:$0x3] =	stream.indirect.gather [spmem:s3], $0x10, s10, s31, $0xb8;
	[tilespmem:$0x1BD00] =	vst v63  }
0xec: {  	_ =	swait.ge [sflag:s25], $0x5000  }
0xed: {  	[sflag:s25] =	ssyncset.done $0x0  }
0xee: {  	s11 =	simm.s32 $0x3C00;
	[sflag:s25] =	ssyncadd.s32 $0xFFFFB000  }
0xef: {  	[spmem:s2] =	stream.indirect.scatter.add.f32 [tilespmem:s24], [sflag:$0x5], $0x10, s11, s31, $0xb8;
	[tilespmem:$0x1BD00] =	vst v63  }
0xf0: {  	_ =	swait.ge [sflag:s1], $0x5000  }
0xf1: {  	[sflag:s1] =	ssyncset.done $0x0  }
0xf2: {  	s8 =	simm.s32 $0x1E00;
	[sflag:s1] =	ssyncadd.s32 $0xFFFFB000  }
0xf3: {  	[tilespmem:s22], [sflag:$0x1] =	stream.indirect.gather [spmem:s3], $0x10, s8, s31, $0xb8;
	[tilespmem:$0x1BD00] =	vst v63  }
0xf4: {  	_ =	swait.ge [sflag:s26], $0x5000  }
0xf5: {  	[sflag:s26] =	ssyncset.done $0x0  }
0xf6: {  	s10 =	simm.s32 $0x4100;
	[sflag:s26] =	ssyncadd.s32 $0xFFFFB000  }
0xf7: {  	[spmem:s2] =	stream.indirect.scatter.add.f32 [tilespmem:s23], [sflag:$0x6], $0x10, s10, s31, $0xb8;
	[tilespmem:$0x1BD00] =	vst v63  }
0xf8: {  	_ =	swait.ge [sflag:s0], $0x5000  }
0xf9: {  	[sflag:s0] =	ssyncset.done $0x0  }
0xfa: {  	s11 =	simm.s32 $0x2300;
	[sflag:s0] =	ssyncadd.s32 $0xFFFFB000  }
0xfb: {  	[tilespmem:s24], [sflag:$0x2] =	stream.indirect.gather [spmem:s3], $0x10, s11, s31, $0xb8;
	[tilespmem:$0x1BD00] =	vst v63  }
0xfc: {  	_ =	swait.ge [sflag:s30], $0x5000  }
0xfd: {  	[sflag:s30] =	ssyncset.done $0x0  }
0xfe: {  	s8 =	simm.s32 $0x4600;
	[sflag:s30] =	ssyncadd.s32 $0xFFFFB000  }
0xff: {  	[spmem:s2] =	stream.indirect.scatter.add.f32 [tilespmem:s22], [sflag:$0x4], $0x10, s8, s31, $0xb8;
	[tilespmem:$0x1BD00] =	vst v63  }
0x100: {  	_ =	swait.ge [sflag:s25], $0x5000  }
0x101: {  	[sflag:s25] =	ssyncset.done $0x0  }
0x102: {  	s10 =	simm.s32 $0x4B00;
	[sflag:s25] =	ssyncadd.s32 $0xFFFFB000  }
0x103: {  	[spmem:s2] =	stream.indirect.scatter.add.f32 [tilespmem:s24], [sflag:$0x5], $0x10, s10, s31, $0xb8;
	[tilespmem:$0x1BD00] =	vst v63  }
0x104: {  	_ =	swait.ge [sflag:s5], $0x5000  }
0x105: {  	[sflag:s5] =	ssyncset.done $0x0  }
0x106: {  	[sflag:s5] =	ssyncadd.s32 $0xFFFFB000  }
0x107: {  	_ =	swait.ge [sflag:s1], $0x5000  }
0x108: {  	[sflag:s1] =	ssyncset.done $0x0  }
0x109: {  	[sflag:s1] =	ssyncadd.s32 $0xFFFFB000  }
0x10a: {  	s11 =	stileid.u32;
	_ =	swait.ge [sflag:s0], $0x5000  }
0x10b: {  	s6 =	sadd.s32 $0x1, s6;
	s7 =	sshll.u32 s11, $0x6;
	[sflag:s0] =	ssyncset.done $0x0  }
0x10c: {  	p0 =	sne.s32 s6, s20;
	s7 =	sor.u32 $0x1C07, s7;
	[sflag:s0] =	ssyncadd.s32 $0xFFFFB000  }
.Ltmp2:
0x10d: {  	s8 =	sshrl.u32 s12, $0x3;
	[bflag:$0x0] =	sbarrier.arrive $0xFFFF;
	(pc) =	sbr.rel @p0 .LBB2_1-.Ltmp2, $4  }
0x10e: {  	[hbm:s19], [sflag:s7] =	dma.local [spmem:s8], $0x500  }
0x10f: {  	_ =	swait.ge [sflag:s29], $0x500  }
0x110: {  	[sflag:s29] =	ssyncset.done $0x0  }
0x111: {  	[sflag:s29] =	ssyncadd.s32 $0xFFFFFB00  }
0x112: {  	_ =	sfence.sel $0x180000  }
0x113: {  	[bflag:$0x0] =	sbarrier.arrive $0xFFFF  }
0x114: {  	_ =	strace $0x9000004D  }
0x115: {  	s0 =	stileid.u32;
	[bflag:$0x2] =	sbarrier.arrive $0xFFFF  }
0x116: {  	p0 =	sne.s32 s0, $0x0;
	s0 =	rddreg [dreg:$0x4]  }
0x117: {  	s0 =	sadd.s32 @!p0 $0x100000, s0  }
0x118: {  	[sflag:s0] =	ssyncadd.tile.s32 @!p0 $0x1;
	_ =	shalt  }
.Lfunc_end2:
_tile_overlayer_lowered:
.L_overlay_start_2:
0x119: {  	(tag) =	ssettag $0x2  }
0x11a: {  	s0 =	rddreg [dreg:$0x0];
	s2 =	stileid.u32  }
0x11b: {  	s1 =	rddreg [dreg:$0x1];
	p0 =	sne.s32 s2, $0x0  }
0x11c: {  	s3 =	rddreg [dreg:$0x2];
	[bflag:$0x3] =	sbarrier.arrive $0xFFFF;
	s2 =	simm.s32 @!p0 $0x1C07  }
0x11d: {  	[timem:s3], [sflag:s2] =	dma.local @!p0 [hbm:s0], s1  }
0x11e: {  	s0 =	simm.s32 @!p0 $0x7  }
0x11f: {  	_ =	swait.ge @!p0 [sflag:s0], s1  }
0x120: {  	s1 =	ssub.s32 @!p0 $0x0, s1;
	[sflag:s0] =	ssyncset.done @!p0 $0x0  }
0x121: {  	[sflag:s0] =	ssyncadd.s32 @!p0 s1  }
0x122: {  	[bflag:$0x3] =	sbarrier.arrive $0xFFFF  }
0x123: {  	_ =	shalt  }

// kernel: kernel.7.cloned.1.call-start
scs
__scs_entry_jumppad:
0x0: {  	(pc) =	sbr.rel $0x88, $3  }
0x1: {  	(tag) =	ssettag $0x0;
	lr =	simm.s32 $0x1  }
0x2: {  	[smem:$0x3F9D] =	sst lr;
	_ =	strace $0xD0000000  }
0x3: {  	_ = 	snop  }
0x4: {  	_ = 	snop  }
0x5: {  	_ = 	snop  }
0x6: {  	_ = 	snop  }
0x7: {  	_ = 	snop  }
__scs_overlays_trampoline_lowered:
0x8: {  	[smem:$0x3FAC] =	sst s0  }
0x9: {  	[smem:$0x3FAD] =	sst s1  }
0xa: {  	[smem:$0x3FAE] =	sst s2  }
0xb: {  	[smem:$0x3FAF] =	sst s3  }
0xc: {  	[smem:$0x3FB0] =	sst s4  }
0xd: {  	[smem:$0x3FB1] =	sst s5  }
0xe: {  	[smem:$0x3FB2] =	sst s6  }
0xf: {  	[smem:$0x3FB3] =	sst s7  }
0x10: {  	[smem:$0x3FB4] =	sst s8  }
0x11: {  	[smem:$0x3FB5] =	sst s9;
	s0 =	simm.s32 @!p0 $0x0  }
0x12: {  	s1 =	sld [smem:$0x3F9B];
	s0 =	simm.s32 @p0 $0x1  }
0x13: {  	[smem:$0x3FB6] =	sst s0;
	s0 =	simm.s32 @!p1 $0x0  }
0x14: {  	s2 =	sld [smem:$0x3F9A];
	s0 =	simm.s32 @p1 $0x1  }
0x15: {  	[smem:$0x3FB7] =	sst s0;
	s0 =	simm.s32 @!p2 $0x0  }
0x16: {  	s3 =	sld [smem:$0x3FDB];
	s0 =	simm.s32 @p2 $0x1  }
0x17: {  	s4 =	simm.s32 $0x1BF5;
	[smem:$0x3FB9] =	sst s0  }
0x18: {  	s0 =	sld [smem:$0x3F9C];
	_ =	swait.ge [sflag:s4], $0x0  }
0x19: {  	s7 =	sld [smem:$0x3F9D]  }
0x1a: {  	s8 =	sadd.s32 $0xFFFFE003, lr  }
0x1b: {  	s9 =	sadd.s32 $0xFFFFFEF7, lr;
	s5 =	simm.s32 $0xFFFFFFFF;
	p2 =	slt.u32 s8, $0xFFFFF086  }
0x1c: {  	p1 =	slt.u32 s9, $0xF7A;
	s5 =	simm.s32 @!p2 $0x0  }
0x1d: {  	s5 =	simm.s32 @p1 $0x1;
	p0 =	seq.s32 s7, s2  }
0x1e: {  	s7 =	smul.u32 @!p0 $0xF7A, s2;
	p2 =	seq.s32 @!p0 s5, $0x0  }
0x1f: {  	s9 =	smul.u32 $0xF7A, s1;
	s8 =	simm.s32 @!p0 $0x1BF5;
	p2 =	por !p2, p0  }
0x20: {  	[sflag:s8] =	ssyncset.s32 @!p0 $0xFFFFF086;
	s6 =	sadd.s32 @!p0 s3, s7;
	s7 =	simm.s32 @!p0 $0x108  }
0x21: {  	s3 =	sadd.s32 s3, s9;
	s6 =	sadd.s32 @!p0 $0x88, s6;
	s7 =	simm.s32 @p2 $0x1082  }
0x22: {  	[simem:s7], [sflag:s8] =	dma.local @!p0 [hbm:s6], $0xF7A  }
0x23: {  	s9 =	sor.u32 $0xD0000000, s2;
	s6 =	simm.s32 $0x108;
	_ =	swait.ge @!p0 [sflag:s8], $0x0  }
0x24: {  	s3 =	sadd.s32 $0x88, s3;
	s6 =	simm.s32 @!p1 $0x1082;
	[sflag:s4] =	ssyncset.s32 $0xFFFFF086  }
0x25: {  	[simem:s6], [sflag:s4] =	dma.local [hbm:s3], $0xF7A  }
0x26: {  	[smem:$0x3F9D] =	sst s1;
	(tag) =	ssettag s2;
	_ =	strace s9  }
0x27: {  	s1 =	sld [smem:$0x3FAD]  }
0x28: {  	s2 =	sld [smem:$0x3FAE]  }
0x29: {  	s4 =	sld [smem:$0x3FB0]  }
0x2a: {  	p0 =	seq.s32 s5, $0x0;
	s5 =	sld [smem:$0x3FB1]  }
0x2b: {  	s6 =	sld [smem:$0x3FB2]  }
0x2c: {  	s7 =	sld [smem:$0x3FB3]  }
0x2d: {  	s3 =	simm.s32 $0x108;
	s8 =	sld [smem:$0x3FB4]  }
0x2e: {  	s3 =	simm.s32 @!p0 $0x1082;
	s9 =	sld [smem:$0x3FB5]  }
0x2f: {  	lr =	sadd.s32 s0, s3;
	s0 =	sld [smem:$0x3FAC]  }
0x30: {  	s3 =	sld [smem:$0x3FAF]  }
0x31: {  	[smem:$0x3FB8] =	sst s10  }
0x32: {  	s10 =	sld [smem:$0x3FB6];
	_ =	sdelay $0x3  }
0x33: {  	p0 =	seq.s32 s10, $0x1;
	s10 =	sld [smem:$0x3FB8];
	_ =	sdelay $0x3  }
0x34: {  	[smem:$0x3FB8] =	sst s10  }
0x35: {  	s10 =	sld [smem:$0x3FB7];
	_ =	sdelay $0x3  }
0x36: {  	p1 =	seq.s32 s10, $0x1;
	s10 =	sld [smem:$0x3FB8];
	_ =	sdelay $0x3  }
0x37: {  	[smem:$0x3FB8] =	sst s10  }
0x38: {  	s10 =	sld [smem:$0x3FB9]  }
0x39: {  	_ = 	snop;
	(pc) =	sbr.ind lr, $3  }
0x3a: {  	_ = 	snop  }
0x3b: {  	_ = 	snop  }
0x3c: {  	p2 =	seq.s32 s10, $0x1;
	s10 =	sld [smem:$0x3FB8]  }
0x3d: {  	_ =	shalt  }
0x3e: {  	_ =	shalt  }
0x3f: {  	_ =	shalt  }
0x40: {  	_ =	shalt  }
0x41: {  	_ =	shalt  }
0x42: {  	_ =	shalt  }
0x43: {  	_ =	shalt  }
0x44: {  	_ =	shalt  }
0x45: {  	_ =	shalt  }
0x46: {  	_ =	shalt  }
0x47: {  	_ =	shalt  }
0x48: {  	_ =	shalt  }
0x49: {  	_ =	shalt  }
0x4a: {  	_ =	shalt  }
0x4b: {  	_ =	shalt  }
0x4c: {  	_ =	shalt  }
0x4d: {  	_ =	shalt  }
0x4e: {  	_ =	shalt  }
0x4f: {  	_ =	shalt  }
0x50: {  	_ =	shalt  }
0x51: {  	_ =	shalt  }
0x52: {  	_ =	shalt  }
0x53: {  	_ =	shalt  }
0x54: {  	_ =	shalt  }
0x55: {  	_ =	shalt  }
0x56: {  	_ =	shalt  }
0x57: {  	_ =	shalt  }
0x58: {  	_ =	shalt  }
0x59: {  	_ =	shalt  }
0x5a: {  	_ =	shalt  }
0x5b: {  	_ =	shalt  }
0x5c: {  	_ =	shalt  }
0x5d: {  	_ =	shalt  }
0x5e: {  	_ =	shalt  }
0x5f: {  	_ =	shalt  }
0x60: {  	_ =	shalt  }
0x61: {  	_ =	shalt  }
0x62: {  	_ =	shalt  }
0x63: {  	_ =	shalt  }
0x64: {  	_ =	shalt  }
0x65: {  	_ =	shalt  }
0x66: {  	_ =	shalt  }
0x67: {  	_ =	shalt  }
0x68: {  	_ =	shalt  }
0x69: {  	_ =	shalt  }
0x6a: {  	_ =	shalt  }
0x6b: {  	_ =	shalt  }
0x6c: {  	_ =	shalt  }
0x6d: {  	_ =	shalt  }
0x6e: {  	_ =	shalt  }
0x6f: {  	_ =	shalt  }
0x70: {  	_ =	shalt  }
0x71: {  	_ =	shalt  }
0x72: {  	_ =	shalt  }
0x73: {  	_ =	shalt  }
0x74: {  	_ =	shalt  }
0x75: {  	_ =	shalt  }
0x76: {  	_ =	shalt  }
0x77: {  	_ =	shalt  }
0x78: {  	_ =	shalt  }
0x79: {  	_ =	shalt  }
0x7a: {  	_ =	shalt  }
0x7b: {  	_ =	shalt  }
0x7c: {  	_ =	shalt  }
0x7d: {  	_ =	shalt  }
0x7e: {  	_ =	shalt  }
0x7f: {  	_ =	shalt  }
0x80: {  	_ =	shalt  }
0x81: {  	_ =	shalt  }
0x82: {  	_ =	shalt  }
0x83: {  	_ =	shalt  }
0x84: {  	_ =	shalt  }
0x85: {  	_ =	shalt  }
0x86: {  	_ =	shalt  }
0x87: {  	_ =	shalt  }
.Lfunc_end0:
.L_simem_size_0:
called_computation_lowered:
.L_overlay_start_0:
0x88: {  	s2 =	sld [smem:$0x3FD9]  }
0x89: {  	s3 =	sld [smem:$0x3FFE];
	_ =	sdelay $0x1  }
0x8a: {  	s1 =	srdreg.scid  }
0x8b: {  	s0 =	sand.u32 $0x1, s1  }
0x8c: {  	s17 =	sshll.u32 s0, $0xA;
	s2 =	sadd.s32 s3, s2  }
0x8d: {  	s2 =	sadd.s32 s2, s17  }
0x8e: {  	[smem:$0x3FC4] =	sst s2  }
0x8f: {  	_ = 	snop  }
0x90: {  	s2 =	sld [smem:$0x3FD0];
	(tm) =	ssettm $0x1  }
0x91: {  	s18 =	sld [smem:$0x3FFB];
	_ =	sdelay $0x3  }
0x92: {  	_ =	strace s18  }
0x93: {  	s3 =	sld [smem:$0x3FFC];
	_ =	sdelay $0x3  }
0x94: {  	_ =	strace s3  }
0x95: {  	s3 =	sld [smem:$0x3FFD];
	_ =	sdelay $0x3  }
0x96: {  	_ =	strace s3  }
0x97: {  	_ =	strace $0x8FFFFFFF  }
0x98: {  	s19 =	sld [smem:$0x3FDB];
	_ =	sdelay $0x1  }
0x99: {  	s4 =	simm.s32 $_scs_section_size  }
0x9a: {  	s5 =	simm.s32 $_size__tile_overlayer_lowered;
	s6 =	simm.s32 $_tile_overlayer_lowered  }
0x9b: {  	s22 =	simm.s32 $0x1BFF;
	s21 =	sshll.u32 s6, $0x1;
	s3 =	sadd.s32 s4, s19  }
0x9c: {  	s7 =	simm.s32 $0x0;
	s20 =	sshll.u32 s5, $0x1;
	s5 =	sadd.s32 s21, s3  }
0x9d: {  	[timem:s7], [sflag:s22] =	dma.local [hbm:s5], s20  }
0x9e: {  	_ =	swait.ge [sflag:s22], s20  }
0x9f: {  	s4 =	ssub.s32 $0x0, s20;
	[sflag:s22] =	ssyncset.done $0x0  }
0xa0: {  	[sflag:s22] =	ssyncadd.s32 s4;
	_ =	sdelay $0x1  }
0xa1: {  	s23 =	simm.s32 $0x1B8B  }
0xa2: {  	_ =	swait.ge [sflag:s23], $0x1  }
0xa3: {  	[sflag:s23] =	ssyncset.done $0x0  }
0xa4: {  	s25 =	simm.s32 $0x1B8E;
	s24 =	sld [smem:$0x3FFE];
	[sflag:s23] =	ssyncadd.s32 $0xFFFFFFFF  }
0xa5: {  	s26 =	simm.s32 $execute0_lowered;
	[smem:$0x3FD2] =	sst s25  }
0xa6: {  	s5 =	sshll.u32 s26, $0x1;
	_ =	strace $0x80000046;
	[dreg:$0x1] =	wrdreg $0xFFFFFFFF  }
0xa7: {  	s28 =	simm.s32 $_size_execute0_lowered;
	s3 =	sadd.s32 s3, s5;
	[dreg:$0x0] =	wrdreg $0x0  }
0xa8: {  	s5 =	sshll.u32 s28, $0x1;
	[dreg:$0x2] =	wrdreg s3  }
0xa9: {  	[dreg:$0x3] =	wrdreg s5  }
0xaa: {  	[dreg:$0x4] =	wrdreg $0xC0  }
0xab: {  	_ =	task [dreg:s7], $0x5FFFF  }
0xac: {  	[dreg:$0x1] =	wrdreg $0xFFFFFFFF  }
0xad: {  	[dreg:$0x0] =	wrdreg $0x60  }
0xae: {  	[dreg:$0x2] =	wrdreg s24  }
0xaf: {  	[dreg:$0x3] =	wrdreg s2  }
0xb0: {  	[dreg:$0x4] =	wrdreg $0x2F800  }
0xb1: {  	[dreg:$0x5] =	wrdreg $0x9  }
0xb2: {  	_ =	task.clear_ibuf [dreg:s7], $0x6FFFF;
	_ =	strace $0x90000046  }
0xb3: {  	s29 =	simm.s32 $0x9;
	_ =	strace $0x80000048  }
0xb4: {  	_ =	swait.ge [sflag:s29], $0x1  }
0xb5: {  	[sflag:s29] =	ssyncadd.s32 $0xFFFFFFFF  }
0xb6: {  	_ =	strace $0x90000048  }
0xb7: {  	_ =	sfence  }
0xb8: {  	s30 =	sld [smem:$0x0];
	_ =	sdelay $0x2  }
0xb9: {  	s31 =	sshll.u32 s1, $0xD;
	s1 =	sshrl.u32 s1, $0x2  }
0xba: {  	s3 =	sand.u32 $0x4000, s31;
	s1 =	sadd.s32 s1, s30  }
0xbb: {  	s0 =	sor.u32 s3, s0;
	s1 =	sshll.u32 s1, $0x11  }
0xbc: {  	s0 =	sor.u32 s1, s0  }
0xbd: {  	s0 =	sadd.s32 $0x8F2B, s0  }
0xbe: {  	[sflag:s0] =	ssyncadd.remote.s32 $0x1  }
0xbf: {  	_ =	sfence.sel $0xFFFF  }
0xc0: {  	[dreg:$0x0] =	wrdreg $0xFFFFFFFF;
	(pc) =	sbr.abs _section_cstart, $3  }
0xc1: {  	[dreg:$0x1] =	wrdreg $0xFFFFFFFF  }
0xc2: {  	_ =	task.clear_ibuf [dreg:s7], $0x2FFFF;
	_ =	strace $0x9FFFFFFF  }
0xc3: {  	(tm) =	ssettm $0x7FFFFFFF  }
tec
execute0_lowered:
.L_overlay_start_1:
0x0: {  	(tag) =	ssettag $0x1  }
0x1: {  	s0 =	srdreg.scid  }
0x2: {  	s12 =	sand.u32 $0x1, s0  }
0x3: {  	s0 =	stileid.u32;
	s1 =	sshll.u32 s12, $0x4  }
0x4: {  	s4 =	rddreg [dreg:$0x0];
	s1 =	sor.u32 s0, s1  }
0x5: {  	s9 =	rddreg [dreg:$0x1];
	s5 =	smul.u32 $0x500, s1  }
0x6: {  	s2 =	rddreg [dreg:$0x2];
	s3 =	simm.s32 $0x0  }
0x7: {  	[smem:$0x7FF] =	sst s3;
	s5 =	sadd.s32 s5, s4  }
0x8: {  	s1 =	rddreg [dreg:$0x3];
	_ =	strace $0x80000047;
	s5 =	sadd.s32 $0xC600, s5  }
0x9: {  	[tilespmem:s3], [sflag:$0x1] =	stream.linear.gather [hbm4b:s5+s3], $0x2800, $0x38;
	[tilespmem:$0x3200] =	vst v63  }
0xa: {  	s6 =	sadd.s32 $0x16600, s4;
	s4 =	simm.s32 $0x2800  }
0xb: {  	v0 =	vimm.f32 $0.0e+00;
	[tilespmem:s4], [sflag:$0x1] =	stream.linear.gather [hbm4b:s6+s3], $0x500, $0x38;
	[tilespmem:$0x3200] =	vst v63  }
0xc: {  	[tilespmem:$0x2F70] =	vst v0  }
0xd: {  	[tilespmem:$0x2F60] =	vst v0  }
0xe: {  	[tilespmem:$0x2F50] =	vst v0  }
0xf: {  	[tilespmem:$0x2F40] =	vst v0  }
0x10: {  	[tilespmem:$0x2F30] =	vst v0  }
0x11: {  	[tilespmem:$0x2F20] =	vst v0  }
0x12: {  	[tilespmem:$0x2F10] =	vst v0  }
0x13: {  	[tilespmem:$0x2F00] =	vst v0  }
0x14: {  	[tilespmem:$0x2EF0] =	vst v0  }
0x15: {  	[tilespmem:$0x2EE0] =	vst v0  }
0x16: {  	[tilespmem:$0x2ED0] =	vst v0  }
0x17: {  	[tilespmem:$0x2EC0] =	vst v0  }
0x18: {  	[tilespmem:$0x2EB0] =	vst v0  }
0x19: {  	[tilespmem:$0x2EA0] =	vst v0  }
0x1a: {  	[tilespmem:$0x2E90] =	vst v0  }
0x1b: {  	[tilespmem:$0x2E80] =	vst v0  }
0x1c: {  	[tilespmem:$0x2E70] =	vst v0  }
0x1d: {  	[tilespmem:$0x2E60] =	vst v0  }
0x1e: {  	[tilespmem:$0x2E50] =	vst v0  }
0x1f: {  	[tilespmem:$0x2E40] =	vst v0  }
0x20: {  	[tilespmem:$0x2E30] =	vst v0  }
0x21: {  	[tilespmem:$0x2E20] =	vst v0  }
0x22: {  	[tilespmem:$0x2E10] =	vst v0  }
0x23: {  	[tilespmem:$0x2E00] =	vst v0  }
0x24: {  	[tilespmem:$0x2DF0] =	vst v0  }
0x25: {  	[tilespmem:$0x2DE0] =	vst v0  }
0x26: {  	[tilespmem:$0x2DD0] =	vst v0  }
0x27: {  	[tilespmem:$0x2DC0] =	vst v0  }
0x28: {  	[tilespmem:$0x2DB0] =	vst v0  }
0x29: {  	[tilespmem:$0x2DA0] =	vst v0  }
0x2a: {  	[tilespmem:$0x2D90] =	vst v0  }
0x2b: {  	[tilespmem:$0x2D80] =	vst v0  }
0x2c: {  	[tilespmem:$0x2D70] =	vst v0  }
0x2d: {  	[tilespmem:$0x2D60] =	vst v0  }
0x2e: {  	[tilespmem:$0x2D50] =	vst v0  }
0x2f: {  	[tilespmem:$0x2D40] =	vst v0  }
0x30: {  	[tilespmem:$0x2D30] =	vst v0  }
0x31: {  	s13 =	smul.u32 $0x280, s0;
	[tilespmem:$0x2D20] =	vst v0  }
0x32: {  	[tilespmem:$0x2D00] =	vst v0  }
0x33: {  	s11 =	simm.s32 $0x2D00;
	s7 =	simm.s32 $0x2;
	s10 =	sadd.s32 s13, s2;
	[tilespmem:$0x2D10] =	vst v0  }
0x34: {  	[spmem:s10] =	stream.linear.scatter [tilespmem:s11], [sflag:$0x2], $0x280, $0x38;
	[tilespmem:$0x3200] =	vst v63  }
0x35: {  	s8 =	simm.s32 $0x1;
	_ =	swait.ge [sflag:s7], $0x280  }
0x36: {  	s15 =	simm.s32 $0xA00;
	s16 =	simm.s32 $0xF00;
	[sflag:s7] =	ssyncset.done $0x0  }
0x37: {  	s17 =	simm.s32 $0x1400;
	s18 =	simm.s32 $0x1900;
	[sflag:s7] =	ssyncadd.s32 $0xFFFFFD80  }
0x38: {  	s14 =	smul.u32 $0x2800, s12;
	s12 =	ssub.s32 $0x2, s12;
	_ =	swait.ge [sflag:s8], $0x2800  }
0x39: {  	s19 =	simm.s32 $0x1E00;
	s30 =	sshrl.u32 s12, $0x1;
	[sflag:s8] =	ssyncset.done $0x0  }
0x3a: {  	s20 =	simm.s32 $0x2300;
	s12 =	ssub.s32 s12, s30;
	[sflag:s8] =	ssyncadd.s32 $0xFFFFD800  }
0x3b: {  	s31 =	sshll.u32 s0, $0x6;
	s21 =	smax.u32 s12, $0x1;
	_ =	swait.ge [sflag:s8], $0x500  }
0x3c: {  	s13 =	sadd.s32 s13, s14;
	p0 =	sne.s32 s21, $0x1;
	[sflag:s8] =	ssyncset.done $0x0  }
.Ltmp0:
0x3d: {  	s14 =	simm.s32 $0x500;
	[sflag:s8] =	ssyncadd.s32 $0xFFFFFB00;
	(pc) =	sbr.rel @!p0 .LBB2_2-.Ltmp0, $4  }
0x3e: {  	s13 =	sshrl.u32 s13, $0x3;
	s12 =	sor.u32 $0x1C02, s31;
	[bflag:$0x0] =	sbarrier.arrive $0xFFFF  }
0x3f: {  	[spmem:s2] =	stream.indirect.scatter.add.f32 [tilespmem:s4], [sflag:$0x1], $0x1, s3, s14, $0xb8;
	[tilespmem:$0x3200] =	vst v63  }
0x40: {  	s9 =	sadd.s32 s9, s13;
	s13 =	sshrl.u32 s10, $0x3;
	s21 =	sadd.s32 $0xFFFFFFFF, s21  }
0x41: {  	[spmem:s2] =	stream.indirect.scatter.add.f32 [tilespmem:s4], [sflag:$0x1], $0x1, s14, s14, $0xb8;
	[tilespmem:$0x3200] =	vst v63  }
.LBB2_1:
0x42: {  	[spmem:s2] =	stream.indirect.scatter.add.f32 [tilespmem:s4], [sflag:$0x1], $0x1, s15, s14, $0xb8;
	[tilespmem:$0x3200] =	vst v63  }
0x43: {  	p0 =	sne.s32 s21, $0x1;
	s21 =	sadd.s32 $0xFFFFFFFF, s21  }
0x44: {  	[spmem:s2] =	stream.indirect.scatter.add.f32 [tilespmem:s4], [sflag:$0x1], $0x1, s16, s14, $0xb8;
	[tilespmem:$0x3200] =	vst v63  }
0x45: {  	_ = 	snop  }
0x46: {  	[spmem:s2] =	stream.indirect.scatter.add.f32 [tilespmem:s4], [sflag:$0x1], $0x1, s17, s14, $0xb8;
	[tilespmem:$0x3200] =	vst v63  }
0x47: {  	_ = 	snop  }
0x48: {  	[spmem:s2] =	stream.indirect.scatter.add.f32 [tilespmem:s4], [sflag:$0x1], $0x1, s18, s14, $0xb8;
	[tilespmem:$0x3200] =	vst v63  }
0x49: {  	_ = 	snop  }
0x4a: {  	[spmem:s2] =	stream.indirect.scatter.add.f32 [tilespmem:s4], [sflag:$0x1], $0x1, s19, s14, $0xb8;
	[tilespmem:$0x3200] =	vst v63  }
0x4b: {  	_ = 	snop  }
0x4c: {  	[spmem:s2] =	stream.indirect.scatter.add.f32 [tilespmem:s4], [sflag:$0x1], $0x1, s20, s14, $0xb8;
	[tilespmem:$0x3200] =	vst v63  }
0x4d: {  	_ =	swait.ge [sflag:s8], $0x500  }
0x4e: {  	[sflag:s8] =	ssyncset.done $0x0  }
0x4f: {  	[sflag:s8] =	ssyncadd.s32 $0xFFFFFB00  }
0x50: {  	_ =	swait.ge [sflag:s8], $0x500  }
0x51: {  	[sflag:s8] =	ssyncset.done $0x0  }
0x52: {  	[sflag:s8] =	ssyncadd.s32 $0xFFFFFB00  }
0x53: {  	_ =	swait.ge [sflag:s8], $0x500  }
0x54: {  	[sflag:s8] =	ssyncset.done $0x0  }
0x55: {  	[sflag:s8] =	ssyncadd.s32 $0xFFFFFB00  }
0x56: {  	_ =	swait.ge [sflag:s8], $0x500  }
0x57: {  	[sflag:s8] =	ssyncset.done $0x0  }
0x58: {  	[sflag:s8] =	ssyncadd.s32 $0xFFFFFB00  }
0x59: {  	_ =	swait.ge [sflag:s8], $0x500  }
0x5a: {  	[sflag:s8] =	ssyncset.done $0x0  }
0x5b: {  	[sflag:s8] =	ssyncadd.s32 $0xFFFFFB00  }
0x5c: {  	_ =	swait.ge [sflag:s8], $0x500  }
0x5d: {  	[sflag:s8] =	ssyncset.done $0x0  }
0x5e: {  	[sflag:s8] =	ssyncadd.s32 $0xFFFFFB00  }
0x5f: {  	_ =	swait.ge [sflag:s8], $0x500  }
0x60: {  	[sflag:s8] =	ssyncset.done $0x0  }
0x61: {  	[sflag:s8] =	ssyncadd.s32 $0xFFFFFB00  }
0x62: {  	_ =	swait.ge [sflag:s8], $0x500  }
0x63: {  	[sflag:s8] =	ssyncset.done $0x0  }
0x64: {  	[sflag:s8] =	ssyncadd.s32 $0xFFFFFB00  }
0x65: {  	[bflag:$0x0] =	sbarrier.arrive $0xFFFF  }
0x66: {  	[hbm:s9], [sflag:s12] =	dma.local [spmem:s13], $0x50  }
0x67: {  	_ =	swait.ge [sflag:s7], $0x50  }
0x68: {  	[sflag:s7] =	ssyncset.done $0x0  }
0x69: {  	[sflag:s7] =	ssyncadd.s32 $0xFFFFFFB0  }
0x6a: {  	[tilespmem:s3], [sflag:$0x1] =	stream.linear.gather [hbm4b:s5+s3], $0x2800, $0x38;
	[tilespmem:$0x3200] =	vst v63  }
0x6b: {  	_ = 	snop  }
0x6c: {  	[tilespmem:s4], [sflag:$0x1] =	stream.linear.gather [hbm4b:s6+s3], $0x500, $0x38;
	[tilespmem:$0x3200] =	vst v63  }
0x6d: {  	[tilespmem:$0x2F70] =	vst v0  }
0x6e: {  	[tilespmem:$0x2F60] =	vst v0  }
0x6f: {  	[tilespmem:$0x2F50] =	vst v0  }
0x70: {  	[tilespmem:$0x2F40] =	vst v0  }
0x71: {  	[tilespmem:$0x2F30] =	vst v0  }
0x72: {  	[tilespmem:$0x2F20] =	vst v0  }
0x73: {  	[tilespmem:$0x2F10] =	vst v0  }
0x74: {  	[tilespmem:$0x2F00] =	vst v0  }
0x75: {  	[tilespmem:$0x2EF0] =	vst v0  }
0x76: {  	[tilespmem:$0x2EE0] =	vst v0  }
0x77: {  	[tilespmem:$0x2ED0] =	vst v0  }
0x78: {  	[tilespmem:$0x2EC0] =	vst v0  }
0x79: {  	[tilespmem:$0x2EB0] =	vst v0  }
0x7a: {  	[tilespmem:$0x2EA0] =	vst v0  }
0x7b: {  	[tilespmem:$0x2E90] =	vst v0  }
0x7c: {  	[tilespmem:$0x2E80] =	vst v0  }
0x7d: {  	[tilespmem:$0x2E70] =	vst v0  }
0x7e: {  	[tilespmem:$0x2E60] =	vst v0  }
0x7f: {  	[tilespmem:$0x2E50] =	vst v0  }
0x80: {  	[tilespmem:$0x2E40] =	vst v0  }
0x81: {  	[tilespmem:$0x2E30] =	vst v0  }
0x82: {  	[tilespmem:$0x2E20] =	vst v0  }
0x83: {  	[tilespmem:$0x2E10] =	vst v0  }
0x84: {  	[tilespmem:$0x2E00] =	vst v0  }
0x85: {  	[tilespmem:$0x2DF0] =	vst v0  }
0x86: {  	[tilespmem:$0x2DE0] =	vst v0  }
0x87: {  	[tilespmem:$0x2DD0] =	vst v0  }
0x88: {  	[tilespmem:$0x2DC0] =	vst v0  }
0x89: {  	[tilespmem:$0x2DB0] =	vst v0  }
0x8a: {  	[tilespmem:$0x2DA0] =	vst v0  }
0x8b: {  	[tilespmem:$0x2D90] =	vst v0  }
0x8c: {  	[tilespmem:$0x2D80] =	vst v0  }
0x8d: {  	[tilespmem:$0x2D70] =	vst v0  }
0x8e: {  	[tilespmem:$0x2D60] =	vst v0  }
0x8f: {  	[tilespmem:$0x2D50] =	vst v0  }
0x90: {  	[tilespmem:$0x2D40] =	vst v0  }
0x91: {  	[tilespmem:$0x2D30] =	vst v0  }
0x92: {  	[tilespmem:$0x2D20] =	vst v0  }
0x93: {  	[tilespmem:$0x2D00] =	vst v0  }
0x94: {  	[tilespmem:$0x2D10] =	vst v0  }
0x95: {  	[spmem:s10] =	stream.linear.scatter [tilespmem:s11], [sflag:$0x2], $0x280, $0x38;
	[tilespmem:$0x3200] =	vst v63  }
0x96: {  	_ =	swait.ge [sflag:s7], $0x280  }
0x97: {  	[sflag:s7] =	ssyncset.done $0x0  }
0x98: {  	[sflag:s7] =	ssyncadd.s32 $0xFFFFFD80  }
0x99: {  	_ =	swait.ge [sflag:s8], $0x2800  }
0x9a: {  	[sflag:s8] =	ssyncset.done $0x0  }
0x9b: {  	[sflag:s8] =	ssyncadd.s32 $0xFFFFD800  }
0x9c: {  	_ =	swait.ge [sflag:s8], $0x500  }
0x9d: {  	[sflag:s8] =	ssyncset.done $0x0  }
.Ltmp1:
0x9e: {  	[sflag:s8] =	ssyncadd.s32 $0xFFFFFB00;
	(pc) =	sbr.rel @p0 .LBB2_1-.Ltmp1, $4  }
0x9f: {  	[bflag:$0x0] =	sbarrier.arrive $0xFFFF  }
0xa0: {  	[spmem:s2] =	stream.indirect.scatter.add.f32 [tilespmem:s4], [sflag:$0x1], $0x1, s3, s14, $0xb8;
	[tilespmem:$0x3200] =	vst v63  }
0xa1: {  	_ = 	snop  }
0xa2: {  	[spmem:s2] =	stream.indirect.scatter.add.f32 [tilespmem:s4], [sflag:$0x1], $0x1, s14, s14, $0xb8;
	[tilespmem:$0x3200] =	vst v63  }
.LBB2_2:
0xa3: {  	[spmem:s2] =	stream.indirect.scatter.add.f32 [tilespmem:s4], [sflag:$0x1], $0x1, s15, s14, $0xb8;
	[tilespmem:$0x3200] =	vst v63  }
0xa4: {  	_ = 	snop  }
0xa5: {  	[spmem:s2] =	stream.indirect.scatter.add.f32 [tilespmem:s4], [sflag:$0x1], $0x1, s16, s14, $0xb8;
	[tilespmem:$0x3200] =	vst v63  }
0xa6: {  	_ = 	snop  }
0xa7: {  	[spmem:s2] =	stream.indirect.scatter.add.f32 [tilespmem:s4], [sflag:$0x1], $0x1, s17, s14, $0xb8;
	[tilespmem:$0x3200] =	vst v63  }
0xa8: {  	_ = 	snop  }
0xa9: {  	[spmem:s2] =	stream.indirect.scatter.add.f32 [tilespmem:s4], [sflag:$0x1], $0x1, s18, s14, $0xb8;
	[tilespmem:$0x3200] =	vst v63  }
0xaa: {  	_ = 	snop  }
0xab: {  	[spmem:s2] =	stream.indirect.scatter.add.f32 [tilespmem:s4], [sflag:$0x1], $0x1, s19, s14, $0xb8;
	[tilespmem:$0x3200] =	vst v63  }
0xac: {  	_ = 	snop  }
0xad: {  	[spmem:s2] =	stream.indirect.scatter.add.f32 [tilespmem:s4], [sflag:$0x1], $0x1, s20, s14, $0xb8;
	[tilespmem:$0x3200] =	vst v63  }
0xae: {  	_ =	swait.ge [sflag:s8], $0x500  }
0xaf: {  	[sflag:s8] =	ssyncset.done $0x0  }
0xb0: {  	[sflag:s8] =	ssyncadd.s32 $0xFFFFFB00  }
0xb1: {  	_ =	swait.ge [sflag:s8], $0x500  }
0xb2: {  	[sflag:s8] =	ssyncset.done $0x0  }
0xb3: {  	[sflag:s8] =	ssyncadd.s32 $0xFFFFFB00  }
0xb4: {  	_ =	swait.ge [sflag:s8], $0x500  }
0xb5: {  	[sflag:s8] =	ssyncset.done $0x0  }
0xb6: {  	[sflag:s8] =	ssyncadd.s32 $0xFFFFFB00  }
0xb7: {  	_ =	swait.ge [sflag:s8], $0x500  }
0xb8: {  	[sflag:s8] =	ssyncset.done $0x0  }
0xb9: {  	[sflag:s8] =	ssyncadd.s32 $0xFFFFFB00  }
0xba: {  	_ =	swait.ge [sflag:s8], $0x500  }
0xbb: {  	[sflag:s8] =	ssyncset.done $0x0  }
0xbc: {  	[sflag:s8] =	ssyncadd.s32 $0xFFFFFB00  }
0xbd: {  	_ =	swait.ge [sflag:s8], $0x500  }
0xbe: {  	[sflag:s8] =	ssyncset.done $0x0  }
0xbf: {  	[sflag:s8] =	ssyncadd.s32 $0xFFFFFB00  }
0xc0: {  	_ =	swait.ge [sflag:s8], $0x500  }
0xc1: {  	[sflag:s8] =	ssyncset.done $0x0  }
0xc2: {  	[sflag:s8] =	ssyncadd.s32 $0xFFFFFB00  }
0xc3: {  	_ =	swait.ge [sflag:s8], $0x500  }
0xc4: {  	[sflag:s8] =	ssyncset.done $0x0  }
0xc5: {  	[sflag:s8] =	ssyncadd.s32 $0xFFFFFB00  }
0xc6: {  	[bflag:$0x0] =	sbarrier.arrive $0xFFFF  }
0xc7: {  	[hbm:s9], [sflag:s12] =	dma.local [spmem:s13], $0x50  }
0xc8: {  	_ =	swait.ge [sflag:s7], $0x50  }
0xc9: {  	[sflag:s7] =	ssyncset.done $0x0  }
0xca: {  	[sflag:s7] =	ssyncadd.s32 $0xFFFFFFB0  }
0xcb: {  	_ =	sfence.sel $0x180000  }
0xcc: {  	[bflag:$0x0] =	sbarrier.arrive $0xFFFF  }
0xcd: {  	p0 =	sne.s32 s0, $0x0;
	_ =	strace $0x90000047  }
0xce: {  	s0 =	sadd.s32 @!p0 $0x100000, s1;
	[bflag:$0x2] =	sbarrier.arrive $0xFFFF  }
0xcf: {  	[sflag:s0] =	ssyncadd.tile.s32 @!p0 $0x1;
	_ =	shalt  }
.Lfunc_end2:
_tile_overlayer_lowered:
.L_overlay_start_2:
0xd0: {  	(tag) =	ssettag $0x2  }
0xd1: {  	s0 =	rddreg [dreg:$0x0];
	s2 =	stileid.u32  }
0xd2: {  	s1 =	rddreg [dreg:$0x1];
	p0 =	sne.s32 s2, $0x0  }
0xd3: {  	s3 =	rddreg [dreg:$0x2];
	[bflag:$0x3] =	sbarrier.arrive $0xFFFF;
	s2 =	simm.s32 @!p0 $0x1C02  }
0xd4: {  	[timem:s3], [sflag:s2] =	dma.local @!p0 [hbm:s0], s1  }
0xd5: {  	s0 =	simm.s32 @!p0 $0x2  }
0xd6: {  	_ =	swait.ge @!p0 [sflag:s0], s1  }
0xd7: {  	s1 =	ssub.s32 @!p0 $0x0, s1;
	[sflag:s0] =	ssyncset.done @!p0 $0x0  }
0xd8: {  	[sflag:s0] =	ssyncadd.s32 @!p0 s1  }
0xd9: {  	[bflag:$0x3] =	sbarrier.arrive $0xFFFF  }
0xda: {  	_ =	shalt  }

</sc_bundles>
